<compile_context>
chip_gen: v7x
topology: tpu7x:2x2x1
jax: 0.10.2.dev20260603
libtpu: 0.0.44.dev20260713+nightly
codegen_flags: <defaults>
</compile_context>

<pallas_src>
import functools

import jax
import jax.numpy as jnp
from jax import lax
from jax.experimental import pallas as pl
from jax.experimental.pallas import tpu as pltpu
from jax.experimental.pallas import tpu_sc as plsc

B = 4096
T = 200
D = 32

NC, NS = 2, 16
NW = NC * NS
BB = 512
NSB = B // BB
NBLK = T * NSB
PER_W = NBLK // NW
GSUB = 128
NGS = BB // GSUB
NG = BB // 16
OROW = NGS * 8 * GSUB


def _sc_body(z_hbm, em_hbm, mu_hbm, sd_hbm, out_hbm,
             idx0, idx1, em0, em1, mu0, mu1, sd0, sd1, out_v,
             sg0, sg1, ss0, ss1):
    wid = lax.axis_index("s") * NC + lax.axis_index("c")
    lanes = lax.iota(jnp.int32, 16)
    blk0 = wid * PER_W
    bufs = ((idx0, em0, mu0, sd0, sg0, ss0),
            (idx1, em1, mu1, sd1, sg1, ss1))

    def stage(blk, idx, em_b, ss):
        pltpu.async_copy(z_hbm.at[blk], idx, ss)
        pltpu.async_copy(em_hbm.at[blk], em_b, ss)

    def wait_stage(idx, em_b, ss):
        pltpu.make_async_copy(z_hbm.at[0], idx, ss).wait()
        pltpu.make_async_copy(em_hbm.at[0], em_b, ss).wait()

    def fire_gathers(idx, mu_b, sd_b, sg):
        for j in range(NGS):
            pltpu.async_copy(mu_hbm.at[idx.at[j]],
                             mu_b.at[pl.ds(j * GSUB, GSUB)], sg)
            pltpu.async_copy(sd_hbm.at[idx.at[j]],
                             sd_b.at[pl.ds(j * GSUB, GSUB)], sg)

    def wait_gathers(mu_b, sd_b, sg):
        pltpu.make_async_copy(mu_hbm.at[pl.ds(0, BB)], mu_b, sg).wait()
        pltpu.make_async_copy(sd_hbm.at[pl.ds(0, BB)], sd_b, sg).wait()

    def compute(blk, em_b, mu_b, sd_b):
        t = blk // NSB
        sb = blk - t * NSB

        def group(i, _):
            def finish(st):
                mu, sd, em16, dt_v, s_in = st
                v = mu + em16 * sd
                v = jnp.minimum(jnp.maximum(v, -1.0), 1.0)
                plsc.store_scatter(out_v, [dt_v, s_in], v)

            from collections import deque
            pending = deque()
            for gg in (0, 1):
                g = 2 * i + gg
                em16 = em_b[pl.ds(g * 16, 16)]
                rows = g * 16 + lanes
                goff = (g // 8) * 1024 + (g % 8) * 16
                for kd in range(16):
                    m = (lanes + kd) & 15
                    s_in = ((m & 7) << 7) + lanes + goff
                    dt_v = m >> 3
                    for d0 in (0, 16):
                        cols = m + d0
                        mu = plsc.load_gather(mu_b, [rows, cols])
                        sd = plsc.load_gather(sd_b, [rows, cols])
                        pending.append((mu, sd, em16, dt_v + (d0 // 8), s_in))
                        if len(pending) > 4:
                            finish(pending.popleft())
            while pending:
                finish(pending.popleft())
            return 0

        lax.fori_loop(0, NG // 2, group, 0)
        for dt in range(D // 8):
            pltpu.sync_copy(out_v.at[dt],
                            out_hbm.at[t, dt, pl.ds(sb * OROW, OROW)])

    pltpu.sync_copy(z_hbm.at[blk0], idx0)
    pltpu.sync_copy(em_hbm.at[blk0], em0)
    fire_gathers(idx0, mu0, sd0, sg0)
    stage(blk0 + 1, idx1, em1, ss1)

    def iter_body(i, _):
        for p in (0, 1):
            k = 2 * i + p
            idx_a, em_a, mu_a, sd_a, sg_a, ss_a = bufs[p]
            idx_b, em_b, mu_b, sd_b, sg_b, ss_b = bufs[1 - p]

            @pl.when(k + 1 < PER_W)
            def _():
                wait_stage(idx_b, em_b, ss_b)
                fire_gathers(idx_b, mu_b, sd_b, sg_b)

            wait_gathers(mu_a, sd_a, sg_a)
            compute(blk0 + k, em_a, mu_a, sd_a)

            @pl.when(k + 2 < PER_W)
            def _():
                stage(blk0 + k + 2, idx_a, em_a, ss_a)
        return 0

    lax.fori_loop(0, PER_W // 2, iter_body, 0)


@jax.jit
def kernel(z, num_frames, eps, target_means, target_stds):
    zi = z.astype(jnp.int32)
    frame_idx = lax.broadcasted_iota(jnp.int32, (B, T), 1)
    mask = (zi != 0) & (frame_idx < num_frames.astype(jnp.int32)[:, None])
    NZ = 1024
    zspread = 100000 + (lax.broadcasted_iota(jnp.int32, (B, T), 0) % NZ)
    zm = jnp.where(mask, zi, zspread)
    em_t = jnp.where(mask, eps, 0.0).T
    em = em_t.reshape(NBLK, BB)
    z_t = zm.T.reshape(NBLK, NGS, GSUB)
    zrow = jnp.zeros((NZ, D), jnp.float32)
    mu_cat = jnp.concatenate([target_means, zrow], axis=0)
    sd_cat = jnp.concatenate([target_stds, zrow], axis=0)

    mesh = plsc.VectorSubcoreMesh(core_axis_name="c", subcore_axis_name="s")
    run = functools.partial(
        pl.kernel,
        mesh=mesh,
        out_type=jax.ShapeDtypeStruct((T, D // 8, B * 8), jnp.float32),
        scratch_types=[
            pltpu.VMEM((NGS, GSUB), jnp.int32),
            pltpu.VMEM((NGS, GSUB), jnp.int32),
            pltpu.VMEM((BB,), jnp.float32),
            pltpu.VMEM((BB,), jnp.float32),
            pltpu.VMEM((BB, D), jnp.float32),
            pltpu.VMEM((BB, D), jnp.float32),
            pltpu.VMEM((BB, D), jnp.float32),
            pltpu.VMEM((BB, D), jnp.float32),
            pltpu.VMEM((D // 8, OROW), jnp.float32),
            pltpu.SemaphoreType.DMA,
            pltpu.SemaphoreType.DMA,
            pltpu.SemaphoreType.DMA,
            pltpu.SemaphoreType.DMA,
        ],
        compiler_params=pltpu.CompilerParams(use_tc_tiling_on_sc=False,
                                             needs_layout_passes=False),
    )(_sc_body)
    out_lin = run(z_t, em, mu_cat, sd_cat)
    out = (out_lin.reshape(T, D // 8, B // GSUB, 8, GSUB)
           .transpose(2, 4, 0, 1, 3).reshape(B, T, D))
    return out

# --- scband reference (transcript-rebuilt; emitter-appended) ---
"""Pipeline reference for scband-generative-model-condition-distribution-85057532330138 (READ-ONLY COPY).

The authoritative reference and input builder live on the scoring server;
editing this copy changes nothing except your own understanding.
"""

import jax, jax.numpy as jnp
import numpy as np

NUM_TARGETS = 100000
TVS_DIM = 32
BATCH = 4096
MAX_FRAMES = 200

def setup_inputs(seed: int = 0) -> dict:
    key = jax.random.key(seed)
    k1, k2, k3, k4, k5 = jax.random.split(key, 5)
    z = jax.random.randint(k1, (BATCH, MAX_FRAMES), 0, NUM_TARGETS, dtype=jnp.int64) if jax.config.jax_enable_x64 else jax.random.randint(k1, (BATCH, MAX_FRAMES), 0, NUM_TARGETS)
    num_frames = jax.random.randint(k2, (BATCH,), 0, MAX_FRAMES)
    eps = jax.random.normal(k3, (BATCH, MAX_FRAMES), dtype=jnp.float32)
    # learned parameters per __init__: target_means / target_stds clamped to [-1, 1]
    target_means = jnp.clip(jax.random.normal(k4, (NUM_TARGETS, TVS_DIM), dtype=jnp.float32), -1.0, 1.0)
    target_stds = jnp.clip(jax.random.normal(k5, (NUM_TARGETS, TVS_DIM), dtype=jnp.float32), -1.0, 1.0)
    return {"z": z, "num_frames": num_frames, "eps": eps,
            "target_means": target_means, "target_stds": target_stds}

def reference(z, num_frames, eps, target_means, target_stds):
    # Core of sample_for_sleep / GradComputeModel.forward:
    # per-frame embedding lookup with reparameterization
    #   value = clip(mu[z] + eps * std[z], -1, 1)
    # frames with z == 0 (silence targets) and frames beyond num_frames produce zeros.
    means = jnp.take(target_means, z, axis=0)            # [B, T, D] gather
    stds = jnp.take(target_stds, z, axis=0)              # [B, T, D] gather
    samples = jnp.clip(means + eps[..., None] * stds, -1.0, 1.0)
    frame_idx = jnp.arange(z.shape[1])[None, :]
    mask = (z != 0) & (frame_idx < num_frames[:, None])  # [B, T]
    return samples * mask[..., None].astype(samples.dtype)

if __name__ == "__main__":
    import jax
    _d = setup_inputs()
    print(jax.jit(kernel)(*tuple(_d.values())))

</pallas_src>

<mosaic_0001>
#map = affine_map<(d0, d1) -> (0, 0, 0)>
#map1 = affine_map<(d0, d1) -> (0, 0)>
module attributes {stable_mosaic.version = 14 : i64} {
  func.func @_sc_body(%arg0: i32, %arg1: i32, %arg2: memref<1600x4x128xi32, #tpu.memory_space<hbm>>, %arg3: memref<1600x512xf32, #tpu.memory_space<hbm>>, %arg4: memref<101024x32xf32, #tpu.memory_space<hbm>>, %arg5: memref<101024x32xf32, #tpu.memory_space<hbm>>, %arg6: memref<200x4x32768xf32, #tpu.memory_space<hbm>>, %arg7: memref<4x128xi32, #tpu.memory_space<vmem>>, %arg8: memref<4x128xi32, #tpu.memory_space<vmem>>, %arg9: memref<512xf32, #tpu.memory_space<vmem>>, %arg10: memref<512xf32, #tpu.memory_space<vmem>>, %arg11: memref<512x32xf32, #tpu.memory_space<vmem>>, %arg12: memref<512x32xf32, #tpu.memory_space<vmem>>, %arg13: memref<512x32xf32, #tpu.memory_space<vmem>>, %arg14: memref<512x32xf32, #tpu.memory_space<vmem>>, %arg15: memref<4x4096xf32, #tpu.memory_space<vmem>>, %arg16: memref<!tpu.dma_semaphore, #tpu.memory_space<semaphore_mem>>, %arg17: memref<!tpu.dma_semaphore, #tpu.memory_space<semaphore_mem>>, %arg18: memref<!tpu.dma_semaphore, #tpu.memory_space<semaphore_mem>>, %arg19: memref<!tpu.dma_semaphore, #tpu.memory_space<semaphore_mem>>) attributes {dimension_semantics = [#tpu.dimension_semantics<core_parallel>, #tpu.dimension_semantics<subcore_parallel>], iteration_bounds = array<i64: 2, 16>, scalar_prefetch = 0 : i64, scratch_operands = 13 : i64, tpu.core_type = #tpu.core_type<sc_vector_subcore>, window_params = [{transform_indices = #map}, {transform_indices = #map1}, {transform_indices = #map1}, {transform_indices = #map1}, {transform_indices = #map}]} {
    %mul3A = arith.constant 2 : i32
    %mul3A_0 = arith.muli %arg1, %mul3A : i32
    %add3A = arith.addi %mul3A_0, %arg0 : i32
    %iota3A = tpu.iota {dimensions = array<i32: 0>} : vector<16xi32>
    %mul3A_1 = arith.constant 50 : i32
    %mul3A_2 = arith.muli %add3A, %mul3A_1 : i32
    "tpu.region"() ({
      %run_scoped3A = tpu.sem_alloc : memref<!tpu.dma_semaphore, #tpu.memory_space<semaphore_mem>>
      %dma_start3A_104 = arith.constant 0 : i32
      %dma_start3A_105 = arith.constant 0 : i32
      %dma_start3A_106 = tpu.memref_slice %arg2[%mul3A_2, %dma_start3A_104, %dma_start3A_105] : memref<1600x4x128xi32, #tpu.memory_space<hbm>> -> memref<1x4x128xi32, #tpu.memory_space<hbm>>
      %dma_start3A_107 = tpu.memref_squeeze %dma_start3A_106 : memref<1x4x128xi32, #tpu.memory_space<hbm>> -> memref<4x128xi32, #tpu.memory_space<hbm>>
      %dma_start3A_108 = arith.constant 0 : i32
      %dma_start3A_109 = arith.constant 0 : i32
      %dma_start3A_110 = tpu.memref_slice %arg2[%mul3A_2, %dma_start3A_108, %dma_start3A_109] : memref<1600x4x128xi32, #tpu.memory_space<hbm>> -> memref<1x4x128xi32, #tpu.memory_space<hbm>>
      %dma_start3A_111 = tpu.memref_squeeze %dma_start3A_110 : memref<1x4x128xi32, #tpu.memory_space<hbm>> -> memref<4x128xi32, #tpu.memory_space<hbm>>
      tpu.enqueue_dma source(%dma_start3A_111 : memref<4x128xi32, #tpu.memory_space<hbm>>) target(%arg7 : memref<4x128xi32, #tpu.memory_space<vmem>>) target_semaphore(%run_scoped3A : memref<!tpu.dma_semaphore, #tpu.memory_space<semaphore_mem>>)
      %dma_wait3A = arith.constant 0 : i32
      %dma_wait3A_112 = arith.constant 0 : i32
      %dma_wait3A_113 = tpu.memref_slice %arg2[%mul3A_2, %dma_wait3A, %dma_wait3A_112] : memref<1600x4x128xi32, #tpu.memory_space<hbm>> -> memref<1x4x128xi32, #tpu.memory_space<hbm>>
      %dma_wait3A_114 = tpu.memref_squeeze %dma_wait3A_113 : memref<1x4x128xi32, #tpu.memory_space<hbm>> -> memref<4x128xi32, #tpu.memory_space<hbm>>
      %dma_wait3A_115 = arith.constant 0 : i32
      %dma_wait3A_116 = arith.constant 0 : i32
      %dma_wait3A_117 = tpu.memref_slice %arg2[%mul3A_2, %dma_wait3A_115, %dma_wait3A_116] : memref<1600x4x128xi32, #tpu.memory_space<hbm>> -> memref<1x4x128xi32, #tpu.memory_space<hbm>>
      %dma_wait3A_118 = tpu.memref_squeeze %dma_wait3A_117 : memref<1x4x128xi32, #tpu.memory_space<hbm>> -> memref<4x128xi32, #tpu.memory_space<hbm>>
      tpu.wait_dma2 semaphore(%run_scoped3A : memref<!tpu.dma_semaphore, #tpu.memory_space<semaphore_mem>>) src(%dma_wait3A_118 : memref<4x128xi32, #tpu.memory_space<hbm>>) dst(%arg7 : memref<4x128xi32, #tpu.memory_space<vmem>>)
      tpu.yield
    }) : () -> ()
    "tpu.region"() ({
      %run_scoped3A = tpu.sem_alloc : memref<!tpu.dma_semaphore, #tpu.memory_space<semaphore_mem>>
      %dma_start3A_104 = arith.constant 0 : i32
      %dma_start3A_105 = tpu.memref_slice %arg3[%mul3A_2, %dma_start3A_104] : memref<1600x512xf32, #tpu.memory_space<hbm>> -> memref<1x512xf32, #tpu.memory_space<hbm>>
      %dma_start3A_106 = tpu.memref_squeeze %dma_start3A_105 : memref<1x512xf32, #tpu.memory_space<hbm>> -> memref<512xf32, #tpu.memory_space<hbm>>
      %dma_start3A_107 = arith.constant 0 : i32
      %dma_start3A_108 = tpu.memref_slice %arg3[%mul3A_2, %dma_start3A_107] : memref<1600x512xf32, #tpu.memory_space<hbm>> -> memref<1x512xf32, #tpu.memory_space<hbm>>
      %dma_start3A_109 = tpu.memref_squeeze %dma_start3A_108 : memref<1x512xf32, #tpu.memory_space<hbm>> -> memref<512xf32, #tpu.memory_space<hbm>>
      tpu.enqueue_dma source(%dma_start3A_109 : memref<512xf32, #tpu.memory_space<hbm>>) target(%arg9 : memref<512xf32, #tpu.memory_space<vmem>>) target_semaphore(%run_scoped3A : memref<!tpu.dma_semaphore, #tpu.memory_space<semaphore_mem>>)
      %dma_wait3A = arith.constant 0 : i32
      %dma_wait3A_110 = tpu.memref_slice %arg3[%mul3A_2, %dma_wait3A] : memref<1600x512xf32, #tpu.memory_space<hbm>> -> memref<1x512xf32, #tpu.memory_space<hbm>>
      %dma_wait3A_111 = tpu.memref_squeeze %dma_wait3A_110 : memref<1x512xf32, #tpu.memory_space<hbm>> -> memref<512xf32, #tpu.memory_space<hbm>>
      %dma_wait3A_112 = arith.constant 0 : i32
      %dma_wait3A_113 = tpu.memref_slice %arg3[%mul3A_2, %dma_wait3A_112] : memref<1600x512xf32, #tpu.memory_space<hbm>> -> memref<1x512xf32, #tpu.memory_space<hbm>>
      %dma_wait3A_114 = tpu.memref_squeeze %dma_wait3A_113 : memref<1x512xf32, #tpu.memory_space<hbm>> -> memref<512xf32, #tpu.memory_space<hbm>>
      tpu.wait_dma2 semaphore(%run_scoped3A : memref<!tpu.dma_semaphore, #tpu.memory_space<semaphore_mem>>) src(%dma_wait3A_114 : memref<512xf32, #tpu.memory_space<hbm>>) dst(%arg9 : memref<512xf32, #tpu.memory_space<vmem>>)
      tpu.yield
    }) : () -> ()
    %dma_start3A = arith.constant 0 : i32
    %dma_start3A_3 = arith.constant 0 : i32
    %dma_start3A_4 = arith.constant 0 : i32
    %dma_start3A_5 = tpu.memref_slice %arg11[%dma_start3A_3, %dma_start3A_4] : memref<512x32xf32, #tpu.memory_space<vmem>> -> memref<128x32xf32, #tpu.memory_space<vmem>>
    %dma_start3A_6 = arith.constant 0 : i32
    %dma_start3A_7 = tpu.memref_slice %arg7[%dma_start3A, %dma_start3A_6] : memref<4x128xi32, #tpu.memory_space<vmem>> -> memref<1x128xi32, #tpu.memory_space<vmem>>
    %dma_start3A_8 = tpu.memref_squeeze %dma_start3A_7 : memref<1x128xi32, #tpu.memory_space<vmem>> -> memref<128xi32, #tpu.memory_space<vmem>>
    %dma_start3A_9 = arith.constant 0 : i32
    %dma_start3A_10 = arith.constant 0 : i32
    %dma_start3A_11 = tpu.memref_slice %arg4[%dma_start3A_9, %dma_start3A_10] : memref<101024x32xf32, #tpu.memory_space<hbm>> -> memref<101024x32xf32, #tpu.memory_space<hbm>>
    tpu.enqueue_indirect_dma source(%dma_start3A_11 : memref<101024x32xf32, #tpu.memory_space<hbm>>) target(%dma_start3A_5 : memref<128x32xf32, #tpu.memory_space<vmem>>) offsets(%dma_start3A_8 : memref<128xi32, #tpu.memory_space<vmem>>) semaphore(%arg16 : memref<!tpu.dma_semaphore, #tpu.memory_space<semaphore_mem>>)
    %dma_start3A_12 = arith.constant 0 : i32
    %dma_start3A_13 = arith.constant 0 : i32
    %dma_start3A_14 = arith.constant 0 : i32
    %dma_start3A_15 = tpu.memref_slice %arg13[%dma_start3A_13, %dma_start3A_14] : memref<512x32xf32, #tpu.memory_space<vmem>> -> memref<128x32xf32, #tpu.memory_space<vmem>>
    %dma_start3A_16 = arith.constant 0 : i32
    %dma_start3A_17 = tpu.memref_slice %arg7[%dma_start3A_12, %dma_start3A_16] : memref<4x128xi32, #tpu.memory_space<vmem>> -> memref<1x128xi32, #tpu.memory_space<vmem>>
    %dma_start3A_18 = tpu.memref_squeeze %dma_start3A_17 : memref<1x128xi32, #tpu.memory_space<vmem>> -> memref<128xi32, #tpu.memory_space<vmem>>
    %dma_start3A_19 = arith.constant 0 : i32
    %dma_start3A_20 = arith.constant 0 : i32
    %dma_start3A_21 = tpu.memref_slice %arg5[%dma_start3A_19, %dma_start3A_20] : memref<101024x32xf32, #tpu.memory_space<hbm>> -> memref<101024x32xf32, #tpu.memory_space<hbm>>
    tpu.enqueue_indirect_dma source(%dma_start3A_21 : memref<101024x32xf32, #tpu.memory_space<hbm>>) target(%dma_start3A_15 : memref<128x32xf32, #tpu.memory_space<vmem>>) offsets(%dma_start3A_18 : memref<128xi32, #tpu.memory_space<vmem>>) semaphore(%arg16 : memref<!tpu.dma_semaphore, #tpu.memory_space<semaphore_mem>>)
    %dma_start3A_22 = arith.constant 1 : i32
    %dma_start3A_23 = arith.constant 128 : i32
    %dma_start3A_24 = arith.constant 0 : i32
    %dma_start3A_25 = tpu.memref_slice %arg11[%dma_start3A_23, %dma_start3A_24] : memref<512x32xf32, #tpu.memory_space<vmem>> -> memref<128x32xf32, #tpu.memory_space<vmem>>
    %dma_start3A_26 = arith.constant 0 : i32
    %dma_start3A_27 = tpu.memref_slice %arg7[%dma_start3A_22, %dma_start3A_26] : memref<4x128xi32, #tpu.memory_space<vmem>> -> memref<1x128xi32, #tpu.memory_space<vmem>>
    %dma_start3A_28 = tpu.memref_squeeze %dma_start3A_27 : memref<1x128xi32, #tpu.memory_space<vmem>> -> memref<128xi32, #tpu.memory_space<vmem>>
    %dma_start3A_29 = arith.constant 0 : i32
    %dma_start3A_30 = arith.constant 0 : i32
    %dma_start3A_31 = tpu.memref_slice %arg4[%dma_start3A_29, %dma_start3A_30] : memref<101024x32xf32, #tpu.memory_space<hbm>> -> memref<101024x32xf32, #tpu.memory_space<hbm>>
    tpu.enqueue_indirect_dma source(%dma_start3A_31 : memref<101024x32xf32, #tpu.memory_space<hbm>>) target(%dma_start3A_25 : memref<128x32xf32, #tpu.memory_space<vmem>>) offsets(%dma_start3A_28 : memref<128xi32, #tpu.memory_space<vmem>>) semaphore(%arg16 : memref<!tpu.dma_semaphore, #tpu.memory_space<semaphore_mem>>)
    %dma_start3A_32 = arith.constant 1 : i32
    %dma_start3A_33 = arith.constant 128 : i32
    %dma_start3A_34 = arith.constant 0 : i32
    %dma_start3A_35 = tpu.memref_slice %arg13[%dma_start3A_33, %dma_start3A_34] : memref<512x32xf32, #tpu.memory_space<vmem>> -> memref<128x32xf32, #tpu.memory_space<vmem>>
    %dma_start3A_36 = arith.constant 0 : i32
    %dma_start3A_37 = tpu.memref_slice %arg7[%dma_start3A_32, %dma_start3A_36] : memref<4x128xi32, #tpu.memory_space<vmem>> -> memref<1x128xi32, #tpu.memory_space<vmem>>
    %dma_start3A_38 = tpu.memref_squeeze %dma_start3A_37 : memref<1x128xi32, #tpu.memory_space<vmem>> -> memref<128xi32, #tpu.memory_space<vmem>>
    %dma_start3A_39 = arith.constant 0 : i32
    %dma_start3A_40 = arith.constant 0 : i32
    %dma_start3A_41 = tpu.memref_slice %arg5[%dma_start3A_39, %dma_start3A_40] : memref<101024x32xf32, #tpu.memory_space<hbm>> -> memref<101024x32xf32, #tpu.memory_space<hbm>>
    tpu.enqueue_indirect_dma source(%dma_start3A_41 : memref<101024x32xf32, #tpu.memory_space<hbm>>) target(%dma_start3A_35 : memref<128x32xf32, #tpu.memory_space<vmem>>) offsets(%dma_start3A_38 : memref<128xi32, #tpu.memory_space<vmem>>) semaphore(%arg16 : memref<!tpu.dma_semaphore, #tpu.memory_space<semaphore_mem>>)
    %dma_start3A_42 = arith.constant 2 : i32
    %dma_start3A_43 = arith.constant 256 : i32
    %dma_start3A_44 = arith.constant 0 : i32
    %dma_start3A_45 = tpu.memref_slice %arg11[%dma_start3A_43, %dma_start3A_44] : memref<512x32xf32, #tpu.memory_space<vmem>> -> memref<128x32xf32, #tpu.memory_space<vmem>>
    %dma_start3A_46 = arith.constant 0 : i32
    %dma_start3A_47 = tpu.memref_slice %arg7[%dma_start3A_42, %dma_start3A_46] : memref<4x128xi32, #tpu.memory_space<vmem>> -> memref<1x128xi32, #tpu.memory_space<vmem>>
    %dma_start3A_48 = tpu.memref_squeeze %dma_start3A_47 : memref<1x128xi32, #tpu.memory_space<vmem>> -> memref<128xi32, #tpu.memory_space<vmem>>
    %dma_start3A_49 = arith.constant 0 : i32
    %dma_start3A_50 = arith.constant 0 : i32
    %dma_start3A_51 = tpu.memref_slice %arg4[%dma_start3A_49, %dma_start3A_50] : memref<101024x32xf32, #tpu.memory_space<hbm>> -> memref<101024x32xf32, #tpu.memory_space<hbm>>
    tpu.enqueue_indirect_dma source(%dma_start3A_51 : memref<101024x32xf32, #tpu.memory_space<hbm>>) target(%dma_start3A_45 : memref<128x32xf32, #tpu.memory_space<vmem>>) offsets(%dma_start3A_48 : memref<128xi32, #tpu.memory_space<vmem>>) semaphore(%arg16 : memref<!tpu.dma_semaphore, #tpu.memory_space<semaphore_mem>>)
    %dma_start3A_52 = arith.constant 2 : i32
    %dma_start3A_53 = arith.constant 256 : i32
    %dma_start3A_54 = arith.constant 0 : i32
    %dma_start3A_55 = tpu.memref_slice %arg13[%dma_start3A_53, %dma_start3A_54] : memref<512x32xf32, #tpu.memory_space<vmem>> -> memref<128x32xf32, #tpu.memory_space<vmem>>
    %dma_start3A_56 = arith.constant 0 : i32
    %dma_start3A_57 = tpu.memref_slice %arg7[%dma_start3A_52, %dma_start3A_56] : memref<4x128xi32, #tpu.memory_space<vmem>> -> memref<1x128xi32, #tpu.memory_space<vmem>>
    %dma_start3A_58 = tpu.memref_squeeze %dma_start3A_57 : memref<1x128xi32, #tpu.memory_space<vmem>> -> memref<128xi32, #tpu.memory_space<vmem>>
    %dma_start3A_59 = arith.constant 0 : i32
    %dma_start3A_60 = arith.constant 0 : i32
    %dma_start3A_61 = tpu.memref_slice %arg5[%dma_start3A_59, %dma_start3A_60] : memref<101024x32xf32, #tpu.memory_space<hbm>> -> memref<101024x32xf32, #tpu.memory_space<hbm>>
    tpu.enqueue_indirect_dma source(%dma_start3A_61 : memref<101024x32xf32, #tpu.memory_space<hbm>>) target(%dma_start3A_55 : memref<128x32xf32, #tpu.memory_space<vmem>>) offsets(%dma_start3A_58 : memref<128xi32, #tpu.memory_space<vmem>>) semaphore(%arg16 : memref<!tpu.dma_semaphore, #tpu.memory_space<semaphore_mem>>)
    %dma_start3A_62 = arith.constant 3 : i32
    %dma_start3A_63 = arith.constant 384 : i32
    %dma_start3A_64 = arith.constant 0 : i32
    %dma_start3A_65 = tpu.memref_slice %arg11[%dma_start3A_63, %dma_start3A_64] : memref<512x32xf32, #tpu.memory_space<vmem>> -> memref<128x32xf32, #tpu.memory_space<vmem>>
    %dma_start3A_66 = arith.constant 0 : i32
    %dma_start3A_67 = tpu.memref_slice %arg7[%dma_start3A_62, %dma_start3A_66] : memref<4x128xi32, #tpu.memory_space<vmem>> -> memref<1x128xi32, #tpu.memory_space<vmem>>
    %dma_start3A_68 = tpu.memref_squeeze %dma_start3A_67 : memref<1x128xi32, #tpu.memory_space<vmem>> -> memref<128xi32, #tpu.memory_space<vmem>>
    %dma_start3A_69 = arith.constant 0 : i32
    %dma_start3A_70 = arith.constant 0 : i32
    %dma_start3A_71 = tpu.memref_slice %arg4[%dma_start3A_69, %dma_start3A_70] : memref<101024x32xf32, #tpu.memory_space<hbm>> -> memref<101024x32xf32, #tpu.memory_space<hbm>>
    tpu.enqueue_indirect_dma source(%dma_start3A_71 : memref<101024x32xf32, #tpu.memory_space<hbm>>) target(%dma_start3A_65 : memref<128x32xf32, #tpu.memory_space<vmem>>) offsets(%dma_start3A_68 : memref<128xi32, #tpu.memory_space<vmem>>) semaphore(%arg16 : memref<!tpu.dma_semaphore, #tpu.memory_space<semaphore_mem>>)
    %dma_start3A_72 = arith.constant 3 : i32
    %dma_start3A_73 = arith.constant 384 : i32
    %dma_start3A_74 = arith.constant 0 : i32
    %dma_start3A_75 = tpu.memref_slice %arg13[%dma_start3A_73, %dma_start3A_74] : memref<512x32xf32, #tpu.memory_space<vmem>> -> memref<128x32xf32, #tpu.memory_space<vmem>>
    %dma_start3A_76 = arith.constant 0 : i32
    %dma_start3A_77 = tpu.memref_slice %arg7[%dma_start3A_72, %dma_start3A_76] : memref<4x128xi32, #tpu.memory_space<vmem>> -> memref<1x128xi32, #tpu.memory_space<vmem>>
    %dma_start3A_78 = tpu.memref_squeeze %dma_start3A_77 : memref<1x128xi32, #tpu.memory_space<vmem>> -> memref<128xi32, #tpu.memory_space<vmem>>
    %dma_start3A_79 = arith.constant 0 : i32
    %dma_start3A_80 = arith.constant 0 : i32
    %dma_start3A_81 = tpu.memref_slice %arg5[%dma_start3A_79, %dma_start3A_80] : memref<101024x32xf32, #tpu.memory_space<hbm>> -> memref<101024x32xf32, #tpu.memory_space<hbm>>
    tpu.enqueue_indirect_dma source(%dma_start3A_81 : memref<101024x32xf32, #tpu.memory_space<hbm>>) target(%dma_start3A_75 : memref<128x32xf32, #tpu.memory_space<vmem>>) offsets(%dma_start3A_78 : memref<128xi32, #tpu.memory_space<vmem>>) semaphore(%arg16 : memref<!tpu.dma_semaphore, #tpu.memory_space<semaphore_mem>>)
    %add3A_82 = arith.constant 1 : i32
    %add3A_83 = arith.addi %mul3A_2, %add3A_82 : i32
    %dma_start3A_84 = arith.constant 0 : i32
    %dma_start3A_85 = arith.constant 0 : i32
    %dma_start3A_86 = tpu.memref_slice %arg2[%add3A_83, %dma_start3A_84, %dma_start3A_85] : memref<1600x4x128xi32, #tpu.memory_space<hbm>> -> memref<1x4x128xi32, #tpu.memory_space<hbm>>
    %dma_start3A_87 = tpu.memref_squeeze %dma_start3A_86 : memref<1x4x128xi32, #tpu.memory_space<hbm>> -> memref<4x128xi32, #tpu.memory_space<hbm>>
    %dma_start3A_88 = arith.constant 0 : i32
    %dma_start3A_89 = arith.constant 0 : i32
    %dma_start3A_90 = tpu.memref_slice %arg2[%add3A_83, %dma_start3A_88, %dma_start3A_89] : memref<1600x4x128xi32, #tpu.memory_space<hbm>> -> memref<1x4x128xi32, #tpu.memory_space<hbm>>
    %dma_start3A_91 = tpu.memref_squeeze %dma_start3A_90 : memref<1x4x128xi32, #tpu.memory_space<hbm>> -> memref<4x128xi32, #tpu.memory_space<hbm>>
    tpu.enqueue_dma source(%dma_start3A_91 : memref<4x128xi32, #tpu.memory_space<hbm>>) target(%arg8 : memref<4x128xi32, #tpu.memory_space<vmem>>) target_semaphore(%arg19 : memref<!tpu.dma_semaphore, #tpu.memory_space<semaphore_mem>>)
    %dma_start3A_92 = arith.constant 0 : i32
    %dma_start3A_93 = tpu.memref_slice %arg3[%add3A_83, %dma_start3A_92] : memref<1600x512xf32, #tpu.memory_space<hbm>> -> memref<1x512xf32, #tpu.memory_space<hbm>>
    %dma_start3A_94 = tpu.memref_squeeze %dma_start3A_93 : memref<1x512xf32, #tpu.memory_space<hbm>> -> memref<512xf32, #tpu.memory_space<hbm>>
    %dma_start3A_95 = arith.constant 0 : i32
    %dma_start3A_96 = tpu.memref_slice %arg3[%add3A_83, %dma_start3A_95] : memref<1600x512xf32, #tpu.memory_space<hbm>> -> memref<1x512xf32, #tpu.memory_space<hbm>>
    %dma_start3A_97 = tpu.memref_squeeze %dma_start3A_96 : memref<1x512xf32, #tpu.memory_space<hbm>> -> memref<512xf32, #tpu.memory_space<hbm>>
    tpu.enqueue_dma source(%dma_start3A_97 : memref<512xf32, #tpu.memory_space<hbm>>) target(%arg10 : memref<512xf32, #tpu.memory_space<vmem>>) target_semaphore(%arg19 : memref<!tpu.dma_semaphore, #tpu.memory_space<semaphore_mem>>)
    %scan3A = arith.constant 0 : i32
    %scan3A_98 = arith.constant 0 : i32
    %scan3A_99 = arith.constant 25 : i32
    %scan3A_100 = arith.addi %scan3A_98, %scan3A_99 : i32
    %scan3A_101 = arith.constant 1 : i32
    %scan3A_102 = scf.for %scan3A_104 = %scan3A_98 to %scan3A_100 step %scan3A_101 iter_args(%scan3A_105 = %scan3A) -> (i32)  : i32 {
      %mul3A_106 = arith.constant 2 : i32
      %mul3A_107 = arith.muli %mul3A_106, %scan3A_104 : i32
      %add3A_108 = arith.constant 0 : i32
      %add3A_109 = arith.addi %mul3A_107, %add3A_108 : i32
      %add3A_110 = arith.constant 1 : i32
      %add3A_111 = arith.addi %add3A_109, %add3A_110 : i32
      %lt3A = arith.constant 50 : i32
      %lt3A_112 = arith.cmpi slt, %add3A_111, %lt3A : i32
      %convert_element_type3A = arith.extui %lt3A_112 : i1 to i32
      %cond3A = arith.constant 0 : i32
      %cond3A_113 = arith.cmpi ne, %convert_element_type3A, %cond3A : i32
      scf.if %cond3A_113 {
        %dma_wait3A_256 = arith.constant 0 : i32
        %dma_wait3A_257 = arith.constant 0 : i32
        %dma_wait3A_258 = arith.constant 0 : i32
        %dma_wait3A_259 = tpu.memref_slice %arg2[%dma_wait3A_256, %dma_wait3A_257, %dma_wait3A_258] : memref<1600x4x128xi32, #tpu.memory_space<hbm>> -> memref<1x4x128xi32, #tpu.memory_space<hbm>>
        %dma_wait3A_260 = tpu.memref_squeeze %dma_wait3A_259 : memref<1x4x128xi32, #tpu.memory_space<hbm>> -> memref<4x128xi32, #tpu.memory_space<hbm>>
        %dma_wait3A_261 = arith.constant 0 : i32
        %dma_wait3A_262 = arith.constant 0 : i32
        %dma_wait3A_263 = tpu.memref_slice %arg2[%dma_wait3A_256, %dma_wait3A_261, %dma_wait3A_262] : memref<1600x4x128xi32, #tpu.memory_space<hbm>> -> memref<1x4x128xi32, #tpu.memory_space<hbm>>
        %dma_wait3A_264 = tpu.memref_squeeze %dma_wait3A_263 : memref<1x4x128xi32, #tpu.memory_space<hbm>> -> memref<4x128xi32, #tpu.memory_space<hbm>>
        tpu.wait_dma2 semaphore(%arg19 : memref<!tpu.dma_semaphore, #tpu.memory_space<semaphore_mem>>) src(%dma_wait3A_264 : memref<4x128xi32, #tpu.memory_space<hbm>>) dst(%arg8 : memref<4x128xi32, #tpu.memory_space<vmem>>)
        %dma_wait3A_265 = arith.constant 0 : i32
        %dma_wait3A_266 = arith.constant 0 : i32
        %dma_wait3A_267 = tpu.memref_slice %arg3[%dma_wait3A_265, %dma_wait3A_266] : memref<1600x512xf32, #tpu.memory_space<hbm>> -> memref<1x512xf32, #tpu.memory_space<hbm>>
        %dma_wait3A_268 = tpu.memref_squeeze %dma_wait3A_267 : memref<1x512xf32, #tpu.memory_space<hbm>> -> memref<512xf32, #tpu.memory_space<hbm>>
        %dma_wait3A_269 = arith.constant 0 : i32
        %dma_wait3A_270 = tpu.memref_slice %arg3[%dma_wait3A_265, %dma_wait3A_269] : memref<1600x512xf32, #tpu.memory_space<hbm>> -> memref<1x512xf32, #tpu.memory_space<hbm>>
        %dma_wait3A_271 = tpu.memref_squeeze %dma_wait3A_270 : memref<1x512xf32, #tpu.memory_space<hbm>> -> memref<512xf32, #tpu.memory_space<hbm>>
        tpu.wait_dma2 semaphore(%arg19 : memref<!tpu.dma_semaphore, #tpu.memory_space<semaphore_mem>>) src(%dma_wait3A_271 : memref<512xf32, #tpu.memory_space<hbm>>) dst(%arg10 : memref<512xf32, #tpu.memory_space<vmem>>)
        %dma_start3A_272 = arith.constant 0 : i32
        %dma_start3A_273 = arith.constant 0 : i32
        %dma_start3A_274 = arith.constant 0 : i32
        %dma_start3A_275 = tpu.memref_slice %arg12[%dma_start3A_273, %dma_start3A_274] : memref<512x32xf32, #tpu.memory_space<vmem>> -> memref<128x32xf32, #tpu.memory_space<vmem>>
        %dma_start3A_276 = arith.constant 0 : i32
        %dma_start3A_277 = tpu.memref_slice %arg8[%dma_start3A_272, %dma_start3A_276] : memref<4x128xi32, #tpu.memory_space<vmem>> -> memref<1x128xi32, #tpu.memory_space<vmem>>
        %dma_start3A_278 = tpu.memref_squeeze %dma_start3A_277 : memref<1x128xi32, #tpu.memory_space<vmem>> -> memref<128xi32, #tpu.memory_space<vmem>>
        %dma_start3A_279 = arith.constant 0 : i32
        %dma_start3A_280 = arith.constant 0 : i32
        %dma_start3A_281 = tpu.memref_slice %arg4[%dma_start3A_279, %dma_start3A_280] : memref<101024x32xf32, #tpu.memory_space<hbm>> -> memref<101024x32xf32, #tpu.memory_space<hbm>>
        tpu.enqueue_indirect_dma source(%dma_start3A_281 : memref<101024x32xf32, #tpu.memory_space<hbm>>) target(%dma_start3A_275 : memref<128x32xf32, #tpu.memory_space<vmem>>) offsets(%dma_start3A_278 : memref<128xi32, #tpu.memory_space<vmem>>) semaphore(%arg17 : memref<!tpu.dma_semaphore, #tpu.memory_space<semaphore_mem>>)
        %dma_start3A_282 = arith.constant 0 : i32
        %dma_start3A_283 = arith.constant 0 : i32
        %dma_start3A_284 = arith.constant 0 : i32
        %dma_start3A_285 = tpu.memref_slice %arg14[%dma_start3A_283, %dma_start3A_284] : memref<512x32xf32, #tpu.memory_space<vmem>> -> memref<128x32xf32, #tpu.memory_space<vmem>>
        %dma_start3A_286 = arith.constant 0 : i32
        %dma_start3A_287 = tpu.memref_slice %arg8[%dma_start3A_282, %dma_start3A_286] : memref<4x128xi32, #tpu.memory_space<vmem>> -> memref<1x128xi32, #tpu.memory_space<vmem>>
        %dma_start3A_288 = tpu.memref_squeeze %dma_start3A_287 : memref<1x128xi32, #tpu.memory_space<vmem>> -> memref<128xi32, #tpu.memory_space<vmem>>
        %dma_start3A_289 = arith.constant 0 : i32
        %dma_start3A_290 = arith.constant 0 : i32
        %dma_start3A_291 = tpu.memref_slice %arg5[%dma_start3A_289, %dma_start3A_290] : memref<101024x32xf32, #tpu.memory_space<hbm>> -> memref<101024x32xf32, #tpu.memory_space<hbm>>
        tpu.enqueue_indirect_dma source(%dma_start3A_291 : memref<101024x32xf32, #tpu.memory_space<hbm>>) target(%dma_start3A_285 : memref<128x32xf32, #tpu.memory_space<vmem>>) offsets(%dma_start3A_288 : memref<128xi32, #tpu.memory_space<vmem>>) semaphore(%arg17 : memref<!tpu.dma_semaphore, #tpu.memory_space<semaphore_mem>>)
        %dma_start3A_292 = arith.constant 1 : i32
        %dma_start3A_293 = arith.constant 128 : i32
        %dma_start3A_294 = arith.constant 0 : i32
        %dma_start3A_295 = tpu.memref_slice %arg12[%dma_start3A_293, %dma_start3A_294] : memref<512x32xf32, #tpu.memory_space<vmem>> -> memref<128x32xf32, #tpu.memory_space<vmem>>
        %dma_start3A_296 = arith.constant 0 : i32
        %dma_start3A_297 = tpu.memref_slice %arg8[%dma_start3A_292, %dma_start3A_296] : memref<4x128xi32, #tpu.memory_space<vmem>> -> memref<1x128xi32, #tpu.memory_space<vmem>>
        %dma_start3A_298 = tpu.memref_squeeze %dma_start3A_297 : memref<1x128xi32, #tpu.memory_space<vmem>> -> memref<128xi32, #tpu.memory_space<vmem>>
        %dma_start3A_299 = arith.constant 0 : i32
        %dma_start3A_300 = arith.constant 0 : i32
        %dma_start3A_301 = tpu.memref_slice %arg4[%dma_start3A_299, %dma_start3A_300] : memref<101024x32xf32, #tpu.memory_space<hbm>> -> memref<101024x32xf32, #tpu.memory_space<hbm>>
        tpu.enqueue_indirect_dma source(%dma_start3A_301 : memref<101024x32xf32, #tpu.memory_space<hbm>>) target(%dma_start3A_295 : memref<128x32xf32, #tpu.memory_space<vmem>>) offsets(%dma_start3A_298 : memref<128xi32, #tpu.memory_space<vmem>>) semaphore(%arg17 : memref<!tpu.dma_semaphore, #tpu.memory_space<semaphore_mem>>)
        %dma_start3A_302 = arith.constant 1 : i32
        %dma_start3A_303 = arith.constant 128 : i32
        %dma_start3A_304 = arith.constant 0 : i32
        %dma_start3A_305 = tpu.memref_slice %arg14[%dma_start3A_303, %dma_start3A_304] : memref<512x32xf32, #tpu.memory_space<vmem>> -> memref<128x32xf32, #tpu.memory_space<vmem>>
        %dma_start3A_306 = arith.constant 0 : i32
        %dma_start3A_307 = tpu.memref_slice %arg8[%dma_start3A_302, %dma_start3A_306] : memref<4x128xi32, #tpu.memory_space<vmem>> -> memref<1x128xi32, #tpu.memory_space<vmem>>
        %dma_start3A_308 = tpu.memref_squeeze %dma_start3A_307 : memref<1x128xi32, #tpu.memory_space<vmem>> -> memref<128xi32, #tpu.memory_space<vmem>>
        %dma_start3A_309 = arith.constant 0 : i32
        %dma_start3A_310 = arith.constant 0 : i32
        %dma_start3A_311 = tpu.memref_slice %arg5[%dma_start3A_309, %dma_start3A_310] : memref<101024x32xf32, #tpu.memory_space<hbm>> -> memref<101024x32xf32, #tpu.memory_space<hbm>>
        tpu.enqueue_indirect_dma source(%dma_start3A_311 : memref<101024x32xf32, #tpu.memory_space<hbm>>) target(%dma_start3A_305 : memref<128x32xf32, #tpu.memory_space<vmem>>) offsets(%dma_start3A_308 : memref<128xi32, #tpu.memory_space<vmem>>) semaphore(%arg17 : memref<!tpu.dma_semaphore, #tpu.memory_space<semaphore_mem>>)
        %dma_start3A_312 = arith.constant 2 : i32
        %dma_start3A_313 = arith.constant 256 : i32
        %dma_start3A_314 = arith.constant 0 : i32
        %dma_start3A_315 = tpu.memref_slice %arg12[%dma_start3A_313, %dma_start3A_314] : memref<512x32xf32, #tpu.memory_space<vmem>> -> memref<128x32xf32, #tpu.memory_space<vmem>>
        %dma_start3A_316 = arith.constant 0 : i32
        %dma_start3A_317 = tpu.memref_slice %arg8[%dma_start3A_312, %dma_start3A_316] : memref<4x128xi32, #tpu.memory_space<vmem>> -> memref<1x128xi32, #tpu.memory_space<vmem>>
        %dma_start3A_318 = tpu.memref_squeeze %dma_start3A_317 : memref<1x128xi32, #tpu.memory_space<vmem>> -> memref<128xi32, #tpu.memory_space<vmem>>
        %dma_start3A_319 = arith.constant 0 : i32
        %dma_start3A_320 = arith.constant 0 : i32
        %dma_start3A_321 = tpu.memref_slice %arg4[%dma_start3A_319, %dma_start3A_320] : memref<101024x32xf32, #tpu.memory_space<hbm>> -> memref<101024x32xf32, #tpu.memory_space<hbm>>
        tpu.enqueue_indirect_dma source(%dma_start3A_321 : memref<101024x32xf32, #tpu.memory_space<hbm>>) target(%dma_start3A_315 : memref<128x32xf32, #tpu.memory_space<vmem>>) offsets(%dma_start3A_318 : memref<128xi32, #tpu.memory_space<vmem>>) semaphore(%arg17 : memref<!tpu.dma_semaphore, #tpu.memory_space<semaphore_mem>>)
        %dma_start3A_322 = arith.constant 2 : i32
        %dma_start3A_323 = arith.constant 256 : i32
        %dma_start3A_324 = arith.constant 0 : i32
        %dma_start3A_325 = tpu.memref_slice %arg14[%dma_start3A_323, %dma_start3A_324] : memref<512x32xf32, #tpu.memory_space<vmem>> -> memref<128x32xf32, #tpu.memory_space<vmem>>
        %dma_start3A_326 = arith.constant 0 : i32
        %dma_start3A_327 = tpu.memref_slice %arg8[%dma_start3A_322, %dma_start3A_326] : memref<4x128xi32, #tpu.memory_space<vmem>> -> memref<1x128xi32, #tpu.memory_space<vmem>>
        %dma_start3A_328 = tpu.memref_squeeze %dma_start3A_327 : memref<1x128xi32, #tpu.memory_space<vmem>> -> memref<128xi32, #tpu.memory_space<vmem>>
        %dma_start3A_329 = arith.constant 0 : i32
        %dma_start3A_330 = arith.constant 0 : i32
        %dma_start3A_331 = tpu.memref_slice %arg5[%dma_start3A_329, %dma_start3A_330] : memref<101024x32xf32, #tpu.memory_space<hbm>> -> memref<101024x32xf32, #tpu.memory_space<hbm>>
        tpu.enqueue_indirect_dma source(%dma_start3A_331 : memref<101024x32xf32, #tpu.memory_space<hbm>>) target(%dma_start3A_325 : memref<128x32xf32, #tpu.memory_space<vmem>>) offsets(%dma_start3A_328 : memref<128xi32, #tpu.memory_space<vmem>>) semaphore(%arg17 : memref<!tpu.dma_semaphore, #tpu.memory_space<semaphore_mem>>)
        %dma_start3A_332 = arith.constant 3 : i32
        %dma_start3A_333 = arith.constant 384 : i32
        %dma_start3A_334 = arith.constant 0 : i32
        %dma_start3A_335 = tpu.memref_slice %arg12[%dma_start3A_333, %dma_start3A_334] : memref<512x32xf32, #tpu.memory_space<vmem>> -> memref<128x32xf32, #tpu.memory_space<vmem>>
        %dma_start3A_336 = arith.constant 0 : i32
        %dma_start3A_337 = tpu.memref_slice %arg8[%dma_start3A_332, %dma_start3A_336] : memref<4x128xi32, #tpu.memory_space<vmem>> -> memref<1x128xi32, #tpu.memory_space<vmem>>
        %dma_start3A_338 = tpu.memref_squeeze %dma_start3A_337 : memref<1x128xi32, #tpu.memory_space<vmem>> -> memref<128xi32, #tpu.memory_space<vmem>>
        %dma_start3A_339 = arith.constant 0 : i32
        %dma_start3A_340 = arith.constant 0 : i32
        %dma_start3A_341 = tpu.memref_slice %arg4[%dma_start3A_339, %dma_start3A_340] : memref<101024x32xf32, #tpu.memory_space<hbm>> -> memref<101024x32xf32, #tpu.memory_space<hbm>>
        tpu.enqueue_indirect_dma source(%dma_start3A_341 : memref<101024x32xf32, #tpu.memory_space<hbm>>) target(%dma_start3A_335 : memref<128x32xf32, #tpu.memory_space<vmem>>) offsets(%dma_start3A_338 : memref<128xi32, #tpu.memory_space<vmem>>) semaphore(%arg17 : memref<!tpu.dma_semaphore, #tpu.memory_space<semaphore_mem>>)
        %dma_start3A_342 = arith.constant 3 : i32
        %dma_start3A_343 = arith.constant 384 : i32
        %dma_start3A_344 = arith.constant 0 : i32
        %dma_start3A_345 = tpu.memref_slice %arg14[%dma_start3A_343, %dma_start3A_344] : memref<512x32xf32, #tpu.memory_space<vmem>> -> memref<128x32xf32, #tpu.memory_space<vmem>>
        %dma_start3A_346 = arith.constant 0 : i32
        %dma_start3A_347 = tpu.memref_slice %arg8[%dma_start3A_342, %dma_start3A_346] : memref<4x128xi32, #tpu.memory_space<vmem>> -> memref<1x128xi32, #tpu.memory_space<vmem>>
        %dma_start3A_348 = tpu.memref_squeeze %dma_start3A_347 : memref<1x128xi32, #tpu.memory_space<vmem>> -> memref<128xi32, #tpu.memory_space<vmem>>
        %dma_start3A_349 = arith.constant 0 : i32
        %dma_start3A_350 = arith.constant 0 : i32
        %dma_start3A_351 = tpu.memref_slice %arg5[%dma_start3A_349, %dma_start3A_350] : memref<101024x32xf32, #tpu.memory_space<hbm>> -> memref<101024x32xf32, #tpu.memory_space<hbm>>
        tpu.enqueue_indirect_dma source(%dma_start3A_351 : memref<101024x32xf32, #tpu.memory_space<hbm>>) target(%dma_start3A_345 : memref<128x32xf32, #tpu.memory_space<vmem>>) offsets(%dma_start3A_348 : memref<128xi32, #tpu.memory_space<vmem>>) semaphore(%arg17 : memref<!tpu.dma_semaphore, #tpu.memory_space<semaphore_mem>>)
      } else {
      }
      %dma_wait3A = arith.constant 0 : i32
      %dma_wait3A_114 = arith.constant 0 : i32
      %dma_wait3A_115 = tpu.memref_slice %arg4[%dma_wait3A, %dma_wait3A_114] : memref<101024x32xf32, #tpu.memory_space<hbm>> -> memref<512x32xf32, #tpu.memory_space<hbm>>
      %dma_wait3A_116 = arith.constant 0 : i32
      %dma_wait3A_117 = arith.constant 0 : i32
      %dma_wait3A_118 = tpu.memref_slice %arg4[%dma_wait3A_116, %dma_wait3A_117] : memref<101024x32xf32, #tpu.memory_space<hbm>> -> memref<512x32xf32, #tpu.memory_space<hbm>>
      tpu.wait_dma2 semaphore(%arg16 : memref<!tpu.dma_semaphore, #tpu.memory_space<semaphore_mem>>) src(%dma_wait3A_118 : memref<512x32xf32, #tpu.memory_space<hbm>>) dst(%arg11 : memref<512x32xf32, #tpu.memory_space<vmem>>)
      %dma_wait3A_119 = arith.constant 0 : i32
      %dma_wait3A_120 = arith.constant 0 : i32
      %dma_wait3A_121 = tpu.memref_slice %arg5[%dma_wait3A_119, %dma_wait3A_120] : memref<101024x32xf32, #tpu.memory_space<hbm>> -> memref<512x32xf32, #tpu.memory_space<hbm>>
      %dma_wait3A_122 = arith.constant 0 : i32
      %dma_wait3A_123 = arith.constant 0 : i32
      %dma_wait3A_124 = tpu.memref_slice %arg5[%dma_wait3A_122, %dma_wait3A_123] : memref<101024x32xf32, #tpu.memory_space<hbm>> -> memref<512x32xf32, #tpu.memory_space<hbm>>
      tpu.wait_dma2 semaphore(%arg16 : memref<!tpu.dma_semaphore, #tpu.memory_space<semaphore_mem>>) src(%dma_wait3A_124 : memref<512x32xf32, #tpu.memory_space<hbm>>) dst(%arg13 : memref<512x32xf32, #tpu.memory_space<vmem>>)
      %add3A_125 = arith.addi %mul3A_2, %add3A_109 : i32
      %jit3A = arith.constant 8 : i32
      %div3A = arith.divsi %add3A_125, %jit3A : i32
      %sign3A = arith.constant 0 : i32
      %sign3A_126 = arith.cmpi sgt, %add3A_125, %sign3A : i32
      %sign3A_127 = arith.extui %sign3A_126 : i1 to i32
      %sign3A_128 = arith.constant 0 : i32
      %sign3A_129 = arith.cmpi slt, %add3A_125, %sign3A_128 : i32
      %sign3A_130 = arith.extui %sign3A_129 : i1 to i32
      %sign3A_131 = arith.subi %sign3A_127, %sign3A_130 : i32
      %sign3A_132 = arith.constant 0 : i32
      %sign3A_133 = arith.cmpi sgt, %jit3A, %sign3A_132 : i32
      %sign3A_134 = arith.extui %sign3A_133 : i1 to i32
      %sign3A_135 = arith.constant 0 : i32
      %sign3A_136 = arith.cmpi slt, %jit3A, %sign3A_135 : i32
      %sign3A_137 = arith.extui %sign3A_136 : i1 to i32
      %sign3A_138 = arith.subi %sign3A_134, %sign3A_137 : i32
      %ne3A = arith.cmpi ne, %sign3A_131, %sign3A_138 : i32
      %rem3A = arith.remsi %add3A_125, %jit3A : i32
      %ne3A_139 = arith.constant 0 : i32
      %ne3A_140 = arith.cmpi ne, %rem3A, %ne3A_139 : i32
      %and3A = arith.andi %ne3A, %ne3A_140 : i1
      %sub3A = arith.constant 1 : i32
      %sub3A_141 = arith.subi %div3A, %sub3A : i32
      %select_n3A = arith.select %and3A, %sub3A_141, %div3A : i32
      %mul3A_142 = arith.constant 8 : i32
      %mul3A_143 = arith.muli %select_n3A, %mul3A_142 : i32
      %sub3A_144 = arith.subi %add3A_125, %mul3A_143 : i32
      %scan3A_145 = arith.constant 0 : i32
      %scan3A_146 = arith.constant 0 : i32
      %scan3A_147 = arith.constant 16 : i32
      %scan3A_148 = arith.addi %scan3A_146, %scan3A_147 : i32
      %scan3A_149 = arith.constant 1 : i32
      %scan3A_150 = scf.for %scan3A_256 = %scan3A_146 to %scan3A_148 step %scan3A_149 iter_args(%scan3A_257 = %scan3A_145) -> (i32)  : i32 {
        %mul3A_258 = arith.constant 2 : i32
        %mul3A_259 = arith.muli %mul3A_258, %scan3A_256 : i32
        %add3A_260 = arith.constant 0 : i32
        %add3A_261 = arith.addi %mul3A_259, %add3A_260 : i32
        %mul3A_262 = arith.constant 16 : i32
        %mul3A_263 = arith.muli %add3A_261, %mul3A_262 : i32
        %get3A = arith.index_cast %mul3A_263 : i32 to index
        %get3A_264 = tpu.vector_load %arg9[%get3A] {strides = array<i32>} : memref<512xf32, #tpu.memory_space<vmem>>, vector<16xf32>,
        %mul3A_265 = arith.constant 16 : i32
        %mul3A_266 = arith.muli %add3A_261, %mul3A_265 : i32
        %add3A_267 = vector.broadcast %mul3A_266 : i32 to vector<16xi32>
        %add3A_268 = arith.addi %add3A_267, %iota3A : vector<16xi32>
        %jit3A_269 = arith.constant 8 : i32
        %div3A_270 = arith.divsi %add3A_261, %jit3A_269 : i32
        %sign3A_271 = arith.constant 0 : i32
        %sign3A_272 = arith.cmpi sgt, %add3A_261, %sign3A_271 : i32
        %sign3A_273 = arith.extui %sign3A_272 : i1 to i32
        %sign3A_274 = arith.constant 0 : i32
        %sign3A_275 = arith.cmpi slt, %add3A_261, %sign3A_274 : i32
        %sign3A_276 = arith.extui %sign3A_275 : i1 to i32
        %sign3A_277 = arith.subi %sign3A_273, %sign3A_276 : i32
        %sign3A_278 = arith.constant 0 : i32
        %sign3A_279 = arith.cmpi sgt, %jit3A_269, %sign3A_278 : i32
        %sign3A_280 = arith.extui %sign3A_279 : i1 to i32
        %sign3A_281 = arith.constant 0 : i32
        %sign3A_282 = arith.cmpi slt, %jit3A_269, %sign3A_281 : i32
        %sign3A_283 = arith.extui %sign3A_282 : i1 to i32
        %sign3A_284 = arith.subi %sign3A_280, %sign3A_283 : i32
        %ne3A_285 = arith.cmpi ne, %sign3A_277, %sign3A_284 : i32
        %rem3A_286 = arith.remsi %add3A_261, %jit3A_269 : i32
        %ne3A_287 = arith.constant 0 : i32
        %ne3A_288 = arith.cmpi ne, %rem3A_286, %ne3A_287 : i32
        %and3A_289 = arith.andi %ne3A_285, %ne3A_288 : i1
        %sub3A_290 = arith.constant 1 : i32
        %sub3A_291 = arith.subi %div3A_270, %sub3A_290 : i32
        %select_n3A_292 = arith.select %and3A_289, %sub3A_291, %div3A_270 : i32
        %mul3A_293 = arith.constant 1024 : i32
        %mul3A_294 = arith.muli %select_n3A_292, %mul3A_293 : i32
        %jit3A_295 = arith.constant 8 : i32
        %eq3A = arith.constant 0 : i32
        %eq3A_296 = arith.cmpi eq, %jit3A_295, %eq3A : i32
        %jit3A_297 = arith.constant 1 : i32
        %select_n3A_298 = arith.select %eq3A_296, %jit3A_297, %jit3A_295 : i32
        %rem3A_299 = arith.remsi %add3A_261, %select_n3A_298 : i32
        %ne3A_300 = arith.constant 0 : i32
        %ne3A_301 = arith.cmpi ne, %rem3A_299, %ne3A_300 : i32
        %lt3A_302 = arith.constant 0 : i32
        %lt3A_303 = arith.cmpi slt, %rem3A_299, %lt3A_302 : i32
        %lt3A_304 = arith.constant 0 : i32
        %lt3A_305 = arith.cmpi slt, %select_n3A_298, %lt3A_304 : i32
        %ne3A_306 = arith.xori %lt3A_303, %lt3A_305 : i1
        %and3A_307 = arith.andi %ne3A_306, %ne3A_301 : i1
        %add3A_308 = arith.addi %rem3A_299, %select_n3A_298 : i32
        %select_n3A_309 = arith.select %and3A_307, %add3A_308, %rem3A_299 : i32
        %mul3A_310 = arith.constant 16 : i32
        %mul3A_311 = arith.muli %select_n3A_309, %mul3A_310 : i32
        %add3A_312 = arith.addi %mul3A_294, %mul3A_311 : i32
        %add3A_313 = arith.constant 0 : i32
        %add3A_314 = vector.broadcast %add3A_313 : i32 to vector<16xi32>
        %add3A_315 = arith.addi %iota3A, %add3A_314 : vector<16xi32>
        %and3A_316 = arith.constant 15 : i32
        %and3A_317 = vector.broadcast %and3A_316 : i32 to vector<16xi32>
        %and3A_318 = arith.andi %add3A_315, %and3A_317 : vector<16xi32>
        %and3A_319 = arith.constant 7 : i32
        %and3A_320 = vector.broadcast %and3A_319 : i32 to vector<16xi32>
        %and3A_321 = arith.andi %and3A_318, %and3A_320 : vector<16xi32>
        %shift_left3A = arith.constant 7 : i32
        %shift_left3A_322 = vector.broadcast %shift_left3A : i32 to vector<16xi32>
        %shift_left3A_323 = arith.shli %and3A_321, %shift_left3A_322 : vector<16xi32>
        %add3A_324 = arith.addi %shift_left3A_323, %iota3A : vector<16xi32>
        %add3A_325 = vector.broadcast %add3A_312 : i32 to vector<16xi32>
        %add3A_326 = arith.addi %add3A_324, %add3A_325 : vector<16xi32>
        %shift_right_arithmetic3A = arith.constant 3 : i32
        %shift_right_arithmetic3A_327 = vector.broadcast %shift_right_arithmetic3A : i32 to vector<16xi32>
        %shift_right_arithmetic3A_328 = arith.shrsi %and3A_318, %shift_right_arithmetic3A_327 : vector<16xi32>
        %add3A_329 = arith.constant 0 : i32
        %add3A_330 = vector.broadcast %add3A_329 : i32 to vector<16xi32>
        %add3A_331 = arith.addi %and3A_318, %add3A_330 : vector<16xi32>
        %gather3A = tpu.vector_load_idx %arg11[%add3A_268, %add3A_331] : memref<512x32xf32, #tpu.memory_space<vmem>>[vector<16xi32>, vector<16xi32>], vector<16xf32>,
        %gather3A_332 = tpu.vector_load_idx %arg13[%add3A_268, %add3A_331] : memref<512x32xf32, #tpu.memory_space<vmem>>[vector<16xi32>, vector<16xi32>], vector<16xf32>,
        %add3A_333 = arith.constant 0 : i32
        %add3A_334 = vector.broadcast %add3A_333 : i32 to vector<16xi32>
        %add3A_335 = arith.addi %shift_right_arithmetic3A_328, %add3A_334 : vector<16xi32>
        %add3A_336 = arith.constant 16 : i32
        %add3A_337 = vector.broadcast %add3A_336 : i32 to vector<16xi32>
        %add3A_338 = arith.addi %and3A_318, %add3A_337 : vector<16xi32>
        %gather3A_339 = tpu.vector_load_idx %arg11[%add3A_268, %add3A_338] : memref<512x32xf32, #tpu.memory_space<vmem>>[vector<16xi32>, vector<16xi32>], vector<16xf32>,
        %gather3A_340 = tpu.vector_load_idx %arg13[%add3A_268, %add3A_338] : memref<512x32xf32, #tpu.memory_space<vmem>>[vector<16xi32>, vector<16xi32>], vector<16xf32>,
        %add3A_341 = arith.constant 2 : i32
        %add3A_342 = vector.broadcast %add3A_341 : i32 to vector<16xi32>
        %add3A_343 = arith.addi %shift_right_arithmetic3A_328, %add3A_342 : vector<16xi32>
        %add3A_344 = arith.constant 1 : i32
        %add3A_345 = vector.broadcast %add3A_344 : i32 to vector<16xi32>
        %add3A_346 = arith.addi %iota3A, %add3A_345 : vector<16xi32>
        %and3A_347 = arith.constant 15 : i32
        %and3A_348 = vector.broadcast %and3A_347 : i32 to vector<16xi32>
        %and3A_349 = arith.andi %add3A_346, %and3A_348 : vector<16xi32>
        %and3A_350 = arith.constant 7 : i32
        %and3A_351 = vector.broadcast %and3A_350 : i32 to vector<16xi32>
        %and3A_352 = arith.andi %and3A_349, %and3A_351 : vector<16xi32>
        %shift_left3A_353 = arith.constant 7 : i32
        %shift_left3A_354 = vector.broadcast %shift_left3A_353 : i32 to vector<16xi32>
        %shift_left3A_355 = arith.shli %and3A_352, %shift_left3A_354 : vector<16xi32>
        %add3A_356 = arith.addi %shift_left3A_355, %iota3A : vector<16xi32>
        %add3A_357 = vector.broadcast %add3A_312 : i32 to vector<16xi32>
        %add3A_358 = arith.addi %add3A_356, %add3A_357 : vector<16xi32>
        %shift_right_arithmetic3A_359 = arith.constant 3 : i32
        %shift_right_arithmetic3A_360 = vector.broadcast %shift_right_arithmetic3A_359 : i32 to vector<16xi32>
        %shift_right_arithmetic3A_361 = arith.shrsi %and3A_349, %shift_right_arithmetic3A_360 : vector<16xi32>
        %add3A_362 = arith.constant 0 : i32
        %add3A_363 = vector.broadcast %add3A_362 : i32 to vector<16xi32>
        %add3A_364 = arith.addi %and3A_349, %add3A_363 : vector<16xi32>
        %gather3A_365 = tpu.vector_load_idx %arg11[%add3A_268, %add3A_364] : memref<512x32xf32, #tpu.memory_space<vmem>>[vector<16xi32>, vector<16xi32>], vector<16xf32>,
        %gather3A_366 = tpu.vector_load_idx %arg13[%add3A_268, %add3A_364] : memref<512x32xf32, #tpu.memory_space<vmem>>[vector<16xi32>, vector<16xi32>], vector<16xf32>,
        %add3A_367 = arith.constant 0 : i32
        %add3A_368 = vector.broadcast %add3A_367 : i32 to vector<16xi32>
        %add3A_369 = arith.addi %shift_right_arithmetic3A_361, %add3A_368 : vector<16xi32>
        %add3A_370 = arith.constant 16 : i32
        %add3A_371 = vector.broadcast %add3A_370 : i32 to vector<16xi32>
        %add3A_372 = arith.addi %and3A_349, %add3A_371 : vector<16xi32>
        %gather3A_373 = tpu.vector_load_idx %arg11[%add3A_268, %add3A_372] : memref<512x32xf32, #tpu.memory_space<vmem>>[vector<16xi32>, vector<16xi32>], vector<16xf32>,
        %gather3A_374 = tpu.vector_load_idx %arg13[%add3A_268, %add3A_372] : memref<512x32xf32, #tpu.memory_space<vmem>>[vector<16xi32>, vector<16xi32>], vector<16xf32>,
        %add3A_375 = arith.constant 2 : i32
        %add3A_376 = vector.broadcast %add3A_375 : i32 to vector<16xi32>
        %add3A_377 = arith.addi %shift_right_arithmetic3A_361, %add3A_376 : vector<16xi32>
        %add3A_378 = arith.constant 2 : i32
        %add3A_379 = vector.broadcast %add3A_378 : i32 to vector<16xi32>
        %add3A_380 = arith.addi %iota3A, %add3A_379 : vector<16xi32>
        %and3A_381 = arith.constant 15 : i32
        %and3A_382 = vector.broadcast %and3A_381 : i32 to vector<16xi32>
        %and3A_383 = arith.andi %add3A_380, %and3A_382 : vector<16xi32>
        %and3A_384 = arith.constant 7 : i32
        %and3A_385 = vector.broadcast %and3A_384 : i32 to vector<16xi32>
        %and3A_386 = arith.andi %and3A_383, %and3A_385 : vector<16xi32>
        %shift_left3A_387 = arith.constant 7 : i32
        %shift_left3A_388 = vector.broadcast %shift_left3A_387 : i32 to vector<16xi32>
        %shift_left3A_389 = arith.shli %and3A_386, %shift_left3A_388 : vector<16xi32>
        %add3A_390 = arith.addi %shift_left3A_389, %iota3A : vector<16xi32>
        %add3A_391 = vector.broadcast %add3A_312 : i32 to vector<16xi32>
        %add3A_392 = arith.addi %add3A_390, %add3A_391 : vector<16xi32>
        %shift_right_arithmetic3A_393 = arith.constant 3 : i32
        %shift_right_arithmetic3A_394 = vector.broadcast %shift_right_arithmetic3A_393 : i32 to vector<16xi32>
        %shift_right_arithmetic3A_395 = arith.shrsi %and3A_383, %shift_right_arithmetic3A_394 : vector<16xi32>
        %add3A_396 = arith.constant 0 : i32
        %add3A_397 = vector.broadcast %add3A_396 : i32 to vector<16xi32>
        %add3A_398 = arith.addi %and3A_383, %add3A_397 : vector<16xi32>
        %gather3A_399 = tpu.vector_load_idx %arg11[%add3A_268, %add3A_398] : memref<512x32xf32, #tpu.memory_space<vmem>>[vector<16xi32>, vector<16xi32>], vector<16xf32>,
        %gather3A_400 = tpu.vector_load_idx %arg13[%add3A_268, %add3A_398] : memref<512x32xf32, #tpu.memory_space<vmem>>[vector<16xi32>, vector<16xi32>], vector<16xf32>,
        %add3A_401 = arith.constant 0 : i32
        %add3A_402 = vector.broadcast %add3A_401 : i32 to vector<16xi32>
        %add3A_403 = arith.addi %shift_right_arithmetic3A_395, %add3A_402 : vector<16xi32>
        %mul3A_404 = arith.mulf %get3A_264, %gather3A_332 : vector<16xf32>
        %add3A_405 = arith.addf %gather3A, %mul3A_404 : vector<16xf32>
        %max3A = arith.constant -1.000000e+00 : f32
        %max3A_406 = vector.broadcast %max3A : f32 to vector<16xf32>
        %max3A_407 = arith.maximumf %add3A_405, %max3A_406 : vector<16xf32>
        %min3A = arith.constant 1.000000e+00 : f32
        %min3A_408 = vector.broadcast %min3A : f32 to vector<16xf32>
        %min3A_409 = arith.minimumf %max3A_407, %min3A_408 : vector<16xf32>
        tpu.vector_store_idx %arg15[%add3A_335, %add3A_326], %min3A_409 : memref<4x4096xf32, #tpu.memory_space<vmem>>[vector<16xi32>, vector<16xi32>], vector<16xf32>,
        %add3A_410 = arith.constant 16 : i32
        %add3A_411 = vector.broadcast %add3A_410 : i32 to vector<16xi32>
        %add3A_412 = arith.addi %and3A_383, %add3A_411 : vector<16xi32>
        %gather3A_413 = tpu.vector_load_idx %arg11[%add3A_268, %add3A_412] : memref<512x32xf32, #tpu.memory_space<vmem>>[vector<16xi32>, vector<16xi32>], vector<16xf32>,
        %gather3A_414 = tpu.vector_load_idx %arg13[%add3A_268, %add3A_412] : memref<512x32xf32, #tpu.memory_space<vmem>>[vector<16xi32>, vector<16xi32>], vector<16xf32>,
        %add3A_415 = arith.constant 2 : i32
        %add3A_416 = vector.broadcast %add3A_415 : i32 to vector<16xi32>
        %add3A_417 = arith.addi %shift_right_arithmetic3A_395, %add3A_416 : vector<16xi32>
        %mul3A_418 = arith.mulf %get3A_264, %gather3A_340 : vector<16xf32>
        %add3A_419 = arith.addf %gather3A_339, %mul3A_418 : vector<16xf32>
        %max3A_420 = arith.constant -1.000000e+00 : f32
        %max3A_421 = vector.broadcast %max3A_420 : f32 to vector<16xf32>
        %max3A_422 = arith.maximumf %add3A_419, %max3A_421 : vector<16xf32>
        %min3A_423 = arith.constant 1.000000e+00 : f32
        %min3A_424 = vector.broadcast %min3A_423 : f32 to vector<16xf32>
        %min3A_425 = arith.minimumf %max3A_422, %min3A_424 : vector<16xf32>
        tpu.vector_store_idx %arg15[%add3A_343, %add3A_326], %min3A_425 : memref<4x4096xf32, #tpu.memory_space<vmem>>[vector<16xi32>, vector<16xi32>], vector<16xf32>,
        %add3A_426 = arith.constant 3 : i32
        %add3A_427 = vector.broadcast %add3A_426 : i32 to vector<16xi32>
        %add3A_428 = arith.addi %iota3A, %add3A_427 : vector<16xi32>
        %and3A_429 = arith.constant 15 : i32
        %and3A_430 = vector.broadcast %and3A_429 : i32 to vector<16xi32>
        %and3A_431 = arith.andi %add3A_428, %and3A_430 : vector<16xi32>
        %and3A_432 = arith.constant 7 : i32
        %and3A_433 = vector.broadcast %and3A_432 : i32 to vector<16xi32>
        %and3A_434 = arith.andi %and3A_431, %and3A_433 : vector<16xi32>
        %shift_left3A_435 = arith.constant 7 : i32
        %shift_left3A_436 = vector.broadcast %shift_left3A_435 : i32 to vector<16xi32>
        %shift_left3A_437 = arith.shli %and3A_434, %shift_left3A_436 : vector<16xi32>
        %add3A_438 = arith.addi %shift_left3A_437, %iota3A : vector<16xi32>
        %add3A_439 = vector.broadcast %add3A_312 : i32 to vector<16xi32>
        %add3A_440 = arith.addi %add3A_438, %add3A_439 : vector<16xi32>
        %shift_right_arithmetic3A_441 = arith.constant 3 : i32
        %shift_right_arithmetic3A_442 = vector.broadcast %shift_right_arithmetic3A_441 : i32 to vector<16xi32>
        %shift_right_arithmetic3A_443 = arith.shrsi %and3A_431, %shift_right_arithmetic3A_442 : vector<16xi32>
        %add3A_444 = arith.constant 0 : i32
        %add3A_445 = vector.broadcast %add3A_444 : i32 to vector<16xi32>
        %add3A_446 = arith.addi %and3A_431, %add3A_445 : vector<16xi32>
        %gather3A_447 = tpu.vector_load_idx %arg11[%add3A_268, %add3A_446] : memref<512x32xf32, #tpu.memory_space<vmem>>[vector<16xi32>, vector<16xi32>], vector<16xf32>,
        %gather3A_448 = tpu.vector_load_idx %arg13[%add3A_268, %add3A_446] : memref<512x32xf32, #tpu.memory_space<vmem>>[vector<16xi32>, vector<16xi32>], vector<16xf32>,
        %add3A_449 = arith.constant 0 : i32
        %add3A_450 = vector.broadcast %add3A_449 : i32 to vector<16xi32>
        %add3A_451 = arith.addi %shift_right_arithmetic3A_443, %add3A_450 : vector<16xi32>
        %mul3A_452 = arith.mulf %get3A_264, %gather3A_366 : vector<16xf32>
        %add3A_453 = arith.addf %gather3A_365, %mul3A_452 : vector<16xf32>
        %max3A_454 = arith.constant -1.000000e+00 : f32
        %max3A_455 = vector.broadcast %max3A_454 : f32 to vector<16xf32>
        %max3A_456 = arith.maximumf %add3A_453, %max3A_455 : vector<16xf32>
        %min3A_457 = arith.constant 1.000000e+00 : f32
        %min3A_458 = vector.broadcast %min3A_457 : f32 to vector<16xf32>
        %min3A_459 = arith.minimumf %max3A_456, %min3A_458 : vector<16xf32>
        tpu.vector_store_idx %arg15[%add3A_369, %add3A_358], %min3A_459 : memref<4x4096xf32, #tpu.memory_space<vmem>>[vector<16xi32>, vector<16xi32>], vector<16xf32>,
        %add3A_460 = arith.constant 16 : i32
        %add3A_461 = vector.broadcast %add3A_460 : i32 to vector<16xi32>
        %add3A_462 = arith.addi %and3A_431, %add3A_461 : vector<16xi32>
        %gather3A_463 = tpu.vector_load_idx %arg11[%add3A_268, %add3A_462] : memref<512x32xf32, #tpu.memory_space<vmem>>[vector<16xi32>, vector<16xi32>], vector<16xf32>,
        %gather3A_464 = tpu.vector_load_idx %arg13[%add3A_268, %add3A_462] : memref<512x32xf32, #tpu.memory_space<vmem>>[vector<16xi32>, vector<16xi32>], vector<16xf32>,
        %add3A_465 = arith.constant 2 : i32
        %add3A_466 = vector.broadcast %add3A_465 : i32 to vector<16xi32>
        %add3A_467 = arith.addi %shift_right_arithmetic3A_443, %add3A_466 : vector<16xi32>
        %mul3A_468 = arith.mulf %get3A_264, %gather3A_374 : vector<16xf32>
        %add3A_469 = arith.addf %gather3A_373, %mul3A_468 : vector<16xf32>
        %max3A_470 = arith.constant -1.000000e+00 : f32
        %max3A_471 = vector.broadcast %max3A_470 : f32 to vector<16xf32>
        %max3A_472 = arith.maximumf %add3A_469, %max3A_471 : vector<16xf32>
        %min3A_473 = arith.constant 1.000000e+00 : f32
        %min3A_474 = vector.broadcast %min3A_473 : f32 to vector<16xf32>
        %min3A_475 = arith.minimumf %max3A_472, %min3A_474 : vector<16xf32>
        tpu.vector_store_idx %arg15[%add3A_377, %add3A_358], %min3A_475 : memref<4x4096xf32, #tpu.memory_space<vmem>>[vector<16xi32>, vector<16xi32>], vector<16xf32>,
        %add3A_476 = arith.constant 4 : i32
        %add3A_477 = vector.broadcast %add3A_476 : i32 to vector<16xi32>
        %add3A_478 = arith.addi %iota3A, %add3A_477 : vector<16xi32>
        %and3A_479 = arith.constant 15 : i32
        %and3A_480 = vector.broadcast %and3A_479 : i32 to vector<16xi32>
        %and3A_481 = arith.andi %add3A_478, %and3A_480 : vector<16xi32>
        %and3A_482 = arith.constant 7 : i32
        %and3A_483 = vector.broadcast %and3A_482 : i32 to vector<16xi32>
        %and3A_484 = arith.andi %and3A_481, %and3A_483 : vector<16xi32>
        %shift_left3A_485 = arith.constant 7 : i32
        %shift_left3A_486 = vector.broadcast %shift_left3A_485 : i32 to vector<16xi32>
        %shift_left3A_487 = arith.shli %and3A_484, %shift_left3A_486 : vector<16xi32>
        %add3A_488 = arith.addi %shift_left3A_487, %iota3A : vector<16xi32>
        %add3A_489 = vector.broadcast %add3A_312 : i32 to vector<16xi32>
        %add3A_490 = arith.addi %add3A_488, %add3A_489 : vector<16xi32>
        %shift_right_arithmetic3A_491 = arith.constant 3 : i32
        %shift_right_arithmetic3A_492 = vector.broadcast %shift_right_arithmetic3A_491 : i32 to vector<16xi32>
        %shift_right_arithmetic3A_493 = arith.shrsi %and3A_481, %shift_right_arithmetic3A_492 : vector<16xi32>
        %add3A_494 = arith.constant 0 : i32
        %add3A_495 = vector.broadcast %add3A_494 : i32 to vector<16xi32>
        %add3A_496 = arith.addi %and3A_481, %add3A_495 : vector<16xi32>
        %gather3A_497 = tpu.vector_load_idx %arg11[%add3A_268, %add3A_496] : memref<512x32xf32, #tpu.memory_space<vmem>>[vector<16xi32>, vector<16xi32>], vector<16xf32>,
        %gather3A_498 = tpu.vector_load_idx %arg13[%add3A_268, %add3A_496] : memref<512x32xf32, #tpu.memory_space<vmem>>[vector<16xi32>, vector<16xi32>], vector<16xf32>,
        %add3A_499 = arith.constant 0 : i32
        %add3A_500 = vector.broadcast %add3A_499 : i32 to vector<16xi32>
        %add3A_501 = arith.addi %shift_right_arithmetic3A_493, %add3A_500 : vector<16xi32>
        %mul3A_502 = arith.mulf %get3A_264, %gather3A_400 : vector<16xf32>
        %add3A_503 = arith.addf %gather3A_399, %mul3A_502 : vector<16xf32>
        %max3A_504 = arith.constant -1.000000e+00 : f32
        %max3A_505 = vector.broadcast %max3A_504 : f32 to vector<16xf32>
        %max3A_506 = arith.maximumf %add3A_503, %max3A_505 : vector<16xf32>
        %min3A_507 = arith.constant 1.000000e+00 : f32
        %min3A_508 = vector.broadcast %min3A_507 : f32 to vector<16xf32>
        %min3A_509 = arith.minimumf %max3A_506, %min3A_508 : vector<16xf32>
        tpu.vector_store_idx %arg15[%add3A_403, %add3A_392], %min3A_509 : memref<4x4096xf32, #tpu.memory_space<vmem>>[vector<16xi32>, vector<16xi32>], vector<16xf32>,
        %add3A_510 = arith.constant 16 : i32
        %add3A_511 = vector.broadcast %add3A_510 : i32 to vector<16xi32>
        %add3A_512 = arith.addi %and3A_481, %add3A_511 : vector<16xi32>
        %gather3A_513 = tpu.vector_load_idx %arg11[%add3A_268, %add3A_512] : memref<512x32xf32, #tpu.memory_space<vmem>>[vector<16xi32>, vector<16xi32>], vector<16xf32>,
        %gather3A_514 = tpu.vector_load_idx %arg13[%add3A_268, %add3A_512] : memref<512x32xf32, #tpu.memory_space<vmem>>[vector<16xi32>, vector<16xi32>], vector<16xf32>,
        %add3A_515 = arith.constant 2 : i32
        %add3A_516 = vector.broadcast %add3A_515 : i32 to vector<16xi32>
        %add3A_517 = arith.addi %shift_right_arithmetic3A_493, %add3A_516 : vector<16xi32>
        %mul3A_518 = arith.mulf %get3A_264, %gather3A_414 : vector<16xf32>
        %add3A_519 = arith.addf %gather3A_413, %mul3A_518 : vector<16xf32>
        %max3A_520 = arith.constant -1.000000e+00 : f32
        %max3A_521 = vector.broadcast %max3A_520 : f32 to vector<16xf32>
        %max3A_522 = arith.maximumf %add3A_519, %max3A_521 : vector<16xf32>
        %min3A_523 = arith.constant 1.000000e+00 : f32
        %min3A_524 = vector.broadcast %min3A_523 : f32 to vector<16xf32>
        %min3A_525 = arith.minimumf %max3A_522, %min3A_524 : vector<16xf32>
        tpu.vector_store_idx %arg15[%add3A_417, %add3A_392], %min3A_525 : memref<4x4096xf32, #tpu.memory_space<vmem>>[vector<16xi32>, vector<16xi32>], vector<16xf32>,
        %add3A_526 = arith.constant 5 : i32
        %add3A_527 = vector.broadcast %add3A_526 : i32 to vector<16xi32>
        %add3A_528 = arith.addi %iota3A, %add3A_527 : vector<16xi32>
        %and3A_529 = arith.constant 15 : i32
        %and3A_530 = vector.broadcast %and3A_529 : i32 to vector<16xi32>
        %and3A_531 = arith.andi %add3A_528, %and3A_530 : vector<16xi32>
        %and3A_532 = arith.constant 7 : i32
        %and3A_533 = vector.broadcast %and3A_532 : i32 to vector<16xi32>
        %and3A_534 = arith.andi %and3A_531, %and3A_533 : vector<16xi32>
        %shift_left3A_535 = arith.constant 7 : i32
        %shift_left3A_536 = vector.broadcast %shift_left3A_535 : i32 to vector<16xi32>
        %shift_left3A_537 = arith.shli %and3A_534, %shift_left3A_536 : vector<16xi32>
        %add3A_538 = arith.addi %shift_left3A_537, %iota3A : vector<16xi32>
        %add3A_539 = vector.broadcast %add3A_312 : i32 to vector<16xi32>
        %add3A_540 = arith.addi %add3A_538, %add3A_539 : vector<16xi32>
        %shift_right_arithmetic3A_541 = arith.constant 3 : i32
        %shift_right_arithmetic3A_542 = vector.broadcast %shift_right_arithmetic3A_541 : i32 to vector<16xi32>
        %shift_right_arithmetic3A_543 = arith.shrsi %and3A_531, %shift_right_arithmetic3A_542 : vector<16xi32>
        %add3A_544 = arith.constant 0 : i32
        %add3A_545 = vector.broadcast %add3A_544 : i32 to vector<16xi32>
        %add3A_546 = arith.addi %and3A_531, %add3A_545 : vector<16xi32>
        %gather3A_547 = tpu.vector_load_idx %arg11[%add3A_268, %add3A_546] : memref<512x32xf32, #tpu.memory_space<vmem>>[vector<16xi32>, vector<16xi32>], vector<16xf32>,
        %gather3A_548 = tpu.vector_load_idx %arg13[%add3A_268, %add3A_546] : memref<512x32xf32, #tpu.memory_space<vmem>>[vector<16xi32>, vector<16xi32>], vector<16xf32>,
        %add3A_549 = arith.constant 0 : i32
        %add3A_550 = vector.broadcast %add3A_549 : i32 to vector<16xi32>
        %add3A_551 = arith.addi %shift_right_arithmetic3A_543, %add3A_550 : vector<16xi32>
        %mul3A_552 = arith.mulf %get3A_264, %gather3A_448 : vector<16xf32>
        %add3A_553 = arith.addf %gather3A_447, %mul3A_552 : vector<16xf32>
        %max3A_554 = arith.constant -1.000000e+00 : f32
        %max3A_555 = vector.broadcast %max3A_554 : f32 to vector<16xf32>
        %max3A_556 = arith.maximumf %add3A_553, %max3A_555 : vector<16xf32>
        %min3A_557 = arith.constant 1.000000e+00 : f32
        %min3A_558 = vector.broadcast %min3A_557 : f32 to vector<16xf32>
        %min3A_559 = arith.minimumf %max3A_556, %min3A_558 : vector<16xf32>
        tpu.vector_store_idx %arg15[%add3A_451, %add3A_440], %min3A_559 : memref<4x4096xf32, #tpu.memory_space<vmem>>[vector<16xi32>, vector<16xi32>], vector<16xf32>,
        %add3A_560 = arith.constant 16 : i32
        %add3A_561 = vector.broadcast %add3A_560 : i32 to vector<16xi32>
        %add3A_562 = arith.addi %and3A_531, %add3A_561 : vector<16xi32>
        %gather3A_563 = tpu.vector_load_idx %arg11[%add3A_268, %add3A_562] : memref<512x32xf32, #tpu.memory_space<vmem>>[vector<16xi32>, vector<16xi32>], vector<16xf32>,
        %gather3A_564 = tpu.vector_load_idx %arg13[%add3A_268, %add3A_562] : memref<512x32xf32, #tpu.memory_space<vmem>>[vector<16xi32>, vector<16xi32>], vector<16xf32>,
        %add3A_565 = arith.constant 2 : i32
        %add3A_566 = vector.broadcast %add3A_565 : i32 to vector<16xi32>
        %add3A_567 = arith.addi %shift_right_arithmetic3A_543, %add3A_566 : vector<16xi32>
        %mul3A_568 = arith.mulf %get3A_264, %gather3A_464 : vector<16xf32>
        %add3A_569 = arith.addf %gather3A_463, %mul3A_568 : vector<16xf32>
        %max3A_570 = arith.constant -1.000000e+00 : f32
        %max3A_571 = vector.broadcast %max3A_570 : f32 to vector<16xf32>
        %max3A_572 = arith.maximumf %add3A_569, %max3A_571 : vector<16xf32>
        %min3A_573 = arith.constant 1.000000e+00 : f32
        %min3A_574 = vector.broadcast %min3A_573 : f32 to vector<16xf32>
        %min3A_575 = arith.minimumf %max3A_572, %min3A_574 : vector<16xf32>
        tpu.vector_store_idx %arg15[%add3A_467, %add3A_440], %min3A_575 : memref<4x4096xf32, #tpu.memory_space<vmem>>[vector<16xi32>, vector<16xi32>], vector<16xf32>,
        %add3A_576 = arith.constant 6 : i32
        %add3A_577 = vector.broadcast %add3A_576 : i32 to vector<16xi32>
        %add3A_578 = arith.addi %iota3A, %add3A_577 : vector<16xi32>
        %and3A_579 = arith.constant 15 : i32
        %and3A_580 = vector.broadcast %and3A_579 : i32 to vector<16xi32>
        %and3A_581 = arith.andi %add3A_578, %and3A_580 : vector<16xi32>
        %and3A_582 = arith.constant 7 : i32
        %and3A_583 = vector.broadcast %and3A_582 : i32 to vector<16xi32>
        %and3A_584 = arith.andi %and3A_581, %and3A_583 : vector<16xi32>
        %shift_left3A_585 = arith.constant 7 : i32
        %shift_left3A_586 = vector.broadcast %shift_left3A_585 : i32 to vector<16xi32>
        %shift_left3A_587 = arith.shli %and3A_584, %shift_left3A_586 : vector<16xi32>
        %add3A_588 = arith.addi %shift_left3A_587, %iota3A : vector<16xi32>
        %add3A_589 = vector.broadcast %add3A_312 : i32 to vector<16xi32>
        %add3A_590 = arith.addi %add3A_588, %add3A_589 : vector<16xi32>
        %shift_right_arithmetic3A_591 = arith.constant 3 : i32
        %shift_right_arithmetic3A_592 = vector.broadcast %shift_right_arithmetic3A_591 : i32 to vector<16xi32>
        %shift_right_arithmetic3A_593 = arith.shrsi %and3A_581, %shift_right_arithmetic3A_592 : vector<16xi32>
        %add3A_594 = arith.constant 0 : i32
        %add3A_595 = vector.broadcast %add3A_594 : i32 to vector<16xi32>
        %add3A_596 = arith.addi %and3A_581, %add3A_595 : vector<16xi32>
        %gather3A_597 = tpu.vector_load_idx %arg11[%add3A_268, %add3A_596] : memref<512x32xf32, #tpu.memory_space<vmem>>[vector<16xi32>, vector<16xi32>], vector<16xf32>,
        %gather3A_598 = tpu.vector_load_idx %arg13[%add3A_268, %add3A_596] : memref<512x32xf32, #tpu.memory_space<vmem>>[vector<16xi32>, vector<16xi32>], vector<16xf32>,
        %add3A_599 = arith.constant 0 : i32
        %add3A_600 = vector.broadcast %add3A_599 : i32 to vector<16xi32>
        %add3A_601 = arith.addi %shift_right_arithmetic3A_593, %add3A_600 : vector<16xi32>
        %mul3A_602 = arith.mulf %get3A_264, %gather3A_498 : vector<16xf32>
        %add3A_603 = arith.addf %gather3A_497, %mul3A_602 : vector<16xf32>
        %max3A_604 = arith.constant -1.000000e+00 : f32
        %max3A_605 = vector.broadcast %max3A_604 : f32 to vector<16xf32>
        %max3A_606 = arith.maximumf %add3A_603, %max3A_605 : vector<16xf32>
        %min3A_607 = arith.constant 1.000000e+00 : f32
        %min3A_608 = vector.broadcast %min3A_607 : f32 to vector<16xf32>
        %min3A_609 = arith.minimumf %max3A_606, %min3A_608 : vector<16xf32>
        tpu.vector_store_idx %arg15[%add3A_501, %add3A_490], %min3A_609 : memref<4x4096xf32, #tpu.memory_space<vmem>>[vector<16xi32>, vector<16xi32>], vector<16xf32>,
        %add3A_610 = arith.constant 16 : i32
        %add3A_611 = vector.broadcast %add3A_610 : i32 to vector<16xi32>
        %add3A_612 = arith.addi %and3A_581, %add3A_611 : vector<16xi32>
        %gather3A_613 = tpu.vector_load_idx %arg11[%add3A_268, %add3A_612] : memref<512x32xf32, #tpu.memory_space<vmem>>[vector<16xi32>, vector<16xi32>], vector<16xf32>,
        %gather3A_614 = tpu.vector_load_idx %arg13[%add3A_268, %add3A_612] : memref<512x32xf32, #tpu.memory_space<vmem>>[vector<16xi32>, vector<16xi32>], vector<16xf32>,
        %add3A_615 = arith.constant 2 : i32
        %add3A_616 = vector.broadcast %add3A_615 : i32 to vector<16xi32>
        %add3A_617 = arith.addi %shift_right_arithmetic3A_593, %add3A_616 : vector<16xi32>
        %mul3A_618 = arith.mulf %get3A_264, %gather3A_514 : vector<16xf32>
        %add3A_619 = arith.addf %gather3A_513, %mul3A_618 : vector<16xf32>
        %max3A_620 = arith.constant -1.000000e+00 : f32
        %max3A_621 = vector.broadcast %max3A_620 : f32 to vector<16xf32>
        %max3A_622 = arith.maximumf %add3A_619, %max3A_621 : vector<16xf32>
        %min3A_623 = arith.constant 1.000000e+00 : f32
        %min3A_624 = vector.broadcast %min3A_623 : f32 to vector<16xf32>
        %min3A_625 = arith.minimumf %max3A_622, %min3A_624 : vector<16xf32>
        tpu.vector_store_idx %arg15[%add3A_517, %add3A_490], %min3A_625 : memref<4x4096xf32, #tpu.memory_space<vmem>>[vector<16xi32>, vector<16xi32>], vector<16xf32>,
        %add3A_626 = arith.constant 7 : i32
        %add3A_627 = vector.broadcast %add3A_626 : i32 to vector<16xi32>
        %add3A_628 = arith.addi %iota3A, %add3A_627 : vector<16xi32>
        %and3A_629 = arith.constant 15 : i32
        %and3A_630 = vector.broadcast %and3A_629 : i32 to vector<16xi32>
        %and3A_631 = arith.andi %add3A_628, %and3A_630 : vector<16xi32>
        %and3A_632 = arith.constant 7 : i32
        %and3A_633 = vector.broadcast %and3A_632 : i32 to vector<16xi32>
        %and3A_634 = arith.andi %and3A_631, %and3A_633 : vector<16xi32>
        %shift_left3A_635 = arith.constant 7 : i32
        %shift_left3A_636 = vector.broadcast %shift_left3A_635 : i32 to vector<16xi32>
        %shift_left3A_637 = arith.shli %and3A_634, %shift_left3A_636 : vector<16xi32>
        %add3A_638 = arith.addi %shift_left3A_637, %iota3A : vector<16xi32>
        %add3A_639 = vector.broadcast %add3A_312 : i32 to vector<16xi32>
        %add3A_640 = arith.addi %add3A_638, %add3A_639 : vector<16xi32>
        %shift_right_arithmetic3A_641 = arith.constant 3 : i32
        %shift_right_arithmetic3A_642 = vector.broadcast %shift_right_arithmetic3A_641 : i32 to vector<16xi32>
        %shift_right_arithmetic3A_643 = arith.shrsi %and3A_631, %shift_right_arithmetic3A_642 : vector<16xi32>
        %add3A_644 = arith.constant 0 : i32
        %add3A_645 = vector.broadcast %add3A_644 : i32 to vector<16xi32>
        %add3A_646 = arith.addi %and3A_631, %add3A_645 : vector<16xi32>
        %gather3A_647 = tpu.vector_load_idx %arg11[%add3A_268, %add3A_646] : memref<512x32xf32, #tpu.memory_space<vmem>>[vector<16xi32>, vector<16xi32>], vector<16xf32>,
        %gather3A_648 = tpu.vector_load_idx %arg13[%add3A_268, %add3A_646] : memref<512x32xf32, #tpu.memory_space<vmem>>[vector<16xi32>, vector<16xi32>], vector<16xf32>,
        %add3A_649 = arith.constant 0 : i32
        %add3A_650 = vector.broadcast %add3A_649 : i32 to vector<16xi32>
        %add3A_651 = arith.addi %shift_right_arithmetic3A_643, %add3A_650 : vector<16xi32>
        %mul3A_652 = arith.mulf %get3A_264, %gather3A_548 : vector<16xf32>
        %add3A_653 = arith.addf %gather3A_547, %mul3A_652 : vector<16xf32>
        %max3A_654 = arith.constant -1.000000e+00 : f32
        %max3A_655 = vector.broadcast %max3A_654 : f32 to vector<16xf32>
        %max3A_656 = arith.maximumf %add3A_653, %max3A_655 : vector<16xf32>
        %min3A_657 = arith.constant 1.000000e+00 : f32
        %min3A_658 = vector.broadcast %min3A_657 : f32 to vector<16xf32>
        %min3A_659 = arith.minimumf %max3A_656, %min3A_658 : vector<16xf32>
        tpu.vector_store_idx %arg15[%add3A_551, %add3A_540], %min3A_659 : memref<4x4096xf32, #tpu.memory_space<vmem>>[vector<16xi32>, vector<16xi32>], vector<16xf32>,
        %add3A_660 = arith.constant 16 : i32
        %add3A_661 = vector.broadcast %add3A_660 : i32 to vector<16xi32>
        %add3A_662 = arith.addi %and3A_631, %add3A_661 : vector<16xi32>
        %gather3A_663 = tpu.vector_load_idx %arg11[%add3A_268, %add3A_662] : memref<512x32xf32, #tpu.memory_space<vmem>>[vector<16xi32>, vector<16xi32>], vector<16xf32>,
        %gather3A_664 = tpu.vector_load_idx %arg13[%add3A_268, %add3A_662] : memref<512x32xf32, #tpu.memory_space<vmem>>[vector<16xi32>, vector<16xi32>], vector<16xf32>,
        %add3A_665 = arith.constant 2 : i32
        %add3A_666 = vector.broadcast %add3A_665 : i32 to vector<16xi32>
        %add3A_667 = arith.addi %shift_right_arithmetic3A_643, %add3A_666 : vector<16xi32>
        %mul3A_668 = arith.mulf %get3A_264, %gather3A_564 : vector<16xf32>
        %add3A_669 = arith.addf %gather3A_563, %mul3A_668 : vector<16xf32>
        %max3A_670 = arith.constant -1.000000e+00 : f32
        %max3A_671 = vector.broadcast %max3A_670 : f32 to vector<16xf32>
        %max3A_672 = arith.maximumf %add3A_669, %max3A_671 : vector<16xf32>
        %min3A_673 = arith.constant 1.000000e+00 : f32
        %min3A_674 = vector.broadcast %min3A_673 : f32 to vector<16xf32>
        %min3A_675 = arith.minimumf %max3A_672, %min3A_674 : vector<16xf32>
        tpu.vector_store_idx %arg15[%add3A_567, %add3A_540], %min3A_675 : memref<4x4096xf32, #tpu.memory_space<vmem>>[vector<16xi32>, vector<16xi32>], vector<16xf32>,
        %add3A_676 = arith.constant 8 : i32
        %add3A_677 = vector.broadcast %add3A_676 : i32 to vector<16xi32>
        %add3A_678 = arith.addi %iota3A, %add3A_677 : vector<16xi32>
        %and3A_679 = arith.constant 15 : i32
        %and3A_680 = vector.broadcast %and3A_679 : i32 to vector<16xi32>
        %and3A_681 = arith.andi %add3A_678, %and3A_680 : vector<16xi32>
        %and3A_682 = arith.constant 7 : i32
        %and3A_683 = vector.broadcast %and3A_682 : i32 to vector<16xi32>
        %and3A_684 = arith.andi %and3A_681, %and3A_683 : vector<16xi32>
        %shift_left3A_685 = arith.constant 7 : i32
        %shift_left3A_686 = vector.broadcast %shift_left3A_685 : i32 to vector<16xi32>
        %shift_left3A_687 = arith.shli %and3A_684, %shift_left3A_686 : vector<16xi32>
        %add3A_688 = arith.addi %shift_left3A_687, %iota3A : vector<16xi32>
        %add3A_689 = vector.broadcast %add3A_312 : i32 to vector<16xi32>
        %add3A_690 = arith.addi %add3A_688, %add3A_689 : vector<16xi32>
        %shift_right_arithmetic3A_691 = arith.constant 3 : i32
        %shift_right_arithmetic3A_692 = vector.broadcast %shift_right_arithmetic3A_691 : i32 to vector<16xi32>
        %shift_right_arithmetic3A_693 = arith.shrsi %and3A_681, %shift_right_arithmetic3A_692 : vector<16xi32>
        %add3A_694 = arith.constant 0 : i32
        %add3A_695 = vector.broadcast %add3A_694 : i32 to vector<16xi32>
        %add3A_696 = arith.addi %and3A_681, %add3A_695 : vector<16xi32>
        %gather3A_697 = tpu.vector_load_idx %arg11[%add3A_268, %add3A_696] : memref<512x32xf32, #tpu.memory_space<vmem>>[vector<16xi32>, vector<16xi32>], vector<16xf32>,
        %gather3A_698 = tpu.vector_load_idx %arg13[%add3A_268, %add3A_696] : memref<512x32xf32, #tpu.memory_space<vmem>>[vector<16xi32>, vector<16xi32>], vector<16xf32>,
        %add3A_699 = arith.constant 0 : i32
        %add3A_700 = vector.broadcast %add3A_699 : i32 to vector<16xi32>
        %add3A_701 = arith.addi %shift_right_arithmetic3A_693, %add3A_700 : vector<16xi32>
        %mul3A_702 = arith.mulf %get3A_264, %gather3A_598 : vector<16xf32>
        %add3A_703 = arith.addf %gather3A_597, %mul3A_702 : vector<16xf32>
        %max3A_704 = arith.constant -1.000000e+00 : f32
        %max3A_705 = vector.broadcast %max3A_704 : f32 to vector<16xf32>
        %max3A_706 = arith.maximumf %add3A_703, %max3A_705 : vector<16xf32>
        %min3A_707 = arith.constant 1.000000e+00 : f32
        %min3A_708 = vector.broadcast %min3A_707 : f32 to vector<16xf32>
        %min3A_709 = arith.minimumf %max3A_706, %min3A_708 : vector<16xf32>
        tpu.vector_store_idx %arg15[%add3A_601, %add3A_590], %min3A_709 : memref<4x4096xf32, #tpu.memory_space<vmem>>[vector<16xi32>, vector<16xi32>], vector<16xf32>,
        %add3A_710 = arith.constant 16 : i32
        %add3A_711 = vector.broadcast %add3A_710 : i32 to vector<16xi32>
        %add3A_712 = arith.addi %and3A_681, %add3A_711 : vector<16xi32>
        %gather3A_713 = tpu.vector_load_idx %arg11[%add3A_268, %add3A_712] : memref<512x32xf32, #tpu.memory_space<vmem>>[vector<16xi32>, vector<16xi32>], vector<16xf32>,
        %gather3A_714 = tpu.vector_load_idx %arg13[%add3A_268, %add3A_712] : memref<512x32xf32, #tpu.memory_space<vmem>>[vector<16xi32>, vector<16xi32>], vector<16xf32>,
        %add3A_715 = arith.constant 2 : i32
        %add3A_716 = vector.broadcast %add3A_715 : i32 to vector<16xi32>
        %add3A_717 = arith.addi %shift_right_arithmetic3A_693, %add3A_716 : vector<16xi32>
        %mul3A_718 = arith.mulf %get3A_264, %gather3A_614 : vector<16xf32>
        %add3A_719 = arith.addf %gather3A_613, %mul3A_718 : vector<16xf32>
        %max3A_720 = arith.constant -1.000000e+00 : f32
        %max3A_721 = vector.broadcast %max3A_720 : f32 to vector<16xf32>
        %max3A_722 = arith.maximumf %add3A_719, %max3A_721 : vector<16xf32>
        %min3A_723 = arith.constant 1.000000e+00 : f32
        %min3A_724 = vector.broadcast %min3A_723 : f32 to vector<16xf32>
        %min3A_725 = arith.minimumf %max3A_722, %min3A_724 : vector<16xf32>
        tpu.vector_store_idx %arg15[%add3A_617, %add3A_590], %min3A_725 : memref<4x4096xf32, #tpu.memory_space<vmem>>[vector<16xi32>, vector<16xi32>], vector<16xf32>,
        %add3A_726 = arith.constant 9 : i32
        %add3A_727 = vector.broadcast %add3A_726 : i32 to vector<16xi32>
        %add3A_728 = arith.addi %iota3A, %add3A_727 : vector<16xi32>
        %and3A_729 = arith.constant 15 : i32
        %and3A_730 = vector.broadcast %and3A_729 : i32 to vector<16xi32>
        %and3A_731 = arith.andi %add3A_728, %and3A_730 : vector<16xi32>
        %and3A_732 = arith.constant 7 : i32
        %and3A_733 = vector.broadcast %and3A_732 : i32 to vector<16xi32>
        %and3A_734 = arith.andi %and3A_731, %and3A_733 : vector<16xi32>
        %shift_left3A_735 = arith.constant 7 : i32
        %shift_left3A_736 = vector.broadcast %shift_left3A_735 : i32 to vector<16xi32>
        %shift_left3A_737 = arith.shli %and3A_734, %shift_left3A_736 : vector<16xi32>
        %add3A_738 = arith.addi %shift_left3A_737, %iota3A : vector<16xi32>
        %add3A_739 = vector.broadcast %add3A_312 : i32 to vector<16xi32>
        %add3A_740 = arith.addi %add3A_738, %add3A_739 : vector<16xi32>
        %shift_right_arithmetic3A_741 = arith.constant 3 : i32
        %shift_right_arithmetic3A_742 = vector.broadcast %shift_right_arithmetic3A_741 : i32 to vector<16xi32>
        %shift_right_arithmetic3A_743 = arith.shrsi %and3A_731, %shift_right_arithmetic3A_742 : vector<16xi32>
        %add3A_744 = arith.constant 0 : i32
        %add3A_745 = vector.broadcast %add3A_744 : i32 to vector<16xi32>
        %add3A_746 = arith.addi %and3A_731, %add3A_745 : vector<16xi32>
        %gather3A_747 = tpu.vector_load_idx %arg11[%add3A_268, %add3A_746] : memref<512x32xf32, #tpu.memory_space<vmem>>[vector<16xi32>, vector<16xi32>], vector<16xf32>,
        %gather3A_748 = tpu.vector_load_idx %arg13[%add3A_268, %add3A_746] : memref<512x32xf32, #tpu.memory_space<vmem>>[vector<16xi32>, vector<16xi32>], vector<16xf32>,
        %add3A_749 = arith.constant 0 : i32
        %add3A_750 = vector.broadcast %add3A_749 : i32 to vector<16xi32>
        %add3A_751 = arith.addi %shift_right_arithmetic3A_743, %add3A_750 : vector<16xi32>
        %mul3A_752 = arith.mulf %get3A_264, %gather3A_648 : vector<16xf32>
        %add3A_753 = arith.addf %gather3A_647, %mul3A_752 : vector<16xf32>
        %max3A_754 = arith.constant -1.000000e+00 : f32
        %max3A_755 = vector.broadcast %max3A_754 : f32 to vector<16xf32>
        %max3A_756 = arith.maximumf %add3A_753, %max3A_755 : vector<16xf32>
        %min3A_757 = arith.constant 1.000000e+00 : f32
        %min3A_758 = vector.broadcast %min3A_757 : f32 to vector<16xf32>
        %min3A_759 = arith.minimumf %max3A_756, %min3A_758 : vector<16xf32>
        tpu.vector_store_idx %arg15[%add3A_651, %add3A_640], %min3A_759 : memref<4x4096xf32, #tpu.memory_space<vmem>>[vector<16xi32>, vector<16xi32>], vector<16xf32>,
        %add3A_760 = arith.constant 16 : i32
        %add3A_761 = vector.broadcast %add3A_760 : i32 to vector<16xi32>
        %add3A_762 = arith.addi %and3A_731, %add3A_761 : vector<16xi32>
        %gather3A_763 = tpu.vector_load_idx %arg11[%add3A_268, %add3A_762] : memref<512x32xf32, #tpu.memory_space<vmem>>[vector<16xi32>, vector<16xi32>], vector<16xf32>,
        %gather3A_764 = tpu.vector_load_idx %arg13[%add3A_268, %add3A_762] : memref<512x32xf32, #tpu.memory_space<vmem>>[vector<16xi32>, vector<16xi32>], vector<16xf32>,
        %add3A_765 = arith.constant 2 : i32
        %add3A_766 = vector.broadcast %add3A_765 : i32 to vector<16xi32>
        %add3A_767 = arith.addi %shift_right_arithmetic3A_743, %add3A_766 : vector<16xi32>
        %mul3A_768 = arith.mulf %get3A_264, %gather3A_664 : vector<16xf32>
        %add3A_769 = arith.addf %gather3A_663, %mul3A_768 : vector<16xf32>
        %max3A_770 = arith.constant -1.000000e+00 : f32
        %max3A_771 = vector.broadcast %max3A_770 : f32 to vector<16xf32>
        %max3A_772 = arith.maximumf %add3A_769, %max3A_771 : vector<16xf32>
        %min3A_773 = arith.constant 1.000000e+00 : f32
        %min3A_774 = vector.broadcast %min3A_773 : f32 to vector<16xf32>
        %min3A_775 = arith.minimumf %max3A_772, %min3A_774 : vector<16xf32>
        tpu.vector_store_idx %arg15[%add3A_667, %add3A_640], %min3A_775 : memref<4x4096xf32, #tpu.memory_space<vmem>>[vector<16xi32>, vector<16xi32>], vector<16xf32>,
        %add3A_776 = arith.constant 10 : i32
        %add3A_777 = vector.broadcast %add3A_776 : i32 to vector<16xi32>
        %add3A_778 = arith.addi %iota3A, %add3A_777 : vector<16xi32>
        %and3A_779 = arith.constant 15 : i32
        %and3A_780 = vector.broadcast %and3A_779 : i32 to vector<16xi32>
        %and3A_781 = arith.andi %add3A_778, %and3A_780 : vector<16xi32>
        %and3A_782 = arith.constant 7 : i32
        %and3A_783 = vector.broadcast %and3A_782 : i32 to vector<16xi32>
        %and3A_784 = arith.andi %and3A_781, %and3A_783 : vector<16xi32>
        %shift_left3A_785 = arith.constant 7 : i32
        %shift_left3A_786 = vector.broadcast %shift_left3A_785 : i32 to vector<16xi32>
        %shift_left3A_787 = arith.shli %and3A_784, %shift_left3A_786 : vector<16xi32>
        %add3A_788 = arith.addi %shift_left3A_787, %iota3A : vector<16xi32>
        %add3A_789 = vector.broadcast %add3A_312 : i32 to vector<16xi32>
        %add3A_790 = arith.addi %add3A_788, %add3A_789 : vector<16xi32>
        %shift_right_arithmetic3A_791 = arith.constant 3 : i32
        %shift_right_arithmetic3A_792 = vector.broadcast %shift_right_arithmetic3A_791 : i32 to vector<16xi32>
        %shift_right_arithmetic3A_793 = arith.shrsi %and3A_781, %shift_right_arithmetic3A_792 : vector<16xi32>
        %add3A_794 = arith.constant 0 : i32
        %add3A_795 = vector.broadcast %add3A_794 : i32 to vector<16xi32>
        %add3A_796 = arith.addi %and3A_781, %add3A_795 : vector<16xi32>
        %gather3A_797 = tpu.vector_load_idx %arg11[%add3A_268, %add3A_796] : memref<512x32xf32, #tpu.memory_space<vmem>>[vector<16xi32>, vector<16xi32>], vector<16xf32>,
        %gather3A_798 = tpu.vector_load_idx %arg13[%add3A_268, %add3A_796] : memref<512x32xf32, #tpu.memory_space<vmem>>[vector<16xi32>, vector<16xi32>], vector<16xf32>,
        %add3A_799 = arith.constant 0 : i32
        %add3A_800 = vector.broadcast %add3A_799 : i32 to vector<16xi32>
        %add3A_801 = arith.addi %shift_right_arithmetic3A_793, %add3A_800 : vector<16xi32>
        %mul3A_802 = arith.mulf %get3A_264, %gather3A_698 : vector<16xf32>
        %add3A_803 = arith.addf %gather3A_697, %mul3A_802 : vector<16xf32>
        %max3A_804 = arith.constant -1.000000e+00 : f32
        %max3A_805 = vector.broadcast %max3A_804 : f32 to vector<16xf32>
        %max3A_806 = arith.maximumf %add3A_803, %max3A_805 : vector<16xf32>
        %min3A_807 = arith.constant 1.000000e+00 : f32
        %min3A_808 = vector.broadcast %min3A_807 : f32 to vector<16xf32>
        %min3A_809 = arith.minimumf %max3A_806, %min3A_808 : vector<16xf32>
        tpu.vector_store_idx %arg15[%add3A_701, %add3A_690], %min3A_809 : memref<4x4096xf32, #tpu.memory_space<vmem>>[vector<16xi32>, vector<16xi32>], vector<16xf32>,
        %add3A_810 = arith.constant 16 : i32
        %add3A_811 = vector.broadcast %add3A_810 : i32 to vector<16xi32>
        %add3A_812 = arith.addi %and3A_781, %add3A_811 : vector<16xi32>
        %gather3A_813 = tpu.vector_load_idx %arg11[%add3A_268, %add3A_812] : memref<512x32xf32, #tpu.memory_space<vmem>>[vector<16xi32>, vector<16xi32>], vector<16xf32>,
        %gather3A_814 = tpu.vector_load_idx %arg13[%add3A_268, %add3A_812] : memref<512x32xf32, #tpu.memory_space<vmem>>[vector<16xi32>, vector<16xi32>], vector<16xf32>,
        %add3A_815 = arith.constant 2 : i32
        %add3A_816 = vector.broadcast %add3A_815 : i32 to vector<16xi32>
        %add3A_817 = arith.addi %shift_right_arithmetic3A_793, %add3A_816 : vector<16xi32>
        %mul3A_818 = arith.mulf %get3A_264, %gather3A_714 : vector<16xf32>
        %add3A_819 = arith.addf %gather3A_713, %mul3A_818 : vector<16xf32>
        %max3A_820 = arith.constant -1.000000e+00 : f32
        %max3A_821 = vector.broadcast %max3A_820 : f32 to vector<16xf32>
        %max3A_822 = arith.maximumf %add3A_819, %max3A_821 : vector<16xf32>
        %min3A_823 = arith.constant 1.000000e+00 : f32
        %min3A_824 = vector.broadcast %min3A_823 : f32 to vector<16xf32>
        %min3A_825 = arith.minimumf %max3A_822, %min3A_824 : vector<16xf32>
        tpu.vector_store_idx %arg15[%add3A_717, %add3A_690], %min3A_825 : memref<4x4096xf32, #tpu.memory_space<vmem>>[vector<16xi32>, vector<16xi32>], vector<16xf32>,
        %add3A_826 = arith.constant 11 : i32
        %add3A_827 = vector.broadcast %add3A_826 : i32 to vector<16xi32>
        %add3A_828 = arith.addi %iota3A, %add3A_827 : vector<16xi32>
        %and3A_829 = arith.constant 15 : i32
        %and3A_830 = vector.broadcast %and3A_829 : i32 to vector<16xi32>
        %and3A_831 = arith.andi %add3A_828, %and3A_830 : vector<16xi32>
        %and3A_832 = arith.constant 7 : i32
        %and3A_833 = vector.broadcast %and3A_832 : i32 to vector<16xi32>
        %and3A_834 = arith.andi %and3A_831, %and3A_833 : vector<16xi32>
        %shift_left3A_835 = arith.constant 7 : i32
        %shift_left3A_836 = vector.broadcast %shift_left3A_835 : i32 to vector<16xi32>
        %shift_left3A_837 = arith.shli %and3A_834, %shift_left3A_836 : vector<16xi32>
        %add3A_838 = arith.addi %shift_left3A_837, %iota3A : vector<16xi32>
        %add3A_839 = vector.broadcast %add3A_312 : i32 to vector<16xi32>
        %add3A_840 = arith.addi %add3A_838, %add3A_839 : vector<16xi32>
        %shift_right_arithmetic3A_841 = arith.constant 3 : i32
        %shift_right_arithmetic3A_842 = vector.broadcast %shift_right_arithmetic3A_841 : i32 to vector<16xi32>
        %shift_right_arithmetic3A_843 = arith.shrsi %and3A_831, %shift_right_arithmetic3A_842 : vector<16xi32>
        %add3A_844 = arith.constant 0 : i32
        %add3A_845 = vector.broadcast %add3A_844 : i32 to vector<16xi32>
        %add3A_846 = arith.addi %and3A_831, %add3A_845 : vector<16xi32>
        %gather3A_847 = tpu.vector_load_idx %arg11[%add3A_268, %add3A_846] : memref<512x32xf32, #tpu.memory_space<vmem>>[vector<16xi32>, vector<16xi32>], vector<16xf32>,
        %gather3A_848 = tpu.vector_load_idx %arg13[%add3A_268, %add3A_846] : memref<512x32xf32, #tpu.memory_space<vmem>>[vector<16xi32>, vector<16xi32>], vector<16xf32>,
        %add3A_849 = arith.constant 0 : i32
        %add3A_850 = vector.broadcast %add3A_849 : i32 to vector<16xi32>
        %add3A_851 = arith.addi %shift_right_arithmetic3A_843, %add3A_850 : vector<16xi32>
        %mul3A_852 = arith.mulf %get3A_264, %gather3A_748 : vector<16xf32>
        %add3A_853 = arith.addf %gather3A_747, %mul3A_852 : vector<16xf32>
        %max3A_854 = arith.constant -1.000000e+00 : f32
        %max3A_855 = vector.broadcast %max3A_854 : f32 to vector<16xf32>
        %max3A_856 = arith.maximumf %add3A_853, %max3A_855 : vector<16xf32>
        %min3A_857 = arith.constant 1.000000e+00 : f32
        %min3A_858 = vector.broadcast %min3A_857 : f32 to vector<16xf32>
        %min3A_859 = arith.minimumf %max3A_856, %min3A_858 : vector<16xf32>
        tpu.vector_store_idx %arg15[%add3A_751, %add3A_740], %min3A_859 : memref<4x4096xf32, #tpu.memory_space<vmem>>[vector<16xi32>, vector<16xi32>], vector<16xf32>,
        %add3A_860 = arith.constant 16 : i32
        %add3A_861 = vector.broadcast %add3A_860 : i32 to vector<16xi32>
        %add3A_862 = arith.addi %and3A_831, %add3A_861 : vector<16xi32>
        %gather3A_863 = tpu.vector_load_idx %arg11[%add3A_268, %add3A_862] : memref<512x32xf32, #tpu.memory_space<vmem>>[vector<16xi32>, vector<16xi32>], vector<16xf32>,
        %gather3A_864 = tpu.vector_load_idx %arg13[%add3A_268, %add3A_862] : memref<512x32xf32, #tpu.memory_space<vmem>>[vector<16xi32>, vector<16xi32>], vector<16xf32>,
        %add3A_865 = arith.constant 2 : i32
        %add3A_866 = vector.broadcast %add3A_865 : i32 to vector<16xi32>
        %add3A_867 = arith.addi %shift_right_arithmetic3A_843, %add3A_866 : vector<16xi32>
        %mul3A_868 = arith.mulf %get3A_264, %gather3A_764 : vector<16xf32>
        %add3A_869 = arith.addf %gather3A_763, %mul3A_868 : vector<16xf32>
        %max3A_870 = arith.constant -1.000000e+00 : f32
        %max3A_871 = vector.broadcast %max3A_870 : f32 to vector<16xf32>
        %max3A_872 = arith.maximumf %add3A_869, %max3A_871 : vector<16xf32>
        %min3A_873 = arith.constant 1.000000e+00 : f32
        %min3A_874 = vector.broadcast %min3A_873 : f32 to vector<16xf32>
        %min3A_875 = arith.minimumf %max3A_872, %min3A_874 : vector<16xf32>
        tpu.vector_store_idx %arg15[%add3A_767, %add3A_740], %min3A_875 : memref<4x4096xf32, #tpu.memory_space<vmem>>[vector<16xi32>, vector<16xi32>], vector<16xf32>,
        %add3A_876 = arith.constant 12 : i32
        %add3A_877 = vector.broadcast %add3A_876 : i32 to vector<16xi32>
        %add3A_878 = arith.addi %iota3A, %add3A_877 : vector<16xi32>
        %and3A_879 = arith.constant 15 : i32
        %and3A_880 = vector.broadcast %and3A_879 : i32 to vector<16xi32>
        %and3A_881 = arith.andi %add3A_878, %and3A_880 : vector<16xi32>
        %and3A_882 = arith.constant 7 : i32
        %and3A_883 = vector.broadcast %and3A_882 : i32 to vector<16xi32>
        %and3A_884 = arith.andi %and3A_881, %and3A_883 : vector<16xi32>
        %shift_left3A_885 = arith.constant 7 : i32
        %shift_left3A_886 = vector.broadcast %shift_left3A_885 : i32 to vector<16xi32>
        %shift_left3A_887 = arith.shli %and3A_884, %shift_left3A_886 : vector<16xi32>
        %add3A_888 = arith.addi %shift_left3A_887, %iota3A : vector<16xi32>
        %add3A_889 = vector.broadcast %add3A_312 : i32 to vector<16xi32>
        %add3A_890 = arith.addi %add3A_888, %add3A_889 : vector<16xi32>
        %shift_right_arithmetic3A_891 = arith.constant 3 : i32
        %shift_right_arithmetic3A_892 = vector.broadcast %shift_right_arithmetic3A_891 : i32 to vector<16xi32>
        %shift_right_arithmetic3A_893 = arith.shrsi %and3A_881, %shift_right_arithmetic3A_892 : vector<16xi32>
        %add3A_894 = arith.constant 0 : i32
        %add3A_895 = vector.broadcast %add3A_894 : i32 to vector<16xi32>
        %add3A_896 = arith.addi %and3A_881, %add3A_895 : vector<16xi32>
        %gather3A_897 = tpu.vector_load_idx %arg11[%add3A_268, %add3A_896] : memref<512x32xf32, #tpu.memory_space<vmem>>[vector<16xi32>, vector<16xi32>], vector<16xf32>,
        %gather3A_898 = tpu.vector_load_idx %arg13[%add3A_268, %add3A_896] : memref<512x32xf32, #tpu.memory_space<vmem>>[vector<16xi32>, vector<16xi32>], vector<16xf32>,
        %add3A_899 = arith.constant 0 : i32
        %add3A_900 = vector.broadcast %add3A_899 : i32 to vector<16xi32>
        %add3A_901 = arith.addi %shift_right_arithmetic3A_893, %add3A_900 : vector<16xi32>
        %mul3A_902 = arith.mulf %get3A_264, %gather3A_798 : vector<16xf32>
        %add3A_903 = arith.addf %gather3A_797, %mul3A_902 : vector<16xf32>
        %max3A_904 = arith.constant -1.000000e+00 : f32
        %max3A_905 = vector.broadcast %max3A_904 : f32 to vector<16xf32>
        %max3A_906 = arith.maximumf %add3A_903, %max3A_905 : vector<16xf32>
        %min3A_907 = arith.constant 1.000000e+00 : f32
        %min3A_908 = vector.broadcast %min3A_907 : f32 to vector<16xf32>
        %min3A_909 = arith.minimumf %max3A_906, %min3A_908 : vector<16xf32>
        tpu.vector_store_idx %arg15[%add3A_801, %add3A_790], %min3A_909 : memref<4x4096xf32, #tpu.memory_space<vmem>>[vector<16xi32>, vector<16xi32>], vector<16xf32>,
        %add3A_910 = arith.constant 16 : i32
        %add3A_911 = vector.broadcast %add3A_910 : i32 to vector<16xi32>
        %add3A_912 = arith.addi %and3A_881, %add3A_911 : vector<16xi32>
        %gather3A_913 = tpu.vector_load_idx %arg11[%add3A_268, %add3A_912] : memref<512x32xf32, #tpu.memory_space<vmem>>[vector<16xi32>, vector<16xi32>], vector<16xf32>,
        %gather3A_914 = tpu.vector_load_idx %arg13[%add3A_268, %add3A_912] : memref<512x32xf32, #tpu.memory_space<vmem>>[vector<16xi32>, vector<16xi32>], vector<16xf32>,
        %add3A_915 = arith.constant 2 : i32
        %add3A_916 = vector.broadcast %add3A_915 : i32 to vector<16xi32>
        %add3A_917 = arith.addi %shift_right_arithmetic3A_893, %add3A_916 : vector<16xi32>
        %mul3A_918 = arith.mulf %get3A_264, %gather3A_814 : vector<16xf32>
        %add3A_919 = arith.addf %gather3A_813, %mul3A_918 : vector<16xf32>
        %max3A_920 = arith.constant -1.000000e+00 : f32
        %max3A_921 = vector.broadcast %max3A_920 : f32 to vector<16xf32>
        %max3A_922 = arith.maximumf %add3A_919, %max3A_921 : vector<16xf32>
        %min3A_923 = arith.constant 1.000000e+00 : f32
        %min3A_924 = vector.broadcast %min3A_923 : f32 to vector<16xf32>
        %min3A_925 = arith.minimumf %max3A_922, %min3A_924 : vector<16xf32>
        tpu.vector_store_idx %arg15[%add3A_817, %add3A_790], %min3A_925 : memref<4x4096xf32, #tpu.memory_space<vmem>>[vector<16xi32>, vector<16xi32>], vector<16xf32>,
        %add3A_926 = arith.constant 13 : i32
        %add3A_927 = vector.broadcast %add3A_926 : i32 to vector<16xi32>
        %add3A_928 = arith.addi %iota3A, %add3A_927 : vector<16xi32>
        %and3A_929 = arith.constant 15 : i32
        %and3A_930 = vector.broadcast %and3A_929 : i32 to vector<16xi32>
        %and3A_931 = arith.andi %add3A_928, %and3A_930 : vector<16xi32>
        %and3A_932 = arith.constant 7 : i32
        %and3A_933 = vector.broadcast %and3A_932 : i32 to vector<16xi32>
        %and3A_934 = arith.andi %and3A_931, %and3A_933 : vector<16xi32>
        %shift_left3A_935 = arith.constant 7 : i32
        %shift_left3A_936 = vector.broadcast %shift_left3A_935 : i32 to vector<16xi32>
        %shift_left3A_937 = arith.shli %and3A_934, %shift_left3A_936 : vector<16xi32>
        %add3A_938 = arith.addi %shift_left3A_937, %iota3A : vector<16xi32>
        %add3A_939 = vector.broadcast %add3A_312 : i32 to vector<16xi32>
        %add3A_940 = arith.addi %add3A_938, %add3A_939 : vector<16xi32>
        %shift_right_arithmetic3A_941 = arith.constant 3 : i32
        %shift_right_arithmetic3A_942 = vector.broadcast %shift_right_arithmetic3A_941 : i32 to vector<16xi32>
        %shift_right_arithmetic3A_943 = arith.shrsi %and3A_931, %shift_right_arithmetic3A_942 : vector<16xi32>
        %add3A_944 = arith.constant 0 : i32
        %add3A_945 = vector.broadcast %add3A_944 : i32 to vector<16xi32>
        %add3A_946 = arith.addi %and3A_931, %add3A_945 : vector<16xi32>
        %gather3A_947 = tpu.vector_load_idx %arg11[%add3A_268, %add3A_946] : memref<512x32xf32, #tpu.memory_space<vmem>>[vector<16xi32>, vector<16xi32>], vector<16xf32>,
        %gather3A_948 = tpu.vector_load_idx %arg13[%add3A_268, %add3A_946] : memref<512x32xf32, #tpu.memory_space<vmem>>[vector<16xi32>, vector<16xi32>], vector<16xf32>,
        %add3A_949 = arith.constant 0 : i32
        %add3A_950 = vector.broadcast %add3A_949 : i32 to vector<16xi32>
        %add3A_951 = arith.addi %shift_right_arithmetic3A_943, %add3A_950 : vector<16xi32>
        %mul3A_952 = arith.mulf %get3A_264, %gather3A_848 : vector<16xf32>
        %add3A_953 = arith.addf %gather3A_847, %mul3A_952 : vector<16xf32>
        %max3A_954 = arith.constant -1.000000e+00 : f32
        %max3A_955 = vector.broadcast %max3A_954 : f32 to vector<16xf32>
        %max3A_956 = arith.maximumf %add3A_953, %max3A_955 : vector<16xf32>
        %min3A_957 = arith.constant 1.000000e+00 : f32
        %min3A_958 = vector.broadcast %min3A_957 : f32 to vector<16xf32>
        %min3A_959 = arith.minimumf %max3A_956, %min3A_958 : vector<16xf32>
        tpu.vector_store_idx %arg15[%add3A_851, %add3A_840], %min3A_959 : memref<4x4096xf32, #tpu.memory_space<vmem>>[vector<16xi32>, vector<16xi32>], vector<16xf32>,
        %add3A_960 = arith.constant 16 : i32
        %add3A_961 = vector.broadcast %add3A_960 : i32 to vector<16xi32>
        %add3A_962 = arith.addi %and3A_931, %add3A_961 : vector<16xi32>
        %gather3A_963 = tpu.vector_load_idx %arg11[%add3A_268, %add3A_962] : memref<512x32xf32, #tpu.memory_space<vmem>>[vector<16xi32>, vector<16xi32>], vector<16xf32>,
        %gather3A_964 = tpu.vector_load_idx %arg13[%add3A_268, %add3A_962] : memref<512x32xf32, #tpu.memory_space<vmem>>[vector<16xi32>, vector<16xi32>], vector<16xf32>,
        %add3A_965 = arith.constant 2 : i32
        %add3A_966 = vector.broadcast %add3A_965 : i32 to vector<16xi32>
        %add3A_967 = arith.addi %shift_right_arithmetic3A_943, %add3A_966 : vector<16xi32>
        %mul3A_968 = arith.mulf %get3A_264, %gather3A_864 : vector<16xf32>
        %add3A_969 = arith.addf %gather3A_863, %mul3A_968 : vector<16xf32>
        %max3A_970 = arith.constant -1.000000e+00 : f32
        %max3A_971 = vector.broadcast %max3A_970 : f32 to vector<16xf32>
        %max3A_972 = arith.maximumf %add3A_969, %max3A_971 : vector<16xf32>
        %min3A_973 = arith.constant 1.000000e+00 : f32
        %min3A_974 = vector.broadcast %min3A_973 : f32 to vector<16xf32>
        %min3A_975 = arith.minimumf %max3A_972, %min3A_974 : vector<16xf32>
        tpu.vector_store_idx %arg15[%add3A_867, %add3A_840], %min3A_975 : memref<4x4096xf32, #tpu.memory_space<vmem>>[vector<16xi32>, vector<16xi32>], vector<16xf32>,
        %add3A_976 = arith.constant 14 : i32
        %add3A_977 = vector.broadcast %add3A_976 : i32 to vector<16xi32>
        %add3A_978 = arith.addi %iota3A, %add3A_977 : vector<16xi32>
        %and3A_979 = arith.constant 15 : i32
        %and3A_980 = vector.broadcast %and3A_979 : i32 to vector<16xi32>
        %and3A_981 = arith.andi %add3A_978, %and3A_980 : vector<16xi32>
        %and3A_982 = arith.constant 7 : i32
        %and3A_983 = vector.broadcast %and3A_982 : i32 to vector<16xi32>
        %and3A_984 = arith.andi %and3A_981, %and3A_983 : vector<16xi32>
        %shift_left3A_985 = arith.constant 7 : i32
        %shift_left3A_986 = vector.broadcast %shift_left3A_985 : i32 to vector<16xi32>
        %shift_left3A_987 = arith.shli %and3A_984, %shift_left3A_986 : vector<16xi32>
        %add3A_988 = arith.addi %shift_left3A_987, %iota3A : vector<16xi32>
        %add3A_989 = vector.broadcast %add3A_312 : i32 to vector<16xi32>
        %add3A_990 = arith.addi %add3A_988, %add3A_989 : vector<16xi32>
        %shift_right_arithmetic3A_991 = arith.constant 3 : i32
        %shift_right_arithmetic3A_992 = vector.broadcast %shift_right_arithmetic3A_991 : i32 to vector<16xi32>
        %shift_right_arithmetic3A_993 = arith.shrsi %and3A_981, %shift_right_arithmetic3A_992 : vector<16xi32>
        %add3A_994 = arith.constant 0 : i32
        %add3A_995 = vector.broadcast %add3A_994 : i32 to vector<16xi32>
        %add3A_996 = arith.addi %and3A_981, %add3A_995 : vector<16xi32>
        %gather3A_997 = tpu.vector_load_idx %arg11[%add3A_268, %add3A_996] : memref<512x32xf32, #tpu.memory_space<vmem>>[vector<16xi32>, vector<16xi32>], vector<16xf32>,
        %gather3A_998 = tpu.vector_load_idx %arg13[%add3A_268, %add3A_996] : memref<512x32xf32, #tpu.memory_space<vmem>>[vector<16xi32>, vector<16xi32>], vector<16xf32>,
        %add3A_999 = arith.constant 0 : i32
        %add3A_1000 = vector.broadcast %add3A_999 : i32 to vector<16xi32>
        %add3A_1001 = arith.addi %shift_right_arithmetic3A_993, %add3A_1000 : vector<16xi32>
        %mul3A_1002 = arith.mulf %get3A_264, %gather3A_898 : vector<16xf32>
        %add3A_1003 = arith.addf %gather3A_897, %mul3A_1002 : vector<16xf32>
        %max3A_1004 = arith.constant -1.000000e+00 : f32
        %max3A_1005 = vector.broadcast %max3A_1004 : f32 to vector<16xf32>
        %max3A_1006 = arith.maximumf %add3A_1003, %max3A_1005 : vector<16xf32>
        %min3A_1007 = arith.constant 1.000000e+00 : f32
        %min3A_1008 = vector.broadcast %min3A_1007 : f32 to vector<16xf32>
        %min3A_1009 = arith.minimumf %max3A_1006, %min3A_1008 : vector<16xf32>
        tpu.vector_store_idx %arg15[%add3A_901, %add3A_890], %min3A_1009 : memref<4x4096xf32, #tpu.memory_space<vmem>>[vector<16xi32>, vector<16xi32>], vector<16xf32>,
        %add3A_1010 = arith.constant 16 : i32
        %add3A_1011 = vector.broadcast %add3A_1010 : i32 to vector<16xi32>
        %add3A_1012 = arith.addi %and3A_981, %add3A_1011 : vector<16xi32>
        %gather3A_1013 = tpu.vector_load_idx %arg11[%add3A_268, %add3A_1012] : memref<512x32xf32, #tpu.memory_space<vmem>>[vector<16xi32>, vector<16xi32>], vector<16xf32>,
        %gather3A_1014 = tpu.vector_load_idx %arg13[%add3A_268, %add3A_1012] : memref<512x32xf32, #tpu.memory_space<vmem>>[vector<16xi32>, vector<16xi32>], vector<16xf32>,
        %add3A_1015 = arith.constant 2 : i32
        %add3A_1016 = vector.broadcast %add3A_1015 : i32 to vector<16xi32>
        %add3A_1017 = arith.addi %shift_right_arithmetic3A_993, %add3A_1016 : vector<16xi32>
        %mul3A_1018 = arith.mulf %get3A_264, %gather3A_914 : vector<16xf32>
        %add3A_1019 = arith.addf %gather3A_913, %mul3A_1018 : vector<16xf32>
        %max3A_1020 = arith.constant -1.000000e+00 : f32
        %max3A_1021 = vector.broadcast %max3A_1020 : f32 to vector<16xf32>
        %max3A_1022 = arith.maximumf %add3A_1019, %max3A_1021 : vector<16xf32>
        %min3A_1023 = arith.constant 1.000000e+00 : f32
        %min3A_1024 = vector.broadcast %min3A_1023 : f32 to vector<16xf32>
        %min3A_1025 = arith.minimumf %max3A_1022, %min3A_1024 : vector<16xf32>
        tpu.vector_store_idx %arg15[%add3A_917, %add3A_890], %min3A_1025 : memref<4x4096xf32, #tpu.memory_space<vmem>>[vector<16xi32>, vector<16xi32>], vector<16xf32>,
        %add3A_1026 = arith.constant 15 : i32
        %add3A_1027 = vector.broadcast %add3A_1026 : i32 to vector<16xi32>
        %add3A_1028 = arith.addi %iota3A, %add3A_1027 : vector<16xi32>
        %and3A_1029 = arith.constant 15 : i32
        %and3A_1030 = vector.broadcast %and3A_1029 : i32 to vector<16xi32>
        %and3A_1031 = arith.andi %add3A_1028, %and3A_1030 : vector<16xi32>
        %and3A_1032 = arith.constant 7 : i32
        %and3A_1033 = vector.broadcast %and3A_1032 : i32 to vector<16xi32>
        %and3A_1034 = arith.andi %and3A_1031, %and3A_1033 : vector<16xi32>
        %shift_left3A_1035 = arith.constant 7 : i32
        %shift_left3A_1036 = vector.broadcast %shift_left3A_1035 : i32 to vector<16xi32>
        %shift_left3A_1037 = arith.shli %and3A_1034, %shift_left3A_1036 : vector<16xi32>
        %add3A_1038 = arith.addi %shift_left3A_1037, %iota3A : vector<16xi32>
        %add3A_1039 = vector.broadcast %add3A_312 : i32 to vector<16xi32>
        %add3A_1040 = arith.addi %add3A_1038, %add3A_1039 : vector<16xi32>
        %shift_right_arithmetic3A_1041 = arith.constant 3 : i32
        %shift_right_arithmetic3A_1042 = vector.broadcast %shift_right_arithmetic3A_1041 : i32 to vector<16xi32>
        %shift_right_arithmetic3A_1043 = arith.shrsi %and3A_1031, %shift_right_arithmetic3A_1042 : vector<16xi32>
        %add3A_1044 = arith.constant 0 : i32
        %add3A_1045 = vector.broadcast %add3A_1044 : i32 to vector<16xi32>
        %add3A_1046 = arith.addi %and3A_1031, %add3A_1045 : vector<16xi32>
        %gather3A_1047 = tpu.vector_load_idx %arg11[%add3A_268, %add3A_1046] : memref<512x32xf32, #tpu.memory_space<vmem>>[vector<16xi32>, vector<16xi32>], vector<16xf32>,
        %gather3A_1048 = tpu.vector_load_idx %arg13[%add3A_268, %add3A_1046] : memref<512x32xf32, #tpu.memory_space<vmem>>[vector<16xi32>, vector<16xi32>], vector<16xf32>,
        %add3A_1049 = arith.constant 0 : i32
        %add3A_1050 = vector.broadcast %add3A_1049 : i32 to vector<16xi32>
        %add3A_1051 = arith.addi %shift_right_arithmetic3A_1043, %add3A_1050 : vector<16xi32>
        %mul3A_1052 = arith.mulf %get3A_264, %gather3A_948 : vector<16xf32>
        %add3A_1053 = arith.addf %gather3A_947, %mul3A_1052 : vector<16xf32>
        %max3A_1054 = arith.constant -1.000000e+00 : f32
        %max3A_1055 = vector.broadcast %max3A_1054 : f32 to vector<16xf32>
        %max3A_1056 = arith.maximumf %add3A_1053, %max3A_1055 : vector<16xf32>
        %min3A_1057 = arith.constant 1.000000e+00 : f32
        %min3A_1058 = vector.broadcast %min3A_1057 : f32 to vector<16xf32>
        %min3A_1059 = arith.minimumf %max3A_1056, %min3A_1058 : vector<16xf32>
        tpu.vector_store_idx %arg15[%add3A_951, %add3A_940], %min3A_1059 : memref<4x4096xf32, #tpu.memory_space<vmem>>[vector<16xi32>, vector<16xi32>], vector<16xf32>,
        %add3A_1060 = arith.constant 16 : i32
        %add3A_1061 = vector.broadcast %add3A_1060 : i32 to vector<16xi32>
        %add3A_1062 = arith.addi %and3A_1031, %add3A_1061 : vector<16xi32>
        %gather3A_1063 = tpu.vector_load_idx %arg11[%add3A_268, %add3A_1062] : memref<512x32xf32, #tpu.memory_space<vmem>>[vector<16xi32>, vector<16xi32>], vector<16xf32>,
        %gather3A_1064 = tpu.vector_load_idx %arg13[%add3A_268, %add3A_1062] : memref<512x32xf32, #tpu.memory_space<vmem>>[vector<16xi32>, vector<16xi32>], vector<16xf32>,
        %add3A_1065 = arith.constant 2 : i32
        %add3A_1066 = vector.broadcast %add3A_1065 : i32 to vector<16xi32>
        %add3A_1067 = arith.addi %shift_right_arithmetic3A_1043, %add3A_1066 : vector<16xi32>
        %mul3A_1068 = arith.mulf %get3A_264, %gather3A_964 : vector<16xf32>
        %add3A_1069 = arith.addf %gather3A_963, %mul3A_1068 : vector<16xf32>
        %max3A_1070 = arith.constant -1.000000e+00 : f32
        %max3A_1071 = vector.broadcast %max3A_1070 : f32 to vector<16xf32>
        %max3A_1072 = arith.maximumf %add3A_1069, %max3A_1071 : vector<16xf32>
        %min3A_1073 = arith.constant 1.000000e+00 : f32
        %min3A_1074 = vector.broadcast %min3A_1073 : f32 to vector<16xf32>
        %min3A_1075 = arith.minimumf %max3A_1072, %min3A_1074 : vector<16xf32>
        tpu.vector_store_idx %arg15[%add3A_967, %add3A_940], %min3A_1075 : memref<4x4096xf32, #tpu.memory_space<vmem>>[vector<16xi32>, vector<16xi32>], vector<16xf32>,
        %mul3A_1076 = arith.constant 2 : i32
        %mul3A_1077 = arith.muli %mul3A_1076, %scan3A_256 : i32
        %add3A_1078 = arith.constant 1 : i32
        %add3A_1079 = arith.addi %mul3A_1077, %add3A_1078 : i32
        %mul3A_1080 = arith.constant 16 : i32
        %mul3A_1081 = arith.muli %add3A_1079, %mul3A_1080 : i32
        %get3A_1082 = arith.index_cast %mul3A_1081 : i32 to index
        %get3A_1083 = tpu.vector_load %arg9[%get3A_1082] {strides = array<i32>} : memref<512xf32, #tpu.memory_space<vmem>>, vector<16xf32>,
        %mul3A_1084 = arith.constant 16 : i32
        %mul3A_1085 = arith.muli %add3A_1079, %mul3A_1084 : i32
        %add3A_1086 = vector.broadcast %mul3A_1085 : i32 to vector<16xi32>
        %add3A_1087 = arith.addi %add3A_1086, %iota3A : vector<16xi32>
        %jit3A_1088 = arith.constant 8 : i32
        %div3A_1089 = arith.divsi %add3A_1079, %jit3A_1088 : i32
        %sign3A_1090 = arith.constant 0 : i32
        %sign3A_1091 = arith.cmpi sgt, %add3A_1079, %sign3A_1090 : i32
        %sign3A_1092 = arith.extui %sign3A_1091 : i1 to i32
        %sign3A_1093 = arith.constant 0 : i32
        %sign3A_1094 = arith.cmpi slt, %add3A_1079, %sign3A_1093 : i32
        %sign3A_1095 = arith.extui %sign3A_1094 : i1 to i32
        %sign3A_1096 = arith.subi %sign3A_1092, %sign3A_1095 : i32
        %sign3A_1097 = arith.constant 0 : i32
        %sign3A_1098 = arith.cmpi sgt, %jit3A_1088, %sign3A_1097 : i32
        %sign3A_1099 = arith.extui %sign3A_1098 : i1 to i32
        %sign3A_1100 = arith.constant 0 : i32
        %sign3A_1101 = arith.cmpi slt, %jit3A_1088, %sign3A_1100 : i32
        %sign3A_1102 = arith.extui %sign3A_1101 : i1 to i32
        %sign3A_1103 = arith.subi %sign3A_1099, %sign3A_1102 : i32
        %ne3A_1104 = arith.cmpi ne, %sign3A_1096, %sign3A_1103 : i32
        %rem3A_1105 = arith.remsi %add3A_1079, %jit3A_1088 : i32
        %ne3A_1106 = arith.constant 0 : i32
        %ne3A_1107 = arith.cmpi ne, %rem3A_1105, %ne3A_1106 : i32
        %and3A_1108 = arith.andi %ne3A_1104, %ne3A_1107 : i1
        %sub3A_1109 = arith.constant 1 : i32
        %sub3A_1110 = arith.subi %div3A_1089, %sub3A_1109 : i32
        %select_n3A_1111 = arith.select %and3A_1108, %sub3A_1110, %div3A_1089 : i32
        %mul3A_1112 = arith.constant 1024 : i32
        %mul3A_1113 = arith.muli %select_n3A_1111, %mul3A_1112 : i32
        %jit3A_1114 = arith.constant 8 : i32
        %eq3A_1115 = arith.constant 0 : i32
        %eq3A_1116 = arith.cmpi eq, %jit3A_1114, %eq3A_1115 : i32
        %jit3A_1117 = arith.constant 1 : i32
        %select_n3A_1118 = arith.select %eq3A_1116, %jit3A_1117, %jit3A_1114 : i32
        %rem3A_1119 = arith.remsi %add3A_1079, %select_n3A_1118 : i32
        %ne3A_1120 = arith.constant 0 : i32
        %ne3A_1121 = arith.cmpi ne, %rem3A_1119, %ne3A_1120 : i32
        %lt3A_1122 = arith.constant 0 : i32
        %lt3A_1123 = arith.cmpi slt, %rem3A_1119, %lt3A_1122 : i32
        %lt3A_1124 = arith.constant 0 : i32
        %lt3A_1125 = arith.cmpi slt, %select_n3A_1118, %lt3A_1124 : i32
        %ne3A_1126 = arith.xori %lt3A_1123, %lt3A_1125 : i1
        %and3A_1127 = arith.andi %ne3A_1126, %ne3A_1121 : i1
        %add3A_1128 = arith.addi %rem3A_1119, %select_n3A_1118 : i32
        %select_n3A_1129 = arith.select %and3A_1127, %add3A_1128, %rem3A_1119 : i32
        %mul3A_1130 = arith.constant 16 : i32
        %mul3A_1131 = arith.muli %select_n3A_1129, %mul3A_1130 : i32
        %add3A_1132 = arith.addi %mul3A_1113, %mul3A_1131 : i32
        %add3A_1133 = arith.constant 0 : i32
        %add3A_1134 = vector.broadcast %add3A_1133 : i32 to vector<16xi32>
        %add3A_1135 = arith.addi %iota3A, %add3A_1134 : vector<16xi32>
        %and3A_1136 = arith.constant 15 : i32
        %and3A_1137 = vector.broadcast %and3A_1136 : i32 to vector<16xi32>
        %and3A_1138 = arith.andi %add3A_1135, %and3A_1137 : vector<16xi32>
        %and3A_1139 = arith.constant 7 : i32
        %and3A_1140 = vector.broadcast %and3A_1139 : i32 to vector<16xi32>
        %and3A_1141 = arith.andi %and3A_1138, %and3A_1140 : vector<16xi32>
        %shift_left3A_1142 = arith.constant 7 : i32
        %shift_left3A_1143 = vector.broadcast %shift_left3A_1142 : i32 to vector<16xi32>
        %shift_left3A_1144 = arith.shli %and3A_1141, %shift_left3A_1143 : vector<16xi32>
        %add3A_1145 = arith.addi %shift_left3A_1144, %iota3A : vector<16xi32>
        %add3A_1146 = vector.broadcast %add3A_1132 : i32 to vector<16xi32>
        %add3A_1147 = arith.addi %add3A_1145, %add3A_1146 : vector<16xi32>
        %shift_right_arithmetic3A_1148 = arith.constant 3 : i32
        %shift_right_arithmetic3A_1149 = vector.broadcast %shift_right_arithmetic3A_1148 : i32 to vector<16xi32>
        %shift_right_arithmetic3A_1150 = arith.shrsi %and3A_1138, %shift_right_arithmetic3A_1149 : vector<16xi32>
        %add3A_1151 = arith.constant 0 : i32
        %add3A_1152 = vector.broadcast %add3A_1151 : i32 to vector<16xi32>
        %add3A_1153 = arith.addi %and3A_1138, %add3A_1152 : vector<16xi32>
        %gather3A_1154 = tpu.vector_load_idx %arg11[%add3A_1087, %add3A_1153] : memref<512x32xf32, #tpu.memory_space<vmem>>[vector<16xi32>, vector<16xi32>], vector<16xf32>,
        %gather3A_1155 = tpu.vector_load_idx %arg13[%add3A_1087, %add3A_1153] : memref<512x32xf32, #tpu.memory_space<vmem>>[vector<16xi32>, vector<16xi32>], vector<16xf32>,
        %add3A_1156 = arith.constant 0 : i32
        %add3A_1157 = vector.broadcast %add3A_1156 : i32 to vector<16xi32>
        %add3A_1158 = arith.addi %shift_right_arithmetic3A_1150, %add3A_1157 : vector<16xi32>
        %mul3A_1159 = arith.mulf %get3A_264, %gather3A_998 : vector<16xf32>
        %add3A_1160 = arith.addf %gather3A_997, %mul3A_1159 : vector<16xf32>
        %max3A_1161 = arith.constant -1.000000e+00 : f32
        %max3A_1162 = vector.broadcast %max3A_1161 : f32 to vector<16xf32>
        %max3A_1163 = arith.maximumf %add3A_1160, %max3A_1162 : vector<16xf32>
        %min3A_1164 = arith.constant 1.000000e+00 : f32
        %min3A_1165 = vector.broadcast %min3A_1164 : f32 to vector<16xf32>
        %min3A_1166 = arith.minimumf %max3A_1163, %min3A_1165 : vector<16xf32>
        tpu.vector_store_idx %arg15[%add3A_1001, %add3A_990], %min3A_1166 : memref<4x4096xf32, #tpu.memory_space<vmem>>[vector<16xi32>, vector<16xi32>], vector<16xf32>,
        %add3A_1167 = arith.constant 16 : i32
        %add3A_1168 = vector.broadcast %add3A_1167 : i32 to vector<16xi32>
        %add3A_1169 = arith.addi %and3A_1138, %add3A_1168 : vector<16xi32>
        %gather3A_1170 = tpu.vector_load_idx %arg11[%add3A_1087, %add3A_1169] : memref<512x32xf32, #tpu.memory_space<vmem>>[vector<16xi32>, vector<16xi32>], vector<16xf32>,
        %gather3A_1171 = tpu.vector_load_idx %arg13[%add3A_1087, %add3A_1169] : memref<512x32xf32, #tpu.memory_space<vmem>>[vector<16xi32>, vector<16xi32>], vector<16xf32>,
        %add3A_1172 = arith.constant 2 : i32
        %add3A_1173 = vector.broadcast %add3A_1172 : i32 to vector<16xi32>
        %add3A_1174 = arith.addi %shift_right_arithmetic3A_1150, %add3A_1173 : vector<16xi32>
        %mul3A_1175 = arith.mulf %get3A_264, %gather3A_1014 : vector<16xf32>
        %add3A_1176 = arith.addf %gather3A_1013, %mul3A_1175 : vector<16xf32>
        %max3A_1177 = arith.constant -1.000000e+00 : f32
        %max3A_1178 = vector.broadcast %max3A_1177 : f32 to vector<16xf32>
        %max3A_1179 = arith.maximumf %add3A_1176, %max3A_1178 : vector<16xf32>
        %min3A_1180 = arith.constant 1.000000e+00 : f32
        %min3A_1181 = vector.broadcast %min3A_1180 : f32 to vector<16xf32>
        %min3A_1182 = arith.minimumf %max3A_1179, %min3A_1181 : vector<16xf32>
        tpu.vector_store_idx %arg15[%add3A_1017, %add3A_990], %min3A_1182 : memref<4x4096xf32, #tpu.memory_space<vmem>>[vector<16xi32>, vector<16xi32>], vector<16xf32>,
        %add3A_1183 = arith.constant 1 : i32
        %add3A_1184 = vector.broadcast %add3A_1183 : i32 to vector<16xi32>
        %add3A_1185 = arith.addi %iota3A, %add3A_1184 : vector<16xi32>
        %and3A_1186 = arith.constant 15 : i32
        %and3A_1187 = vector.broadcast %and3A_1186 : i32 to vector<16xi32>
        %and3A_1188 = arith.andi %add3A_1185, %and3A_1187 : vector<16xi32>
        %and3A_1189 = arith.constant 7 : i32
        %and3A_1190 = vector.broadcast %and3A_1189 : i32 to vector<16xi32>
        %and3A_1191 = arith.andi %and3A_1188, %and3A_1190 : vector<16xi32>
        %shift_left3A_1192 = arith.constant 7 : i32
        %shift_left3A_1193 = vector.broadcast %shift_left3A_1192 : i32 to vector<16xi32>
        %shift_left3A_1194 = arith.shli %and3A_1191, %shift_left3A_1193 : vector<16xi32>
        %add3A_1195 = arith.addi %shift_left3A_1194, %iota3A : vector<16xi32>
        %add3A_1196 = vector.broadcast %add3A_1132 : i32 to vector<16xi32>
        %add3A_1197 = arith.addi %add3A_1195, %add3A_1196 : vector<16xi32>
        %shift_right_arithmetic3A_1198 = arith.constant 3 : i32
        %shift_right_arithmetic3A_1199 = vector.broadcast %shift_right_arithmetic3A_1198 : i32 to vector<16xi32>
        %shift_right_arithmetic3A_1200 = arith.shrsi %and3A_1188, %shift_right_arithmetic3A_1199 : vector<16xi32>
        %add3A_1201 = arith.constant 0 : i32
        %add3A_1202 = vector.broadcast %add3A_1201 : i32 to vector<16xi32>
        %add3A_1203 = arith.addi %and3A_1188, %add3A_1202 : vector<16xi32>
        %gather3A_1204 = tpu.vector_load_idx %arg11[%add3A_1087, %add3A_1203] : memref<512x32xf32, #tpu.memory_space<vmem>>[vector<16xi32>, vector<16xi32>], vector<16xf32>,
        %gather3A_1205 = tpu.vector_load_idx %arg13[%add3A_1087, %add3A_1203] : memref<512x32xf32, #tpu.memory_space<vmem>>[vector<16xi32>, vector<16xi32>], vector<16xf32>,
        %add3A_1206 = arith.constant 0 : i32
        %add3A_1207 = vector.broadcast %add3A_1206 : i32 to vector<16xi32>
        %add3A_1208 = arith.addi %shift_right_arithmetic3A_1200, %add3A_1207 : vector<16xi32>
        %mul3A_1209 = arith.mulf %get3A_264, %gather3A_1048 : vector<16xf32>
        %add3A_1210 = arith.addf %gather3A_1047, %mul3A_1209 : vector<16xf32>
        %max3A_1211 = arith.constant -1.000000e+00 : f32
        %max3A_1212 = vector.broadcast %max3A_1211 : f32 to vector<16xf32>
        %max3A_1213 = arith.maximumf %add3A_1210, %max3A_1212 : vector<16xf32>
        %min3A_1214 = arith.constant 1.000000e+00 : f32
        %min3A_1215 = vector.broadcast %min3A_1214 : f32 to vector<16xf32>
        %min3A_1216 = arith.minimumf %max3A_1213, %min3A_1215 : vector<16xf32>
        tpu.vector_store_idx %arg15[%add3A_1051, %add3A_1040], %min3A_1216 : memref<4x4096xf32, #tpu.memory_space<vmem>>[vector<16xi32>, vector<16xi32>], vector<16xf32>,
        %add3A_1217 = arith.constant 16 : i32
        %add3A_1218 = vector.broadcast %add3A_1217 : i32 to vector<16xi32>
        %add3A_1219 = arith.addi %and3A_1188, %add3A_1218 : vector<16xi32>
        %gather3A_1220 = tpu.vector_load_idx %arg11[%add3A_1087, %add3A_1219] : memref<512x32xf32, #tpu.memory_space<vmem>>[vector<16xi32>, vector<16xi32>], vector<16xf32>,
        %gather3A_1221 = tpu.vector_load_idx %arg13[%add3A_1087, %add3A_1219] : memref<512x32xf32, #tpu.memory_space<vmem>>[vector<16xi32>, vector<16xi32>], vector<16xf32>,
        %add3A_1222 = arith.constant 2 : i32
        %add3A_1223 = vector.broadcast %add3A_1222 : i32 to vector<16xi32>
        %add3A_1224 = arith.addi %shift_right_arithmetic3A_1200, %add3A_1223 : vector<16xi32>
        %mul3A_1225 = arith.mulf %get3A_264, %gather3A_1064 : vector<16xf32>
        %add3A_1226 = arith.addf %gather3A_1063, %mul3A_1225 : vector<16xf32>
        %max3A_1227 = arith.constant -1.000000e+00 : f32
        %max3A_1228 = vector.broadcast %max3A_1227 : f32 to vector<16xf32>
        %max3A_1229 = arith.maximumf %add3A_1226, %max3A_1228 : vector<16xf32>
        %min3A_1230 = arith.constant 1.000000e+00 : f32
        %min3A_1231 = vector.broadcast %min3A_1230 : f32 to vector<16xf32>
        %min3A_1232 = arith.minimumf %max3A_1229, %min3A_1231 : vector<16xf32>
        tpu.vector_store_idx %arg15[%add3A_1067, %add3A_1040], %min3A_1232 : memref<4x4096xf32, #tpu.memory_space<vmem>>[vector<16xi32>, vector<16xi32>], vector<16xf32>,
        %add3A_1233 = arith.constant 2 : i32
        %add3A_1234 = vector.broadcast %add3A_1233 : i32 to vector<16xi32>
        %add3A_1235 = arith.addi %iota3A, %add3A_1234 : vector<16xi32>
        %and3A_1236 = arith.constant 15 : i32
        %and3A_1237 = vector.broadcast %and3A_1236 : i32 to vector<16xi32>
        %and3A_1238 = arith.andi %add3A_1235, %and3A_1237 : vector<16xi32>
        %and3A_1239 = arith.constant 7 : i32
        %and3A_1240 = vector.broadcast %and3A_1239 : i32 to vector<16xi32>
        %and3A_1241 = arith.andi %and3A_1238, %and3A_1240 : vector<16xi32>
        %shift_left3A_1242 = arith.constant 7 : i32
        %shift_left3A_1243 = vector.broadcast %shift_left3A_1242 : i32 to vector<16xi32>
        %shift_left3A_1244 = arith.shli %and3A_1241, %shift_left3A_1243 : vector<16xi32>
        %add3A_1245 = arith.addi %shift_left3A_1244, %iota3A : vector<16xi32>
        %add3A_1246 = vector.broadcast %add3A_1132 : i32 to vector<16xi32>
        %add3A_1247 = arith.addi %add3A_1245, %add3A_1246 : vector<16xi32>
        %shift_right_arithmetic3A_1248 = arith.constant 3 : i32
        %shift_right_arithmetic3A_1249 = vector.broadcast %shift_right_arithmetic3A_1248 : i32 to vector<16xi32>
        %shift_right_arithmetic3A_1250 = arith.shrsi %and3A_1238, %shift_right_arithmetic3A_1249 : vector<16xi32>
        %add3A_1251 = arith.constant 0 : i32
        %add3A_1252 = vector.broadcast %add3A_1251 : i32 to vector<16xi32>
        %add3A_1253 = arith.addi %and3A_1238, %add3A_1252 : vector<16xi32>
        %gather3A_1254 = tpu.vector_load_idx %arg11[%add3A_1087, %add3A_1253] : memref<512x32xf32, #tpu.memory_space<vmem>>[vector<16xi32>, vector<16xi32>], vector<16xf32>,
        %gather3A_1255 = tpu.vector_load_idx %arg13[%add3A_1087, %add3A_1253] : memref<512x32xf32, #tpu.memory_space<vmem>>[vector<16xi32>, vector<16xi32>], vector<16xf32>,
        %add3A_1256 = arith.constant 0 : i32
        %add3A_1257 = vector.broadcast %add3A_1256 : i32 to vector<16xi32>
        %add3A_1258 = arith.addi %shift_right_arithmetic3A_1250, %add3A_1257 : vector<16xi32>
        %mul3A_1259 = arith.mulf %get3A_1083, %gather3A_1155 : vector<16xf32>
        %add3A_1260 = arith.addf %gather3A_1154, %mul3A_1259 : vector<16xf32>
        %max3A_1261 = arith.constant -1.000000e+00 : f32
        %max3A_1262 = vector.broadcast %max3A_1261 : f32 to vector<16xf32>
        %max3A_1263 = arith.maximumf %add3A_1260, %max3A_1262 : vector<16xf32>
        %min3A_1264 = arith.constant 1.000000e+00 : f32
        %min3A_1265 = vector.broadcast %min3A_1264 : f32 to vector<16xf32>
        %min3A_1266 = arith.minimumf %max3A_1263, %min3A_1265 : vector<16xf32>
        tpu.vector_store_idx %arg15[%add3A_1158, %add3A_1147], %min3A_1266 : memref<4x4096xf32, #tpu.memory_space<vmem>>[vector<16xi32>, vector<16xi32>], vector<16xf32>,
        %add3A_1267 = arith.constant 16 : i32
        %add3A_1268 = vector.broadcast %add3A_1267 : i32 to vector<16xi32>
        %add3A_1269 = arith.addi %and3A_1238, %add3A_1268 : vector<16xi32>
        %gather3A_1270 = tpu.vector_load_idx %arg11[%add3A_1087, %add3A_1269] : memref<512x32xf32, #tpu.memory_space<vmem>>[vector<16xi32>, vector<16xi32>], vector<16xf32>,
        %gather3A_1271 = tpu.vector_load_idx %arg13[%add3A_1087, %add3A_1269] : memref<512x32xf32, #tpu.memory_space<vmem>>[vector<16xi32>, vector<16xi32>], vector<16xf32>,
        %add3A_1272 = arith.constant 2 : i32
        %add3A_1273 = vector.broadcast %add3A_1272 : i32 to vector<16xi32>
        %add3A_1274 = arith.addi %shift_right_arithmetic3A_1250, %add3A_1273 : vector<16xi32>
        %mul3A_1275 = arith.mulf %get3A_1083, %gather3A_1171 : vector<16xf32>
        %add3A_1276 = arith.addf %gather3A_1170, %mul3A_1275 : vector<16xf32>
        %max3A_1277 = arith.constant -1.000000e+00 : f32
        %max3A_1278 = vector.broadcast %max3A_1277 : f32 to vector<16xf32>
        %max3A_1279 = arith.maximumf %add3A_1276, %max3A_1278 : vector<16xf32>
        %min3A_1280 = arith.constant 1.000000e+00 : f32
        %min3A_1281 = vector.broadcast %min3A_1280 : f32 to vector<16xf32>
        %min3A_1282 = arith.minimumf %max3A_1279, %min3A_1281 : vector<16xf32>
        tpu.vector_store_idx %arg15[%add3A_1174, %add3A_1147], %min3A_1282 : memref<4x4096xf32, #tpu.memory_space<vmem>>[vector<16xi32>, vector<16xi32>], vector<16xf32>,
        %add3A_1283 = arith.constant 3 : i32
        %add3A_1284 = vector.broadcast %add3A_1283 : i32 to vector<16xi32>
        %add3A_1285 = arith.addi %iota3A, %add3A_1284 : vector<16xi32>
        %and3A_1286 = arith.constant 15 : i32
        %and3A_1287 = vector.broadcast %and3A_1286 : i32 to vector<16xi32>
        %and3A_1288 = arith.andi %add3A_1285, %and3A_1287 : vector<16xi32>
        %and3A_1289 = arith.constant 7 : i32
        %and3A_1290 = vector.broadcast %and3A_1289 : i32 to vector<16xi32>
        %and3A_1291 = arith.andi %and3A_1288, %and3A_1290 : vector<16xi32>
        %shift_left3A_1292 = arith.constant 7 : i32
        %shift_left3A_1293 = vector.broadcast %shift_left3A_1292 : i32 to vector<16xi32>
        %shift_left3A_1294 = arith.shli %and3A_1291, %shift_left3A_1293 : vector<16xi32>
        %add3A_1295 = arith.addi %shift_left3A_1294, %iota3A : vector<16xi32>
        %add3A_1296 = vector.broadcast %add3A_1132 : i32 to vector<16xi32>
        %add3A_1297 = arith.addi %add3A_1295, %add3A_1296 : vector<16xi32>
        %shift_right_arithmetic3A_1298 = arith.constant 3 : i32
        %shift_right_arithmetic3A_1299 = vector.broadcast %shift_right_arithmetic3A_1298 : i32 to vector<16xi32>
        %shift_right_arithmetic3A_1300 = arith.shrsi %and3A_1288, %shift_right_arithmetic3A_1299 : vector<16xi32>
        %add3A_1301 = arith.constant 0 : i32
        %add3A_1302 = vector.broadcast %add3A_1301 : i32 to vector<16xi32>
        %add3A_1303 = arith.addi %and3A_1288, %add3A_1302 : vector<16xi32>
        %gather3A_1304 = tpu.vector_load_idx %arg11[%add3A_1087, %add3A_1303] : memref<512x32xf32, #tpu.memory_space<vmem>>[vector<16xi32>, vector<16xi32>], vector<16xf32>,
        %gather3A_1305 = tpu.vector_load_idx %arg13[%add3A_1087, %add3A_1303] : memref<512x32xf32, #tpu.memory_space<vmem>>[vector<16xi32>, vector<16xi32>], vector<16xf32>,
        %add3A_1306 = arith.constant 0 : i32
        %add3A_1307 = vector.broadcast %add3A_1306 : i32 to vector<16xi32>
        %add3A_1308 = arith.addi %shift_right_arithmetic3A_1300, %add3A_1307 : vector<16xi32>
        %mul3A_1309 = arith.mulf %get3A_1083, %gather3A_1205 : vector<16xf32>
        %add3A_1310 = arith.addf %gather3A_1204, %mul3A_1309 : vector<16xf32>
        %max3A_1311 = arith.constant -1.000000e+00 : f32
        %max3A_1312 = vector.broadcast %max3A_1311 : f32 to vector<16xf32>
        %max3A_1313 = arith.maximumf %add3A_1310, %max3A_1312 : vector<16xf32>
        %min3A_1314 = arith.constant 1.000000e+00 : f32
        %min3A_1315 = vector.broadcast %min3A_1314 : f32 to vector<16xf32>
        %min3A_1316 = arith.minimumf %max3A_1313, %min3A_1315 : vector<16xf32>
        tpu.vector_store_idx %arg15[%add3A_1208, %add3A_1197], %min3A_1316 : memref<4x4096xf32, #tpu.memory_space<vmem>>[vector<16xi32>, vector<16xi32>], vector<16xf32>,
        %add3A_1317 = arith.constant 16 : i32
        %add3A_1318 = vector.broadcast %add3A_1317 : i32 to vector<16xi32>
        %add3A_1319 = arith.addi %and3A_1288, %add3A_1318 : vector<16xi32>
        %gather3A_1320 = tpu.vector_load_idx %arg11[%add3A_1087, %add3A_1319] : memref<512x32xf32, #tpu.memory_space<vmem>>[vector<16xi32>, vector<16xi32>], vector<16xf32>,
        %gather3A_1321 = tpu.vector_load_idx %arg13[%add3A_1087, %add3A_1319] : memref<512x32xf32, #tpu.memory_space<vmem>>[vector<16xi32>, vector<16xi32>], vector<16xf32>,
        %add3A_1322 = arith.constant 2 : i32
        %add3A_1323 = vector.broadcast %add3A_1322 : i32 to vector<16xi32>
        %add3A_1324 = arith.addi %shift_right_arithmetic3A_1300, %add3A_1323 : vector<16xi32>
        %mul3A_1325 = arith.mulf %get3A_1083, %gather3A_1221 : vector<16xf32>
        %add3A_1326 = arith.addf %gather3A_1220, %mul3A_1325 : vector<16xf32>
        %max3A_1327 = arith.constant -1.000000e+00 : f32
        %max3A_1328 = vector.broadcast %max3A_1327 : f32 to vector<16xf32>
        %max3A_1329 = arith.maximumf %add3A_1326, %max3A_1328 : vector<16xf32>
        %min3A_1330 = arith.constant 1.000000e+00 : f32
        %min3A_1331 = vector.broadcast %min3A_1330 : f32 to vector<16xf32>
        %min3A_1332 = arith.minimumf %max3A_1329, %min3A_1331 : vector<16xf32>
        tpu.vector_store_idx %arg15[%add3A_1224, %add3A_1197], %min3A_1332 : memref<4x4096xf32, #tpu.memory_space<vmem>>[vector<16xi32>, vector<16xi32>], vector<16xf32>,
        %add3A_1333 = arith.constant 4 : i32
        %add3A_1334 = vector.broadcast %add3A_1333 : i32 to vector<16xi32>
        %add3A_1335 = arith.addi %iota3A, %add3A_1334 : vector<16xi32>
        %and3A_1336 = arith.constant 15 : i32
        %and3A_1337 = vector.broadcast %and3A_1336 : i32 to vector<16xi32>
        %and3A_1338 = arith.andi %add3A_1335, %and3A_1337 : vector<16xi32>
        %and3A_1339 = arith.constant 7 : i32
        %and3A_1340 = vector.broadcast %and3A_1339 : i32 to vector<16xi32>
        %and3A_1341 = arith.andi %and3A_1338, %and3A_1340 : vector<16xi32>
        %shift_left3A_1342 = arith.constant 7 : i32
        %shift_left3A_1343 = vector.broadcast %shift_left3A_1342 : i32 to vector<16xi32>
        %shift_left3A_1344 = arith.shli %and3A_1341, %shift_left3A_1343 : vector<16xi32>
        %add3A_1345 = arith.addi %shift_left3A_1344, %iota3A : vector<16xi32>
        %add3A_1346 = vector.broadcast %add3A_1132 : i32 to vector<16xi32>
        %add3A_1347 = arith.addi %add3A_1345, %add3A_1346 : vector<16xi32>
        %shift_right_arithmetic3A_1348 = arith.constant 3 : i32
        %shift_right_arithmetic3A_1349 = vector.broadcast %shift_right_arithmetic3A_1348 : i32 to vector<16xi32>
        %shift_right_arithmetic3A_1350 = arith.shrsi %and3A_1338, %shift_right_arithmetic3A_1349 : vector<16xi32>
        %add3A_1351 = arith.constant 0 : i32
        %add3A_1352 = vector.broadcast %add3A_1351 : i32 to vector<16xi32>
        %add3A_1353 = arith.addi %and3A_1338, %add3A_1352 : vector<16xi32>
        %gather3A_1354 = tpu.vector_load_idx %arg11[%add3A_1087, %add3A_1353] : memref<512x32xf32, #tpu.memory_space<vmem>>[vector<16xi32>, vector<16xi32>], vector<16xf32>,
        %gather3A_1355 = tpu.vector_load_idx %arg13[%add3A_1087, %add3A_1353] : memref<512x32xf32, #tpu.memory_space<vmem>>[vector<16xi32>, vector<16xi32>], vector<16xf32>,
        %add3A_1356 = arith.constant 0 : i32
        %add3A_1357 = vector.broadcast %add3A_1356 : i32 to vector<16xi32>
        %add3A_1358 = arith.addi %shift_right_arithmetic3A_1350, %add3A_1357 : vector<16xi32>
        %mul3A_1359 = arith.mulf %get3A_1083, %gather3A_1255 : vector<16xf32>
        %add3A_1360 = arith.addf %gather3A_1254, %mul3A_1359 : vector<16xf32>
        %max3A_1361 = arith.constant -1.000000e+00 : f32
        %max3A_1362 = vector.broadcast %max3A_1361 : f32 to vector<16xf32>
        %max3A_1363 = arith.maximumf %add3A_1360, %max3A_1362 : vector<16xf32>
        %min3A_1364 = arith.constant 1.000000e+00 : f32
        %min3A_1365 = vector.broadcast %min3A_1364 : f32 to vector<16xf32>
        %min3A_1366 = arith.minimumf %max3A_1363, %min3A_1365 : vector<16xf32>
        tpu.vector_store_idx %arg15[%add3A_1258, %add3A_1247], %min3A_1366 : memref<4x4096xf32, #tpu.memory_space<vmem>>[vector<16xi32>, vector<16xi32>], vector<16xf32>,
        %add3A_1367 = arith.constant 16 : i32
        %add3A_1368 = vector.broadcast %add3A_1367 : i32 to vector<16xi32>
        %add3A_1369 = arith.addi %and3A_1338, %add3A_1368 : vector<16xi32>
        %gather3A_1370 = tpu.vector_load_idx %arg11[%add3A_1087, %add3A_1369] : memref<512x32xf32, #tpu.memory_space<vmem>>[vector<16xi32>, vector<16xi32>], vector<16xf32>,
        %gather3A_1371 = tpu.vector_load_idx %arg13[%add3A_1087, %add3A_1369] : memref<512x32xf32, #tpu.memory_space<vmem>>[vector<16xi32>, vector<16xi32>], vector<16xf32>,
        %add3A_1372 = arith.constant 2 : i32
        %add3A_1373 = vector.broadcast %add3A_1372 : i32 to vector<16xi32>
        %add3A_1374 = arith.addi %shift_right_arithmetic3A_1350, %add3A_1373 : vector<16xi32>
        %mul3A_1375 = arith.mulf %get3A_1083, %gather3A_1271 : vector<16xf32>
        %add3A_1376 = arith.addf %gather3A_1270, %mul3A_1375 : vector<16xf32>
        %max3A_1377 = arith.constant -1.000000e+00 : f32
        %max3A_1378 = vector.broadcast %max3A_1377 : f32 to vector<16xf32>
        %max3A_1379 = arith.maximumf %add3A_1376, %max3A_1378 : vector<16xf32>
        %min3A_1380 = arith.constant 1.000000e+00 : f32
        %min3A_1381 = vector.broadcast %min3A_1380 : f32 to vector<16xf32>
        %min3A_1382 = arith.minimumf %max3A_1379, %min3A_1381 : vector<16xf32>
        tpu.vector_store_idx %arg15[%add3A_1274, %add3A_1247], %min3A_1382 : memref<4x4096xf32, #tpu.memory_space<vmem>>[vector<16xi32>, vector<16xi32>], vector<16xf32>,
        %add3A_1383 = arith.constant 5 : i32
        %add3A_1384 = vector.broadcast %add3A_1383 : i32 to vector<16xi32>
        %add3A_1385 = arith.addi %iota3A, %add3A_1384 : vector<16xi32>
        %and3A_1386 = arith.constant 15 : i32
        %and3A_1387 = vector.broadcast %and3A_1386 : i32 to vector<16xi32>
        %and3A_1388 = arith.andi %add3A_1385, %and3A_1387 : vector<16xi32>
        %and3A_1389 = arith.constant 7 : i32
        %and3A_1390 = vector.broadcast %and3A_1389 : i32 to vector<16xi32>
        %and3A_1391 = arith.andi %and3A_1388, %and3A_1390 : vector<16xi32>
        %shift_left3A_1392 = arith.constant 7 : i32
        %shift_left3A_1393 = vector.broadcast %shift_left3A_1392 : i32 to vector<16xi32>
        %shift_left3A_1394 = arith.shli %and3A_1391, %shift_left3A_1393 : vector<16xi32>
        %add3A_1395 = arith.addi %shift_left3A_1394, %iota3A : vector<16xi32>
        %add3A_1396 = vector.broadcast %add3A_1132 : i32 to vector<16xi32>
        %add3A_1397 = arith.addi %add3A_1395, %add3A_1396 : vector<16xi32>
        %shift_right_arithmetic3A_1398 = arith.constant 3 : i32
        %shift_right_arithmetic3A_1399 = vector.broadcast %shift_right_arithmetic3A_1398 : i32 to vector<16xi32>
        %shift_right_arithmetic3A_1400 = arith.shrsi %and3A_1388, %shift_right_arithmetic3A_1399 : vector<16xi32>
        %add3A_1401 = arith.constant 0 : i32
        %add3A_1402 = vector.broadcast %add3A_1401 : i32 to vector<16xi32>
        %add3A_1403 = arith.addi %and3A_1388, %add3A_1402 : vector<16xi32>
        %gather3A_1404 = tpu.vector_load_idx %arg11[%add3A_1087, %add3A_1403] : memref<512x32xf32, #tpu.memory_space<vmem>>[vector<16xi32>, vector<16xi32>], vector<16xf32>,
        %gather3A_1405 = tpu.vector_load_idx %arg13[%add3A_1087, %add3A_1403] : memref<512x32xf32, #tpu.memory_space<vmem>>[vector<16xi32>, vector<16xi32>], vector<16xf32>,
        %add3A_1406 = arith.constant 0 : i32
        %add3A_1407 = vector.broadcast %add3A_1406 : i32 to vector<16xi32>
        %add3A_1408 = arith.addi %shift_right_arithmetic3A_1400, %add3A_1407 : vector<16xi32>
        %mul3A_1409 = arith.mulf %get3A_1083, %gather3A_1305 : vector<16xf32>
        %add3A_1410 = arith.addf %gather3A_1304, %mul3A_1409 : vector<16xf32>
        %max3A_1411 = arith.constant -1.000000e+00 : f32
        %max3A_1412 = vector.broadcast %max3A_1411 : f32 to vector<16xf32>
        %max3A_1413 = arith.maximumf %add3A_1410, %max3A_1412 : vector<16xf32>
        %min3A_1414 = arith.constant 1.000000e+00 : f32
        %min3A_1415 = vector.broadcast %min3A_1414 : f32 to vector<16xf32>
        %min3A_1416 = arith.minimumf %max3A_1413, %min3A_1415 : vector<16xf32>
        tpu.vector_store_idx %arg15[%add3A_1308, %add3A_1297], %min3A_1416 : memref<4x4096xf32, #tpu.memory_space<vmem>>[vector<16xi32>, vector<16xi32>], vector<16xf32>,
        %add3A_1417 = arith.constant 16 : i32
        %add3A_1418 = vector.broadcast %add3A_1417 : i32 to vector<16xi32>
        %add3A_1419 = arith.addi %and3A_1388, %add3A_1418 : vector<16xi32>
        %gather3A_1420 = tpu.vector_load_idx %arg11[%add3A_1087, %add3A_1419] : memref<512x32xf32, #tpu.memory_space<vmem>>[vector<16xi32>, vector<16xi32>], vector<16xf32>,
        %gather3A_1421 = tpu.vector_load_idx %arg13[%add3A_1087, %add3A_1419] : memref<512x32xf32, #tpu.memory_space<vmem>>[vector<16xi32>, vector<16xi32>], vector<16xf32>,
        %add3A_1422 = arith.constant 2 : i32
        %add3A_1423 = vector.broadcast %add3A_1422 : i32 to vector<16xi32>
        %add3A_1424 = arith.addi %shift_right_arithmetic3A_1400, %add3A_1423 : vector<16xi32>
        %mul3A_1425 = arith.mulf %get3A_1083, %gather3A_1321 : vector<16xf32>
        %add3A_1426 = arith.addf %gather3A_1320, %mul3A_1425 : vector<16xf32>
        %max3A_1427 = arith.constant -1.000000e+00 : f32
        %max3A_1428 = vector.broadcast %max3A_1427 : f32 to vector<16xf32>
        %max3A_1429 = arith.maximumf %add3A_1426, %max3A_1428 : vector<16xf32>
        %min3A_1430 = arith.constant 1.000000e+00 : f32
        %min3A_1431 = vector.broadcast %min3A_1430 : f32 to vector<16xf32>
        %min3A_1432 = arith.minimumf %max3A_1429, %min3A_1431 : vector<16xf32>
        tpu.vector_store_idx %arg15[%add3A_1324, %add3A_1297], %min3A_1432 : memref<4x4096xf32, #tpu.memory_space<vmem>>[vector<16xi32>, vector<16xi32>], vector<16xf32>,
        %add3A_1433 = arith.constant 6 : i32
        %add3A_1434 = vector.broadcast %add3A_1433 : i32 to vector<16xi32>
        %add3A_1435 = arith.addi %iota3A, %add3A_1434 : vector<16xi32>
        %and3A_1436 = arith.constant 15 : i32
        %and3A_1437 = vector.broadcast %and3A_1436 : i32 to vector<16xi32>
        %and3A_1438 = arith.andi %add3A_1435, %and3A_1437 : vector<16xi32>
        %and3A_1439 = arith.constant 7 : i32
        %and3A_1440 = vector.broadcast %and3A_1439 : i32 to vector<16xi32>
        %and3A_1441 = arith.andi %and3A_1438, %and3A_1440 : vector<16xi32>
        %shift_left3A_1442 = arith.constant 7 : i32
        %shift_left3A_1443 = vector.broadcast %shift_left3A_1442 : i32 to vector<16xi32>
        %shift_left3A_1444 = arith.shli %and3A_1441, %shift_left3A_1443 : vector<16xi32>
        %add3A_1445 = arith.addi %shift_left3A_1444, %iota3A : vector<16xi32>
        %add3A_1446 = vector.broadcast %add3A_1132 : i32 to vector<16xi32>
        %add3A_1447 = arith.addi %add3A_1445, %add3A_1446 : vector<16xi32>
        %shift_right_arithmetic3A_1448 = arith.constant 3 : i32
        %shift_right_arithmetic3A_1449 = vector.broadcast %shift_right_arithmetic3A_1448 : i32 to vector<16xi32>
        %shift_right_arithmetic3A_1450 = arith.shrsi %and3A_1438, %shift_right_arithmetic3A_1449 : vector<16xi32>
        %add3A_1451 = arith.constant 0 : i32
        %add3A_1452 = vector.broadcast %add3A_1451 : i32 to vector<16xi32>
        %add3A_1453 = arith.addi %and3A_1438, %add3A_1452 : vector<16xi32>
        %gather3A_1454 = tpu.vector_load_idx %arg11[%add3A_1087, %add3A_1453] : memref<512x32xf32, #tpu.memory_space<vmem>>[vector<16xi32>, vector<16xi32>], vector<16xf32>,
        %gather3A_1455 = tpu.vector_load_idx %arg13[%add3A_1087, %add3A_1453] : memref<512x32xf32, #tpu.memory_space<vmem>>[vector<16xi32>, vector<16xi32>], vector<16xf32>,
        %add3A_1456 = arith.constant 0 : i32
        %add3A_1457 = vector.broadcast %add3A_1456 : i32 to vector<16xi32>
        %add3A_1458 = arith.addi %shift_right_arithmetic3A_1450, %add3A_1457 : vector<16xi32>
        %mul3A_1459 = arith.mulf %get3A_1083, %gather3A_1355 : vector<16xf32>
        %add3A_1460 = arith.addf %gather3A_1354, %mul3A_1459 : vector<16xf32>
        %max3A_1461 = arith.constant -1.000000e+00 : f32
        %max3A_1462 = vector.broadcast %max3A_1461 : f32 to vector<16xf32>
        %max3A_1463 = arith.maximumf %add3A_1460, %max3A_1462 : vector<16xf32>
        %min3A_1464 = arith.constant 1.000000e+00 : f32
        %min3A_1465 = vector.broadcast %min3A_1464 : f32 to vector<16xf32>
        %min3A_1466 = arith.minimumf %max3A_1463, %min3A_1465 : vector<16xf32>
        tpu.vector_store_idx %arg15[%add3A_1358, %add3A_1347], %min3A_1466 : memref<4x4096xf32, #tpu.memory_space<vmem>>[vector<16xi32>, vector<16xi32>], vector<16xf32>,
        %add3A_1467 = arith.constant 16 : i32
        %add3A_1468 = vector.broadcast %add3A_1467 : i32 to vector<16xi32>
        %add3A_1469 = arith.addi %and3A_1438, %add3A_1468 : vector<16xi32>
        %gather3A_1470 = tpu.vector_load_idx %arg11[%add3A_1087, %add3A_1469] : memref<512x32xf32, #tpu.memory_space<vmem>>[vector<16xi32>, vector<16xi32>], vector<16xf32>,
        %gather3A_1471 = tpu.vector_load_idx %arg13[%add3A_1087, %add3A_1469] : memref<512x32xf32, #tpu.memory_space<vmem>>[vector<16xi32>, vector<16xi32>], vector<16xf32>,
        %add3A_1472 = arith.constant 2 : i32
        %add3A_1473 = vector.broadcast %add3A_1472 : i32 to vector<16xi32>
        %add3A_1474 = arith.addi %shift_right_arithmetic3A_1450, %add3A_1473 : vector<16xi32>
        %mul3A_1475 = arith.mulf %get3A_1083, %gather3A_1371 : vector<16xf32>
        %add3A_1476 = arith.addf %gather3A_1370, %mul3A_1475 : vector<16xf32>
        %max3A_1477 = arith.constant -1.000000e+00 : f32
        %max3A_1478 = vector.broadcast %max3A_1477 : f32 to vector<16xf32>
        %max3A_1479 = arith.maximumf %add3A_1476, %max3A_1478 : vector<16xf32>
        %min3A_1480 = arith.constant 1.000000e+00 : f32
        %min3A_1481 = vector.broadcast %min3A_1480 : f32 to vector<16xf32>
        %min3A_1482 = arith.minimumf %max3A_1479, %min3A_1481 : vector<16xf32>
        tpu.vector_store_idx %arg15[%add3A_1374, %add3A_1347], %min3A_1482 : memref<4x4096xf32, #tpu.memory_space<vmem>>[vector<16xi32>, vector<16xi32>], vector<16xf32>,
        %add3A_1483 = arith.constant 7 : i32
        %add3A_1484 = vector.broadcast %add3A_1483 : i32 to vector<16xi32>
        %add3A_1485 = arith.addi %iota3A, %add3A_1484 : vector<16xi32>
        %and3A_1486 = arith.constant 15 : i32
        %and3A_1487 = vector.broadcast %and3A_1486 : i32 to vector<16xi32>
        %and3A_1488 = arith.andi %add3A_1485, %and3A_1487 : vector<16xi32>
        %and3A_1489 = arith.constant 7 : i32
        %and3A_1490 = vector.broadcast %and3A_1489 : i32 to vector<16xi32>
        %and3A_1491 = arith.andi %and3A_1488, %and3A_1490 : vector<16xi32>
        %shift_left3A_1492 = arith.constant 7 : i32
        %shift_left3A_1493 = vector.broadcast %shift_left3A_1492 : i32 to vector<16xi32>
        %shift_left3A_1494 = arith.shli %and3A_1491, %shift_left3A_1493 : vector<16xi32>
        %add3A_1495 = arith.addi %shift_left3A_1494, %iota3A : vector<16xi32>
        %add3A_1496 = vector.broadcast %add3A_1132 : i32 to vector<16xi32>
        %add3A_1497 = arith.addi %add3A_1495, %add3A_1496 : vector<16xi32>
        %shift_right_arithmetic3A_1498 = arith.constant 3 : i32
        %shift_right_arithmetic3A_1499 = vector.broadcast %shift_right_arithmetic3A_1498 : i32 to vector<16xi32>
        %shift_right_arithmetic3A_1500 = arith.shrsi %and3A_1488, %shift_right_arithmetic3A_1499 : vector<16xi32>
        %add3A_1501 = arith.constant 0 : i32
        %add3A_1502 = vector.broadcast %add3A_1501 : i32 to vector<16xi32>
        %add3A_1503 = arith.addi %and3A_1488, %add3A_1502 : vector<16xi32>
        %gather3A_1504 = tpu.vector_load_idx %arg11[%add3A_1087, %add3A_1503] : memref<512x32xf32, #tpu.memory_space<vmem>>[vector<16xi32>, vector<16xi32>], vector<16xf32>,
        %gather3A_1505 = tpu.vector_load_idx %arg13[%add3A_1087, %add3A_1503] : memref<512x32xf32, #tpu.memory_space<vmem>>[vector<16xi32>, vector<16xi32>], vector<16xf32>,
        %add3A_1506 = arith.constant 0 : i32
        %add3A_1507 = vector.broadcast %add3A_1506 : i32 to vector<16xi32>
        %add3A_1508 = arith.addi %shift_right_arithmetic3A_1500, %add3A_1507 : vector<16xi32>
        %mul3A_1509 = arith.mulf %get3A_1083, %gather3A_1405 : vector<16xf32>
        %add3A_1510 = arith.addf %gather3A_1404, %mul3A_1509 : vector<16xf32>
        %max3A_1511 = arith.constant -1.000000e+00 : f32
        %max3A_1512 = vector.broadcast %max3A_1511 : f32 to vector<16xf32>
        %max3A_1513 = arith.maximumf %add3A_1510, %max3A_1512 : vector<16xf32>
        %min3A_1514 = arith.constant 1.000000e+00 : f32
        %min3A_1515 = vector.broadcast %min3A_1514 : f32 to vector<16xf32>
        %min3A_1516 = arith.minimumf %max3A_1513, %min3A_1515 : vector<16xf32>
        tpu.vector_store_idx %arg15[%add3A_1408, %add3A_1397], %min3A_1516 : memref<4x4096xf32, #tpu.memory_space<vmem>>[vector<16xi32>, vector<16xi32>], vector<16xf32>,
        %add3A_1517 = arith.constant 16 : i32
        %add3A_1518 = vector.broadcast %add3A_1517 : i32 to vector<16xi32>
        %add3A_1519 = arith.addi %and3A_1488, %add3A_1518 : vector<16xi32>
        %gather3A_1520 = tpu.vector_load_idx %arg11[%add3A_1087, %add3A_1519] : memref<512x32xf32, #tpu.memory_space<vmem>>[vector<16xi32>, vector<16xi32>], vector<16xf32>,
        %gather3A_1521 = tpu.vector_load_idx %arg13[%add3A_1087, %add3A_1519] : memref<512x32xf32, #tpu.memory_space<vmem>>[vector<16xi32>, vector<16xi32>], vector<16xf32>,
        %add3A_1522 = arith.constant 2 : i32
        %add3A_1523 = vector.broadcast %add3A_1522 : i32 to vector<16xi32>
        %add3A_1524 = arith.addi %shift_right_arithmetic3A_1500, %add3A_1523 : vector<16xi32>
        %mul3A_1525 = arith.mulf %get3A_1083, %gather3A_1421 : vector<16xf32>
        %add3A_1526 = arith.addf %gather3A_1420, %mul3A_1525 : vector<16xf32>
        %max3A_1527 = arith.constant -1.000000e+00 : f32
        %max3A_1528 = vector.broadcast %max3A_1527 : f32 to vector<16xf32>
        %max3A_1529 = arith.maximumf %add3A_1526, %max3A_1528 : vector<16xf32>
        %min3A_1530 = arith.constant 1.000000e+00 : f32
        %min3A_1531 = vector.broadcast %min3A_1530 : f32 to vector<16xf32>
        %min3A_1532 = arith.minimumf %max3A_1529, %min3A_1531 : vector<16xf32>
        tpu.vector_store_idx %arg15[%add3A_1424, %add3A_1397], %min3A_1532 : memref<4x4096xf32, #tpu.memory_space<vmem>>[vector<16xi32>, vector<16xi32>], vector<16xf32>,
        %add3A_1533 = arith.constant 8 : i32
        %add3A_1534 = vector.broadcast %add3A_1533 : i32 to vector<16xi32>
        %add3A_1535 = arith.addi %iota3A, %add3A_1534 : vector<16xi32>
        %and3A_1536 = arith.constant 15 : i32
        %and3A_1537 = vector.broadcast %and3A_1536 : i32 to vector<16xi32>
        %and3A_1538 = arith.andi %add3A_1535, %and3A_1537 : vector<16xi32>
        %and3A_1539 = arith.constant 7 : i32
        %and3A_1540 = vector.broadcast %and3A_1539 : i32 to vector<16xi32>
        %and3A_1541 = arith.andi %and3A_1538, %and3A_1540 : vector<16xi32>
        %shift_left3A_1542 = arith.constant 7 : i32
        %shift_left3A_1543 = vector.broadcast %shift_left3A_1542 : i32 to vector<16xi32>
        %shift_left3A_1544 = arith.shli %and3A_1541, %shift_left3A_1543 : vector<16xi32>
        %add3A_1545 = arith.addi %shift_left3A_1544, %iota3A : vector<16xi32>
        %add3A_1546 = vector.broadcast %add3A_1132 : i32 to vector<16xi32>
        %add3A_1547 = arith.addi %add3A_1545, %add3A_1546 : vector<16xi32>
        %shift_right_arithmetic3A_1548 = arith.constant 3 : i32
        %shift_right_arithmetic3A_1549 = vector.broadcast %shift_right_arithmetic3A_1548 : i32 to vector<16xi32>
        %shift_right_arithmetic3A_1550 = arith.shrsi %and3A_1538, %shift_right_arithmetic3A_1549 : vector<16xi32>
        %add3A_1551 = arith.constant 0 : i32
        %add3A_1552 = vector.broadcast %add3A_1551 : i32 to vector<16xi32>
        %add3A_1553 = arith.addi %and3A_1538, %add3A_1552 : vector<16xi32>
        %gather3A_1554 = tpu.vector_load_idx %arg11[%add3A_1087, %add3A_1553] : memref<512x32xf32, #tpu.memory_space<vmem>>[vector<16xi32>, vector<16xi32>], vector<16xf32>,
        %gather3A_1555 = tpu.vector_load_idx %arg13[%add3A_1087, %add3A_1553] : memref<512x32xf32, #tpu.memory_space<vmem>>[vector<16xi32>, vector<16xi32>], vector<16xf32>,
        %add3A_1556 = arith.constant 0 : i32
        %add3A_1557 = vector.broadcast %add3A_1556 : i32 to vector<16xi32>
        %add3A_1558 = arith.addi %shift_right_arithmetic3A_1550, %add3A_1557 : vector<16xi32>
        %mul3A_1559 = arith.mulf %get3A_1083, %gather3A_1455 : vector<16xf32>
        %add3A_1560 = arith.addf %gather3A_1454, %mul3A_1559 : vector<16xf32>
        %max3A_1561 = arith.constant -1.000000e+00 : f32
        %max3A_1562 = vector.broadcast %max3A_1561 : f32 to vector<16xf32>
        %max3A_1563 = arith.maximumf %add3A_1560, %max3A_1562 : vector<16xf32>
        %min3A_1564 = arith.constant 1.000000e+00 : f32
        %min3A_1565 = vector.broadcast %min3A_1564 : f32 to vector<16xf32>
        %min3A_1566 = arith.minimumf %max3A_1563, %min3A_1565 : vector<16xf32>
        tpu.vector_store_idx %arg15[%add3A_1458, %add3A_1447], %min3A_1566 : memref<4x4096xf32, #tpu.memory_space<vmem>>[vector<16xi32>, vector<16xi32>], vector<16xf32>,
        %add3A_1567 = arith.constant 16 : i32
        %add3A_1568 = vector.broadcast %add3A_1567 : i32 to vector<16xi32>
        %add3A_1569 = arith.addi %and3A_1538, %add3A_1568 : vector<16xi32>
        %gather3A_1570 = tpu.vector_load_idx %arg11[%add3A_1087, %add3A_1569] : memref<512x32xf32, #tpu.memory_space<vmem>>[vector<16xi32>, vector<16xi32>], vector<16xf32>,
        %gather3A_1571 = tpu.vector_load_idx %arg13[%add3A_1087, %add3A_1569] : memref<512x32xf32, #tpu.memory_space<vmem>>[vector<16xi32>, vector<16xi32>], vector<16xf32>,
        %add3A_1572 = arith.constant 2 : i32
        %add3A_1573 = vector.broadcast %add3A_1572 : i32 to vector<16xi32>
        %add3A_1574 = arith.addi %shift_right_arithmetic3A_1550, %add3A_1573 : vector<16xi32>
        %mul3A_1575 = arith.mulf %get3A_1083, %gather3A_1471 : vector<16xf32>
        %add3A_1576 = arith.addf %gather3A_1470, %mul3A_1575 : vector<16xf32>
        %max3A_1577 = arith.constant -1.000000e+00 : f32
        %max3A_1578 = vector.broadcast %max3A_1577 : f32 to vector<16xf32>
        %max3A_1579 = arith.maximumf %add3A_1576, %max3A_1578 : vector<16xf32>
        %min3A_1580 = arith.constant 1.000000e+00 : f32
        %min3A_1581 = vector.broadcast %min3A_1580 : f32 to vector<16xf32>
        %min3A_1582 = arith.minimumf %max3A_1579, %min3A_1581 : vector<16xf32>
        tpu.vector_store_idx %arg15[%add3A_1474, %add3A_1447], %min3A_1582 : memref<4x4096xf32, #tpu.memory_space<vmem>>[vector<16xi32>, vector<16xi32>], vector<16xf32>,
        %add3A_1583 = arith.constant 9 : i32
        %add3A_1584 = vector.broadcast %add3A_1583 : i32 to vector<16xi32>
        %add3A_1585 = arith.addi %iota3A, %add3A_1584 : vector<16xi32>
        %and3A_1586 = arith.constant 15 : i32
        %and3A_1587 = vector.broadcast %and3A_1586 : i32 to vector<16xi32>
        %and3A_1588 = arith.andi %add3A_1585, %and3A_1587 : vector<16xi32>
        %and3A_1589 = arith.constant 7 : i32
        %and3A_1590 = vector.broadcast %and3A_1589 : i32 to vector<16xi32>
        %and3A_1591 = arith.andi %and3A_1588, %and3A_1590 : vector<16xi32>
        %shift_left3A_1592 = arith.constant 7 : i32
        %shift_left3A_1593 = vector.broadcast %shift_left3A_1592 : i32 to vector<16xi32>
        %shift_left3A_1594 = arith.shli %and3A_1591, %shift_left3A_1593 : vector<16xi32>
        %add3A_1595 = arith.addi %shift_left3A_1594, %iota3A : vector<16xi32>
        %add3A_1596 = vector.broadcast %add3A_1132 : i32 to vector<16xi32>
        %add3A_1597 = arith.addi %add3A_1595, %add3A_1596 : vector<16xi32>
        %shift_right_arithmetic3A_1598 = arith.constant 3 : i32
        %shift_right_arithmetic3A_1599 = vector.broadcast %shift_right_arithmetic3A_1598 : i32 to vector<16xi32>
        %shift_right_arithmetic3A_1600 = arith.shrsi %and3A_1588, %shift_right_arithmetic3A_1599 : vector<16xi32>
        %add3A_1601 = arith.constant 0 : i32
        %add3A_1602 = vector.broadcast %add3A_1601 : i32 to vector<16xi32>
        %add3A_1603 = arith.addi %and3A_1588, %add3A_1602 : vector<16xi32>
        %gather3A_1604 = tpu.vector_load_idx %arg11[%add3A_1087, %add3A_1603] : memref<512x32xf32, #tpu.memory_space<vmem>>[vector<16xi32>, vector<16xi32>], vector<16xf32>,
        %gather3A_1605 = tpu.vector_load_idx %arg13[%add3A_1087, %add3A_1603] : memref<512x32xf32, #tpu.memory_space<vmem>>[vector<16xi32>, vector<16xi32>], vector<16xf32>,
        %add3A_1606 = arith.constant 0 : i32
        %add3A_1607 = vector.broadcast %add3A_1606 : i32 to vector<16xi32>
        %add3A_1608 = arith.addi %shift_right_arithmetic3A_1600, %add3A_1607 : vector<16xi32>
        %mul3A_1609 = arith.mulf %get3A_1083, %gather3A_1505 : vector<16xf32>
        %add3A_1610 = arith.addf %gather3A_1504, %mul3A_1609 : vector<16xf32>
        %max3A_1611 = arith.constant -1.000000e+00 : f32
        %max3A_1612 = vector.broadcast %max3A_1611 : f32 to vector<16xf32>
        %max3A_1613 = arith.maximumf %add3A_1610, %max3A_1612 : vector<16xf32>
        %min3A_1614 = arith.constant 1.000000e+00 : f32
        %min3A_1615 = vector.broadcast %min3A_1614 : f32 to vector<16xf32>
        %min3A_1616 = arith.minimumf %max3A_1613, %min3A_1615 : vector<16xf32>
        tpu.vector_store_idx %arg15[%add3A_1508, %add3A_1497], %min3A_1616 : memref<4x4096xf32, #tpu.memory_space<vmem>>[vector<16xi32>, vector<16xi32>], vector<16xf32>,
        %add3A_1617 = arith.constant 16 : i32
        %add3A_1618 = vector.broadcast %add3A_1617 : i32 to vector<16xi32>
        %add3A_1619 = arith.addi %and3A_1588, %add3A_1618 : vector<16xi32>
        %gather3A_1620 = tpu.vector_load_idx %arg11[%add3A_1087, %add3A_1619] : memref<512x32xf32, #tpu.memory_space<vmem>>[vector<16xi32>, vector<16xi32>], vector<16xf32>,
        %gather3A_1621 = tpu.vector_load_idx %arg13[%add3A_1087, %add3A_1619] : memref<512x32xf32, #tpu.memory_space<vmem>>[vector<16xi32>, vector<16xi32>], vector<16xf32>,
        %add3A_1622 = arith.constant 2 : i32
        %add3A_1623 = vector.broadcast %add3A_1622 : i32 to vector<16xi32>
        %add3A_1624 = arith.addi %shift_right_arithmetic3A_1600, %add3A_1623 : vector<16xi32>
        %mul3A_1625 = arith.mulf %get3A_1083, %gather3A_1521 : vector<16xf32>
        %add3A_1626 = arith.addf %gather3A_1520, %mul3A_1625 : vector<16xf32>
        %max3A_1627 = arith.constant -1.000000e+00 : f32
        %max3A_1628 = vector.broadcast %max3A_1627 : f32 to vector<16xf32>
        %max3A_1629 = arith.maximumf %add3A_1626, %max3A_1628 : vector<16xf32>
        %min3A_1630 = arith.constant 1.000000e+00 : f32
        %min3A_1631 = vector.broadcast %min3A_1630 : f32 to vector<16xf32>
        %min3A_1632 = arith.minimumf %max3A_1629, %min3A_1631 : vector<16xf32>
        tpu.vector_store_idx %arg15[%add3A_1524, %add3A_1497], %min3A_1632 : memref<4x4096xf32, #tpu.memory_space<vmem>>[vector<16xi32>, vector<16xi32>], vector<16xf32>,
        %add3A_1633 = arith.constant 10 : i32
        %add3A_1634 = vector.broadcast %add3A_1633 : i32 to vector<16xi32>
        %add3A_1635 = arith.addi %iota3A, %add3A_1634 : vector<16xi32>
        %and3A_1636 = arith.constant 15 : i32
        %and3A_1637 = vector.broadcast %and3A_1636 : i32 to vector<16xi32>
        %and3A_1638 = arith.andi %add3A_1635, %and3A_1637 : vector<16xi32>
        %and3A_1639 = arith.constant 7 : i32
        %and3A_1640 = vector.broadcast %and3A_1639 : i32 to vector<16xi32>
        %and3A_1641 = arith.andi %and3A_1638, %and3A_1640 : vector<16xi32>
        %shift_left3A_1642 = arith.constant 7 : i32
        %shift_left3A_1643 = vector.broadcast %shift_left3A_1642 : i32 to vector<16xi32>
        %shift_left3A_1644 = arith.shli %and3A_1641, %shift_left3A_1643 : vector<16xi32>
        %add3A_1645 = arith.addi %shift_left3A_1644, %iota3A : vector<16xi32>
        %add3A_1646 = vector.broadcast %add3A_1132 : i32 to vector<16xi32>
        %add3A_1647 = arith.addi %add3A_1645, %add3A_1646 : vector<16xi32>
        %shift_right_arithmetic3A_1648 = arith.constant 3 : i32
        %shift_right_arithmetic3A_1649 = vector.broadcast %shift_right_arithmetic3A_1648 : i32 to vector<16xi32>
        %shift_right_arithmetic3A_1650 = arith.shrsi %and3A_1638, %shift_right_arithmetic3A_1649 : vector<16xi32>
        %add3A_1651 = arith.constant 0 : i32
        %add3A_1652 = vector.broadcast %add3A_1651 : i32 to vector<16xi32>
        %add3A_1653 = arith.addi %and3A_1638, %add3A_1652 : vector<16xi32>
        %gather3A_1654 = tpu.vector_load_idx %arg11[%add3A_1087, %add3A_1653] : memref<512x32xf32, #tpu.memory_space<vmem>>[vector<16xi32>, vector<16xi32>], vector<16xf32>,
        %gather3A_1655 = tpu.vector_load_idx %arg13[%add3A_1087, %add3A_1653] : memref<512x32xf32, #tpu.memory_space<vmem>>[vector<16xi32>, vector<16xi32>], vector<16xf32>,
        %add3A_1656 = arith.constant 0 : i32
        %add3A_1657 = vector.broadcast %add3A_1656 : i32 to vector<16xi32>
        %add3A_1658 = arith.addi %shift_right_arithmetic3A_1650, %add3A_1657 : vector<16xi32>
        %mul3A_1659 = arith.mulf %get3A_1083, %gather3A_1555 : vector<16xf32>
        %add3A_1660 = arith.addf %gather3A_1554, %mul3A_1659 : vector<16xf32>
        %max3A_1661 = arith.constant -1.000000e+00 : f32
        %max3A_1662 = vector.broadcast %max3A_1661 : f32 to vector<16xf32>
        %max3A_1663 = arith.maximumf %add3A_1660, %max3A_1662 : vector<16xf32>
        %min3A_1664 = arith.constant 1.000000e+00 : f32
        %min3A_1665 = vector.broadcast %min3A_1664 : f32 to vector<16xf32>
        %min3A_1666 = arith.minimumf %max3A_1663, %min3A_1665 : vector<16xf32>
        tpu.vector_store_idx %arg15[%add3A_1558, %add3A_1547], %min3A_1666 : memref<4x4096xf32, #tpu.memory_space<vmem>>[vector<16xi32>, vector<16xi32>], vector<16xf32>,
        %add3A_1667 = arith.constant 16 : i32
        %add3A_1668 = vector.broadcast %add3A_1667 : i32 to vector<16xi32>
        %add3A_1669 = arith.addi %and3A_1638, %add3A_1668 : vector<16xi32>
        %gather3A_1670 = tpu.vector_load_idx %arg11[%add3A_1087, %add3A_1669] : memref<512x32xf32, #tpu.memory_space<vmem>>[vector<16xi32>, vector<16xi32>], vector<16xf32>,
        %gather3A_1671 = tpu.vector_load_idx %arg13[%add3A_1087, %add3A_1669] : memref<512x32xf32, #tpu.memory_space<vmem>>[vector<16xi32>, vector<16xi32>], vector<16xf32>,
        %add3A_1672 = arith.constant 2 : i32
        %add3A_1673 = vector.broadcast %add3A_1672 : i32 to vector<16xi32>
        %add3A_1674 = arith.addi %shift_right_arithmetic3A_1650, %add3A_1673 : vector<16xi32>
        %mul3A_1675 = arith.mulf %get3A_1083, %gather3A_1571 : vector<16xf32>
        %add3A_1676 = arith.addf %gather3A_1570, %mul3A_1675 : vector<16xf32>
        %max3A_1677 = arith.constant -1.000000e+00 : f32
        %max3A_1678 = vector.broadcast %max3A_1677 : f32 to vector<16xf32>
        %max3A_1679 = arith.maximumf %add3A_1676, %max3A_1678 : vector<16xf32>
        %min3A_1680 = arith.constant 1.000000e+00 : f32
        %min3A_1681 = vector.broadcast %min3A_1680 : f32 to vector<16xf32>
        %min3A_1682 = arith.minimumf %max3A_1679, %min3A_1681 : vector<16xf32>
        tpu.vector_store_idx %arg15[%add3A_1574, %add3A_1547], %min3A_1682 : memref<4x4096xf32, #tpu.memory_space<vmem>>[vector<16xi32>, vector<16xi32>], vector<16xf32>,
        %add3A_1683 = arith.constant 11 : i32
        %add3A_1684 = vector.broadcast %add3A_1683 : i32 to vector<16xi32>
        %add3A_1685 = arith.addi %iota3A, %add3A_1684 : vector<16xi32>
        %and3A_1686 = arith.constant 15 : i32
        %and3A_1687 = vector.broadcast %and3A_1686 : i32 to vector<16xi32>
        %and3A_1688 = arith.andi %add3A_1685, %and3A_1687 : vector<16xi32>
        %and3A_1689 = arith.constant 7 : i32
        %and3A_1690 = vector.broadcast %and3A_1689 : i32 to vector<16xi32>
        %and3A_1691 = arith.andi %and3A_1688, %and3A_1690 : vector<16xi32>
        %shift_left3A_1692 = arith.constant 7 : i32
        %shift_left3A_1693 = vector.broadcast %shift_left3A_1692 : i32 to vector<16xi32>
        %shift_left3A_1694 = arith.shli %and3A_1691, %shift_left3A_1693 : vector<16xi32>
        %add3A_1695 = arith.addi %shift_left3A_1694, %iota3A : vector<16xi32>
        %add3A_1696 = vector.broadcast %add3A_1132 : i32 to vector<16xi32>
        %add3A_1697 = arith.addi %add3A_1695, %add3A_1696 : vector<16xi32>
        %shift_right_arithmetic3A_1698 = arith.constant 3 : i32
        %shift_right_arithmetic3A_1699 = vector.broadcast %shift_right_arithmetic3A_1698 : i32 to vector<16xi32>
        %shift_right_arithmetic3A_1700 = arith.shrsi %and3A_1688, %shift_right_arithmetic3A_1699 : vector<16xi32>
        %add3A_1701 = arith.constant 0 : i32
        %add3A_1702 = vector.broadcast %add3A_1701 : i32 to vector<16xi32>
        %add3A_1703 = arith.addi %and3A_1688, %add3A_1702 : vector<16xi32>
        %gather3A_1704 = tpu.vector_load_idx %arg11[%add3A_1087, %add3A_1703] : memref<512x32xf32, #tpu.memory_space<vmem>>[vector<16xi32>, vector<16xi32>], vector<16xf32>,
        %gather3A_1705 = tpu.vector_load_idx %arg13[%add3A_1087, %add3A_1703] : memref<512x32xf32, #tpu.memory_space<vmem>>[vector<16xi32>, vector<16xi32>], vector<16xf32>,
        %add3A_1706 = arith.constant 0 : i32
        %add3A_1707 = vector.broadcast %add3A_1706 : i32 to vector<16xi32>
        %add3A_1708 = arith.addi %shift_right_arithmetic3A_1700, %add3A_1707 : vector<16xi32>
        %mul3A_1709 = arith.mulf %get3A_1083, %gather3A_1605 : vector<16xf32>
        %add3A_1710 = arith.addf %gather3A_1604, %mul3A_1709 : vector<16xf32>
        %max3A_1711 = arith.constant -1.000000e+00 : f32
        %max3A_1712 = vector.broadcast %max3A_1711 : f32 to vector<16xf32>
        %max3A_1713 = arith.maximumf %add3A_1710, %max3A_1712 : vector<16xf32>
        %min3A_1714 = arith.constant 1.000000e+00 : f32
        %min3A_1715 = vector.broadcast %min3A_1714 : f32 to vector<16xf32>
        %min3A_1716 = arith.minimumf %max3A_1713, %min3A_1715 : vector<16xf32>
        tpu.vector_store_idx %arg15[%add3A_1608, %add3A_1597], %min3A_1716 : memref<4x4096xf32, #tpu.memory_space<vmem>>[vector<16xi32>, vector<16xi32>], vector<16xf32>,
        %add3A_1717 = arith.constant 16 : i32
        %add3A_1718 = vector.broadcast %add3A_1717 : i32 to vector<16xi32>
        %add3A_1719 = arith.addi %and3A_1688, %add3A_1718 : vector<16xi32>
        %gather3A_1720 = tpu.vector_load_idx %arg11[%add3A_1087, %add3A_1719] : memref<512x32xf32, #tpu.memory_space<vmem>>[vector<16xi32>, vector<16xi32>], vector<16xf32>,
        %gather3A_1721 = tpu.vector_load_idx %arg13[%add3A_1087, %add3A_1719] : memref<512x32xf32, #tpu.memory_space<vmem>>[vector<16xi32>, vector<16xi32>], vector<16xf32>,
        %add3A_1722 = arith.constant 2 : i32
        %add3A_1723 = vector.broadcast %add3A_1722 : i32 to vector<16xi32>
        %add3A_1724 = arith.addi %shift_right_arithmetic3A_1700, %add3A_1723 : vector<16xi32>
        %mul3A_1725 = arith.mulf %get3A_1083, %gather3A_1621 : vector<16xf32>
        %add3A_1726 = arith.addf %gather3A_1620, %mul3A_1725 : vector<16xf32>
        %max3A_1727 = arith.constant -1.000000e+00 : f32
        %max3A_1728 = vector.broadcast %max3A_1727 : f32 to vector<16xf32>
        %max3A_1729 = arith.maximumf %add3A_1726, %max3A_1728 : vector<16xf32>
        %min3A_1730 = arith.constant 1.000000e+00 : f32
        %min3A_1731 = vector.broadcast %min3A_1730 : f32 to vector<16xf32>
        %min3A_1732 = arith.minimumf %max3A_1729, %min3A_1731 : vector<16xf32>
        tpu.vector_store_idx %arg15[%add3A_1624, %add3A_1597], %min3A_1732 : memref<4x4096xf32, #tpu.memory_space<vmem>>[vector<16xi32>, vector<16xi32>], vector<16xf32>,
        %add3A_1733 = arith.constant 12 : i32
        %add3A_1734 = vector.broadcast %add3A_1733 : i32 to vector<16xi32>
        %add3A_1735 = arith.addi %iota3A, %add3A_1734 : vector<16xi32>
        %and3A_1736 = arith.constant 15 : i32
        %and3A_1737 = vector.broadcast %and3A_1736 : i32 to vector<16xi32>
        %and3A_1738 = arith.andi %add3A_1735, %and3A_1737 : vector<16xi32>
        %and3A_1739 = arith.constant 7 : i32
        %and3A_1740 = vector.broadcast %and3A_1739 : i32 to vector<16xi32>
        %and3A_1741 = arith.andi %and3A_1738, %and3A_1740 : vector<16xi32>
        %shift_left3A_1742 = arith.constant 7 : i32
        %shift_left3A_1743 = vector.broadcast %shift_left3A_1742 : i32 to vector<16xi32>
        %shift_left3A_1744 = arith.shli %and3A_1741, %shift_left3A_1743 : vector<16xi32>
        %add3A_1745 = arith.addi %shift_left3A_1744, %iota3A : vector<16xi32>
        %add3A_1746 = vector.broadcast %add3A_1132 : i32 to vector<16xi32>
        %add3A_1747 = arith.addi %add3A_1745, %add3A_1746 : vector<16xi32>
        %shift_right_arithmetic3A_1748 = arith.constant 3 : i32
        %shift_right_arithmetic3A_1749 = vector.broadcast %shift_right_arithmetic3A_1748 : i32 to vector<16xi32>
        %shift_right_arithmetic3A_1750 = arith.shrsi %and3A_1738, %shift_right_arithmetic3A_1749 : vector<16xi32>
        %add3A_1751 = arith.constant 0 : i32
        %add3A_1752 = vector.broadcast %add3A_1751 : i32 to vector<16xi32>
        %add3A_1753 = arith.addi %and3A_1738, %add3A_1752 : vector<16xi32>
        %gather3A_1754 = tpu.vector_load_idx %arg11[%add3A_1087, %add3A_1753] : memref<512x32xf32, #tpu.memory_space<vmem>>[vector<16xi32>, vector<16xi32>], vector<16xf32>,
        %gather3A_1755 = tpu.vector_load_idx %arg13[%add3A_1087, %add3A_1753] : memref<512x32xf32, #tpu.memory_space<vmem>>[vector<16xi32>, vector<16xi32>], vector<16xf32>,
        %add3A_1756 = arith.constant 0 : i32
        %add3A_1757 = vector.broadcast %add3A_1756 : i32 to vector<16xi32>
        %add3A_1758 = arith.addi %shift_right_arithmetic3A_1750, %add3A_1757 : vector<16xi32>
        %mul3A_1759 = arith.mulf %get3A_1083, %gather3A_1655 : vector<16xf32>
        %add3A_1760 = arith.addf %gather3A_1654, %mul3A_1759 : vector<16xf32>
        %max3A_1761 = arith.constant -1.000000e+00 : f32
        %max3A_1762 = vector.broadcast %max3A_1761 : f32 to vector<16xf32>
        %max3A_1763 = arith.maximumf %add3A_1760, %max3A_1762 : vector<16xf32>
        %min3A_1764 = arith.constant 1.000000e+00 : f32
        %min3A_1765 = vector.broadcast %min3A_1764 : f32 to vector<16xf32>
        %min3A_1766 = arith.minimumf %max3A_1763, %min3A_1765 : vector<16xf32>
        tpu.vector_store_idx %arg15[%add3A_1658, %add3A_1647], %min3A_1766 : memref<4x4096xf32, #tpu.memory_space<vmem>>[vector<16xi32>, vector<16xi32>], vector<16xf32>,
        %add3A_1767 = arith.constant 16 : i32
        %add3A_1768 = vector.broadcast %add3A_1767 : i32 to vector<16xi32>
        %add3A_1769 = arith.addi %and3A_1738, %add3A_1768 : vector<16xi32>
        %gather3A_1770 = tpu.vector_load_idx %arg11[%add3A_1087, %add3A_1769] : memref<512x32xf32, #tpu.memory_space<vmem>>[vector<16xi32>, vector<16xi32>], vector<16xf32>,
        %gather3A_1771 = tpu.vector_load_idx %arg13[%add3A_1087, %add3A_1769] : memref<512x32xf32, #tpu.memory_space<vmem>>[vector<16xi32>, vector<16xi32>], vector<16xf32>,
        %add3A_1772 = arith.constant 2 : i32
        %add3A_1773 = vector.broadcast %add3A_1772 : i32 to vector<16xi32>
        %add3A_1774 = arith.addi %shift_right_arithmetic3A_1750, %add3A_1773 : vector<16xi32>
        %mul3A_1775 = arith.mulf %get3A_1083, %gather3A_1671 : vector<16xf32>
        %add3A_1776 = arith.addf %gather3A_1670, %mul3A_1775 : vector<16xf32>
        %max3A_1777 = arith.constant -1.000000e+00 : f32
        %max3A_1778 = vector.broadcast %max3A_1777 : f32 to vector<16xf32>
        %max3A_1779 = arith.maximumf %add3A_1776, %max3A_1778 : vector<16xf32>
        %min3A_1780 = arith.constant 1.000000e+00 : f32
        %min3A_1781 = vector.broadcast %min3A_1780 : f32 to vector<16xf32>
        %min3A_1782 = arith.minimumf %max3A_1779, %min3A_1781 : vector<16xf32>
        tpu.vector_store_idx %arg15[%add3A_1674, %add3A_1647], %min3A_1782 : memref<4x4096xf32, #tpu.memory_space<vmem>>[vector<16xi32>, vector<16xi32>], vector<16xf32>,
        %add3A_1783 = arith.constant 13 : i32
        %add3A_1784 = vector.broadcast %add3A_1783 : i32 to vector<16xi32>
        %add3A_1785 = arith.addi %iota3A, %add3A_1784 : vector<16xi32>
        %and3A_1786 = arith.constant 15 : i32
        %and3A_1787 = vector.broadcast %and3A_1786 : i32 to vector<16xi32>
        %and3A_1788 = arith.andi %add3A_1785, %and3A_1787 : vector<16xi32>
        %and3A_1789 = arith.constant 7 : i32
        %and3A_1790 = vector.broadcast %and3A_1789 : i32 to vector<16xi32>
        %and3A_1791 = arith.andi %and3A_1788, %and3A_1790 : vector<16xi32>
        %shift_left3A_1792 = arith.constant 7 : i32
        %shift_left3A_1793 = vector.broadcast %shift_left3A_1792 : i32 to vector<16xi32>
        %shift_left3A_1794 = arith.shli %and3A_1791, %shift_left3A_1793 : vector<16xi32>
        %add3A_1795 = arith.addi %shift_left3A_1794, %iota3A : vector<16xi32>
        %add3A_1796 = vector.broadcast %add3A_1132 : i32 to vector<16xi32>
        %add3A_1797 = arith.addi %add3A_1795, %add3A_1796 : vector<16xi32>
        %shift_right_arithmetic3A_1798 = arith.constant 3 : i32
        %shift_right_arithmetic3A_1799 = vector.broadcast %shift_right_arithmetic3A_1798 : i32 to vector<16xi32>
        %shift_right_arithmetic3A_1800 = arith.shrsi %and3A_1788, %shift_right_arithmetic3A_1799 : vector<16xi32>
        %add3A_1801 = arith.constant 0 : i32
        %add3A_1802 = vector.broadcast %add3A_1801 : i32 to vector<16xi32>
        %add3A_1803 = arith.addi %and3A_1788, %add3A_1802 : vector<16xi32>
        %gather3A_1804 = tpu.vector_load_idx %arg11[%add3A_1087, %add3A_1803] : memref<512x32xf32, #tpu.memory_space<vmem>>[vector<16xi32>, vector<16xi32>], vector<16xf32>,
        %gather3A_1805 = tpu.vector_load_idx %arg13[%add3A_1087, %add3A_1803] : memref<512x32xf32, #tpu.memory_space<vmem>>[vector<16xi32>, vector<16xi32>], vector<16xf32>,
        %add3A_1806 = arith.constant 0 : i32
        %add3A_1807 = vector.broadcast %add3A_1806 : i32 to vector<16xi32>
        %add3A_1808 = arith.addi %shift_right_arithmetic3A_1800, %add3A_1807 : vector<16xi32>
        %mul3A_1809 = arith.mulf %get3A_1083, %gather3A_1705 : vector<16xf32>
        %add3A_1810 = arith.addf %gather3A_1704, %mul3A_1809 : vector<16xf32>
        %max3A_1811 = arith.constant -1.000000e+00 : f32
        %max3A_1812 = vector.broadcast %max3A_1811 : f32 to vector<16xf32>
        %max3A_1813 = arith.maximumf %add3A_1810, %max3A_1812 : vector<16xf32>
        %min3A_1814 = arith.constant 1.000000e+00 : f32
        %min3A_1815 = vector.broadcast %min3A_1814 : f32 to vector<16xf32>
        %min3A_1816 = arith.minimumf %max3A_1813, %min3A_1815 : vector<16xf32>
        tpu.vector_store_idx %arg15[%add3A_1708, %add3A_1697], %min3A_1816 : memref<4x4096xf32, #tpu.memory_space<vmem>>[vector<16xi32>, vector<16xi32>], vector<16xf32>,
        %add3A_1817 = arith.constant 16 : i32
        %add3A_1818 = vector.broadcast %add3A_1817 : i32 to vector<16xi32>
        %add3A_1819 = arith.addi %and3A_1788, %add3A_1818 : vector<16xi32>
        %gather3A_1820 = tpu.vector_load_idx %arg11[%add3A_1087, %add3A_1819] : memref<512x32xf32, #tpu.memory_space<vmem>>[vector<16xi32>, vector<16xi32>], vector<16xf32>,
        %gather3A_1821 = tpu.vector_load_idx %arg13[%add3A_1087, %add3A_1819] : memref<512x32xf32, #tpu.memory_space<vmem>>[vector<16xi32>, vector<16xi32>], vector<16xf32>,
        %add3A_1822 = arith.constant 2 : i32
        %add3A_1823 = vector.broadcast %add3A_1822 : i32 to vector<16xi32>
        %add3A_1824 = arith.addi %shift_right_arithmetic3A_1800, %add3A_1823 : vector<16xi32>
        %mul3A_1825 = arith.mulf %get3A_1083, %gather3A_1721 : vector<16xf32>
        %add3A_1826 = arith.addf %gather3A_1720, %mul3A_1825 : vector<16xf32>
        %max3A_1827 = arith.constant -1.000000e+00 : f32
        %max3A_1828 = vector.broadcast %max3A_1827 : f32 to vector<16xf32>
        %max3A_1829 = arith.maximumf %add3A_1826, %max3A_1828 : vector<16xf32>
        %min3A_1830 = arith.constant 1.000000e+00 : f32
        %min3A_1831 = vector.broadcast %min3A_1830 : f32 to vector<16xf32>
        %min3A_1832 = arith.minimumf %max3A_1829, %min3A_1831 : vector<16xf32>
        tpu.vector_store_idx %arg15[%add3A_1724, %add3A_1697], %min3A_1832 : memref<4x4096xf32, #tpu.memory_space<vmem>>[vector<16xi32>, vector<16xi32>], vector<16xf32>,
        %add3A_1833 = arith.constant 14 : i32
        %add3A_1834 = vector.broadcast %add3A_1833 : i32 to vector<16xi32>
        %add3A_1835 = arith.addi %iota3A, %add3A_1834 : vector<16xi32>
        %and3A_1836 = arith.constant 15 : i32
        %and3A_1837 = vector.broadcast %and3A_1836 : i32 to vector<16xi32>
        %and3A_1838 = arith.andi %add3A_1835, %and3A_1837 : vector<16xi32>
        %and3A_1839 = arith.constant 7 : i32
        %and3A_1840 = vector.broadcast %and3A_1839 : i32 to vector<16xi32>
        %and3A_1841 = arith.andi %and3A_1838, %and3A_1840 : vector<16xi32>
        %shift_left3A_1842 = arith.constant 7 : i32
        %shift_left3A_1843 = vector.broadcast %shift_left3A_1842 : i32 to vector<16xi32>
        %shift_left3A_1844 = arith.shli %and3A_1841, %shift_left3A_1843 : vector<16xi32>
        %add3A_1845 = arith.addi %shift_left3A_1844, %iota3A : vector<16xi32>
        %add3A_1846 = vector.broadcast %add3A_1132 : i32 to vector<16xi32>
        %add3A_1847 = arith.addi %add3A_1845, %add3A_1846 : vector<16xi32>
        %shift_right_arithmetic3A_1848 = arith.constant 3 : i32
        %shift_right_arithmetic3A_1849 = vector.broadcast %shift_right_arithmetic3A_1848 : i32 to vector<16xi32>
        %shift_right_arithmetic3A_1850 = arith.shrsi %and3A_1838, %shift_right_arithmetic3A_1849 : vector<16xi32>
        %add3A_1851 = arith.constant 0 : i32
        %add3A_1852 = vector.broadcast %add3A_1851 : i32 to vector<16xi32>
        %add3A_1853 = arith.addi %and3A_1838, %add3A_1852 : vector<16xi32>
        %gather3A_1854 = tpu.vector_load_idx %arg11[%add3A_1087, %add3A_1853] : memref<512x32xf32, #tpu.memory_space<vmem>>[vector<16xi32>, vector<16xi32>], vector<16xf32>,
        %gather3A_1855 = tpu.vector_load_idx %arg13[%add3A_1087, %add3A_1853] : memref<512x32xf32, #tpu.memory_space<vmem>>[vector<16xi32>, vector<16xi32>], vector<16xf32>,
        %add3A_1856 = arith.constant 0 : i32
        %add3A_1857 = vector.broadcast %add3A_1856 : i32 to vector<16xi32>
        %add3A_1858 = arith.addi %shift_right_arithmetic3A_1850, %add3A_1857 : vector<16xi32>
        %mul3A_1859 = arith.mulf %get3A_1083, %gather3A_1755 : vector<16xf32>
        %add3A_1860 = arith.addf %gather3A_1754, %mul3A_1859 : vector<16xf32>
        %max3A_1861 = arith.constant -1.000000e+00 : f32
        %max3A_1862 = vector.broadcast %max3A_1861 : f32 to vector<16xf32>
        %max3A_1863 = arith.maximumf %add3A_1860, %max3A_1862 : vector<16xf32>
        %min3A_1864 = arith.constant 1.000000e+00 : f32
        %min3A_1865 = vector.broadcast %min3A_1864 : f32 to vector<16xf32>
        %min3A_1866 = arith.minimumf %max3A_1863, %min3A_1865 : vector<16xf32>
        tpu.vector_store_idx %arg15[%add3A_1758, %add3A_1747], %min3A_1866 : memref<4x4096xf32, #tpu.memory_space<vmem>>[vector<16xi32>, vector<16xi32>], vector<16xf32>,
        %add3A_1867 = arith.constant 16 : i32
        %add3A_1868 = vector.broadcast %add3A_1867 : i32 to vector<16xi32>
        %add3A_1869 = arith.addi %and3A_1838, %add3A_1868 : vector<16xi32>
        %gather3A_1870 = tpu.vector_load_idx %arg11[%add3A_1087, %add3A_1869] : memref<512x32xf32, #tpu.memory_space<vmem>>[vector<16xi32>, vector<16xi32>], vector<16xf32>,
        %gather3A_1871 = tpu.vector_load_idx %arg13[%add3A_1087, %add3A_1869] : memref<512x32xf32, #tpu.memory_space<vmem>>[vector<16xi32>, vector<16xi32>], vector<16xf32>,
        %add3A_1872 = arith.constant 2 : i32
        %add3A_1873 = vector.broadcast %add3A_1872 : i32 to vector<16xi32>
        %add3A_1874 = arith.addi %shift_right_arithmetic3A_1850, %add3A_1873 : vector<16xi32>
        %mul3A_1875 = arith.mulf %get3A_1083, %gather3A_1771 : vector<16xf32>
        %add3A_1876 = arith.addf %gather3A_1770, %mul3A_1875 : vector<16xf32>
        %max3A_1877 = arith.constant -1.000000e+00 : f32
        %max3A_1878 = vector.broadcast %max3A_1877 : f32 to vector<16xf32>
        %max3A_1879 = arith.maximumf %add3A_1876, %max3A_1878 : vector<16xf32>
        %min3A_1880 = arith.constant 1.000000e+00 : f32
        %min3A_1881 = vector.broadcast %min3A_1880 : f32 to vector<16xf32>
        %min3A_1882 = arith.minimumf %max3A_1879, %min3A_1881 : vector<16xf32>
        tpu.vector_store_idx %arg15[%add3A_1774, %add3A_1747], %min3A_1882 : memref<4x4096xf32, #tpu.memory_space<vmem>>[vector<16xi32>, vector<16xi32>], vector<16xf32>,
        %add3A_1883 = arith.constant 15 : i32
        %add3A_1884 = vector.broadcast %add3A_1883 : i32 to vector<16xi32>
        %add3A_1885 = arith.addi %iota3A, %add3A_1884 : vector<16xi32>
        %and3A_1886 = arith.constant 15 : i32
        %and3A_1887 = vector.broadcast %and3A_1886 : i32 to vector<16xi32>
        %and3A_1888 = arith.andi %add3A_1885, %and3A_1887 : vector<16xi32>
        %and3A_1889 = arith.constant 7 : i32
        %and3A_1890 = vector.broadcast %and3A_1889 : i32 to vector<16xi32>
        %and3A_1891 = arith.andi %and3A_1888, %and3A_1890 : vector<16xi32>
        %shift_left3A_1892 = arith.constant 7 : i32
        %shift_left3A_1893 = vector.broadcast %shift_left3A_1892 : i32 to vector<16xi32>
        %shift_left3A_1894 = arith.shli %and3A_1891, %shift_left3A_1893 : vector<16xi32>
        %add3A_1895 = arith.addi %shift_left3A_1894, %iota3A : vector<16xi32>
        %add3A_1896 = vector.broadcast %add3A_1132 : i32 to vector<16xi32>
        %add3A_1897 = arith.addi %add3A_1895, %add3A_1896 : vector<16xi32>
        %shift_right_arithmetic3A_1898 = arith.constant 3 : i32
        %shift_right_arithmetic3A_1899 = vector.broadcast %shift_right_arithmetic3A_1898 : i32 to vector<16xi32>
        %shift_right_arithmetic3A_1900 = arith.shrsi %and3A_1888, %shift_right_arithmetic3A_1899 : vector<16xi32>
        %add3A_1901 = arith.constant 0 : i32
        %add3A_1902 = vector.broadcast %add3A_1901 : i32 to vector<16xi32>
        %add3A_1903 = arith.addi %and3A_1888, %add3A_1902 : vector<16xi32>
        %gather3A_1904 = tpu.vector_load_idx %arg11[%add3A_1087, %add3A_1903] : memref<512x32xf32, #tpu.memory_space<vmem>>[vector<16xi32>, vector<16xi32>], vector<16xf32>,
        %gather3A_1905 = tpu.vector_load_idx %arg13[%add3A_1087, %add3A_1903] : memref<512x32xf32, #tpu.memory_space<vmem>>[vector<16xi32>, vector<16xi32>], vector<16xf32>,
        %add3A_1906 = arith.constant 0 : i32
        %add3A_1907 = vector.broadcast %add3A_1906 : i32 to vector<16xi32>
        %add3A_1908 = arith.addi %shift_right_arithmetic3A_1900, %add3A_1907 : vector<16xi32>
        %mul3A_1909 = arith.mulf %get3A_1083, %gather3A_1805 : vector<16xf32>
        %add3A_1910 = arith.addf %gather3A_1804, %mul3A_1909 : vector<16xf32>
        %max3A_1911 = arith.constant -1.000000e+00 : f32
        %max3A_1912 = vector.broadcast %max3A_1911 : f32 to vector<16xf32>
        %max3A_1913 = arith.maximumf %add3A_1910, %max3A_1912 : vector<16xf32>
        %min3A_1914 = arith.constant 1.000000e+00 : f32
        %min3A_1915 = vector.broadcast %min3A_1914 : f32 to vector<16xf32>
        %min3A_1916 = arith.minimumf %max3A_1913, %min3A_1915 : vector<16xf32>
        tpu.vector_store_idx %arg15[%add3A_1808, %add3A_1797], %min3A_1916 : memref<4x4096xf32, #tpu.memory_space<vmem>>[vector<16xi32>, vector<16xi32>], vector<16xf32>,
        %add3A_1917 = arith.constant 16 : i32
        %add3A_1918 = vector.broadcast %add3A_1917 : i32 to vector<16xi32>
        %add3A_1919 = arith.addi %and3A_1888, %add3A_1918 : vector<16xi32>
        %gather3A_1920 = tpu.vector_load_idx %arg11[%add3A_1087, %add3A_1919] : memref<512x32xf32, #tpu.memory_space<vmem>>[vector<16xi32>, vector<16xi32>], vector<16xf32>,
        %gather3A_1921 = tpu.vector_load_idx %arg13[%add3A_1087, %add3A_1919] : memref<512x32xf32, #tpu.memory_space<vmem>>[vector<16xi32>, vector<16xi32>], vector<16xf32>,
        %add3A_1922 = arith.constant 2 : i32
        %add3A_1923 = vector.broadcast %add3A_1922 : i32 to vector<16xi32>
        %add3A_1924 = arith.addi %shift_right_arithmetic3A_1900, %add3A_1923 : vector<16xi32>
        %mul3A_1925 = arith.mulf %get3A_1083, %gather3A_1821 : vector<16xf32>
        %add3A_1926 = arith.addf %gather3A_1820, %mul3A_1925 : vector<16xf32>
        %max3A_1927 = arith.constant -1.000000e+00 : f32
        %max3A_1928 = vector.broadcast %max3A_1927 : f32 to vector<16xf32>
        %max3A_1929 = arith.maximumf %add3A_1926, %max3A_1928 : vector<16xf32>
        %min3A_1930 = arith.constant 1.000000e+00 : f32
        %min3A_1931 = vector.broadcast %min3A_1930 : f32 to vector<16xf32>
        %min3A_1932 = arith.minimumf %max3A_1929, %min3A_1931 : vector<16xf32>
        tpu.vector_store_idx %arg15[%add3A_1824, %add3A_1797], %min3A_1932 : memref<4x4096xf32, #tpu.memory_space<vmem>>[vector<16xi32>, vector<16xi32>], vector<16xf32>,
        %mul3A_1933 = arith.mulf %get3A_1083, %gather3A_1855 : vector<16xf32>
        %add3A_1934 = arith.addf %gather3A_1854, %mul3A_1933 : vector<16xf32>
        %max3A_1935 = arith.constant -1.000000e+00 : f32
        %max3A_1936 = vector.broadcast %max3A_1935 : f32 to vector<16xf32>
        %max3A_1937 = arith.maximumf %add3A_1934, %max3A_1936 : vector<16xf32>
        %min3A_1938 = arith.constant 1.000000e+00 : f32
        %min3A_1939 = vector.broadcast %min3A_1938 : f32 to vector<16xf32>
        %min3A_1940 = arith.minimumf %max3A_1937, %min3A_1939 : vector<16xf32>
        tpu.vector_store_idx %arg15[%add3A_1858, %add3A_1847], %min3A_1940 : memref<4x4096xf32, #tpu.memory_space<vmem>>[vector<16xi32>, vector<16xi32>], vector<16xf32>,
        %mul3A_1941 = arith.mulf %get3A_1083, %gather3A_1871 : vector<16xf32>
        %add3A_1942 = arith.addf %gather3A_1870, %mul3A_1941 : vector<16xf32>
        %max3A_1943 = arith.constant -1.000000e+00 : f32
        %max3A_1944 = vector.broadcast %max3A_1943 : f32 to vector<16xf32>
        %max3A_1945 = arith.maximumf %add3A_1942, %max3A_1944 : vector<16xf32>
        %min3A_1946 = arith.constant 1.000000e+00 : f32
        %min3A_1947 = vector.broadcast %min3A_1946 : f32 to vector<16xf32>
        %min3A_1948 = arith.minimumf %max3A_1945, %min3A_1947 : vector<16xf32>
        tpu.vector_store_idx %arg15[%add3A_1874, %add3A_1847], %min3A_1948 : memref<4x4096xf32, #tpu.memory_space<vmem>>[vector<16xi32>, vector<16xi32>], vector<16xf32>,
        %mul3A_1949 = arith.mulf %get3A_1083, %gather3A_1905 : vector<16xf32>
        %add3A_1950 = arith.addf %gather3A_1904, %mul3A_1949 : vector<16xf32>
        %max3A_1951 = arith.constant -1.000000e+00 : f32
        %max3A_1952 = vector.broadcast %max3A_1951 : f32 to vector<16xf32>
        %max3A_1953 = arith.maximumf %add3A_1950, %max3A_1952 : vector<16xf32>
        %min3A_1954 = arith.constant 1.000000e+00 : f32
        %min3A_1955 = vector.broadcast %min3A_1954 : f32 to vector<16xf32>
        %min3A_1956 = arith.minimumf %max3A_1953, %min3A_1955 : vector<16xf32>
        tpu.vector_store_idx %arg15[%add3A_1908, %add3A_1897], %min3A_1956 : memref<4x4096xf32, #tpu.memory_space<vmem>>[vector<16xi32>, vector<16xi32>], vector<16xf32>,
        %mul3A_1957 = arith.mulf %get3A_1083, %gather3A_1921 : vector<16xf32>
        %add3A_1958 = arith.addf %gather3A_1920, %mul3A_1957 : vector<16xf32>
        %max3A_1959 = arith.constant -1.000000e+00 : f32
        %max3A_1960 = vector.broadcast %max3A_1959 : f32 to vector<16xf32>
        %max3A_1961 = arith.maximumf %add3A_1958, %max3A_1960 : vector<16xf32>
        %min3A_1962 = arith.constant 1.000000e+00 : f32
        %min3A_1963 = vector.broadcast %min3A_1962 : f32 to vector<16xf32>
        %min3A_1964 = arith.minimumf %max3A_1961, %min3A_1963 : vector<16xf32>
        tpu.vector_store_idx %arg15[%add3A_1924, %add3A_1897], %min3A_1964 : memref<4x4096xf32, #tpu.memory_space<vmem>>[vector<16xi32>, vector<16xi32>], vector<16xf32>,
        %scan3A_1965 = arith.constant 0 : i32
        scf.yield %scan3A_1965 : i32
      }
      %scan3A_151 = arith.constant 16 : i32
      %mul3A_152 = arith.constant 4096 : i32
      %mul3A_153 = arith.muli %sub3A_144, %mul3A_152 : i32
      %run_scoped3A = arith.constant 0 : i32
      %run_scoped3A_154 = arith.constant 0 : i32
      "tpu.region"() ({
        %run_scoped3A_256 = tpu.sem_alloc : memref<!tpu.dma_semaphore, #tpu.memory_space<semaphore_mem>>
        %dma_start3A_257 = arith.constant 0 : i32
        %dma_start3A_258 = tpu.memref_slice %arg15[%run_scoped3A, %dma_start3A_257] : memref<4x4096xf32, #tpu.memory_space<vmem>> -> memref<1x4096xf32, #tpu.memory_space<vmem>>
        %dma_start3A_259 = tpu.memref_squeeze %dma_start3A_258 : memref<1x4096xf32, #tpu.memory_space<vmem>> -> memref<4096xf32, #tpu.memory_space<vmem>>
        %dma_start3A_260 = tpu.memref_slice %arg6[%select_n3A, %run_scoped3A_154, %mul3A_153] : memref<200x4x32768xf32, #tpu.memory_space<hbm>> -> memref<1x1x4096xf32, #tpu.memory_space<hbm>>
        %dma_start3A_261 = tpu.memref_squeeze %dma_start3A_260 : memref<1x1x4096xf32, #tpu.memory_space<hbm>> -> memref<4096xf32, #tpu.memory_space<hbm>>
        %dma_start3A_262 = tpu.memref_slice %arg6[%select_n3A, %run_scoped3A_154, %mul3A_153] : memref<200x4x32768xf32, #tpu.memory_space<hbm>> -> memref<1x1x4096xf32, #tpu.memory_space<hbm>>
        %dma_start3A_263 = tpu.memref_squeeze %dma_start3A_262 : memref<1x1x4096xf32, #tpu.memory_space<hbm>> -> memref<4096xf32, #tpu.memory_space<hbm>>
        %dma_start3A_264 = arith.constant 0 : i32
        %dma_start3A_265 = tpu.memref_slice %arg15[%run_scoped3A, %dma_start3A_264] : memref<4x4096xf32, #tpu.memory_space<vmem>> -> memref<1x4096xf32, #tpu.memory_space<vmem>>
        %dma_start3A_266 = tpu.memref_squeeze %dma_start3A_265 : memref<1x4096xf32, #tpu.memory_space<vmem>> -> memref<4096xf32, #tpu.memory_space<vmem>>
        tpu.enqueue_dma source(%dma_start3A_266 : memref<4096xf32, #tpu.memory_space<vmem>>) target(%dma_start3A_263 : memref<4096xf32, #tpu.memory_space<hbm>>) target_semaphore(%run_scoped3A_256 : memref<!tpu.dma_semaphore, #tpu.memory_space<semaphore_mem>>)
        %dma_wait3A_267 = arith.constant 0 : i32
        %dma_wait3A_268 = tpu.memref_slice %arg15[%run_scoped3A, %dma_wait3A_267] : memref<4x4096xf32, #tpu.memory_space<vmem>> -> memref<1x4096xf32, #tpu.memory_space<vmem>>
        %dma_wait3A_269 = tpu.memref_squeeze %dma_wait3A_268 : memref<1x4096xf32, #tpu.memory_space<vmem>> -> memref<4096xf32, #tpu.memory_space<vmem>>
        %dma_wait3A_270 = tpu.memref_slice %arg6[%select_n3A, %run_scoped3A_154, %mul3A_153] : memref<200x4x32768xf32, #tpu.memory_space<hbm>> -> memref<1x1x4096xf32, #tpu.memory_space<hbm>>
        %dma_wait3A_271 = tpu.memref_squeeze %dma_wait3A_270 : memref<1x1x4096xf32, #tpu.memory_space<hbm>> -> memref<4096xf32, #tpu.memory_space<hbm>>
        %dma_wait3A_272 = tpu.memref_slice %arg6[%select_n3A, %run_scoped3A_154, %mul3A_153] : memref<200x4x32768xf32, #tpu.memory_space<hbm>> -> memref<1x1x4096xf32, #tpu.memory_space<hbm>>
        %dma_wait3A_273 = tpu.memref_squeeze %dma_wait3A_272 : memref<1x1x4096xf32, #tpu.memory_space<hbm>> -> memref<4096xf32, #tpu.memory_space<hbm>>
        %dma_wait3A_274 = arith.constant 0 : i32
        %dma_wait3A_275 = tpu.memref_slice %arg15[%run_scoped3A, %dma_wait3A_274] : memref<4x4096xf32, #tpu.memory_space<vmem>> -> memref<1x4096xf32, #tpu.memory_space<vmem>>
        %dma_wait3A_276 = tpu.memref_squeeze %dma_wait3A_275 : memref<1x4096xf32, #tpu.memory_space<vmem>> -> memref<4096xf32, #tpu.memory_space<vmem>>
        tpu.wait_dma2 semaphore(%run_scoped3A_256 : memref<!tpu.dma_semaphore, #tpu.memory_space<semaphore_mem>>) src(%dma_wait3A_276 : memref<4096xf32, #tpu.memory_space<vmem>>) dst(%dma_wait3A_273 : memref<4096xf32, #tpu.memory_space<hbm>>)
        tpu.yield
      }) : () -> ()
      %mul3A_155 = arith.constant 4096 : i32
      %mul3A_156 = arith.muli %sub3A_144, %mul3A_155 : i32
      %run_scoped3A_157 = arith.constant 1 : i32
      %run_scoped3A_158 = arith.constant 1 : i32
      "tpu.region"() ({
        %run_scoped3A_256 = tpu.sem_alloc : memref<!tpu.dma_semaphore, #tpu.memory_space<semaphore_mem>>
        %dma_start3A_257 = arith.constant 0 : i32
        %dma_start3A_258 = tpu.memref_slice %arg15[%run_scoped3A_157, %dma_start3A_257] : memref<4x4096xf32, #tpu.memory_space<vmem>> -> memref<1x4096xf32, #tpu.memory_space<vmem>>
        %dma_start3A_259 = tpu.memref_squeeze %dma_start3A_258 : memref<1x4096xf32, #tpu.memory_space<vmem>> -> memref<4096xf32, #tpu.memory_space<vmem>>
        %dma_start3A_260 = tpu.memref_slice %arg6[%select_n3A, %run_scoped3A_158, %mul3A_156] : memref<200x4x32768xf32, #tpu.memory_space<hbm>> -> memref<1x1x4096xf32, #tpu.memory_space<hbm>>
        %dma_start3A_261 = tpu.memref_squeeze %dma_start3A_260 : memref<1x1x4096xf32, #tpu.memory_space<hbm>> -> memref<4096xf32, #tpu.memory_space<hbm>>
        %dma_start3A_262 = tpu.memref_slice %arg6[%select_n3A, %run_scoped3A_158, %mul3A_156] : memref<200x4x32768xf32, #tpu.memory_space<hbm>> -> memref<1x1x4096xf32, #tpu.memory_space<hbm>>
        %dma_start3A_263 = tpu.memref_squeeze %dma_start3A_262 : memref<1x1x4096xf32, #tpu.memory_space<hbm>> -> memref<4096xf32, #tpu.memory_space<hbm>>
        %dma_start3A_264 = arith.constant 0 : i32
        %dma_start3A_265 = tpu.memref_slice %arg15[%run_scoped3A_157, %dma_start3A_264] : memref<4x4096xf32, #tpu.memory_space<vmem>> -> memref<1x4096xf32, #tpu.memory_space<vmem>>
        %dma_start3A_266 = tpu.memref_squeeze %dma_start3A_265 : memref<1x4096xf32, #tpu.memory_space<vmem>> -> memref<4096xf32, #tpu.memory_space<vmem>>
        tpu.enqueue_dma source(%dma_start3A_266 : memref<4096xf32, #tpu.memory_space<vmem>>) target(%dma_start3A_263 : memref<4096xf32, #tpu.memory_space<hbm>>) target_semaphore(%run_scoped3A_256 : memref<!tpu.dma_semaphore, #tpu.memory_space<semaphore_mem>>)
        %dma_wait3A_267 = arith.constant 0 : i32
        %dma_wait3A_268 = tpu.memref_slice %arg15[%run_scoped3A_157, %dma_wait3A_267] : memref<4x4096xf32, #tpu.memory_space<vmem>> -> memref<1x4096xf32, #tpu.memory_space<vmem>>
        %dma_wait3A_269 = tpu.memref_squeeze %dma_wait3A_268 : memref<1x4096xf32, #tpu.memory_space<vmem>> -> memref<4096xf32, #tpu.memory_space<vmem>>
        %dma_wait3A_270 = tpu.memref_slice %arg6[%select_n3A, %run_scoped3A_158, %mul3A_156] : memref<200x4x32768xf32, #tpu.memory_space<hbm>> -> memref<1x1x4096xf32, #tpu.memory_space<hbm>>
        %dma_wait3A_271 = tpu.memref_squeeze %dma_wait3A_270 : memref<1x1x4096xf32, #tpu.memory_space<hbm>> -> memref<4096xf32, #tpu.memory_space<hbm>>
        %dma_wait3A_272 = tpu.memref_slice %arg6[%select_n3A, %run_scoped3A_158, %mul3A_156] : memref<200x4x32768xf32, #tpu.memory_space<hbm>> -> memref<1x1x4096xf32, #tpu.memory_space<hbm>>
        %dma_wait3A_273 = tpu.memref_squeeze %dma_wait3A_272 : memref<1x1x4096xf32, #tpu.memory_space<hbm>> -> memref<4096xf32, #tpu.memory_space<hbm>>
        %dma_wait3A_274 = arith.constant 0 : i32
        %dma_wait3A_275 = tpu.memref_slice %arg15[%run_scoped3A_157, %dma_wait3A_274] : memref<4x4096xf32, #tpu.memory_space<vmem>> -> memref<1x4096xf32, #tpu.memory_space<vmem>>
        %dma_wait3A_276 = tpu.memref_squeeze %dma_wait3A_275 : memref<1x4096xf32, #tpu.memory_space<vmem>> -> memref<4096xf32, #tpu.memory_space<vmem>>
        tpu.wait_dma2 semaphore(%run_scoped3A_256 : memref<!tpu.dma_semaphore, #tpu.memory_space<semaphore_mem>>) src(%dma_wait3A_276 : memref<4096xf32, #tpu.memory_space<vmem>>) dst(%dma_wait3A_273 : memref<4096xf32, #tpu.memory_space<hbm>>)
        tpu.yield
      }) : () -> ()
      %mul3A_159 = arith.constant 4096 : i32
      %mul3A_160 = arith.muli %sub3A_144, %mul3A_159 : i32
      %run_scoped3A_161 = arith.constant 2 : i32
      %run_scoped3A_162 = arith.constant 2 : i32
      "tpu.region"() ({
        %run_scoped3A_256 = tpu.sem_alloc : memref<!tpu.dma_semaphore, #tpu.memory_space<semaphore_mem>>
        %dma_start3A_257 = arith.constant 0 : i32
        %dma_start3A_258 = tpu.memref_slice %arg15[%run_scoped3A_161, %dma_start3A_257] : memref<4x4096xf32, #tpu.memory_space<vmem>> -> memref<1x4096xf32, #tpu.memory_space<vmem>>
        %dma_start3A_259 = tpu.memref_squeeze %dma_start3A_258 : memref<1x4096xf32, #tpu.memory_space<vmem>> -> memref<4096xf32, #tpu.memory_space<vmem>>
        %dma_start3A_260 = tpu.memref_slice %arg6[%select_n3A, %run_scoped3A_162, %mul3A_160] : memref<200x4x32768xf32, #tpu.memory_space<hbm>> -> memref<1x1x4096xf32, #tpu.memory_space<hbm>>
        %dma_start3A_261 = tpu.memref_squeeze %dma_start3A_260 : memref<1x1x4096xf32, #tpu.memory_space<hbm>> -> memref<4096xf32, #tpu.memory_space<hbm>>
        %dma_start3A_262 = tpu.memref_slice %arg6[%select_n3A, %run_scoped3A_162, %mul3A_160] : memref<200x4x32768xf32, #tpu.memory_space<hbm>> -> memref<1x1x4096xf32, #tpu.memory_space<hbm>>
        %dma_start3A_263 = tpu.memref_squeeze %dma_start3A_262 : memref<1x1x4096xf32, #tpu.memory_space<hbm>> -> memref<4096xf32, #tpu.memory_space<hbm>>
        %dma_start3A_264 = arith.constant 0 : i32
        %dma_start3A_265 = tpu.memref_slice %arg15[%run_scoped3A_161, %dma_start3A_264] : memref<4x4096xf32, #tpu.memory_space<vmem>> -> memref<1x4096xf32, #tpu.memory_space<vmem>>
        %dma_start3A_266 = tpu.memref_squeeze %dma_start3A_265 : memref<1x4096xf32, #tpu.memory_space<vmem>> -> memref<4096xf32, #tpu.memory_space<vmem>>
        tpu.enqueue_dma source(%dma_start3A_266 : memref<4096xf32, #tpu.memory_space<vmem>>) target(%dma_start3A_263 : memref<4096xf32, #tpu.memory_space<hbm>>) target_semaphore(%run_scoped3A_256 : memref<!tpu.dma_semaphore, #tpu.memory_space<semaphore_mem>>)
        %dma_wait3A_267 = arith.constant 0 : i32
        %dma_wait3A_268 = tpu.memref_slice %arg15[%run_scoped3A_161, %dma_wait3A_267] : memref<4x4096xf32, #tpu.memory_space<vmem>> -> memref<1x4096xf32, #tpu.memory_space<vmem>>
        %dma_wait3A_269 = tpu.memref_squeeze %dma_wait3A_268 : memref<1x4096xf32, #tpu.memory_space<vmem>> -> memref<4096xf32, #tpu.memory_space<vmem>>
        %dma_wait3A_270 = tpu.memref_slice %arg6[%select_n3A, %run_scoped3A_162, %mul3A_160] : memref<200x4x32768xf32, #tpu.memory_space<hbm>> -> memref<1x1x4096xf32, #tpu.memory_space<hbm>>
        %dma_wait3A_271 = tpu.memref_squeeze %dma_wait3A_270 : memref<1x1x4096xf32, #tpu.memory_space<hbm>> -> memref<4096xf32, #tpu.memory_space<hbm>>
        %dma_wait3A_272 = tpu.memref_slice %arg6[%select_n3A, %run_scoped3A_162, %mul3A_160] : memref<200x4x32768xf32, #tpu.memory_space<hbm>> -> memref<1x1x4096xf32, #tpu.memory_space<hbm>>
        %dma_wait3A_273 = tpu.memref_squeeze %dma_wait3A_272 : memref<1x1x4096xf32, #tpu.memory_space<hbm>> -> memref<4096xf32, #tpu.memory_space<hbm>>
        %dma_wait3A_274 = arith.constant 0 : i32
        %dma_wait3A_275 = tpu.memref_slice %arg15[%run_scoped3A_161, %dma_wait3A_274] : memref<4x4096xf32, #tpu.memory_space<vmem>> -> memref<1x4096xf32, #tpu.memory_space<vmem>>
        %dma_wait3A_276 = tpu.memref_squeeze %dma_wait3A_275 : memref<1x4096xf32, #tpu.memory_space<vmem>> -> memref<4096xf32, #tpu.memory_space<vmem>>
        tpu.wait_dma2 semaphore(%run_scoped3A_256 : memref<!tpu.dma_semaphore, #tpu.memory_space<semaphore_mem>>) src(%dma_wait3A_276 : memref<4096xf32, #tpu.memory_space<vmem>>) dst(%dma_wait3A_273 : memref<4096xf32, #tpu.memory_space<hbm>>)
        tpu.yield
      }) : () -> ()
      %mul3A_163 = arith.constant 4096 : i32
      %mul3A_164 = arith.muli %sub3A_144, %mul3A_163 : i32
      %run_scoped3A_165 = arith.constant 3 : i32
      %run_scoped3A_166 = arith.constant 3 : i32
      "tpu.region"() ({
        %run_scoped3A_256 = tpu.sem_alloc : memref<!tpu.dma_semaphore, #tpu.memory_space<semaphore_mem>>
        %dma_start3A_257 = arith.constant 0 : i32
        %dma_start3A_258 = tpu.memref_slice %arg15[%run_scoped3A_165, %dma_start3A_257] : memref<4x4096xf32, #tpu.memory_space<vmem>> -> memref<1x4096xf32, #tpu.memory_space<vmem>>
        %dma_start3A_259 = tpu.memref_squeeze %dma_start3A_258 : memref<1x4096xf32, #tpu.memory_space<vmem>> -> memref<4096xf32, #tpu.memory_space<vmem>>
        %dma_start3A_260 = tpu.memref_slice %arg6[%select_n3A, %run_scoped3A_166, %mul3A_164] : memref<200x4x32768xf32, #tpu.memory_space<hbm>> -> memref<1x1x4096xf32, #tpu.memory_space<hbm>>
        %dma_start3A_261 = tpu.memref_squeeze %dma_start3A_260 : memref<1x1x4096xf32, #tpu.memory_space<hbm>> -> memref<4096xf32, #tpu.memory_space<hbm>>
        %dma_start3A_262 = tpu.memref_slice %arg6[%select_n3A, %run_scoped3A_166, %mul3A_164] : memref<200x4x32768xf32, #tpu.memory_space<hbm>> -> memref<1x1x4096xf32, #tpu.memory_space<hbm>>
        %dma_start3A_263 = tpu.memref_squeeze %dma_start3A_262 : memref<1x1x4096xf32, #tpu.memory_space<hbm>> -> memref<4096xf32, #tpu.memory_space<hbm>>
        %dma_start3A_264 = arith.constant 0 : i32
        %dma_start3A_265 = tpu.memref_slice %arg15[%run_scoped3A_165, %dma_start3A_264] : memref<4x4096xf32, #tpu.memory_space<vmem>> -> memref<1x4096xf32, #tpu.memory_space<vmem>>
        %dma_start3A_266 = tpu.memref_squeeze %dma_start3A_265 : memref<1x4096xf32, #tpu.memory_space<vmem>> -> memref<4096xf32, #tpu.memory_space<vmem>>
        tpu.enqueue_dma source(%dma_start3A_266 : memref<4096xf32, #tpu.memory_space<vmem>>) target(%dma_start3A_263 : memref<4096xf32, #tpu.memory_space<hbm>>) target_semaphore(%run_scoped3A_256 : memref<!tpu.dma_semaphore, #tpu.memory_space<semaphore_mem>>)
        %dma_wait3A_267 = arith.constant 0 : i32
        %dma_wait3A_268 = tpu.memref_slice %arg15[%run_scoped3A_165, %dma_wait3A_267] : memref<4x4096xf32, #tpu.memory_space<vmem>> -> memref<1x4096xf32, #tpu.memory_space<vmem>>
        %dma_wait3A_269 = tpu.memref_squeeze %dma_wait3A_268 : memref<1x4096xf32, #tpu.memory_space<vmem>> -> memref<4096xf32, #tpu.memory_space<vmem>>
        %dma_wait3A_270 = tpu.memref_slice %arg6[%select_n3A, %run_scoped3A_166, %mul3A_164] : memref<200x4x32768xf32, #tpu.memory_space<hbm>> -> memref<1x1x4096xf32, #tpu.memory_space<hbm>>
        %dma_wait3A_271 = tpu.memref_squeeze %dma_wait3A_270 : memref<1x1x4096xf32, #tpu.memory_space<hbm>> -> memref<4096xf32, #tpu.memory_space<hbm>>
        %dma_wait3A_272 = tpu.memref_slice %arg6[%select_n3A, %run_scoped3A_166, %mul3A_164] : memref<200x4x32768xf32, #tpu.memory_space<hbm>> -> memref<1x1x4096xf32, #tpu.memory_space<hbm>>
        %dma_wait3A_273 = tpu.memref_squeeze %dma_wait3A_272 : memref<1x1x4096xf32, #tpu.memory_space<hbm>> -> memref<4096xf32, #tpu.memory_space<hbm>>
        %dma_wait3A_274 = arith.constant 0 : i32
        %dma_wait3A_275 = tpu.memref_slice %arg15[%run_scoped3A_165, %dma_wait3A_274] : memref<4x4096xf32, #tpu.memory_space<vmem>> -> memref<1x4096xf32, #tpu.memory_space<vmem>>
        %dma_wait3A_276 = tpu.memref_squeeze %dma_wait3A_275 : memref<1x4096xf32, #tpu.memory_space<vmem>> -> memref<4096xf32, #tpu.memory_space<vmem>>
        tpu.wait_dma2 semaphore(%run_scoped3A_256 : memref<!tpu.dma_semaphore, #tpu.memory_space<semaphore_mem>>) src(%dma_wait3A_276 : memref<4096xf32, #tpu.memory_space<vmem>>) dst(%dma_wait3A_273 : memref<4096xf32, #tpu.memory_space<hbm>>)
        tpu.yield
      }) : () -> ()
      %add3A_167 = arith.constant 2 : i32
      %add3A_168 = arith.addi %add3A_109, %add3A_167 : i32
      %lt3A_169 = arith.constant 50 : i32
      %lt3A_170 = arith.cmpi slt, %add3A_168, %lt3A_169 : i32
      %convert_element_type3A_171 = arith.extui %lt3A_170 : i1 to i32
      %cond3A_172 = arith.constant 0 : i32
      %cond3A_173 = arith.cmpi ne, %convert_element_type3A_171, %cond3A_172 : i32
      scf.if %cond3A_173 {
        %add3A_256 = arith.addi %mul3A_2, %add3A_109 : i32
        %add3A_257 = arith.constant 2 : i32
        %add3A_258 = arith.addi %add3A_256, %add3A_257 : i32
        %dma_start3A_259 = arith.constant 0 : i32
        %dma_start3A_260 = arith.constant 0 : i32
        %dma_start3A_261 = tpu.memref_slice %arg2[%add3A_258, %dma_start3A_259, %dma_start3A_260] : memref<1600x4x128xi32, #tpu.memory_space<hbm>> -> memref<1x4x128xi32, #tpu.memory_space<hbm>>
        %dma_start3A_262 = tpu.memref_squeeze %dma_start3A_261 : memref<1x4x128xi32, #tpu.memory_space<hbm>> -> memref<4x128xi32, #tpu.memory_space<hbm>>
        %dma_start3A_263 = arith.constant 0 : i32
        %dma_start3A_264 = arith.constant 0 : i32
        %dma_start3A_265 = tpu.memref_slice %arg2[%add3A_258, %dma_start3A_263, %dma_start3A_264] : memref<1600x4x128xi32, #tpu.memory_space<hbm>> -> memref<1x4x128xi32, #tpu.memory_space<hbm>>
        %dma_start3A_266 = tpu.memref_squeeze %dma_start3A_265 : memref<1x4x128xi32, #tpu.memory_space<hbm>> -> memref<4x128xi32, #tpu.memory_space<hbm>>
        tpu.enqueue_dma source(%dma_start3A_266 : memref<4x128xi32, #tpu.memory_space<hbm>>) target(%arg7 : memref<4x128xi32, #tpu.memory_space<vmem>>) target_semaphore(%arg18 : memref<!tpu.dma_semaphore, #tpu.memory_space<semaphore_mem>>)
        %dma_start3A_267 = arith.constant 0 : i32
        %dma_start3A_268 = tpu.memref_slice %arg3[%add3A_258, %dma_start3A_267] : memref<1600x512xf32, #tpu.memory_space<hbm>> -> memref<1x512xf32, #tpu.memory_space<hbm>>
        %dma_start3A_269 = tpu.memref_squeeze %dma_start3A_268 : memref<1x512xf32, #tpu.memory_space<hbm>> -> memref<512xf32, #tpu.memory_space<hbm>>
        %dma_start3A_270 = arith.constant 0 : i32
        %dma_start3A_271 = tpu.memref_slice %arg3[%add3A_258, %dma_start3A_270] : memref<1600x512xf32, #tpu.memory_space<hbm>> -> memref<1x512xf32, #tpu.memory_space<hbm>>
        %dma_start3A_272 = tpu.memref_squeeze %dma_start3A_271 : memref<1x512xf32, #tpu.memory_space<hbm>> -> memref<512xf32, #tpu.memory_space<hbm>>
        tpu.enqueue_dma source(%dma_start3A_272 : memref<512xf32, #tpu.memory_space<hbm>>) target(%arg9 : memref<512xf32, #tpu.memory_space<vmem>>) target_semaphore(%arg18 : memref<!tpu.dma_semaphore, #tpu.memory_space<semaphore_mem>>)
      } else {
      }
      %mul3A_174 = arith.constant 2 : i32
      %mul3A_175 = arith.muli %mul3A_174, %scan3A_104 : i32
      %add3A_176 = arith.constant 1 : i32
      %add3A_177 = arith.addi %mul3A_175, %add3A_176 : i32
      %add3A_178 = arith.constant 1 : i32
      %add3A_179 = arith.addi %add3A_177, %add3A_178 : i32
      %lt3A_180 = arith.constant 50 : i32
      %lt3A_181 = arith.cmpi slt, %add3A_179, %lt3A_180 : i32
      %convert_element_type3A_182 = arith.extui %lt3A_181 : i1 to i32
      %cond3A_183 = arith.constant 0 : i32
      %cond3A_184 = arith.cmpi ne, %convert_element_type3A_182, %cond3A_183 : i32
      scf.if %cond3A_184 {
        %dma_wait3A_256 = arith.constant 0 : i32
        %dma_wait3A_257 = arith.constant 0 : i32
        %dma_wait3A_258 = arith.constant 0 : i32
        %dma_wait3A_259 = tpu.memref_slice %arg2[%dma_wait3A_256, %dma_wait3A_257, %dma_wait3A_258] : memref<1600x4x128xi32, #tpu.memory_space<hbm>> -> memref<1x4x128xi32, #tpu.memory_space<hbm>>
        %dma_wait3A_260 = tpu.memref_squeeze %dma_wait3A_259 : memref<1x4x128xi32, #tpu.memory_space<hbm>> -> memref<4x128xi32, #tpu.memory_space<hbm>>
        %dma_wait3A_261 = arith.constant 0 : i32
        %dma_wait3A_262 = arith.constant 0 : i32
        %dma_wait3A_263 = tpu.memref_slice %arg2[%dma_wait3A_256, %dma_wait3A_261, %dma_wait3A_262] : memref<1600x4x128xi32, #tpu.memory_space<hbm>> -> memref<1x4x128xi32, #tpu.memory_space<hbm>>
        %dma_wait3A_264 = tpu.memref_squeeze %dma_wait3A_263 : memref<1x4x128xi32, #tpu.memory_space<hbm>> -> memref<4x128xi32, #tpu.memory_space<hbm>>
        tpu.wait_dma2 semaphore(%arg18 : memref<!tpu.dma_semaphore, #tpu.memory_space<semaphore_mem>>) src(%dma_wait3A_264 : memref<4x128xi32, #tpu.memory_space<hbm>>) dst(%arg7 : memref<4x128xi32, #tpu.memory_space<vmem>>)
        %dma_wait3A_265 = arith.constant 0 : i32
        %dma_wait3A_266 = arith.constant 0 : i32
        %dma_wait3A_267 = tpu.memref_slice %arg3[%dma_wait3A_265, %dma_wait3A_266] : memref<1600x512xf32, #tpu.memory_space<hbm>> -> memref<1x512xf32, #tpu.memory_space<hbm>>
        %dma_wait3A_268 = tpu.memref_squeeze %dma_wait3A_267 : memref<1x512xf32, #tpu.memory_space<hbm>> -> memref<512xf32, #tpu.memory_space<hbm>>
        %dma_wait3A_269 = arith.constant 0 : i32
        %dma_wait3A_270 = tpu.memref_slice %arg3[%dma_wait3A_265, %dma_wait3A_269] : memref<1600x512xf32, #tpu.memory_space<hbm>> -> memref<1x512xf32, #tpu.memory_space<hbm>>
        %dma_wait3A_271 = tpu.memref_squeeze %dma_wait3A_270 : memref<1x512xf32, #tpu.memory_space<hbm>> -> memref<512xf32, #tpu.memory_space<hbm>>
        tpu.wait_dma2 semaphore(%arg18 : memref<!tpu.dma_semaphore, #tpu.memory_space<semaphore_mem>>) src(%dma_wait3A_271 : memref<512xf32, #tpu.memory_space<hbm>>) dst(%arg9 : memref<512xf32, #tpu.memory_space<vmem>>)
        %dma_start3A_272 = arith.constant 0 : i32
        %dma_start3A_273 = arith.constant 0 : i32
        %dma_start3A_274 = arith.constant 0 : i32
        %dma_start3A_275 = tpu.memref_slice %arg11[%dma_start3A_273, %dma_start3A_274] : memref<512x32xf32, #tpu.memory_space<vmem>> -> memref<128x32xf32, #tpu.memory_space<vmem>>
        %dma_start3A_276 = arith.constant 0 : i32
        %dma_start3A_277 = tpu.memref_slice %arg7[%dma_start3A_272, %dma_start3A_276] : memref<4x128xi32, #tpu.memory_space<vmem>> -> memref<1x128xi32, #tpu.memory_space<vmem>>
        %dma_start3A_278 = tpu.memref_squeeze %dma_start3A_277 : memref<1x128xi32, #tpu.memory_space<vmem>> -> memref<128xi32, #tpu.memory_space<vmem>>
        %dma_start3A_279 = arith.constant 0 : i32
        %dma_start3A_280 = arith.constant 0 : i32
        %dma_start3A_281 = tpu.memref_slice %arg4[%dma_start3A_279, %dma_start3A_280] : memref<101024x32xf32, #tpu.memory_space<hbm>> -> memref<101024x32xf32, #tpu.memory_space<hbm>>
        tpu.enqueue_indirect_dma source(%dma_start3A_281 : memref<101024x32xf32, #tpu.memory_space<hbm>>) target(%dma_start3A_275 : memref<128x32xf32, #tpu.memory_space<vmem>>) offsets(%dma_start3A_278 : memref<128xi32, #tpu.memory_space<vmem>>) semaphore(%arg16 : memref<!tpu.dma_semaphore, #tpu.memory_space<semaphore_mem>>)
        %dma_start3A_282 = arith.constant 0 : i32
        %dma_start3A_283 = arith.constant 0 : i32
        %dma_start3A_284 = arith.constant 0 : i32
        %dma_start3A_285 = tpu.memref_slice %arg13[%dma_start3A_283, %dma_start3A_284] : memref<512x32xf32, #tpu.memory_space<vmem>> -> memref<128x32xf32, #tpu.memory_space<vmem>>
        %dma_start3A_286 = arith.constant 0 : i32
        %dma_start3A_287 = tpu.memref_slice %arg7[%dma_start3A_282, %dma_start3A_286] : memref<4x128xi32, #tpu.memory_space<vmem>> -> memref<1x128xi32, #tpu.memory_space<vmem>>
        %dma_start3A_288 = tpu.memref_squeeze %dma_start3A_287 : memref<1x128xi32, #tpu.memory_space<vmem>> -> memref<128xi32, #tpu.memory_space<vmem>>
        %dma_start3A_289 = arith.constant 0 : i32
        %dma_start3A_290 = arith.constant 0 : i32
        %dma_start3A_291 = tpu.memref_slice %arg5[%dma_start3A_289, %dma_start3A_290] : memref<101024x32xf32, #tpu.memory_space<hbm>> -> memref<101024x32xf32, #tpu.memory_space<hbm>>
        tpu.enqueue_indirect_dma source(%dma_start3A_291 : memref<101024x32xf32, #tpu.memory_space<hbm>>) target(%dma_start3A_285 : memref<128x32xf32, #tpu.memory_space<vmem>>) offsets(%dma_start3A_288 : memref<128xi32, #tpu.memory_space<vmem>>) semaphore(%arg16 : memref<!tpu.dma_semaphore, #tpu.memory_space<semaphore_mem>>)
        %dma_start3A_292 = arith.constant 1 : i32
        %dma_start3A_293 = arith.constant 128 : i32
        %dma_start3A_294 = arith.constant 0 : i32
        %dma_start3A_295 = tpu.memref_slice %arg11[%dma_start3A_293, %dma_start3A_294] : memref<512x32xf32, #tpu.memory_space<vmem>> -> memref<128x32xf32, #tpu.memory_space<vmem>>
        %dma_start3A_296 = arith.constant 0 : i32
        %dma_start3A_297 = tpu.memref_slice %arg7[%dma_start3A_292, %dma_start3A_296] : memref<4x128xi32, #tpu.memory_space<vmem>> -> memref<1x128xi32, #tpu.memory_space<vmem>>
        %dma_start3A_298 = tpu.memref_squeeze %dma_start3A_297 : memref<1x128xi32, #tpu.memory_space<vmem>> -> memref<128xi32, #tpu.memory_space<vmem>>
        %dma_start3A_299 = arith.constant 0 : i32
        %dma_start3A_300 = arith.constant 0 : i32
        %dma_start3A_301 = tpu.memref_slice %arg4[%dma_start3A_299, %dma_start3A_300] : memref<101024x32xf32, #tpu.memory_space<hbm>> -> memref<101024x32xf32, #tpu.memory_space<hbm>>
        tpu.enqueue_indirect_dma source(%dma_start3A_301 : memref<101024x32xf32, #tpu.memory_space<hbm>>) target(%dma_start3A_295 : memref<128x32xf32, #tpu.memory_space<vmem>>) offsets(%dma_start3A_298 : memref<128xi32, #tpu.memory_space<vmem>>) semaphore(%arg16 : memref<!tpu.dma_semaphore, #tpu.memory_space<semaphore_mem>>)
        %dma_start3A_302 = arith.constant 1 : i32
        %dma_start3A_303 = arith.constant 128 : i32
        %dma_start3A_304 = arith.constant 0 : i32
        %dma_start3A_305 = tpu.memref_slice %arg13[%dma_start3A_303, %dma_start3A_304] : memref<512x32xf32, #tpu.memory_space<vmem>> -> memref<128x32xf32, #tpu.memory_space<vmem>>
        %dma_start3A_306 = arith.constant 0 : i32
        %dma_start3A_307 = tpu.memref_slice %arg7[%dma_start3A_302, %dma_start3A_306] : memref<4x128xi32, #tpu.memory_space<vmem>> -> memref<1x128xi32, #tpu.memory_space<vmem>>
        %dma_start3A_308 = tpu.memref_squeeze %dma_start3A_307 : memref<1x128xi32, #tpu.memory_space<vmem>> -> memref<128xi32, #tpu.memory_space<vmem>>
        %dma_start3A_309 = arith.constant 0 : i32
        %dma_start3A_310 = arith.constant 0 : i32
        %dma_start3A_311 = tpu.memref_slice %arg5[%dma_start3A_309, %dma_start3A_310] : memref<101024x32xf32, #tpu.memory_space<hbm>> -> memref<101024x32xf32, #tpu.memory_space<hbm>>
        tpu.enqueue_indirect_dma source(%dma_start3A_311 : memref<101024x32xf32, #tpu.memory_space<hbm>>) target(%dma_start3A_305 : memref<128x32xf32, #tpu.memory_space<vmem>>) offsets(%dma_start3A_308 : memref<128xi32, #tpu.memory_space<vmem>>) semaphore(%arg16 : memref<!tpu.dma_semaphore, #tpu.memory_space<semaphore_mem>>)
        %dma_start3A_312 = arith.constant 2 : i32
        %dma_start3A_313 = arith.constant 256 : i32
        %dma_start3A_314 = arith.constant 0 : i32
        %dma_start3A_315 = tpu.memref_slice %arg11[%dma_start3A_313, %dma_start3A_314] : memref<512x32xf32, #tpu.memory_space<vmem>> -> memref<128x32xf32, #tpu.memory_space<vmem>>
        %dma_start3A_316 = arith.constant 0 : i32
        %dma_start3A_317 = tpu.memref_slice %arg7[%dma_start3A_312, %dma_start3A_316] : memref<4x128xi32, #tpu.memory_space<vmem>> -> memref<1x128xi32, #tpu.memory_space<vmem>>
        %dma_start3A_318 = tpu.memref_squeeze %dma_start3A_317 : memref<1x128xi32, #tpu.memory_space<vmem>> -> memref<128xi32, #tpu.memory_space<vmem>>
        %dma_start3A_319 = arith.constant 0 : i32
        %dma_start3A_320 = arith.constant 0 : i32
        %dma_start3A_321 = tpu.memref_slice %arg4[%dma_start3A_319, %dma_start3A_320] : memref<101024x32xf32, #tpu.memory_space<hbm>> -> memref<101024x32xf32, #tpu.memory_space<hbm>>
        tpu.enqueue_indirect_dma source(%dma_start3A_321 : memref<101024x32xf32, #tpu.memory_space<hbm>>) target(%dma_start3A_315 : memref<128x32xf32, #tpu.memory_space<vmem>>) offsets(%dma_start3A_318 : memref<128xi32, #tpu.memory_space<vmem>>) semaphore(%arg16 : memref<!tpu.dma_semaphore, #tpu.memory_space<semaphore_mem>>)
        %dma_start3A_322 = arith.constant 2 : i32
        %dma_start3A_323 = arith.constant 256 : i32
        %dma_start3A_324 = arith.constant 0 : i32
        %dma_start3A_325 = tpu.memref_slice %arg13[%dma_start3A_323, %dma_start3A_324] : memref<512x32xf32, #tpu.memory_space<vmem>> -> memref<128x32xf32, #tpu.memory_space<vmem>>
        %dma_start3A_326 = arith.constant 0 : i32
        %dma_start3A_327 = tpu.memref_slice %arg7[%dma_start3A_322, %dma_start3A_326] : memref<4x128xi32, #tpu.memory_space<vmem>> -> memref<1x128xi32, #tpu.memory_space<vmem>>
        %dma_start3A_328 = tpu.memref_squeeze %dma_start3A_327 : memref<1x128xi32, #tpu.memory_space<vmem>> -> memref<128xi32, #tpu.memory_space<vmem>>
        %dma_start3A_329 = arith.constant 0 : i32
        %dma_start3A_330 = arith.constant 0 : i32
        %dma_start3A_331 = tpu.memref_slice %arg5[%dma_start3A_329, %dma_start3A_330] : memref<101024x32xf32, #tpu.memory_space<hbm>> -> memref<101024x32xf32, #tpu.memory_space<hbm>>
        tpu.enqueue_indirect_dma source(%dma_start3A_331 : memref<101024x32xf32, #tpu.memory_space<hbm>>) target(%dma_start3A_325 : memref<128x32xf32, #tpu.memory_space<vmem>>) offsets(%dma_start3A_328 : memref<128xi32, #tpu.memory_space<vmem>>) semaphore(%arg16 : memref<!tpu.dma_semaphore, #tpu.memory_space<semaphore_mem>>)
        %dma_start3A_332 = arith.constant 3 : i32
        %dma_start3A_333 = arith.constant 384 : i32
        %dma_start3A_334 = arith.constant 0 : i32
        %dma_start3A_335 = tpu.memref_slice %arg11[%dma_start3A_333, %dma_start3A_334] : memref<512x32xf32, #tpu.memory_space<vmem>> -> memref<128x32xf32, #tpu.memory_space<vmem>>
        %dma_start3A_336 = arith.constant 0 : i32
        %dma_start3A_337 = tpu.memref_slice %arg7[%dma_start3A_332, %dma_start3A_336] : memref<4x128xi32, #tpu.memory_space<vmem>> -> memref<1x128xi32, #tpu.memory_space<vmem>>
        %dma_start3A_338 = tpu.memref_squeeze %dma_start3A_337 : memref<1x128xi32, #tpu.memory_space<vmem>> -> memref<128xi32, #tpu.memory_space<vmem>>
        %dma_start3A_339 = arith.constant 0 : i32
        %dma_start3A_340 = arith.constant 0 : i32
        %dma_start3A_341 = tpu.memref_slice %arg4[%dma_start3A_339, %dma_start3A_340] : memref<101024x32xf32, #tpu.memory_space<hbm>> -> memref<101024x32xf32, #tpu.memory_space<hbm>>
        tpu.enqueue_indirect_dma source(%dma_start3A_341 : memref<101024x32xf32, #tpu.memory_space<hbm>>) target(%dma_start3A_335 : memref<128x32xf32, #tpu.memory_space<vmem>>) offsets(%dma_start3A_338 : memref<128xi32, #tpu.memory_space<vmem>>) semaphore(%arg16 : memref<!tpu.dma_semaphore, #tpu.memory_space<semaphore_mem>>)
        %dma_start3A_342 = arith.constant 3 : i32
        %dma_start3A_343 = arith.constant 384 : i32
        %dma_start3A_344 = arith.constant 0 : i32
        %dma_start3A_345 = tpu.memref_slice %arg13[%dma_start3A_343, %dma_start3A_344] : memref<512x32xf32, #tpu.memory_space<vmem>> -> memref<128x32xf32, #tpu.memory_space<vmem>>
        %dma_start3A_346 = arith.constant 0 : i32
        %dma_start3A_347 = tpu.memref_slice %arg7[%dma_start3A_342, %dma_start3A_346] : memref<4x128xi32, #tpu.memory_space<vmem>> -> memref<1x128xi32, #tpu.memory_space<vmem>>
        %dma_start3A_348 = tpu.memref_squeeze %dma_start3A_347 : memref<1x128xi32, #tpu.memory_space<vmem>> -> memref<128xi32, #tpu.memory_space<vmem>>
        %dma_start3A_349 = arith.constant 0 : i32
        %dma_start3A_350 = arith.constant 0 : i32
        %dma_start3A_351 = tpu.memref_slice %arg5[%dma_start3A_349, %dma_start3A_350] : memref<101024x32xf32, #tpu.memory_space<hbm>> -> memref<101024x32xf32, #tpu.memory_space<hbm>>
        tpu.enqueue_indirect_dma source(%dma_start3A_351 : memref<101024x32xf32, #tpu.memory_space<hbm>>) target(%dma_start3A_345 : memref<128x32xf32, #tpu.memory_space<vmem>>) offsets(%dma_start3A_348 : memref<128xi32, #tpu.memory_space<vmem>>) semaphore(%arg16 : memref<!tpu.dma_semaphore, #tpu.memory_space<semaphore_mem>>)
      } else {
      }
      %dma_wait3A_185 = arith.constant 0 : i32
      %dma_wait3A_186 = arith.constant 0 : i32
      %dma_wait3A_187 = tpu.memref_slice %arg4[%dma_wait3A_185, %dma_wait3A_186] : memref<101024x32xf32, #tpu.memory_space<hbm>> -> memref<512x32xf32, #tpu.memory_space<hbm>>
      %dma_wait3A_188 = arith.constant 0 : i32
      %dma_wait3A_189 = arith.constant 0 : i32
      %dma_wait3A_190 = tpu.memref_slice %arg4[%dma_wait3A_188, %dma_wait3A_189] : memref<101024x32xf32, #tpu.memory_space<hbm>> -> memref<512x32xf32, #tpu.memory_space<hbm>>
      tpu.wait_dma2 semaphore(%arg17 : memref<!tpu.dma_semaphore, #tpu.memory_space<semaphore_mem>>) src(%dma_wait3A_190 : memref<512x32xf32, #tpu.memory_space<hbm>>) dst(%arg12 : memref<512x32xf32, #tpu.memory_space<vmem>>)
      %dma_wait3A_191 = arith.constant 0 : i32
      %dma_wait3A_192 = arith.constant 0 : i32
      %dma_wait3A_193 = tpu.memref_slice %arg5[%dma_wait3A_191, %dma_wait3A_192] : memref<101024x32xf32, #tpu.memory_space<hbm>> -> memref<512x32xf32, #tpu.memory_space<hbm>>
      %dma_wait3A_194 = arith.constant 0 : i32
      %dma_wait3A_195 = arith.constant 0 : i32
      %dma_wait3A_196 = tpu.memref_slice %arg5[%dma_wait3A_194, %dma_wait3A_195] : memref<101024x32xf32, #tpu.memory_space<hbm>> -> memref<512x32xf32, #tpu.memory_space<hbm>>
      tpu.wait_dma2 semaphore(%arg17 : memref<!tpu.dma_semaphore, #tpu.memory_space<semaphore_mem>>) src(%dma_wait3A_196 : memref<512x32xf32, #tpu.memory_space<hbm>>) dst(%arg14 : memref<512x32xf32, #tpu.memory_space<vmem>>)
      %add3A_197 = arith.addi %mul3A_2, %add3A_177 : i32
      %jit3A_198 = arith.constant 8 : i32
      %div3A_199 = arith.divsi %add3A_197, %jit3A_198 : i32
      %sign3A_200 = arith.constant 0 : i32
      %sign3A_201 = arith.cmpi sgt, %add3A_197, %sign3A_200 : i32
      %sign3A_202 = arith.extui %sign3A_201 : i1 to i32
      %sign3A_203 = arith.constant 0 : i32
      %sign3A_204 = arith.cmpi slt, %add3A_197, %sign3A_203 : i32
      %sign3A_205 = arith.extui %sign3A_204 : i1 to i32
      %sign3A_206 = arith.subi %sign3A_202, %sign3A_205 : i32
      %sign3A_207 = arith.constant 0 : i32
      %sign3A_208 = arith.cmpi sgt, %jit3A_198, %sign3A_207 : i32
      %sign3A_209 = arith.extui %sign3A_208 : i1 to i32
      %sign3A_210 = arith.constant 0 : i32
      %sign3A_211 = arith.cmpi slt, %jit3A_198, %sign3A_210 : i32
      %sign3A_212 = arith.extui %sign3A_211 : i1 to i32
      %sign3A_213 = arith.subi %sign3A_209, %sign3A_212 : i32
      %ne3A_214 = arith.cmpi ne, %sign3A_206, %sign3A_213 : i32
      %rem3A_215 = arith.remsi %add3A_197, %jit3A_198 : i32
      %ne3A_216 = arith.constant 0 : i32
      %ne3A_217 = arith.cmpi ne, %rem3A_215, %ne3A_216 : i32
      %and3A_218 = arith.andi %ne3A_214, %ne3A_217 : i1
      %sub3A_219 = arith.constant 1 : i32
      %sub3A_220 = arith.subi %div3A_199, %sub3A_219 : i32
      %select_n3A_221 = arith.select %and3A_218, %sub3A_220, %div3A_199 : i32
      %mul3A_222 = arith.constant 8 : i32
      %mul3A_223 = arith.muli %select_n3A_221, %mul3A_222 : i32
      %sub3A_224 = arith.subi %add3A_197, %mul3A_223 : i32
      %scan3A_225 = arith.constant 0 : i32
      %scan3A_226 = arith.constant 0 : i32
      %scan3A_227 = arith.constant 16 : i32
      %scan3A_228 = arith.addi %scan3A_226, %scan3A_227 : i32
      %scan3A_229 = arith.constant 1 : i32
      %scan3A_230 = scf.for %scan3A_256 = %scan3A_226 to %scan3A_228 step %scan3A_229 iter_args(%scan3A_257 = %scan3A_225) -> (i32)  : i32 {
        %mul3A_258 = arith.constant 2 : i32
        %mul3A_259 = arith.muli %mul3A_258, %scan3A_256 : i32
        %add3A_260 = arith.constant 0 : i32
        %add3A_261 = arith.addi %mul3A_259, %add3A_260 : i32
        %mul3A_262 = arith.constant 16 : i32
        %mul3A_263 = arith.muli %add3A_261, %mul3A_262 : i32
        %get3A = arith.index_cast %mul3A_263 : i32 to index
        %get3A_264 = tpu.vector_load %arg10[%get3A] {strides = array<i32>} : memref<512xf32, #tpu.memory_space<vmem>>, vector<16xf32>,
        %mul3A_265 = arith.constant 16 : i32
        %mul3A_266 = arith.muli %add3A_261, %mul3A_265 : i32
        %add3A_267 = vector.broadcast %mul3A_266 : i32 to vector<16xi32>
        %add3A_268 = arith.addi %add3A_267, %iota3A : vector<16xi32>
        %jit3A_269 = arith.constant 8 : i32
        %div3A_270 = arith.divsi %add3A_261, %jit3A_269 : i32
        %sign3A_271 = arith.constant 0 : i32
        %sign3A_272 = arith.cmpi sgt, %add3A_261, %sign3A_271 : i32
        %sign3A_273 = arith.extui %sign3A_272 : i1 to i32
        %sign3A_274 = arith.constant 0 : i32
        %sign3A_275 = arith.cmpi slt, %add3A_261, %sign3A_274 : i32
        %sign3A_276 = arith.extui %sign3A_275 : i1 to i32
        %sign3A_277 = arith.subi %sign3A_273, %sign3A_276 : i32
        %sign3A_278 = arith.constant 0 : i32
        %sign3A_279 = arith.cmpi sgt, %jit3A_269, %sign3A_278 : i32
        %sign3A_280 = arith.extui %sign3A_279 : i1 to i32
        %sign3A_281 = arith.constant 0 : i32
        %sign3A_282 = arith.cmpi slt, %jit3A_269, %sign3A_281 : i32
        %sign3A_283 = arith.extui %sign3A_282 : i1 to i32
        %sign3A_284 = arith.subi %sign3A_280, %sign3A_283 : i32
        %ne3A_285 = arith.cmpi ne, %sign3A_277, %sign3A_284 : i32
        %rem3A_286 = arith.remsi %add3A_261, %jit3A_269 : i32
        %ne3A_287 = arith.constant 0 : i32
        %ne3A_288 = arith.cmpi ne, %rem3A_286, %ne3A_287 : i32
        %and3A_289 = arith.andi %ne3A_285, %ne3A_288 : i1
        %sub3A_290 = arith.constant 1 : i32
        %sub3A_291 = arith.subi %div3A_270, %sub3A_290 : i32
        %select_n3A_292 = arith.select %and3A_289, %sub3A_291, %div3A_270 : i32
        %mul3A_293 = arith.constant 1024 : i32
        %mul3A_294 = arith.muli %select_n3A_292, %mul3A_293 : i32
        %jit3A_295 = arith.constant 8 : i32
        %eq3A = arith.constant 0 : i32
        %eq3A_296 = arith.cmpi eq, %jit3A_295, %eq3A : i32
        %jit3A_297 = arith.constant 1 : i32
        %select_n3A_298 = arith.select %eq3A_296, %jit3A_297, %jit3A_295 : i32
        %rem3A_299 = arith.remsi %add3A_261, %select_n3A_298 : i32
        %ne3A_300 = arith.constant 0 : i32
        %ne3A_301 = arith.cmpi ne, %rem3A_299, %ne3A_300 : i32
        %lt3A_302 = arith.constant 0 : i32
        %lt3A_303 = arith.cmpi slt, %rem3A_299, %lt3A_302 : i32
        %lt3A_304 = arith.constant 0 : i32
        %lt3A_305 = arith.cmpi slt, %select_n3A_298, %lt3A_304 : i32
        %ne3A_306 = arith.xori %lt3A_303, %lt3A_305 : i1
        %and3A_307 = arith.andi %ne3A_306, %ne3A_301 : i1
        %add3A_308 = arith.addi %rem3A_299, %select_n3A_298 : i32
        %select_n3A_309 = arith.select %and3A_307, %add3A_308, %rem3A_299 : i32
        %mul3A_310 = arith.constant 16 : i32
        %mul3A_311 = arith.muli %select_n3A_309, %mul3A_310 : i32
        %add3A_312 = arith.addi %mul3A_294, %mul3A_311 : i32
        %add3A_313 = arith.constant 0 : i32
        %add3A_314 = vector.broadcast %add3A_313 : i32 to vector<16xi32>
        %add3A_315 = arith.addi %iota3A, %add3A_314 : vector<16xi32>
        %and3A_316 = arith.constant 15 : i32
        %and3A_317 = vector.broadcast %and3A_316 : i32 to vector<16xi32>
        %and3A_318 = arith.andi %add3A_315, %and3A_317 : vector<16xi32>
        %and3A_319 = arith.constant 7 : i32
        %and3A_320 = vector.broadcast %and3A_319 : i32 to vector<16xi32>
        %and3A_321 = arith.andi %and3A_318, %and3A_320 : vector<16xi32>
        %shift_left3A = arith.constant 7 : i32
        %shift_left3A_322 = vector.broadcast %shift_left3A : i32 to vector<16xi32>
        %shift_left3A_323 = arith.shli %and3A_321, %shift_left3A_322 : vector<16xi32>
        %add3A_324 = arith.addi %shift_left3A_323, %iota3A : vector<16xi32>
        %add3A_325 = vector.broadcast %add3A_312 : i32 to vector<16xi32>
        %add3A_326 = arith.addi %add3A_324, %add3A_325 : vector<16xi32>
        %shift_right_arithmetic3A = arith.constant 3 : i32
        %shift_right_arithmetic3A_327 = vector.broadcast %shift_right_arithmetic3A : i32 to vector<16xi32>
        %shift_right_arithmetic3A_328 = arith.shrsi %and3A_318, %shift_right_arithmetic3A_327 : vector<16xi32>
        %add3A_329 = arith.constant 0 : i32
        %add3A_330 = vector.broadcast %add3A_329 : i32 to vector<16xi32>
        %add3A_331 = arith.addi %and3A_318, %add3A_330 : vector<16xi32>
        %gather3A = tpu.vector_load_idx %arg12[%add3A_268, %add3A_331] : memref<512x32xf32, #tpu.memory_space<vmem>>[vector<16xi32>, vector<16xi32>], vector<16xf32>,
        %gather3A_332 = tpu.vector_load_idx %arg14[%add3A_268, %add3A_331] : memref<512x32xf32, #tpu.memory_space<vmem>>[vector<16xi32>, vector<16xi32>], vector<16xf32>,
        %add3A_333 = arith.constant 0 : i32
        %add3A_334 = vector.broadcast %add3A_333 : i32 to vector<16xi32>
        %add3A_335 = arith.addi %shift_right_arithmetic3A_328, %add3A_334 : vector<16xi32>
        %add3A_336 = arith.constant 16 : i32
        %add3A_337 = vector.broadcast %add3A_336 : i32 to vector<16xi32>
        %add3A_338 = arith.addi %and3A_318, %add3A_337 : vector<16xi32>
        %gather3A_339 = tpu.vector_load_idx %arg12[%add3A_268, %add3A_338] : memref<512x32xf32, #tpu.memory_space<vmem>>[vector<16xi32>, vector<16xi32>], vector<16xf32>,
        %gather3A_340 = tpu.vector_load_idx %arg14[%add3A_268, %add3A_338] : memref<512x32xf32, #tpu.memory_space<vmem>>[vector<16xi32>, vector<16xi32>], vector<16xf32>,
        %add3A_341 = arith.constant 2 : i32
        %add3A_342 = vector.broadcast %add3A_341 : i32 to vector<16xi32>
        %add3A_343 = arith.addi %shift_right_arithmetic3A_328, %add3A_342 : vector<16xi32>
        %add3A_344 = arith.constant 1 : i32
        %add3A_345 = vector.broadcast %add3A_344 : i32 to vector<16xi32>
        %add3A_346 = arith.addi %iota3A, %add3A_345 : vector<16xi32>
        %and3A_347 = arith.constant 15 : i32
        %and3A_348 = vector.broadcast %and3A_347 : i32 to vector<16xi32>
        %and3A_349 = arith.andi %add3A_346, %and3A_348 : vector<16xi32>
        %and3A_350 = arith.constant 7 : i32
        %and3A_351 = vector.broadcast %and3A_350 : i32 to vector<16xi32>
        %and3A_352 = arith.andi %and3A_349, %and3A_351 : vector<16xi32>
        %shift_left3A_353 = arith.constant 7 : i32
        %shift_left3A_354 = vector.broadcast %shift_left3A_353 : i32 to vector<16xi32>
        %shift_left3A_355 = arith.shli %and3A_352, %shift_left3A_354 : vector<16xi32>
        %add3A_356 = arith.addi %shift_left3A_355, %iota3A : vector<16xi32>
        %add3A_357 = vector.broadcast %add3A_312 : i32 to vector<16xi32>
        %add3A_358 = arith.addi %add3A_356, %add3A_357 : vector<16xi32>
        %shift_right_arithmetic3A_359 = arith.constant 3 : i32
        %shift_right_arithmetic3A_360 = vector.broadcast %shift_right_arithmetic3A_359 : i32 to vector<16xi32>
        %shift_right_arithmetic3A_361 = arith.shrsi %and3A_349, %shift_right_arithmetic3A_360 : vector<16xi32>
        %add3A_362 = arith.constant 0 : i32
        %add3A_363 = vector.broadcast %add3A_362 : i32 to vector<16xi32>
        %add3A_364 = arith.addi %and3A_349, %add3A_363 : vector<16xi32>
        %gather3A_365 = tpu.vector_load_idx %arg12[%add3A_268, %add3A_364] : memref<512x32xf32, #tpu.memory_space<vmem>>[vector<16xi32>, vector<16xi32>], vector<16xf32>,
        %gather3A_366 = tpu.vector_load_idx %arg14[%add3A_268, %add3A_364] : memref<512x32xf32, #tpu.memory_space<vmem>>[vector<16xi32>, vector<16xi32>], vector<16xf32>,
        %add3A_367 = arith.constant 0 : i32
        %add3A_368 = vector.broadcast %add3A_367 : i32 to vector<16xi32>
        %add3A_369 = arith.addi %shift_right_arithmetic3A_361, %add3A_368 : vector<16xi32>
        %add3A_370 = arith.constant 16 : i32
        %add3A_371 = vector.broadcast %add3A_370 : i32 to vector<16xi32>
        %add3A_372 = arith.addi %and3A_349, %add3A_371 : vector<16xi32>
        %gather3A_373 = tpu.vector_load_idx %arg12[%add3A_268, %add3A_372] : memref<512x32xf32, #tpu.memory_space<vmem>>[vector<16xi32>, vector<16xi32>], vector<16xf32>,
        %gather3A_374 = tpu.vector_load_idx %arg14[%add3A_268, %add3A_372] : memref<512x32xf32, #tpu.memory_space<vmem>>[vector<16xi32>, vector<16xi32>], vector<16xf32>,
        %add3A_375 = arith.constant 2 : i32
        %add3A_376 = vector.broadcast %add3A_375 : i32 to vector<16xi32>
        %add3A_377 = arith.addi %shift_right_arithmetic3A_361, %add3A_376 : vector<16xi32>
        %add3A_378 = arith.constant 2 : i32
        %add3A_379 = vector.broadcast %add3A_378 : i32 to vector<16xi32>
        %add3A_380 = arith.addi %iota3A, %add3A_379 : vector<16xi32>
        %and3A_381 = arith.constant 15 : i32
        %and3A_382 = vector.broadcast %and3A_381 : i32 to vector<16xi32>
        %and3A_383 = arith.andi %add3A_380, %and3A_382 : vector<16xi32>
        %and3A_384 = arith.constant 7 : i32
        %and3A_385 = vector.broadcast %and3A_384 : i32 to vector<16xi32>
        %and3A_386 = arith.andi %and3A_383, %and3A_385 : vector<16xi32>
        %shift_left3A_387 = arith.constant 7 : i32
        %shift_left3A_388 = vector.broadcast %shift_left3A_387 : i32 to vector<16xi32>
        %shift_left3A_389 = arith.shli %and3A_386, %shift_left3A_388 : vector<16xi32>
        %add3A_390 = arith.addi %shift_left3A_389, %iota3A : vector<16xi32>
        %add3A_391 = vector.broadcast %add3A_312 : i32 to vector<16xi32>
        %add3A_392 = arith.addi %add3A_390, %add3A_391 : vector<16xi32>
        %shift_right_arithmetic3A_393 = arith.constant 3 : i32
        %shift_right_arithmetic3A_394 = vector.broadcast %shift_right_arithmetic3A_393 : i32 to vector<16xi32>
        %shift_right_arithmetic3A_395 = arith.shrsi %and3A_383, %shift_right_arithmetic3A_394 : vector<16xi32>
        %add3A_396 = arith.constant 0 : i32
        %add3A_397 = vector.broadcast %add3A_396 : i32 to vector<16xi32>
        %add3A_398 = arith.addi %and3A_383, %add3A_397 : vector<16xi32>
        %gather3A_399 = tpu.vector_load_idx %arg12[%add3A_268, %add3A_398] : memref<512x32xf32, #tpu.memory_space<vmem>>[vector<16xi32>, vector<16xi32>], vector<16xf32>,
        %gather3A_400 = tpu.vector_load_idx %arg14[%add3A_268, %add3A_398] : memref<512x32xf32, #tpu.memory_space<vmem>>[vector<16xi32>, vector<16xi32>], vector<16xf32>,
        %add3A_401 = arith.constant 0 : i32
        %add3A_402 = vector.broadcast %add3A_401 : i32 to vector<16xi32>
        %add3A_403 = arith.addi %shift_right_arithmetic3A_395, %add3A_402 : vector<16xi32>
        %mul3A_404 = arith.mulf %get3A_264, %gather3A_332 : vector<16xf32>
        %add3A_405 = arith.addf %gather3A, %mul3A_404 : vector<16xf32>
        %max3A = arith.constant -1.000000e+00 : f32
        %max3A_406 = vector.broadcast %max3A : f32 to vector<16xf32>
        %max3A_407 = arith.maximumf %add3A_405, %max3A_406 : vector<16xf32>
        %min3A = arith.constant 1.000000e+00 : f32
        %min3A_408 = vector.broadcast %min3A : f32 to vector<16xf32>
        %min3A_409 = arith.minimumf %max3A_407, %min3A_408 : vector<16xf32>
        tpu.vector_store_idx %arg15[%add3A_335, %add3A_326], %min3A_409 : memref<4x4096xf32, #tpu.memory_space<vmem>>[vector<16xi32>, vector<16xi32>], vector<16xf32>,
        %add3A_410 = arith.constant 16 : i32
        %add3A_411 = vector.broadcast %add3A_410 : i32 to vector<16xi32>
        %add3A_412 = arith.addi %and3A_383, %add3A_411 : vector<16xi32>
        %gather3A_413 = tpu.vector_load_idx %arg12[%add3A_268, %add3A_412] : memref<512x32xf32, #tpu.memory_space<vmem>>[vector<16xi32>, vector<16xi32>], vector<16xf32>,
        %gather3A_414 = tpu.vector_load_idx %arg14[%add3A_268, %add3A_412] : memref<512x32xf32, #tpu.memory_space<vmem>>[vector<16xi32>, vector<16xi32>], vector<16xf32>,
        %add3A_415 = arith.constant 2 : i32
        %add3A_416 = vector.broadcast %add3A_415 : i32 to vector<16xi32>
        %add3A_417 = arith.addi %shift_right_arithmetic3A_395, %add3A_416 : vector<16xi32>
        %mul3A_418 = arith.mulf %get3A_264, %gather3A_340 : vector<16xf32>
        %add3A_419 = arith.addf %gather3A_339, %mul3A_418 : vector<16xf32>
        %max3A_420 = arith.constant -1.000000e+00 : f32
        %max3A_421 = vector.broadcast %max3A_420 : f32 to vector<16xf32>
        %max3A_422 = arith.maximumf %add3A_419, %max3A_421 : vector<16xf32>
        %min3A_423 = arith.constant 1.000000e+00 : f32
        %min3A_424 = vector.broadcast %min3A_423 : f32 to vector<16xf32>
        %min3A_425 = arith.minimumf %max3A_422, %min3A_424 : vector<16xf32>
        tpu.vector_store_idx %arg15[%add3A_343, %add3A_326], %min3A_425 : memref<4x4096xf32, #tpu.memory_space<vmem>>[vector<16xi32>, vector<16xi32>], vector<16xf32>,
        %add3A_426 = arith.constant 3 : i32
        %add3A_427 = vector.broadcast %add3A_426 : i32 to vector<16xi32>
        %add3A_428 = arith.addi %iota3A, %add3A_427 : vector<16xi32>
        %and3A_429 = arith.constant 15 : i32
        %and3A_430 = vector.broadcast %and3A_429 : i32 to vector<16xi32>
        %and3A_431 = arith.andi %add3A_428, %and3A_430 : vector<16xi32>
        %and3A_432 = arith.constant 7 : i32
        %and3A_433 = vector.broadcast %and3A_432 : i32 to vector<16xi32>
        %and3A_434 = arith.andi %and3A_431, %and3A_433 : vector<16xi32>
        %shift_left3A_435 = arith.constant 7 : i32
        %shift_left3A_436 = vector.broadcast %shift_left3A_435 : i32 to vector<16xi32>
        %shift_left3A_437 = arith.shli %and3A_434, %shift_left3A_436 : vector<16xi32>
        %add3A_438 = arith.addi %shift_left3A_437, %iota3A : vector<16xi32>
        %add3A_439 = vector.broadcast %add3A_312 : i32 to vector<16xi32>
        %add3A_440 = arith.addi %add3A_438, %add3A_439 : vector<16xi32>
        %shift_right_arithmetic3A_441 = arith.constant 3 : i32
        %shift_right_arithmetic3A_442 = vector.broadcast %shift_right_arithmetic3A_441 : i32 to vector<16xi32>
        %shift_right_arithmetic3A_443 = arith.shrsi %and3A_431, %shift_right_arithmetic3A_442 : vector<16xi32>
        %add3A_444 = arith.constant 0 : i32
        %add3A_445 = vector.broadcast %add3A_444 : i32 to vector<16xi32>
        %add3A_446 = arith.addi %and3A_431, %add3A_445 : vector<16xi32>
        %gather3A_447 = tpu.vector_load_idx %arg12[%add3A_268, %add3A_446] : memref<512x32xf32, #tpu.memory_space<vmem>>[vector<16xi32>, vector<16xi32>], vector<16xf32>,
        %gather3A_448 = tpu.vector_load_idx %arg14[%add3A_268, %add3A_446] : memref<512x32xf32, #tpu.memory_space<vmem>>[vector<16xi32>, vector<16xi32>], vector<16xf32>,
        %add3A_449 = arith.constant 0 : i32
        %add3A_450 = vector.broadcast %add3A_449 : i32 to vector<16xi32>
        %add3A_451 = arith.addi %shift_right_arithmetic3A_443, %add3A_450 : vector<16xi32>
        %mul3A_452 = arith.mulf %get3A_264, %gather3A_366 : vector<16xf32>
        %add3A_453 = arith.addf %gather3A_365, %mul3A_452 : vector<16xf32>
        %max3A_454 = arith.constant -1.000000e+00 : f32
        %max3A_455 = vector.broadcast %max3A_454 : f32 to vector<16xf32>
        %max3A_456 = arith.maximumf %add3A_453, %max3A_455 : vector<16xf32>
        %min3A_457 = arith.constant 1.000000e+00 : f32
        %min3A_458 = vector.broadcast %min3A_457 : f32 to vector<16xf32>
        %min3A_459 = arith.minimumf %max3A_456, %min3A_458 : vector<16xf32>
        tpu.vector_store_idx %arg15[%add3A_369, %add3A_358], %min3A_459 : memref<4x4096xf32, #tpu.memory_space<vmem>>[vector<16xi32>, vector<16xi32>], vector<16xf32>,
        %add3A_460 = arith.constant 16 : i32
        %add3A_461 = vector.broadcast %add3A_460 : i32 to vector<16xi32>
        %add3A_462 = arith.addi %and3A_431, %add3A_461 : vector<16xi32>
        %gather3A_463 = tpu.vector_load_idx %arg12[%add3A_268, %add3A_462] : memref<512x32xf32, #tpu.memory_space<vmem>>[vector<16xi32>, vector<16xi32>], vector<16xf32>,
        %gather3A_464 = tpu.vector_load_idx %arg14[%add3A_268, %add3A_462] : memref<512x32xf32, #tpu.memory_space<vmem>>[vector<16xi32>, vector<16xi32>], vector<16xf32>,
        %add3A_465 = arith.constant 2 : i32
        %add3A_466 = vector.broadcast %add3A_465 : i32 to vector<16xi32>
        %add3A_467 = arith.addi %shift_right_arithmetic3A_443, %add3A_466 : vector<16xi32>
        %mul3A_468 = arith.mulf %get3A_264, %gather3A_374 : vector<16xf32>
        %add3A_469 = arith.addf %gather3A_373, %mul3A_468 : vector<16xf32>
        %max3A_470 = arith.constant -1.000000e+00 : f32
        %max3A_471 = vector.broadcast %max3A_470 : f32 to vector<16xf32>
        %max3A_472 = arith.maximumf %add3A_469, %max3A_471 : vector<16xf32>
        %min3A_473 = arith.constant 1.000000e+00 : f32
        %min3A_474 = vector.broadcast %min3A_473 : f32 to vector<16xf32>
        %min3A_475 = arith.minimumf %max3A_472, %min3A_474 : vector<16xf32>
        tpu.vector_store_idx %arg15[%add3A_377, %add3A_358], %min3A_475 : memref<4x4096xf32, #tpu.memory_space<vmem>>[vector<16xi32>, vector<16xi32>], vector<16xf32>,
        %add3A_476 = arith.constant 4 : i32
        %add3A_477 = vector.broadcast %add3A_476 : i32 to vector<16xi32>
        %add3A_478 = arith.addi %iota3A, %add3A_477 : vector<16xi32>
        %and3A_479 = arith.constant 15 : i32
        %and3A_480 = vector.broadcast %and3A_479 : i32 to vector<16xi32>
        %and3A_481 = arith.andi %add3A_478, %and3A_480 : vector<16xi32>
        %and3A_482 = arith.constant 7 : i32
        %and3A_483 = vector.broadcast %and3A_482 : i32 to vector<16xi32>
        %and3A_484 = arith.andi %and3A_481, %and3A_483 : vector<16xi32>
        %shift_left3A_485 = arith.constant 7 : i32
        %shift_left3A_486 = vector.broadcast %shift_left3A_485 : i32 to vector<16xi32>
        %shift_left3A_487 = arith.shli %and3A_484, %shift_left3A_486 : vector<16xi32>
        %add3A_488 = arith.addi %shift_left3A_487, %iota3A : vector<16xi32>
        %add3A_489 = vector.broadcast %add3A_312 : i32 to vector<16xi32>
        %add3A_490 = arith.addi %add3A_488, %add3A_489 : vector<16xi32>
        %shift_right_arithmetic3A_491 = arith.constant 3 : i32
        %shift_right_arithmetic3A_492 = vector.broadcast %shift_right_arithmetic3A_491 : i32 to vector<16xi32>
        %shift_right_arithmetic3A_493 = arith.shrsi %and3A_481, %shift_right_arithmetic3A_492 : vector<16xi32>
        %add3A_494 = arith.constant 0 : i32
        %add3A_495 = vector.broadcast %add3A_494 : i32 to vector<16xi32>
        %add3A_496 = arith.addi %and3A_481, %add3A_495 : vector<16xi32>
        %gather3A_497 = tpu.vector_load_idx %arg12[%add3A_268, %add3A_496] : memref<512x32xf32, #tpu.memory_space<vmem>>[vector<16xi32>, vector<16xi32>], vector<16xf32>,
        %gather3A_498 = tpu.vector_load_idx %arg14[%add3A_268, %add3A_496] : memref<512x32xf32, #tpu.memory_space<vmem>>[vector<16xi32>, vector<16xi32>], vector<16xf32>,
        %add3A_499 = arith.constant 0 : i32
        %add3A_500 = vector.broadcast %add3A_499 : i32 to vector<16xi32>
        %add3A_501 = arith.addi %shift_right_arithmetic3A_493, %add3A_500 : vector<16xi32>
        %mul3A_502 = arith.mulf %get3A_264, %gather3A_400 : vector<16xf32>
        %add3A_503 = arith.addf %gather3A_399, %mul3A_502 : vector<16xf32>
        %max3A_504 = arith.constant -1.000000e+00 : f32
        %max3A_505 = vector.broadcast %max3A_504 : f32 to vector<16xf32>
        %max3A_506 = arith.maximumf %add3A_503, %max3A_505 : vector<16xf32>
        %min3A_507 = arith.constant 1.000000e+00 : f32
        %min3A_508 = vector.broadcast %min3A_507 : f32 to vector<16xf32>
        %min3A_509 = arith.minimumf %max3A_506, %min3A_508 : vector<16xf32>
        tpu.vector_store_idx %arg15[%add3A_403, %add3A_392], %min3A_509 : memref<4x4096xf32, #tpu.memory_space<vmem>>[vector<16xi32>, vector<16xi32>], vector<16xf32>,
        %add3A_510 = arith.constant 16 : i32
        %add3A_511 = vector.broadcast %add3A_510 : i32 to vector<16xi32>
        %add3A_512 = arith.addi %and3A_481, %add3A_511 : vector<16xi32>
        %gather3A_513 = tpu.vector_load_idx %arg12[%add3A_268, %add3A_512] : memref<512x32xf32, #tpu.memory_space<vmem>>[vector<16xi32>, vector<16xi32>], vector<16xf32>,
        %gather3A_514 = tpu.vector_load_idx %arg14[%add3A_268, %add3A_512] : memref<512x32xf32, #tpu.memory_space<vmem>>[vector<16xi32>, vector<16xi32>], vector<16xf32>,
        %add3A_515 = arith.constant 2 : i32
        %add3A_516 = vector.broadcast %add3A_515 : i32 to vector<16xi32>
        %add3A_517 = arith.addi %shift_right_arithmetic3A_493, %add3A_516 : vector<16xi32>
        %mul3A_518 = arith.mulf %get3A_264, %gather3A_414 : vector<16xf32>
        %add3A_519 = arith.addf %gather3A_413, %mul3A_518 : vector<16xf32>
        %max3A_520 = arith.constant -1.000000e+00 : f32
        %max3A_521 = vector.broadcast %max3A_520 : f32 to vector<16xf32>
        %max3A_522 = arith.maximumf %add3A_519, %max3A_521 : vector<16xf32>
        %min3A_523 = arith.constant 1.000000e+00 : f32
        %min3A_524 = vector.broadcast %min3A_523 : f32 to vector<16xf32>
        %min3A_525 = arith.minimumf %max3A_522, %min3A_524 : vector<16xf32>
        tpu.vector_store_idx %arg15[%add3A_417, %add3A_392], %min3A_525 : memref<4x4096xf32, #tpu.memory_space<vmem>>[vector<16xi32>, vector<16xi32>], vector<16xf32>,
        %add3A_526 = arith.constant 5 : i32
        %add3A_527 = vector.broadcast %add3A_526 : i32 to vector<16xi32>
        %add3A_528 = arith.addi %iota3A, %add3A_527 : vector<16xi32>
        %and3A_529 = arith.constant 15 : i32
        %and3A_530 = vector.broadcast %and3A_529 : i32 to vector<16xi32>
        %and3A_531 = arith.andi %add3A_528, %and3A_530 : vector<16xi32>
        %and3A_532 = arith.constant 7 : i32
        %and3A_533 = vector.broadcast %and3A_532 : i32 to vector<16xi32>
        %and3A_534 = arith.andi %and3A_531, %and3A_533 : vector<16xi32>
        %shift_left3A_535 = arith.constant 7 : i32
        %shift_left3A_536 = vector.broadcast %shift_left3A_535 : i32 to vector<16xi32>
        %shift_left3A_537 = arith.shli %and3A_534, %shift_left3A_536 : vector<16xi32>
        %add3A_538 = arith.addi %shift_left3A_537, %iota3A : vector<16xi32>
        %add3A_539 = vector.broadcast %add3A_312 : i32 to vector<16xi32>
        %add3A_540 = arith.addi %add3A_538, %add3A_539 : vector<16xi32>
        %shift_right_arithmetic3A_541 = arith.constant 3 : i32
        %shift_right_arithmetic3A_542 = vector.broadcast %shift_right_arithmetic3A_541 : i32 to vector<16xi32>
        %shift_right_arithmetic3A_543 = arith.shrsi %and3A_531, %shift_right_arithmetic3A_542 : vector<16xi32>
        %add3A_544 = arith.constant 0 : i32
        %add3A_545 = vector.broadcast %add3A_544 : i32 to vector<16xi32>
        %add3A_546 = arith.addi %and3A_531, %add3A_545 : vector<16xi32>
        %gather3A_547 = tpu.vector_load_idx %arg12[%add3A_268, %add3A_546] : memref<512x32xf32, #tpu.memory_space<vmem>>[vector<16xi32>, vector<16xi32>], vector<16xf32>,
        %gather3A_548 = tpu.vector_load_idx %arg14[%add3A_268, %add3A_546] : memref<512x32xf32, #tpu.memory_space<vmem>>[vector<16xi32>, vector<16xi32>], vector<16xf32>,
        %add3A_549 = arith.constant 0 : i32
        %add3A_550 = vector.broadcast %add3A_549 : i32 to vector<16xi32>
        %add3A_551 = arith.addi %shift_right_arithmetic3A_543, %add3A_550 : vector<16xi32>
        %mul3A_552 = arith.mulf %get3A_264, %gather3A_448 : vector<16xf32>
        %add3A_553 = arith.addf %gather3A_447, %mul3A_552 : vector<16xf32>
        %max3A_554 = arith.constant -1.000000e+00 : f32
        %max3A_555 = vector.broadcast %max3A_554 : f32 to vector<16xf32>
        %max3A_556 = arith.maximumf %add3A_553, %max3A_555 : vector<16xf32>
        %min3A_557 = arith.constant 1.000000e+00 : f32
        %min3A_558 = vector.broadcast %min3A_557 : f32 to vector<16xf32>
        %min3A_559 = arith.minimumf %max3A_556, %min3A_558 : vector<16xf32>
        tpu.vector_store_idx %arg15[%add3A_451, %add3A_440], %min3A_559 : memref<4x4096xf32, #tpu.memory_space<vmem>>[vector<16xi32>, vector<16xi32>], vector<16xf32>,
        %add3A_560 = arith.constant 16 : i32
        %add3A_561 = vector.broadcast %add3A_560 : i32 to vector<16xi32>
        %add3A_562 = arith.addi %and3A_531, %add3A_561 : vector<16xi32>
        %gather3A_563 = tpu.vector_load_idx %arg12[%add3A_268, %add3A_562] : memref<512x32xf32, #tpu.memory_space<vmem>>[vector<16xi32>, vector<16xi32>], vector<16xf32>,
        %gather3A_564 = tpu.vector_load_idx %arg14[%add3A_268, %add3A_562] : memref<512x32xf32, #tpu.memory_space<vmem>>[vector<16xi32>, vector<16xi32>], vector<16xf32>,
        %add3A_565 = arith.constant 2 : i32
        %add3A_566 = vector.broadcast %add3A_565 : i32 to vector<16xi32>
        %add3A_567 = arith.addi %shift_right_arithmetic3A_543, %add3A_566 : vector<16xi32>
        %mul3A_568 = arith.mulf %get3A_264, %gather3A_464 : vector<16xf32>
        %add3A_569 = arith.addf %gather3A_463, %mul3A_568 : vector<16xf32>
        %max3A_570 = arith.constant -1.000000e+00 : f32
        %max3A_571 = vector.broadcast %max3A_570 : f32 to vector<16xf32>
        %max3A_572 = arith.maximumf %add3A_569, %max3A_571 : vector<16xf32>
        %min3A_573 = arith.constant 1.000000e+00 : f32
        %min3A_574 = vector.broadcast %min3A_573 : f32 to vector<16xf32>
        %min3A_575 = arith.minimumf %max3A_572, %min3A_574 : vector<16xf32>
        tpu.vector_store_idx %arg15[%add3A_467, %add3A_440], %min3A_575 : memref<4x4096xf32, #tpu.memory_space<vmem>>[vector<16xi32>, vector<16xi32>], vector<16xf32>,
        %add3A_576 = arith.constant 6 : i32
        %add3A_577 = vector.broadcast %add3A_576 : i32 to vector<16xi32>
        %add3A_578 = arith.addi %iota3A, %add3A_577 : vector<16xi32>
        %and3A_579 = arith.constant 15 : i32
        %and3A_580 = vector.broadcast %and3A_579 : i32 to vector<16xi32>
        %and3A_581 = arith.andi %add3A_578, %and3A_580 : vector<16xi32>
        %and3A_582 = arith.constant 7 : i32
        %and3A_583 = vector.broadcast %and3A_582 : i32 to vector<16xi32>
        %and3A_584 = arith.andi %and3A_581, %and3A_583 : vector<16xi32>
        %shift_left3A_585 = arith.constant 7 : i32
        %shift_left3A_586 = vector.broadcast %shift_left3A_585 : i32 to vector<16xi32>
        %shift_left3A_587 = arith.shli %and3A_584, %shift_left3A_586 : vector<16xi32>
        %add3A_588 = arith.addi %shift_left3A_587, %iota3A : vector<16xi32>
        %add3A_589 = vector.broadcast %add3A_312 : i32 to vector<16xi32>
        %add3A_590 = arith.addi %add3A_588, %add3A_589 : vector<16xi32>
        %shift_right_arithmetic3A_591 = arith.constant 3 : i32
        %shift_right_arithmetic3A_592 = vector.broadcast %shift_right_arithmetic3A_591 : i32 to vector<16xi32>
        %shift_right_arithmetic3A_593 = arith.shrsi %and3A_581, %shift_right_arithmetic3A_592 : vector<16xi32>
        %add3A_594 = arith.constant 0 : i32
        %add3A_595 = vector.broadcast %add3A_594 : i32 to vector<16xi32>
        %add3A_596 = arith.addi %and3A_581, %add3A_595 : vector<16xi32>
        %gather3A_597 = tpu.vector_load_idx %arg12[%add3A_268, %add3A_596] : memref<512x32xf32, #tpu.memory_space<vmem>>[vector<16xi32>, vector<16xi32>], vector<16xf32>,
        %gather3A_598 = tpu.vector_load_idx %arg14[%add3A_268, %add3A_596] : memref<512x32xf32, #tpu.memory_space<vmem>>[vector<16xi32>, vector<16xi32>], vector<16xf32>,
        %add3A_599 = arith.constant 0 : i32
        %add3A_600 = vector.broadcast %add3A_599 : i32 to vector<16xi32>
        %add3A_601 = arith.addi %shift_right_arithmetic3A_593, %add3A_600 : vector<16xi32>
        %mul3A_602 = arith.mulf %get3A_264, %gather3A_498 : vector<16xf32>
        %add3A_603 = arith.addf %gather3A_497, %mul3A_602 : vector<16xf32>
        %max3A_604 = arith.constant -1.000000e+00 : f32
        %max3A_605 = vector.broadcast %max3A_604 : f32 to vector<16xf32>
        %max3A_606 = arith.maximumf %add3A_603, %max3A_605 : vector<16xf32>
        %min3A_607 = arith.constant 1.000000e+00 : f32
        %min3A_608 = vector.broadcast %min3A_607 : f32 to vector<16xf32>
        %min3A_609 = arith.minimumf %max3A_606, %min3A_608 : vector<16xf32>
        tpu.vector_store_idx %arg15[%add3A_501, %add3A_490], %min3A_609 : memref<4x4096xf32, #tpu.memory_space<vmem>>[vector<16xi32>, vector<16xi32>], vector<16xf32>,
        %add3A_610 = arith.constant 16 : i32
        %add3A_611 = vector.broadcast %add3A_610 : i32 to vector<16xi32>
        %add3A_612 = arith.addi %and3A_581, %add3A_611 : vector<16xi32>
        %gather3A_613 = tpu.vector_load_idx %arg12[%add3A_268, %add3A_612] : memref<512x32xf32, #tpu.memory_space<vmem>>[vector<16xi32>, vector<16xi32>], vector<16xf32>,
        %gather3A_614 = tpu.vector_load_idx %arg14[%add3A_268, %add3A_612] : memref<512x32xf32, #tpu.memory_space<vmem>>[vector<16xi32>, vector<16xi32>], vector<16xf32>,
        %add3A_615 = arith.constant 2 : i32
        %add3A_616 = vector.broadcast %add3A_615 : i32 to vector<16xi32>
        %add3A_617 = arith.addi %shift_right_arithmetic3A_593, %add3A_616 : vector<16xi32>
        %mul3A_618 = arith.mulf %get3A_264, %gather3A_514 : vector<16xf32>
        %add3A_619 = arith.addf %gather3A_513, %mul3A_618 : vector<16xf32>
        %max3A_620 = arith.constant -1.000000e+00 : f32
        %max3A_621 = vector.broadcast %max3A_620 : f32 to vector<16xf32>
        %max3A_622 = arith.maximumf %add3A_619, %max3A_621 : vector<16xf32>
        %min3A_623 = arith.constant 1.000000e+00 : f32
        %min3A_624 = vector.broadcast %min3A_623 : f32 to vector<16xf32>
        %min3A_625 = arith.minimumf %max3A_622, %min3A_624 : vector<16xf32>
        tpu.vector_store_idx %arg15[%add3A_517, %add3A_490], %min3A_625 : memref<4x4096xf32, #tpu.memory_space<vmem>>[vector<16xi32>, vector<16xi32>], vector<16xf32>,
        %add3A_626 = arith.constant 7 : i32
        %add3A_627 = vector.broadcast %add3A_626 : i32 to vector<16xi32>
        %add3A_628 = arith.addi %iota3A, %add3A_627 : vector<16xi32>
        %and3A_629 = arith.constant 15 : i32
        %and3A_630 = vector.broadcast %and3A_629 : i32 to vector<16xi32>
        %and3A_631 = arith.andi %add3A_628, %and3A_630 : vector<16xi32>
        %and3A_632 = arith.constant 7 : i32
        %and3A_633 = vector.broadcast %and3A_632 : i32 to vector<16xi32>
        %and3A_634 = arith.andi %and3A_631, %and3A_633 : vector<16xi32>
        %shift_left3A_635 = arith.constant 7 : i32
        %shift_left3A_636 = vector.broadcast %shift_left3A_635 : i32 to vector<16xi32>
        %shift_left3A_637 = arith.shli %and3A_634, %shift_left3A_636 : vector<16xi32>
        %add3A_638 = arith.addi %shift_left3A_637, %iota3A : vector<16xi32>
        %add3A_639 = vector.broadcast %add3A_312 : i32 to vector<16xi32>
        %add3A_640 = arith.addi %add3A_638, %add3A_639 : vector<16xi32>
        %shift_right_arithmetic3A_641 = arith.constant 3 : i32
        %shift_right_arithmetic3A_642 = vector.broadcast %shift_right_arithmetic3A_641 : i32 to vector<16xi32>
        %shift_right_arithmetic3A_643 = arith.shrsi %and3A_631, %shift_right_arithmetic3A_642 : vector<16xi32>
        %add3A_644 = arith.constant 0 : i32
        %add3A_645 = vector.broadcast %add3A_644 : i32 to vector<16xi32>
        %add3A_646 = arith.addi %and3A_631, %add3A_645 : vector<16xi32>
        %gather3A_647 = tpu.vector_load_idx %arg12[%add3A_268, %add3A_646] : memref<512x32xf32, #tpu.memory_space<vmem>>[vector<16xi32>, vector<16xi32>], vector<16xf32>,
        %gather3A_648 = tpu.vector_load_idx %arg14[%add3A_268, %add3A_646] : memref<512x32xf32, #tpu.memory_space<vmem>>[vector<16xi32>, vector<16xi32>], vector<16xf32>,
        %add3A_649 = arith.constant 0 : i32
        %add3A_650 = vector.broadcast %add3A_649 : i32 to vector<16xi32>
        %add3A_651 = arith.addi %shift_right_arithmetic3A_643, %add3A_650 : vector<16xi32>
        %mul3A_652 = arith.mulf %get3A_264, %gather3A_548 : vector<16xf32>
        %add3A_653 = arith.addf %gather3A_547, %mul3A_652 : vector<16xf32>
        %max3A_654 = arith.constant -1.000000e+00 : f32
        %max3A_655 = vector.broadcast %max3A_654 : f32 to vector<16xf32>
        %max3A_656 = arith.maximumf %add3A_653, %max3A_655 : vector<16xf32>
        %min3A_657 = arith.constant 1.000000e+00 : f32
        %min3A_658 = vector.broadcast %min3A_657 : f32 to vector<16xf32>
        %min3A_659 = arith.minimumf %max3A_656, %min3A_658 : vector<16xf32>
        tpu.vector_store_idx %arg15[%add3A_551, %add3A_540], %min3A_659 : memref<4x4096xf32, #tpu.memory_space<vmem>>[vector<16xi32>, vector<16xi32>], vector<16xf32>,
        %add3A_660 = arith.constant 16 : i32
        %add3A_661 = vector.broadcast %add3A_660 : i32 to vector<16xi32>
        %add3A_662 = arith.addi %and3A_631, %add3A_661 : vector<16xi32>
        %gather3A_663 = tpu.vector_load_idx %arg12[%add3A_268, %add3A_662] : memref<512x32xf32, #tpu.memory_space<vmem>>[vector<16xi32>, vector<16xi32>], vector<16xf32>,
        %gather3A_664 = tpu.vector_load_idx %arg14[%add3A_268, %add3A_662] : memref<512x32xf32, #tpu.memory_space<vmem>>[vector<16xi32>, vector<16xi32>], vector<16xf32>,
        %add3A_665 = arith.constant 2 : i32
        %add3A_666 = vector.broadcast %add3A_665 : i32 to vector<16xi32>
        %add3A_667 = arith.addi %shift_right_arithmetic3A_643, %add3A_666 : vector<16xi32>
        %mul3A_668 = arith.mulf %get3A_264, %gather3A_564 : vector<16xf32>
        %add3A_669 = arith.addf %gather3A_563, %mul3A_668 : vector<16xf32>
        %max3A_670 = arith.constant -1.000000e+00 : f32
        %max3A_671 = vector.broadcast %max3A_670 : f32 to vector<16xf32>
        %max3A_672 = arith.maximumf %add3A_669, %max3A_671 : vector<16xf32>
        %min3A_673 = arith.constant 1.000000e+00 : f32
        %min3A_674 = vector.broadcast %min3A_673 : f32 to vector<16xf32>
        %min3A_675 = arith.minimumf %max3A_672, %min3A_674 : vector<16xf32>
        tpu.vector_store_idx %arg15[%add3A_567, %add3A_540], %min3A_675 : memref<4x4096xf32, #tpu.memory_space<vmem>>[vector<16xi32>, vector<16xi32>], vector<16xf32>,
        %add3A_676 = arith.constant 8 : i32
        %add3A_677 = vector.broadcast %add3A_676 : i32 to vector<16xi32>
        %add3A_678 = arith.addi %iota3A, %add3A_677 : vector<16xi32>
        %and3A_679 = arith.constant 15 : i32
        %and3A_680 = vector.broadcast %and3A_679 : i32 to vector<16xi32>
        %and3A_681 = arith.andi %add3A_678, %and3A_680 : vector<16xi32>
        %and3A_682 = arith.constant 7 : i32
        %and3A_683 = vector.broadcast %and3A_682 : i32 to vector<16xi32>
        %and3A_684 = arith.andi %and3A_681, %and3A_683 : vector<16xi32>
        %shift_left3A_685 = arith.constant 7 : i32
        %shift_left3A_686 = vector.broadcast %shift_left3A_685 : i32 to vector<16xi32>
        %shift_left3A_687 = arith.shli %and3A_684, %shift_left3A_686 : vector<16xi32>
        %add3A_688 = arith.addi %shift_left3A_687, %iota3A : vector<16xi32>
        %add3A_689 = vector.broadcast %add3A_312 : i32 to vector<16xi32>
        %add3A_690 = arith.addi %add3A_688, %add3A_689 : vector<16xi32>
        %shift_right_arithmetic3A_691 = arith.constant 3 : i32
        %shift_right_arithmetic3A_692 = vector.broadcast %shift_right_arithmetic3A_691 : i32 to vector<16xi32>
        %shift_right_arithmetic3A_693 = arith.shrsi %and3A_681, %shift_right_arithmetic3A_692 : vector<16xi32>
        %add3A_694 = arith.constant 0 : i32
        %add3A_695 = vector.broadcast %add3A_694 : i32 to vector<16xi32>
        %add3A_696 = arith.addi %and3A_681, %add3A_695 : vector<16xi32>
        %gather3A_697 = tpu.vector_load_idx %arg12[%add3A_268, %add3A_696] : memref<512x32xf32, #tpu.memory_space<vmem>>[vector<16xi32>, vector<16xi32>], vector<16xf32>,
        %gather3A_698 = tpu.vector_load_idx %arg14[%add3A_268, %add3A_696] : memref<512x32xf32, #tpu.memory_space<vmem>>[vector<16xi32>, vector<16xi32>], vector<16xf32>,
        %add3A_699 = arith.constant 0 : i32
        %add3A_700 = vector.broadcast %add3A_699 : i32 to vector<16xi32>
        %add3A_701 = arith.addi %shift_right_arithmetic3A_693, %add3A_700 : vector<16xi32>
        %mul3A_702 = arith.mulf %get3A_264, %gather3A_598 : vector<16xf32>
        %add3A_703 = arith.addf %gather3A_597, %mul3A_702 : vector<16xf32>
        %max3A_704 = arith.constant -1.000000e+00 : f32
        %max3A_705 = vector.broadcast %max3A_704 : f32 to vector<16xf32>
        %max3A_706 = arith.maximumf %add3A_703, %max3A_705 : vector<16xf32>
        %min3A_707 = arith.constant 1.000000e+00 : f32
        %min3A_708 = vector.broadcast %min3A_707 : f32 to vector<16xf32>
        %min3A_709 = arith.minimumf %max3A_706, %min3A_708 : vector<16xf32>
        tpu.vector_store_idx %arg15[%add3A_601, %add3A_590], %min3A_709 : memref<4x4096xf32, #tpu.memory_space<vmem>>[vector<16xi32>, vector<16xi32>], vector<16xf32>,
        %add3A_710 = arith.constant 16 : i32
        %add3A_711 = vector.broadcast %add3A_710 : i32 to vector<16xi32>
        %add3A_712 = arith.addi %and3A_681, %add3A_711 : vector<16xi32>
        %gather3A_713 = tpu.vector_load_idx %arg12[%add3A_268, %add3A_712] : memref<512x32xf32, #tpu.memory_space<vmem>>[vector<16xi32>, vector<16xi32>], vector<16xf32>,
        %gather3A_714 = tpu.vector_load_idx %arg14[%add3A_268, %add3A_712] : memref<512x32xf32, #tpu.memory_space<vmem>>[vector<16xi32>, vector<16xi32>], vector<16xf32>,
        %add3A_715 = arith.constant 2 : i32
        %add3A_716 = vector.broadcast %add3A_715 : i32 to vector<16xi32>
        %add3A_717 = arith.addi %shift_right_arithmetic3A_693, %add3A_716 : vector<16xi32>
        %mul3A_718 = arith.mulf %get3A_264, %gather3A_614 : vector<16xf32>
        %add3A_719 = arith.addf %gather3A_613, %mul3A_718 : vector<16xf32>
        %max3A_720 = arith.constant -1.000000e+00 : f32
        %max3A_721 = vector.broadcast %max3A_720 : f32 to vector<16xf32>
        %max3A_722 = arith.maximumf %add3A_719, %max3A_721 : vector<16xf32>
        %min3A_723 = arith.constant 1.000000e+00 : f32
        %min3A_724 = vector.broadcast %min3A_723 : f32 to vector<16xf32>
        %min3A_725 = arith.minimumf %max3A_722, %min3A_724 : vector<16xf32>
        tpu.vector_store_idx %arg15[%add3A_617, %add3A_590], %min3A_725 : memref<4x4096xf32, #tpu.memory_space<vmem>>[vector<16xi32>, vector<16xi32>], vector<16xf32>,
        %add3A_726 = arith.constant 9 : i32
        %add3A_727 = vector.broadcast %add3A_726 : i32 to vector<16xi32>
        %add3A_728 = arith.addi %iota3A, %add3A_727 : vector<16xi32>
        %and3A_729 = arith.constant 15 : i32
        %and3A_730 = vector.broadcast %and3A_729 : i32 to vector<16xi32>
        %and3A_731 = arith.andi %add3A_728, %and3A_730 : vector<16xi32>
        %and3A_732 = arith.constant 7 : i32
        %and3A_733 = vector.broadcast %and3A_732 : i32 to vector<16xi32>
        %and3A_734 = arith.andi %and3A_731, %and3A_733 : vector<16xi32>
        %shift_left3A_735 = arith.constant 7 : i32
        %shift_left3A_736 = vector.broadcast %shift_left3A_735 : i32 to vector<16xi32>
        %shift_left3A_737 = arith.shli %and3A_734, %shift_left3A_736 : vector<16xi32>
        %add3A_738 = arith.addi %shift_left3A_737, %iota3A : vector<16xi32>
        %add3A_739 = vector.broadcast %add3A_312 : i32 to vector<16xi32>
        %add3A_740 = arith.addi %add3A_738, %add3A_739 : vector<16xi32>
        %shift_right_arithmetic3A_741 = arith.constant 3 : i32
        %shift_right_arithmetic3A_742 = vector.broadcast %shift_right_arithmetic3A_741 : i32 to vector<16xi32>
        %shift_right_arithmetic3A_743 = arith.shrsi %and3A_731, %shift_right_arithmetic3A_742 : vector<16xi32>
        %add3A_744 = arith.constant 0 : i32
        %add3A_745 = vector.broadcast %add3A_744 : i32 to vector<16xi32>
        %add3A_746 = arith.addi %and3A_731, %add3A_745 : vector<16xi32>
        %gather3A_747 = tpu.vector_load_idx %arg12[%add3A_268, %add3A_746] : memref<512x32xf32, #tpu.memory_space<vmem>>[vector<16xi32>, vector<16xi32>], vector<16xf32>,
        %gather3A_748 = tpu.vector_load_idx %arg14[%add3A_268, %add3A_746] : memref<512x32xf32, #tpu.memory_space<vmem>>[vector<16xi32>, vector<16xi32>], vector<16xf32>,
        %add3A_749 = arith.constant 0 : i32
        %add3A_750 = vector.broadcast %add3A_749 : i32 to vector<16xi32>
        %add3A_751 = arith.addi %shift_right_arithmetic3A_743, %add3A_750 : vector<16xi32>
        %mul3A_752 = arith.mulf %get3A_264, %gather3A_648 : vector<16xf32>
        %add3A_753 = arith.addf %gather3A_647, %mul3A_752 : vector<16xf32>
        %max3A_754 = arith.constant -1.000000e+00 : f32
        %max3A_755 = vector.broadcast %max3A_754 : f32 to vector<16xf32>
        %max3A_756 = arith.maximumf %add3A_753, %max3A_755 : vector<16xf32>
        %min3A_757 = arith.constant 1.000000e+00 : f32
        %min3A_758 = vector.broadcast %min3A_757 : f32 to vector<16xf32>
        %min3A_759 = arith.minimumf %max3A_756, %min3A_758 : vector<16xf32>
        tpu.vector_store_idx %arg15[%add3A_651, %add3A_640], %min3A_759 : memref<4x4096xf32, #tpu.memory_space<vmem>>[vector<16xi32>, vector<16xi32>], vector<16xf32>,
        %add3A_760 = arith.constant 16 : i32
        %add3A_761 = vector.broadcast %add3A_760 : i32 to vector<16xi32>
        %add3A_762 = arith.addi %and3A_731, %add3A_761 : vector<16xi32>
        %gather3A_763 = tpu.vector_load_idx %arg12[%add3A_268, %add3A_762] : memref<512x32xf32, #tpu.memory_space<vmem>>[vector<16xi32>, vector<16xi32>], vector<16xf32>,
        %gather3A_764 = tpu.vector_load_idx %arg14[%add3A_268, %add3A_762] : memref<512x32xf32, #tpu.memory_space<vmem>>[vector<16xi32>, vector<16xi32>], vector<16xf32>,
        %add3A_765 = arith.constant 2 : i32
        %add3A_766 = vector.broadcast %add3A_765 : i32 to vector<16xi32>
        %add3A_767 = arith.addi %shift_right_arithmetic3A_743, %add3A_766 : vector<16xi32>
        %mul3A_768 = arith.mulf %get3A_264, %gather3A_664 : vector<16xf32>
        %add3A_769 = arith.addf %gather3A_663, %mul3A_768 : vector<16xf32>
        %max3A_770 = arith.constant -1.000000e+00 : f32
        %max3A_771 = vector.broadcast %max3A_770 : f32 to vector<16xf32>
        %max3A_772 = arith.maximumf %add3A_769, %max3A_771 : vector<16xf32>
        %min3A_773 = arith.constant 1.000000e+00 : f32
        %min3A_774 = vector.broadcast %min3A_773 : f32 to vector<16xf32>
        %min3A_775 = arith.minimumf %max3A_772, %min3A_774 : vector<16xf32>
        tpu.vector_store_idx %arg15[%add3A_667, %add3A_640], %min3A_775 : memref<4x4096xf32, #tpu.memory_space<vmem>>[vector<16xi32>, vector<16xi32>], vector<16xf32>,
        %add3A_776 = arith.constant 10 : i32
        %add3A_777 = vector.broadcast %add3A_776 : i32 to vector<16xi32>
        %add3A_778 = arith.addi %iota3A, %add3A_777 : vector<16xi32>
        %and3A_779 = arith.constant 15 : i32
        %and3A_780 = vector.broadcast %and3A_779 : i32 to vector<16xi32>
        %and3A_781 = arith.andi %add3A_778, %and3A_780 : vector<16xi32>
        %and3A_782 = arith.constant 7 : i32
        %and3A_783 = vector.broadcast %and3A_782 : i32 to vector<16xi32>
        %and3A_784 = arith.andi %and3A_781, %and3A_783 : vector<16xi32>
        %shift_left3A_785 = arith.constant 7 : i32
        %shift_left3A_786 = vector.broadcast %shift_left3A_785 : i32 to vector<16xi32>
        %shift_left3A_787 = arith.shli %and3A_784, %shift_left3A_786 : vector<16xi32>
        %add3A_788 = arith.addi %shift_left3A_787, %iota3A : vector<16xi32>
        %add3A_789 = vector.broadcast %add3A_312 : i32 to vector<16xi32>
        %add3A_790 = arith.addi %add3A_788, %add3A_789 : vector<16xi32>
        %shift_right_arithmetic3A_791 = arith.constant 3 : i32
        %shift_right_arithmetic3A_792 = vector.broadcast %shift_right_arithmetic3A_791 : i32 to vector<16xi32>
        %shift_right_arithmetic3A_793 = arith.shrsi %and3A_781, %shift_right_arithmetic3A_792 : vector<16xi32>
        %add3A_794 = arith.constant 0 : i32
        %add3A_795 = vector.broadcast %add3A_794 : i32 to vector<16xi32>
        %add3A_796 = arith.addi %and3A_781, %add3A_795 : vector<16xi32>
        %gather3A_797 = tpu.vector_load_idx %arg12[%add3A_268, %add3A_796] : memref<512x32xf32, #tpu.memory_space<vmem>>[vector<16xi32>, vector<16xi32>], vector<16xf32>,
        %gather3A_798 = tpu.vector_load_idx %arg14[%add3A_268, %add3A_796] : memref<512x32xf32, #tpu.memory_space<vmem>>[vector<16xi32>, vector<16xi32>], vector<16xf32>,
        %add3A_799 = arith.constant 0 : i32
        %add3A_800 = vector.broadcast %add3A_799 : i32 to vector<16xi32>
        %add3A_801 = arith.addi %shift_right_arithmetic3A_793, %add3A_800 : vector<16xi32>
        %mul3A_802 = arith.mulf %get3A_264, %gather3A_698 : vector<16xf32>
        %add3A_803 = arith.addf %gather3A_697, %mul3A_802 : vector<16xf32>
        %max3A_804 = arith.constant -1.000000e+00 : f32
        %max3A_805 = vector.broadcast %max3A_804 : f32 to vector<16xf32>
        %max3A_806 = arith.maximumf %add3A_803, %max3A_805 : vector<16xf32>
        %min3A_807 = arith.constant 1.000000e+00 : f32
        %min3A_808 = vector.broadcast %min3A_807 : f32 to vector<16xf32>
        %min3A_809 = arith.minimumf %max3A_806, %min3A_808 : vector<16xf32>
        tpu.vector_store_idx %arg15[%add3A_701, %add3A_690], %min3A_809 : memref<4x4096xf32, #tpu.memory_space<vmem>>[vector<16xi32>, vector<16xi32>], vector<16xf32>,
        %add3A_810 = arith.constant 16 : i32
        %add3A_811 = vector.broadcast %add3A_810 : i32 to vector<16xi32>
        %add3A_812 = arith.addi %and3A_781, %add3A_811 : vector<16xi32>
        %gather3A_813 = tpu.vector_load_idx %arg12[%add3A_268, %add3A_812] : memref<512x32xf32, #tpu.memory_space<vmem>>[vector<16xi32>, vector<16xi32>], vector<16xf32>,
        %gather3A_814 = tpu.vector_load_idx %arg14[%add3A_268, %add3A_812] : memref<512x32xf32, #tpu.memory_space<vmem>>[vector<16xi32>, vector<16xi32>], vector<16xf32>,
        %add3A_815 = arith.constant 2 : i32
        %add3A_816 = vector.broadcast %add3A_815 : i32 to vector<16xi32>
        %add3A_817 = arith.addi %shift_right_arithmetic3A_793, %add3A_816 : vector<16xi32>
        %mul3A_818 = arith.mulf %get3A_264, %gather3A_714 : vector<16xf32>
        %add3A_819 = arith.addf %gather3A_713, %mul3A_818 : vector<16xf32>
        %max3A_820 = arith.constant -1.000000e+00 : f32
        %max3A_821 = vector.broadcast %max3A_820 : f32 to vector<16xf32>
        %max3A_822 = arith.maximumf %add3A_819, %max3A_821 : vector<16xf32>
        %min3A_823 = arith.constant 1.000000e+00 : f32
        %min3A_824 = vector.broadcast %min3A_823 : f32 to vector<16xf32>
        %min3A_825 = arith.minimumf %max3A_822, %min3A_824 : vector<16xf32>
        tpu.vector_store_idx %arg15[%add3A_717, %add3A_690], %min3A_825 : memref<4x4096xf32, #tpu.memory_space<vmem>>[vector<16xi32>, vector<16xi32>], vector<16xf32>,
        %add3A_826 = arith.constant 11 : i32
        %add3A_827 = vector.broadcast %add3A_826 : i32 to vector<16xi32>
        %add3A_828 = arith.addi %iota3A, %add3A_827 : vector<16xi32>
        %and3A_829 = arith.constant 15 : i32
        %and3A_830 = vector.broadcast %and3A_829 : i32 to vector<16xi32>
        %and3A_831 = arith.andi %add3A_828, %and3A_830 : vector<16xi32>
        %and3A_832 = arith.constant 7 : i32
        %and3A_833 = vector.broadcast %and3A_832 : i32 to vector<16xi32>
        %and3A_834 = arith.andi %and3A_831, %and3A_833 : vector<16xi32>
        %shift_left3A_835 = arith.constant 7 : i32
        %shift_left3A_836 = vector.broadcast %shift_left3A_835 : i32 to vector<16xi32>
        %shift_left3A_837 = arith.shli %and3A_834, %shift_left3A_836 : vector<16xi32>
        %add3A_838 = arith.addi %shift_left3A_837, %iota3A : vector<16xi32>
        %add3A_839 = vector.broadcast %add3A_312 : i32 to vector<16xi32>
        %add3A_840 = arith.addi %add3A_838, %add3A_839 : vector<16xi32>
        %shift_right_arithmetic3A_841 = arith.constant 3 : i32
        %shift_right_arithmetic3A_842 = vector.broadcast %shift_right_arithmetic3A_841 : i32 to vector<16xi32>
        %shift_right_arithmetic3A_843 = arith.shrsi %and3A_831, %shift_right_arithmetic3A_842 : vector<16xi32>
        %add3A_844 = arith.constant 0 : i32
        %add3A_845 = vector.broadcast %add3A_844 : i32 to vector<16xi32>
        %add3A_846 = arith.addi %and3A_831, %add3A_845 : vector<16xi32>
        %gather3A_847 = tpu.vector_load_idx %arg12[%add3A_268, %add3A_846] : memref<512x32xf32, #tpu.memory_space<vmem>>[vector<16xi32>, vector<16xi32>], vector<16xf32>,
        %gather3A_848 = tpu.vector_load_idx %arg14[%add3A_268, %add3A_846] : memref<512x32xf32, #tpu.memory_space<vmem>>[vector<16xi32>, vector<16xi32>], vector<16xf32>,
        %add3A_849 = arith.constant 0 : i32
        %add3A_850 = vector.broadcast %add3A_849 : i32 to vector<16xi32>
        %add3A_851 = arith.addi %shift_right_arithmetic3A_843, %add3A_850 : vector<16xi32>
        %mul3A_852 = arith.mulf %get3A_264, %gather3A_748 : vector<16xf32>
        %add3A_853 = arith.addf %gather3A_747, %mul3A_852 : vector<16xf32>
        %max3A_854 = arith.constant -1.000000e+00 : f32
        %max3A_855 = vector.broadcast %max3A_854 : f32 to vector<16xf32>
        %max3A_856 = arith.maximumf %add3A_853, %max3A_855 : vector<16xf32>
        %min3A_857 = arith.constant 1.000000e+00 : f32
        %min3A_858 = vector.broadcast %min3A_857 : f32 to vector<16xf32>
        %min3A_859 = arith.minimumf %max3A_856, %min3A_858 : vector<16xf32>
        tpu.vector_store_idx %arg15[%add3A_751, %add3A_740], %min3A_859 : memref<4x4096xf32, #tpu.memory_space<vmem>>[vector<16xi32>, vector<16xi32>], vector<16xf32>,
        %add3A_860 = arith.constant 16 : i32
        %add3A_861 = vector.broadcast %add3A_860 : i32 to vector<16xi32>
        %add3A_862 = arith.addi %and3A_831, %add3A_861 : vector<16xi32>
        %gather3A_863 = tpu.vector_load_idx %arg12[%add3A_268, %add3A_862] : memref<512x32xf32, #tpu.memory_space<vmem>>[vector<16xi32>, vector<16xi32>], vector<16xf32>,
        %gather3A_864 = tpu.vector_load_idx %arg14[%add3A_268, %add3A_862] : memref<512x32xf32, #tpu.memory_space<vmem>>[vector<16xi32>, vector<16xi32>], vector<16xf32>,
        %add3A_865 = arith.constant 2 : i32
        %add3A_866 = vector.broadcast %add3A_865 : i32 to vector<16xi32>
        %add3A_867 = arith.addi %shift_right_arithmetic3A_843, %add3A_866 : vector<16xi32>
        %mul3A_868 = arith.mulf %get3A_264, %gather3A_764 : vector<16xf32>
        %add3A_869 = arith.addf %gather3A_763, %mul3A_868 : vector<16xf32>
        %max3A_870 = arith.constant -1.000000e+00 : f32
        %max3A_871 = vector.broadcast %max3A_870 : f32 to vector<16xf32>
        %max3A_872 = arith.maximumf %add3A_869, %max3A_871 : vector<16xf32>
        %min3A_873 = arith.constant 1.000000e+00 : f32
        %min3A_874 = vector.broadcast %min3A_873 : f32 to vector<16xf32>
        %min3A_875 = arith.minimumf %max3A_872, %min3A_874 : vector<16xf32>
        tpu.vector_store_idx %arg15[%add3A_767, %add3A_740], %min3A_875 : memref<4x4096xf32, #tpu.memory_space<vmem>>[vector<16xi32>, vector<16xi32>], vector<16xf32>,
        %add3A_876 = arith.constant 12 : i32
        %add3A_877 = vector.broadcast %add3A_876 : i32 to vector<16xi32>
        %add3A_878 = arith.addi %iota3A, %add3A_877 : vector<16xi32>
        %and3A_879 = arith.constant 15 : i32
        %and3A_880 = vector.broadcast %and3A_879 : i32 to vector<16xi32>
        %and3A_881 = arith.andi %add3A_878, %and3A_880 : vector<16xi32>
        %and3A_882 = arith.constant 7 : i32
        %and3A_883 = vector.broadcast %and3A_882 : i32 to vector<16xi32>
        %and3A_884 = arith.andi %and3A_881, %and3A_883 : vector<16xi32>
        %shift_left3A_885 = arith.constant 7 : i32
        %shift_left3A_886 = vector.broadcast %shift_left3A_885 : i32 to vector<16xi32>
        %shift_left3A_887 = arith.shli %and3A_884, %shift_left3A_886 : vector<16xi32>
        %add3A_888 = arith.addi %shift_left3A_887, %iota3A : vector<16xi32>
        %add3A_889 = vector.broadcast %add3A_312 : i32 to vector<16xi32>
        %add3A_890 = arith.addi %add3A_888, %add3A_889 : vector<16xi32>
        %shift_right_arithmetic3A_891 = arith.constant 3 : i32
        %shift_right_arithmetic3A_892 = vector.broadcast %shift_right_arithmetic3A_891 : i32 to vector<16xi32>
        %shift_right_arithmetic3A_893 = arith.shrsi %and3A_881, %shift_right_arithmetic3A_892 : vector<16xi32>
        %add3A_894 = arith.constant 0 : i32
        %add3A_895 = vector.broadcast %add3A_894 : i32 to vector<16xi32>
        %add3A_896 = arith.addi %and3A_881, %add3A_895 : vector<16xi32>
        %gather3A_897 = tpu.vector_load_idx %arg12[%add3A_268, %add3A_896] : memref<512x32xf32, #tpu.memory_space<vmem>>[vector<16xi32>, vector<16xi32>], vector<16xf32>,
        %gather3A_898 = tpu.vector_load_idx %arg14[%add3A_268, %add3A_896] : memref<512x32xf32, #tpu.memory_space<vmem>>[vector<16xi32>, vector<16xi32>], vector<16xf32>,
        %add3A_899 = arith.constant 0 : i32
        %add3A_900 = vector.broadcast %add3A_899 : i32 to vector<16xi32>
        %add3A_901 = arith.addi %shift_right_arithmetic3A_893, %add3A_900 : vector<16xi32>
        %mul3A_902 = arith.mulf %get3A_264, %gather3A_798 : vector<16xf32>
        %add3A_903 = arith.addf %gather3A_797, %mul3A_902 : vector<16xf32>
        %max3A_904 = arith.constant -1.000000e+00 : f32
        %max3A_905 = vector.broadcast %max3A_904 : f32 to vector<16xf32>
        %max3A_906 = arith.maximumf %add3A_903, %max3A_905 : vector<16xf32>
        %min3A_907 = arith.constant 1.000000e+00 : f32
        %min3A_908 = vector.broadcast %min3A_907 : f32 to vector<16xf32>
        %min3A_909 = arith.minimumf %max3A_906, %min3A_908 : vector<16xf32>
        tpu.vector_store_idx %arg15[%add3A_801, %add3A_790], %min3A_909 : memref<4x4096xf32, #tpu.memory_space<vmem>>[vector<16xi32>, vector<16xi32>], vector<16xf32>,
        %add3A_910 = arith.constant 16 : i32
        %add3A_911 = vector.broadcast %add3A_910 : i32 to vector<16xi32>
        %add3A_912 = arith.addi %and3A_881, %add3A_911 : vector<16xi32>
        %gather3A_913 = tpu.vector_load_idx %arg12[%add3A_268, %add3A_912] : memref<512x32xf32, #tpu.memory_space<vmem>>[vector<16xi32>, vector<16xi32>], vector<16xf32>,
        %gather3A_914 = tpu.vector_load_idx %arg14[%add3A_268, %add3A_912] : memref<512x32xf32, #tpu.memory_space<vmem>>[vector<16xi32>, vector<16xi32>], vector<16xf32>,
        %add3A_915 = arith.constant 2 : i32
        %add3A_916 = vector.broadcast %add3A_915 : i32 to vector<16xi32>
        %add3A_917 = arith.addi %shift_right_arithmetic3A_893, %add3A_916 : vector<16xi32>
        %mul3A_918 = arith.mulf %get3A_264, %gather3A_814 : vector<16xf32>
        %add3A_919 = arith.addf %gather3A_813, %mul3A_918 : vector<16xf32>
        %max3A_920 = arith.constant -1.000000e+00 : f32
        %max3A_921 = vector.broadcast %max3A_920 : f32 to vector<16xf32>
        %max3A_922 = arith.maximumf %add3A_919, %max3A_921 : vector<16xf32>
        %min3A_923 = arith.constant 1.000000e+00 : f32
        %min3A_924 = vector.broadcast %min3A_923 : f32 to vector<16xf32>
        %min3A_925 = arith.minimumf %max3A_922, %min3A_924 : vector<16xf32>
        tpu.vector_store_idx %arg15[%add3A_817, %add3A_790], %min3A_925 : memref<4x4096xf32, #tpu.memory_space<vmem>>[vector<16xi32>, vector<16xi32>], vector<16xf32>,
        %add3A_926 = arith.constant 13 : i32
        %add3A_927 = vector.broadcast %add3A_926 : i32 to vector<16xi32>
        %add3A_928 = arith.addi %iota3A, %add3A_927 : vector<16xi32>
        %and3A_929 = arith.constant 15 : i32
        %and3A_930 = vector.broadcast %and3A_929 : i32 to vector<16xi32>
        %and3A_931 = arith.andi %add3A_928, %and3A_930 : vector<16xi32>
        %and3A_932 = arith.constant 7 : i32
        %and3A_933 = vector.broadcast %and3A_932 : i32 to vector<16xi32>
        %and3A_934 = arith.andi %and3A_931, %and3A_933 : vector<16xi32>
        %shift_left3A_935 = arith.constant 7 : i32
        %shift_left3A_936 = vector.broadcast %shift_left3A_935 : i32 to vector<16xi32>
        %shift_left3A_937 = arith.shli %and3A_934, %shift_left3A_936 : vector<16xi32>
        %add3A_938 = arith.addi %shift_left3A_937, %iota3A : vector<16xi32>
        %add3A_939 = vector.broadcast %add3A_312 : i32 to vector<16xi32>
        %add3A_940 = arith.addi %add3A_938, %add3A_939 : vector<16xi32>
        %shift_right_arithmetic3A_941 = arith.constant 3 : i32
        %shift_right_arithmetic3A_942 = vector.broadcast %shift_right_arithmetic3A_941 : i32 to vector<16xi32>
        %shift_right_arithmetic3A_943 = arith.shrsi %and3A_931, %shift_right_arithmetic3A_942 : vector<16xi32>
        %add3A_944 = arith.constant 0 : i32
        %add3A_945 = vector.broadcast %add3A_944 : i32 to vector<16xi32>
        %add3A_946 = arith.addi %and3A_931, %add3A_945 : vector<16xi32>
        %gather3A_947 = tpu.vector_load_idx %arg12[%add3A_268, %add3A_946] : memref<512x32xf32, #tpu.memory_space<vmem>>[vector<16xi32>, vector<16xi32>], vector<16xf32>,
        %gather3A_948 = tpu.vector_load_idx %arg14[%add3A_268, %add3A_946] : memref<512x32xf32, #tpu.memory_space<vmem>>[vector<16xi32>, vector<16xi32>], vector<16xf32>,
        %add3A_949 = arith.constant 0 : i32
        %add3A_950 = vector.broadcast %add3A_949 : i32 to vector<16xi32>
        %add3A_951 = arith.addi %shift_right_arithmetic3A_943, %add3A_950 : vector<16xi32>
        %mul3A_952 = arith.mulf %get3A_264, %gather3A_848 : vector<16xf32>
        %add3A_953 = arith.addf %gather3A_847, %mul3A_952 : vector<16xf32>
        %max3A_954 = arith.constant -1.000000e+00 : f32
        %max3A_955 = vector.broadcast %max3A_954 : f32 to vector<16xf32>
        %max3A_956 = arith.maximumf %add3A_953, %max3A_955 : vector<16xf32>
        %min3A_957 = arith.constant 1.000000e+00 : f32
        %min3A_958 = vector.broadcast %min3A_957 : f32 to vector<16xf32>
        %min3A_959 = arith.minimumf %max3A_956, %min3A_958 : vector<16xf32>
        tpu.vector_store_idx %arg15[%add3A_851, %add3A_840], %min3A_959 : memref<4x4096xf32, #tpu.memory_space<vmem>>[vector<16xi32>, vector<16xi32>], vector<16xf32>,
        %add3A_960 = arith.constant 16 : i32
        %add3A_961 = vector.broadcast %add3A_960 : i32 to vector<16xi32>
        %add3A_962 = arith.addi %and3A_931, %add3A_961 : vector<16xi32>
        %gather3A_963 = tpu.vector_load_idx %arg12[%add3A_268, %add3A_962] : memref<512x32xf32, #tpu.memory_space<vmem>>[vector<16xi32>, vector<16xi32>], vector<16xf32>,
        %gather3A_964 = tpu.vector_load_idx %arg14[%add3A_268, %add3A_962] : memref<512x32xf32, #tpu.memory_space<vmem>>[vector<16xi32>, vector<16xi32>], vector<16xf32>,
        %add3A_965 = arith.constant 2 : i32
        %add3A_966 = vector.broadcast %add3A_965 : i32 to vector<16xi32>
        %add3A_967 = arith.addi %shift_right_arithmetic3A_943, %add3A_966 : vector<16xi32>
        %mul3A_968 = arith.mulf %get3A_264, %gather3A_864 : vector<16xf32>
        %add3A_969 = arith.addf %gather3A_863, %mul3A_968 : vector<16xf32>
        %max3A_970 = arith.constant -1.000000e+00 : f32
        %max3A_971 = vector.broadcast %max3A_970 : f32 to vector<16xf32>
        %max3A_972 = arith.maximumf %add3A_969, %max3A_971 : vector<16xf32>
        %min3A_973 = arith.constant 1.000000e+00 : f32
        %min3A_974 = vector.broadcast %min3A_973 : f32 to vector<16xf32>
        %min3A_975 = arith.minimumf %max3A_972, %min3A_974 : vector<16xf32>
        tpu.vector_store_idx %arg15[%add3A_867, %add3A_840], %min3A_975 : memref<4x4096xf32, #tpu.memory_space<vmem>>[vector<16xi32>, vector<16xi32>], vector<16xf32>,
        %add3A_976 = arith.constant 14 : i32
        %add3A_977 = vector.broadcast %add3A_976 : i32 to vector<16xi32>
        %add3A_978 = arith.addi %iota3A, %add3A_977 : vector<16xi32>
        %and3A_979 = arith.constant 15 : i32
        %and3A_980 = vector.broadcast %and3A_979 : i32 to vector<16xi32>
        %and3A_981 = arith.andi %add3A_978, %and3A_980 : vector<16xi32>
        %and3A_982 = arith.constant 7 : i32
        %and3A_983 = vector.broadcast %and3A_982 : i32 to vector<16xi32>
        %and3A_984 = arith.andi %and3A_981, %and3A_983 : vector<16xi32>
        %shift_left3A_985 = arith.constant 7 : i32
        %shift_left3A_986 = vector.broadcast %shift_left3A_985 : i32 to vector<16xi32>
        %shift_left3A_987 = arith.shli %and3A_984, %shift_left3A_986 : vector<16xi32>
        %add3A_988 = arith.addi %shift_left3A_987, %iota3A : vector<16xi32>
        %add3A_989 = vector.broadcast %add3A_312 : i32 to vector<16xi32>
        %add3A_990 = arith.addi %add3A_988, %add3A_989 : vector<16xi32>
        %shift_right_arithmetic3A_991 = arith.constant 3 : i32
        %shift_right_arithmetic3A_992 = vector.broadcast %shift_right_arithmetic3A_991 : i32 to vector<16xi32>
        %shift_right_arithmetic3A_993 = arith.shrsi %and3A_981, %shift_right_arithmetic3A_992 : vector<16xi32>
        %add3A_994 = arith.constant 0 : i32
        %add3A_995 = vector.broadcast %add3A_994 : i32 to vector<16xi32>
        %add3A_996 = arith.addi %and3A_981, %add3A_995 : vector<16xi32>
        %gather3A_997 = tpu.vector_load_idx %arg12[%add3A_268, %add3A_996] : memref<512x32xf32, #tpu.memory_space<vmem>>[vector<16xi32>, vector<16xi32>], vector<16xf32>,
        %gather3A_998 = tpu.vector_load_idx %arg14[%add3A_268, %add3A_996] : memref<512x32xf32, #tpu.memory_space<vmem>>[vector<16xi32>, vector<16xi32>], vector<16xf32>,
        %add3A_999 = arith.constant 0 : i32
        %add3A_1000 = vector.broadcast %add3A_999 : i32 to vector<16xi32>
        %add3A_1001 = arith.addi %shift_right_arithmetic3A_993, %add3A_1000 : vector<16xi32>
        %mul3A_1002 = arith.mulf %get3A_264, %gather3A_898 : vector<16xf32>
        %add3A_1003 = arith.addf %gather3A_897, %mul3A_1002 : vector<16xf32>
        %max3A_1004 = arith.constant -1.000000e+00 : f32
        %max3A_1005 = vector.broadcast %max3A_1004 : f32 to vector<16xf32>
        %max3A_1006 = arith.maximumf %add3A_1003, %max3A_1005 : vector<16xf32>
        %min3A_1007 = arith.constant 1.000000e+00 : f32
        %min3A_1008 = vector.broadcast %min3A_1007 : f32 to vector<16xf32>
        %min3A_1009 = arith.minimumf %max3A_1006, %min3A_1008 : vector<16xf32>
        tpu.vector_store_idx %arg15[%add3A_901, %add3A_890], %min3A_1009 : memref<4x4096xf32, #tpu.memory_space<vmem>>[vector<16xi32>, vector<16xi32>], vector<16xf32>,
        %add3A_1010 = arith.constant 16 : i32
        %add3A_1011 = vector.broadcast %add3A_1010 : i32 to vector<16xi32>
        %add3A_1012 = arith.addi %and3A_981, %add3A_1011 : vector<16xi32>
        %gather3A_1013 = tpu.vector_load_idx %arg12[%add3A_268, %add3A_1012] : memref<512x32xf32, #tpu.memory_space<vmem>>[vector<16xi32>, vector<16xi32>], vector<16xf32>,
        %gather3A_1014 = tpu.vector_load_idx %arg14[%add3A_268, %add3A_1012] : memref<512x32xf32, #tpu.memory_space<vmem>>[vector<16xi32>, vector<16xi32>], vector<16xf32>,
        %add3A_1015 = arith.constant 2 : i32
        %add3A_1016 = vector.broadcast %add3A_1015 : i32 to vector<16xi32>
        %add3A_1017 = arith.addi %shift_right_arithmetic3A_993, %add3A_1016 : vector<16xi32>
        %mul3A_1018 = arith.mulf %get3A_264, %gather3A_914 : vector<16xf32>
        %add3A_1019 = arith.addf %gather3A_913, %mul3A_1018 : vector<16xf32>
        %max3A_1020 = arith.constant -1.000000e+00 : f32
        %max3A_1021 = vector.broadcast %max3A_1020 : f32 to vector<16xf32>
        %max3A_1022 = arith.maximumf %add3A_1019, %max3A_1021 : vector<16xf32>
        %min3A_1023 = arith.constant 1.000000e+00 : f32
        %min3A_1024 = vector.broadcast %min3A_1023 : f32 to vector<16xf32>
        %min3A_1025 = arith.minimumf %max3A_1022, %min3A_1024 : vector<16xf32>
        tpu.vector_store_idx %arg15[%add3A_917, %add3A_890], %min3A_1025 : memref<4x4096xf32, #tpu.memory_space<vmem>>[vector<16xi32>, vector<16xi32>], vector<16xf32>,
        %add3A_1026 = arith.constant 15 : i32
        %add3A_1027 = vector.broadcast %add3A_1026 : i32 to vector<16xi32>
        %add3A_1028 = arith.addi %iota3A, %add3A_1027 : vector<16xi32>
        %and3A_1029 = arith.constant 15 : i32
        %and3A_1030 = vector.broadcast %and3A_1029 : i32 to vector<16xi32>
        %and3A_1031 = arith.andi %add3A_1028, %and3A_1030 : vector<16xi32>
        %and3A_1032 = arith.constant 7 : i32
        %and3A_1033 = vector.broadcast %and3A_1032 : i32 to vector<16xi32>
        %and3A_1034 = arith.andi %and3A_1031, %and3A_1033 : vector<16xi32>
        %shift_left3A_1035 = arith.constant 7 : i32
        %shift_left3A_1036 = vector.broadcast %shift_left3A_1035 : i32 to vector<16xi32>
        %shift_left3A_1037 = arith.shli %and3A_1034, %shift_left3A_1036 : vector<16xi32>
        %add3A_1038 = arith.addi %shift_left3A_1037, %iota3A : vector<16xi32>
        %add3A_1039 = vector.broadcast %add3A_312 : i32 to vector<16xi32>
        %add3A_1040 = arith.addi %add3A_1038, %add3A_1039 : vector<16xi32>
        %shift_right_arithmetic3A_1041 = arith.constant 3 : i32
        %shift_right_arithmetic3A_1042 = vector.broadcast %shift_right_arithmetic3A_1041 : i32 to vector<16xi32>
        %shift_right_arithmetic3A_1043 = arith.shrsi %and3A_1031, %shift_right_arithmetic3A_1042 : vector<16xi32>
        %add3A_1044 = arith.constant 0 : i32
        %add3A_1045 = vector.broadcast %add3A_1044 : i32 to vector<16xi32>
        %add3A_1046 = arith.addi %and3A_1031, %add3A_1045 : vector<16xi32>
        %gather3A_1047 = tpu.vector_load_idx %arg12[%add3A_268, %add3A_1046] : memref<512x32xf32, #tpu.memory_space<vmem>>[vector<16xi32>, vector<16xi32>], vector<16xf32>,
        %gather3A_1048 = tpu.vector_load_idx %arg14[%add3A_268, %add3A_1046] : memref<512x32xf32, #tpu.memory_space<vmem>>[vector<16xi32>, vector<16xi32>], vector<16xf32>,
        %add3A_1049 = arith.constant 0 : i32
        %add3A_1050 = vector.broadcast %add3A_1049 : i32 to vector<16xi32>
        %add3A_1051 = arith.addi %shift_right_arithmetic3A_1043, %add3A_1050 : vector<16xi32>
        %mul3A_1052 = arith.mulf %get3A_264, %gather3A_948 : vector<16xf32>
        %add3A_1053 = arith.addf %gather3A_947, %mul3A_1052 : vector<16xf32>
        %max3A_1054 = arith.constant -1.000000e+00 : f32
        %max3A_1055 = vector.broadcast %max3A_1054 : f32 to vector<16xf32>
        %max3A_1056 = arith.maximumf %add3A_1053, %max3A_1055 : vector<16xf32>
        %min3A_1057 = arith.constant 1.000000e+00 : f32
        %min3A_1058 = vector.broadcast %min3A_1057 : f32 to vector<16xf32>
        %min3A_1059 = arith.minimumf %max3A_1056, %min3A_1058 : vector<16xf32>
        tpu.vector_store_idx %arg15[%add3A_951, %add3A_940], %min3A_1059 : memref<4x4096xf32, #tpu.memory_space<vmem>>[vector<16xi32>, vector<16xi32>], vector<16xf32>,
        %add3A_1060 = arith.constant 16 : i32
        %add3A_1061 = vector.broadcast %add3A_1060 : i32 to vector<16xi32>
        %add3A_1062 = arith.addi %and3A_1031, %add3A_1061 : vector<16xi32>
        %gather3A_1063 = tpu.vector_load_idx %arg12[%add3A_268, %add3A_1062] : memref<512x32xf32, #tpu.memory_space<vmem>>[vector<16xi32>, vector<16xi32>], vector<16xf32>,
        %gather3A_1064 = tpu.vector_load_idx %arg14[%add3A_268, %add3A_1062] : memref<512x32xf32, #tpu.memory_space<vmem>>[vector<16xi32>, vector<16xi32>], vector<16xf32>,
        %add3A_1065 = arith.constant 2 : i32
        %add3A_1066 = vector.broadcast %add3A_1065 : i32 to vector<16xi32>
        %add3A_1067 = arith.addi %shift_right_arithmetic3A_1043, %add3A_1066 : vector<16xi32>
        %mul3A_1068 = arith.mulf %get3A_264, %gather3A_964 : vector<16xf32>
        %add3A_1069 = arith.addf %gather3A_963, %mul3A_1068 : vector<16xf32>
        %max3A_1070 = arith.constant -1.000000e+00 : f32
        %max3A_1071 = vector.broadcast %max3A_1070 : f32 to vector<16xf32>
        %max3A_1072 = arith.maximumf %add3A_1069, %max3A_1071 : vector<16xf32>
        %min3A_1073 = arith.constant 1.000000e+00 : f32
        %min3A_1074 = vector.broadcast %min3A_1073 : f32 to vector<16xf32>
        %min3A_1075 = arith.minimumf %max3A_1072, %min3A_1074 : vector<16xf32>
        tpu.vector_store_idx %arg15[%add3A_967, %add3A_940], %min3A_1075 : memref<4x4096xf32, #tpu.memory_space<vmem>>[vector<16xi32>, vector<16xi32>], vector<16xf32>,
        %mul3A_1076 = arith.constant 2 : i32
        %mul3A_1077 = arith.muli %mul3A_1076, %scan3A_256 : i32
        %add3A_1078 = arith.constant 1 : i32
        %add3A_1079 = arith.addi %mul3A_1077, %add3A_1078 : i32
        %mul3A_1080 = arith.constant 16 : i32
        %mul3A_1081 = arith.muli %add3A_1079, %mul3A_1080 : i32
        %get3A_1082 = arith.index_cast %mul3A_1081 : i32 to index
        %get3A_1083 = tpu.vector_load %arg10[%get3A_1082] {strides = array<i32>} : memref<512xf32, #tpu.memory_space<vmem>>, vector<16xf32>,
        %mul3A_1084 = arith.constant 16 : i32
        %mul3A_1085 = arith.muli %add3A_1079, %mul3A_1084 : i32
        %add3A_1086 = vector.broadcast %mul3A_1085 : i32 to vector<16xi32>
        %add3A_1087 = arith.addi %add3A_1086, %iota3A : vector<16xi32>
        %jit3A_1088 = arith.constant 8 : i32
        %div3A_1089 = arith.divsi %add3A_1079, %jit3A_1088 : i32
        %sign3A_1090 = arith.constant 0 : i32
        %sign3A_1091 = arith.cmpi sgt, %add3A_1079, %sign3A_1090 : i32
        %sign3A_1092 = arith.extui %sign3A_1091 : i1 to i32
        %sign3A_1093 = arith.constant 0 : i32
        %sign3A_1094 = arith.cmpi slt, %add3A_1079, %sign3A_1093 : i32
        %sign3A_1095 = arith.extui %sign3A_1094 : i1 to i32
        %sign3A_1096 = arith.subi %sign3A_1092, %sign3A_1095 : i32
        %sign3A_1097 = arith.constant 0 : i32
        %sign3A_1098 = arith.cmpi sgt, %jit3A_1088, %sign3A_1097 : i32
        %sign3A_1099 = arith.extui %sign3A_1098 : i1 to i32
        %sign3A_1100 = arith.constant 0 : i32
        %sign3A_1101 = arith.cmpi slt, %jit3A_1088, %sign3A_1100 : i32
        %sign3A_1102 = arith.extui %sign3A_1101 : i1 to i32
        %sign3A_1103 = arith.subi %sign3A_1099, %sign3A_1102 : i32
        %ne3A_1104 = arith.cmpi ne, %sign3A_1096, %sign3A_1103 : i32
        %rem3A_1105 = arith.remsi %add3A_1079, %jit3A_1088 : i32
        %ne3A_1106 = arith.constant 0 : i32
        %ne3A_1107 = arith.cmpi ne, %rem3A_1105, %ne3A_1106 : i32
        %and3A_1108 = arith.andi %ne3A_1104, %ne3A_1107 : i1
        %sub3A_1109 = arith.constant 1 : i32
        %sub3A_1110 = arith.subi %div3A_1089, %sub3A_1109 : i32
        %select_n3A_1111 = arith.select %and3A_1108, %sub3A_1110, %div3A_1089 : i32
        %mul3A_1112 = arith.constant 1024 : i32
        %mul3A_1113 = arith.muli %select_n3A_1111, %mul3A_1112 : i32
        %jit3A_1114 = arith.constant 8 : i32
        %eq3A_1115 = arith.constant 0 : i32
        %eq3A_1116 = arith.cmpi eq, %jit3A_1114, %eq3A_1115 : i32
        %jit3A_1117 = arith.constant 1 : i32
        %select_n3A_1118 = arith.select %eq3A_1116, %jit3A_1117, %jit3A_1114 : i32
        %rem3A_1119 = arith.remsi %add3A_1079, %select_n3A_1118 : i32
        %ne3A_1120 = arith.constant 0 : i32
        %ne3A_1121 = arith.cmpi ne, %rem3A_1119, %ne3A_1120 : i32
        %lt3A_1122 = arith.constant 0 : i32
        %lt3A_1123 = arith.cmpi slt, %rem3A_1119, %lt3A_1122 : i32
        %lt3A_1124 = arith.constant 0 : i32
        %lt3A_1125 = arith.cmpi slt, %select_n3A_1118, %lt3A_1124 : i32
        %ne3A_1126 = arith.xori %lt3A_1123, %lt3A_1125 : i1
        %and3A_1127 = arith.andi %ne3A_1126, %ne3A_1121 : i1
        %add3A_1128 = arith.addi %rem3A_1119, %select_n3A_1118 : i32
        %select_n3A_1129 = arith.select %and3A_1127, %add3A_1128, %rem3A_1119 : i32
        %mul3A_1130 = arith.constant 16 : i32
        %mul3A_1131 = arith.muli %select_n3A_1129, %mul3A_1130 : i32
        %add3A_1132 = arith.addi %mul3A_1113, %mul3A_1131 : i32
        %add3A_1133 = arith.constant 0 : i32
        %add3A_1134 = vector.broadcast %add3A_1133 : i32 to vector<16xi32>
        %add3A_1135 = arith.addi %iota3A, %add3A_1134 : vector<16xi32>
        %and3A_1136 = arith.constant 15 : i32
        %and3A_1137 = vector.broadcast %and3A_1136 : i32 to vector<16xi32>
        %and3A_1138 = arith.andi %add3A_1135, %and3A_1137 : vector<16xi32>
        %and3A_1139 = arith.constant 7 : i32
        %and3A_1140 = vector.broadcast %and3A_1139 : i32 to vector<16xi32>
        %and3A_1141 = arith.andi %and3A_1138, %and3A_1140 : vector<16xi32>
        %shift_left3A_1142 = arith.constant 7 : i32
        %shift_left3A_1143 = vector.broadcast %shift_left3A_1142 : i32 to vector<16xi32>
        %shift_left3A_1144 = arith.shli %and3A_1141, %shift_left3A_1143 : vector<16xi32>
        %add3A_1145 = arith.addi %shift_left3A_1144, %iota3A : vector<16xi32>
        %add3A_1146 = vector.broadcast %add3A_1132 : i32 to vector<16xi32>
        %add3A_1147 = arith.addi %add3A_1145, %add3A_1146 : vector<16xi32>
        %shift_right_arithmetic3A_1148 = arith.constant 3 : i32
        %shift_right_arithmetic3A_1149 = vector.broadcast %shift_right_arithmetic3A_1148 : i32 to vector<16xi32>
        %shift_right_arithmetic3A_1150 = arith.shrsi %and3A_1138, %shift_right_arithmetic3A_1149 : vector<16xi32>
        %add3A_1151 = arith.constant 0 : i32
        %add3A_1152 = vector.broadcast %add3A_1151 : i32 to vector<16xi32>
        %add3A_1153 = arith.addi %and3A_1138, %add3A_1152 : vector<16xi32>
        %gather3A_1154 = tpu.vector_load_idx %arg12[%add3A_1087, %add3A_1153] : memref<512x32xf32, #tpu.memory_space<vmem>>[vector<16xi32>, vector<16xi32>], vector<16xf32>,
        %gather3A_1155 = tpu.vector_load_idx %arg14[%add3A_1087, %add3A_1153] : memref<512x32xf32, #tpu.memory_space<vmem>>[vector<16xi32>, vector<16xi32>], vector<16xf32>,
        %add3A_1156 = arith.constant 0 : i32
        %add3A_1157 = vector.broadcast %add3A_1156 : i32 to vector<16xi32>
        %add3A_1158 = arith.addi %shift_right_arithmetic3A_1150, %add3A_1157 : vector<16xi32>
        %mul3A_1159 = arith.mulf %get3A_264, %gather3A_998 : vector<16xf32>
        %add3A_1160 = arith.addf %gather3A_997, %mul3A_1159 : vector<16xf32>
        %max3A_1161 = arith.constant -1.000000e+00 : f32
        %max3A_1162 = vector.broadcast %max3A_1161 : f32 to vector<16xf32>
        %max3A_1163 = arith.maximumf %add3A_1160, %max3A_1162 : vector<16xf32>
        %min3A_1164 = arith.constant 1.000000e+00 : f32
        %min3A_1165 = vector.broadcast %min3A_1164 : f32 to vector<16xf32>
        %min3A_1166 = arith.minimumf %max3A_1163, %min3A_1165 : vector<16xf32>
        tpu.vector_store_idx %arg15[%add3A_1001, %add3A_990], %min3A_1166 : memref<4x4096xf32, #tpu.memory_space<vmem>>[vector<16xi32>, vector<16xi32>], vector<16xf32>,
        %add3A_1167 = arith.constant 16 : i32
        %add3A_1168 = vector.broadcast %add3A_1167 : i32 to vector<16xi32>
        %add3A_1169 = arith.addi %and3A_1138, %add3A_1168 : vector<16xi32>
        %gather3A_1170 = tpu.vector_load_idx %arg12[%add3A_1087, %add3A_1169] : memref<512x32xf32, #tpu.memory_space<vmem>>[vector<16xi32>, vector<16xi32>], vector<16xf32>,
        %gather3A_1171 = tpu.vector_load_idx %arg14[%add3A_1087, %add3A_1169] : memref<512x32xf32, #tpu.memory_space<vmem>>[vector<16xi32>, vector<16xi32>], vector<16xf32>,
        %add3A_1172 = arith.constant 2 : i32
        %add3A_1173 = vector.broadcast %add3A_1172 : i32 to vector<16xi32>
        %add3A_1174 = arith.addi %shift_right_arithmetic3A_1150, %add3A_1173 : vector<16xi32>
        %mul3A_1175 = arith.mulf %get3A_264, %gather3A_1014 : vector<16xf32>
        %add3A_1176 = arith.addf %gather3A_1013, %mul3A_1175 : vector<16xf32>
        %max3A_1177 = arith.constant -1.000000e+00 : f32
        %max3A_1178 = vector.broadcast %max3A_1177 : f32 to vector<16xf32>
        %max3A_1179 = arith.maximumf %add3A_1176, %max3A_1178 : vector<16xf32>
        %min3A_1180 = arith.constant 1.000000e+00 : f32
        %min3A_1181 = vector.broadcast %min3A_1180 : f32 to vector<16xf32>
        %min3A_1182 = arith.minimumf %max3A_1179, %min3A_1181 : vector<16xf32>
        tpu.vector_store_idx %arg15[%add3A_1017, %add3A_990], %min3A_1182 : memref<4x4096xf32, #tpu.memory_space<vmem>>[vector<16xi32>, vector<16xi32>], vector<16xf32>,
        %add3A_1183 = arith.constant 1 : i32
        %add3A_1184 = vector.broadcast %add3A_1183 : i32 to vector<16xi32>
        %add3A_1185 = arith.addi %iota3A, %add3A_1184 : vector<16xi32>
        %and3A_1186 = arith.constant 15 : i32
        %and3A_1187 = vector.broadcast %and3A_1186 : i32 to vector<16xi32>
        %and3A_1188 = arith.andi %add3A_1185, %and3A_1187 : vector<16xi32>
        %and3A_1189 = arith.constant 7 : i32
        %and3A_1190 = vector.broadcast %and3A_1189 : i32 to vector<16xi32>
        %and3A_1191 = arith.andi %and3A_1188, %and3A_1190 : vector<16xi32>
        %shift_left3A_1192 = arith.constant 7 : i32
        %shift_left3A_1193 = vector.broadcast %shift_left3A_1192 : i32 to vector<16xi32>
        %shift_left3A_1194 = arith.shli %and3A_1191, %shift_left3A_1193 : vector<16xi32>
        %add3A_1195 = arith.addi %shift_left3A_1194, %iota3A : vector<16xi32>
        %add3A_1196 = vector.broadcast %add3A_1132 : i32 to vector<16xi32>
        %add3A_1197 = arith.addi %add3A_1195, %add3A_1196 : vector<16xi32>
        %shift_right_arithmetic3A_1198 = arith.constant 3 : i32
        %shift_right_arithmetic3A_1199 = vector.broadcast %shift_right_arithmetic3A_1198 : i32 to vector<16xi32>
        %shift_right_arithmetic3A_1200 = arith.shrsi %and3A_1188, %shift_right_arithmetic3A_1199 : vector<16xi32>
        %add3A_1201 = arith.constant 0 : i32
        %add3A_1202 = vector.broadcast %add3A_1201 : i32 to vector<16xi32>
        %add3A_1203 = arith.addi %and3A_1188, %add3A_1202 : vector<16xi32>
        %gather3A_1204 = tpu.vector_load_idx %arg12[%add3A_1087, %add3A_1203] : memref<512x32xf32, #tpu.memory_space<vmem>>[vector<16xi32>, vector<16xi32>], vector<16xf32>,
        %gather3A_1205 = tpu.vector_load_idx %arg14[%add3A_1087, %add3A_1203] : memref<512x32xf32, #tpu.memory_space<vmem>>[vector<16xi32>, vector<16xi32>], vector<16xf32>,
        %add3A_1206 = arith.constant 0 : i32
        %add3A_1207 = vector.broadcast %add3A_1206 : i32 to vector<16xi32>
        %add3A_1208 = arith.addi %shift_right_arithmetic3A_1200, %add3A_1207 : vector<16xi32>
        %mul3A_1209 = arith.mulf %get3A_264, %gather3A_1048 : vector<16xf32>
        %add3A_1210 = arith.addf %gather3A_1047, %mul3A_1209 : vector<16xf32>
        %max3A_1211 = arith.constant -1.000000e+00 : f32
        %max3A_1212 = vector.broadcast %max3A_1211 : f32 to vector<16xf32>
        %max3A_1213 = arith.maximumf %add3A_1210, %max3A_1212 : vector<16xf32>
        %min3A_1214 = arith.constant 1.000000e+00 : f32
        %min3A_1215 = vector.broadcast %min3A_1214 : f32 to vector<16xf32>
        %min3A_1216 = arith.minimumf %max3A_1213, %min3A_1215 : vector<16xf32>
        tpu.vector_store_idx %arg15[%add3A_1051, %add3A_1040], %min3A_1216 : memref<4x4096xf32, #tpu.memory_space<vmem>>[vector<16xi32>, vector<16xi32>], vector<16xf32>,
        %add3A_1217 = arith.constant 16 : i32
        %add3A_1218 = vector.broadcast %add3A_1217 : i32 to vector<16xi32>
        %add3A_1219 = arith.addi %and3A_1188, %add3A_1218 : vector<16xi32>
        %gather3A_1220 = tpu.vector_load_idx %arg12[%add3A_1087, %add3A_1219] : memref<512x32xf32, #tpu.memory_space<vmem>>[vector<16xi32>, vector<16xi32>], vector<16xf32>,
        %gather3A_1221 = tpu.vector_load_idx %arg14[%add3A_1087, %add3A_1219] : memref<512x32xf32, #tpu.memory_space<vmem>>[vector<16xi32>, vector<16xi32>], vector<16xf32>,
        %add3A_1222 = arith.constant 2 : i32
        %add3A_1223 = vector.broadcast %add3A_1222 : i32 to vector<16xi32>
        %add3A_1224 = arith.addi %shift_right_arithmetic3A_1200, %add3A_1223 : vector<16xi32>
        %mul3A_1225 = arith.mulf %get3A_264, %gather3A_1064 : vector<16xf32>
        %add3A_1226 = arith.addf %gather3A_1063, %mul3A_1225 : vector<16xf32>
        %max3A_1227 = arith.constant -1.000000e+00 : f32
        %max3A_1228 = vector.broadcast %max3A_1227 : f32 to vector<16xf32>
        %max3A_1229 = arith.maximumf %add3A_1226, %max3A_1228 : vector<16xf32>
        %min3A_1230 = arith.constant 1.000000e+00 : f32
        %min3A_1231 = vector.broadcast %min3A_1230 : f32 to vector<16xf32>
        %min3A_1232 = arith.minimumf %max3A_1229, %min3A_1231 : vector<16xf32>
        tpu.vector_store_idx %arg15[%add3A_1067, %add3A_1040], %min3A_1232 : memref<4x4096xf32, #tpu.memory_space<vmem>>[vector<16xi32>, vector<16xi32>], vector<16xf32>,
        %add3A_1233 = arith.constant 2 : i32
        %add3A_1234 = vector.broadcast %add3A_1233 : i32 to vector<16xi32>
        %add3A_1235 = arith.addi %iota3A, %add3A_1234 : vector<16xi32>
        %and3A_1236 = arith.constant 15 : i32
        %and3A_1237 = vector.broadcast %and3A_1236 : i32 to vector<16xi32>
        %and3A_1238 = arith.andi %add3A_1235, %and3A_1237 : vector<16xi32>
        %and3A_1239 = arith.constant 7 : i32
        %and3A_1240 = vector.broadcast %and3A_1239 : i32 to vector<16xi32>
        %and3A_1241 = arith.andi %and3A_1238, %and3A_1240 : vector<16xi32>
        %shift_left3A_1242 = arith.constant 7 : i32
        %shift_left3A_1243 = vector.broadcast %shift_left3A_1242 : i32 to vector<16xi32>
        %shift_left3A_1244 = arith.shli %and3A_1241, %shift_left3A_1243 : vector<16xi32>
        %add3A_1245 = arith.addi %shift_left3A_1244, %iota3A : vector<16xi32>
        %add3A_1246 = vector.broadcast %add3A_1132 : i32 to vector<16xi32>
        %add3A_1247 = arith.addi %add3A_1245, %add3A_1246 : vector<16xi32>
        %shift_right_arithmetic3A_1248 = arith.constant 3 : i32
        %shift_right_arithmetic3A_1249 = vector.broadcast %shift_right_arithmetic3A_1248 : i32 to vector<16xi32>
        %shift_right_arithmetic3A_1250 = arith.shrsi %and3A_1238, %shift_right_arithmetic3A_1249 : vector<16xi32>
        %add3A_1251 = arith.constant 0 : i32
        %add3A_1252 = vector.broadcast %add3A_1251 : i32 to vector<16xi32>
        %add3A_1253 = arith.addi %and3A_1238, %add3A_1252 : vector<16xi32>
        %gather3A_1254 = tpu.vector_load_idx %arg12[%add3A_1087, %add3A_1253] : memref<512x32xf32, #tpu.memory_space<vmem>>[vector<16xi32>, vector<16xi32>], vector<16xf32>,
        %gather3A_1255 = tpu.vector_load_idx %arg14[%add3A_1087, %add3A_1253] : memref<512x32xf32, #tpu.memory_space<vmem>>[vector<16xi32>, vector<16xi32>], vector<16xf32>,
        %add3A_1256 = arith.constant 0 : i32
        %add3A_1257 = vector.broadcast %add3A_1256 : i32 to vector<16xi32>
        %add3A_1258 = arith.addi %shift_right_arithmetic3A_1250, %add3A_1257 : vector<16xi32>
        %mul3A_1259 = arith.mulf %get3A_1083, %gather3A_1155 : vector<16xf32>
        %add3A_1260 = arith.addf %gather3A_1154, %mul3A_1259 : vector<16xf32>
        %max3A_1261 = arith.constant -1.000000e+00 : f32
        %max3A_1262 = vector.broadcast %max3A_1261 : f32 to vector<16xf32>
        %max3A_1263 = arith.maximumf %add3A_1260, %max3A_1262 : vector<16xf32>
        %min3A_1264 = arith.constant 1.000000e+00 : f32
        %min3A_1265 = vector.broadcast %min3A_1264 : f32 to vector<16xf32>
        %min3A_1266 = arith.minimumf %max3A_1263, %min3A_1265 : vector<16xf32>
        tpu.vector_store_idx %arg15[%add3A_1158, %add3A_1147], %min3A_1266 : memref<4x4096xf32, #tpu.memory_space<vmem>>[vector<16xi32>, vector<16xi32>], vector<16xf32>,
        %add3A_1267 = arith.constant 16 : i32
        %add3A_1268 = vector.broadcast %add3A_1267 : i32 to vector<16xi32>
        %add3A_1269 = arith.addi %and3A_1238, %add3A_1268 : vector<16xi32>
        %gather3A_1270 = tpu.vector_load_idx %arg12[%add3A_1087, %add3A_1269] : memref<512x32xf32, #tpu.memory_space<vmem>>[vector<16xi32>, vector<16xi32>], vector<16xf32>,
        %gather3A_1271 = tpu.vector_load_idx %arg14[%add3A_1087, %add3A_1269] : memref<512x32xf32, #tpu.memory_space<vmem>>[vector<16xi32>, vector<16xi32>], vector<16xf32>,
        %add3A_1272 = arith.constant 2 : i32
        %add3A_1273 = vector.broadcast %add3A_1272 : i32 to vector<16xi32>
        %add3A_1274 = arith.addi %shift_right_arithmetic3A_1250, %add3A_1273 : vector<16xi32>
        %mul3A_1275 = arith.mulf %get3A_1083, %gather3A_1171 : vector<16xf32>
        %add3A_1276 = arith.addf %gather3A_1170, %mul3A_1275 : vector<16xf32>
        %max3A_1277 = arith.constant -1.000000e+00 : f32
        %max3A_1278 = vector.broadcast %max3A_1277 : f32 to vector<16xf32>
        %max3A_1279 = arith.maximumf %add3A_1276, %max3A_1278 : vector<16xf32>
        %min3A_1280 = arith.constant 1.000000e+00 : f32
        %min3A_1281 = vector.broadcast %min3A_1280 : f32 to vector<16xf32>
        %min3A_1282 = arith.minimumf %max3A_1279, %min3A_1281 : vector<16xf32>
        tpu.vector_store_idx %arg15[%add3A_1174, %add3A_1147], %min3A_1282 : memref<4x4096xf32, #tpu.memory_space<vmem>>[vector<16xi32>, vector<16xi32>], vector<16xf32>,
        %add3A_1283 = arith.constant 3 : i32
        %add3A_1284 = vector.broadcast %add3A_1283 : i32 to vector<16xi32>
        %add3A_1285 = arith.addi %iota3A, %add3A_1284 : vector<16xi32>
        %and3A_1286 = arith.constant 15 : i32
        %and3A_1287 = vector.broadcast %and3A_1286 : i32 to vector<16xi32>
        %and3A_1288 = arith.andi %add3A_1285, %and3A_1287 : vector<16xi32>
        %and3A_1289 = arith.constant 7 : i32
        %and3A_1290 = vector.broadcast %and3A_1289 : i32 to vector<16xi32>
        %and3A_1291 = arith.andi %and3A_1288, %and3A_1290 : vector<16xi32>
        %shift_left3A_1292 = arith.constant 7 : i32
        %shift_left3A_1293 = vector.broadcast %shift_left3A_1292 : i32 to vector<16xi32>
        %shift_left3A_1294 = arith.shli %and3A_1291, %shift_left3A_1293 : vector<16xi32>
        %add3A_1295 = arith.addi %shift_left3A_1294, %iota3A : vector<16xi32>
        %add3A_1296 = vector.broadcast %add3A_1132 : i32 to vector<16xi32>
        %add3A_1297 = arith.addi %add3A_1295, %add3A_1296 : vector<16xi32>
        %shift_right_arithmetic3A_1298 = arith.constant 3 : i32
        %shift_right_arithmetic3A_1299 = vector.broadcast %shift_right_arithmetic3A_1298 : i32 to vector<16xi32>
        %shift_right_arithmetic3A_1300 = arith.shrsi %and3A_1288, %shift_right_arithmetic3A_1299 : vector<16xi32>
        %add3A_1301 = arith.constant 0 : i32
        %add3A_1302 = vector.broadcast %add3A_1301 : i32 to vector<16xi32>
        %add3A_1303 = arith.addi %and3A_1288, %add3A_1302 : vector<16xi32>
        %gather3A_1304 = tpu.vector_load_idx %arg12[%add3A_1087, %add3A_1303] : memref<512x32xf32, #tpu.memory_space<vmem>>[vector<16xi32>, vector<16xi32>], vector<16xf32>,
        %gather3A_1305 = tpu.vector_load_idx %arg14[%add3A_1087, %add3A_1303] : memref<512x32xf32, #tpu.memory_space<vmem>>[vector<16xi32>, vector<16xi32>], vector<16xf32>,
        %add3A_1306 = arith.constant 0 : i32
        %add3A_1307 = vector.broadcast %add3A_1306 : i32 to vector<16xi32>
        %add3A_1308 = arith.addi %shift_right_arithmetic3A_1300, %add3A_1307 : vector<16xi32>
        %mul3A_1309 = arith.mulf %get3A_1083, %gather3A_1205 : vector<16xf32>
        %add3A_1310 = arith.addf %gather3A_1204, %mul3A_1309 : vector<16xf32>
        %max3A_1311 = arith.constant -1.000000e+00 : f32
        %max3A_1312 = vector.broadcast %max3A_1311 : f32 to vector<16xf32>
        %max3A_1313 = arith.maximumf %add3A_1310, %max3A_1312 : vector<16xf32>
        %min3A_1314 = arith.constant 1.000000e+00 : f32
        %min3A_1315 = vector.broadcast %min3A_1314 : f32 to vector<16xf32>
        %min3A_1316 = arith.minimumf %max3A_1313, %min3A_1315 : vector<16xf32>
        tpu.vector_store_idx %arg15[%add3A_1208, %add3A_1197], %min3A_1316 : memref<4x4096xf32, #tpu.memory_space<vmem>>[vector<16xi32>, vector<16xi32>], vector<16xf32>,
        %add3A_1317 = arith.constant 16 : i32
        %add3A_1318 = vector.broadcast %add3A_1317 : i32 to vector<16xi32>
        %add3A_1319 = arith.addi %and3A_1288, %add3A_1318 : vector<16xi32>
        %gather3A_1320 = tpu.vector_load_idx %arg12[%add3A_1087, %add3A_1319] : memref<512x32xf32, #tpu.memory_space<vmem>>[vector<16xi32>, vector<16xi32>], vector<16xf32>,
        %gather3A_1321 = tpu.vector_load_idx %arg14[%add3A_1087, %add3A_1319] : memref<512x32xf32, #tpu.memory_space<vmem>>[vector<16xi32>, vector<16xi32>], vector<16xf32>,
        %add3A_1322 = arith.constant 2 : i32
        %add3A_1323 = vector.broadcast %add3A_1322 : i32 to vector<16xi32>
        %add3A_1324 = arith.addi %shift_right_arithmetic3A_1300, %add3A_1323 : vector<16xi32>
        %mul3A_1325 = arith.mulf %get3A_1083, %gather3A_1221 : vector<16xf32>
        %add3A_1326 = arith.addf %gather3A_1220, %mul3A_1325 : vector<16xf32>
        %max3A_1327 = arith.constant -1.000000e+00 : f32
        %max3A_1328 = vector.broadcast %max3A_1327 : f32 to vector<16xf32>
        %max3A_1329 = arith.maximumf %add3A_1326, %max3A_1328 : vector<16xf32>
        %min3A_1330 = arith.constant 1.000000e+00 : f32
        %min3A_1331 = vector.broadcast %min3A_1330 : f32 to vector<16xf32>
        %min3A_1332 = arith.minimumf %max3A_1329, %min3A_1331 : vector<16xf32>
        tpu.vector_store_idx %arg15[%add3A_1224, %add3A_1197], %min3A_1332 : memref<4x4096xf32, #tpu.memory_space<vmem>>[vector<16xi32>, vector<16xi32>], vector<16xf32>,
        %add3A_1333 = arith.constant 4 : i32
        %add3A_1334 = vector.broadcast %add3A_1333 : i32 to vector<16xi32>
        %add3A_1335 = arith.addi %iota3A, %add3A_1334 : vector<16xi32>
        %and3A_1336 = arith.constant 15 : i32
        %and3A_1337 = vector.broadcast %and3A_1336 : i32 to vector<16xi32>
        %and3A_1338 = arith.andi %add3A_1335, %and3A_1337 : vector<16xi32>
        %and3A_1339 = arith.constant 7 : i32
        %and3A_1340 = vector.broadcast %and3A_1339 : i32 to vector<16xi32>
        %and3A_1341 = arith.andi %and3A_1338, %and3A_1340 : vector<16xi32>
        %shift_left3A_1342 = arith.constant 7 : i32
        %shift_left3A_1343 = vector.broadcast %shift_left3A_1342 : i32 to vector<16xi32>
        %shift_left3A_1344 = arith.shli %and3A_1341, %shift_left3A_1343 : vector<16xi32>
        %add3A_1345 = arith.addi %shift_left3A_1344, %iota3A : vector<16xi32>
        %add3A_1346 = vector.broadcast %add3A_1132 : i32 to vector<16xi32>
        %add3A_1347 = arith.addi %add3A_1345, %add3A_1346 : vector<16xi32>
        %shift_right_arithmetic3A_1348 = arith.constant 3 : i32
        %shift_right_arithmetic3A_1349 = vector.broadcast %shift_right_arithmetic3A_1348 : i32 to vector<16xi32>
        %shift_right_arithmetic3A_1350 = arith.shrsi %and3A_1338, %shift_right_arithmetic3A_1349 : vector<16xi32>
        %add3A_1351 = arith.constant 0 : i32
        %add3A_1352 = vector.broadcast %add3A_1351 : i32 to vector<16xi32>
        %add3A_1353 = arith.addi %and3A_1338, %add3A_1352 : vector<16xi32>
        %gather3A_1354 = tpu.vector_load_idx %arg12[%add3A_1087, %add3A_1353] : memref<512x32xf32, #tpu.memory_space<vmem>>[vector<16xi32>, vector<16xi32>], vector<16xf32>,
        %gather3A_1355 = tpu.vector_load_idx %arg14[%add3A_1087, %add3A_1353] : memref<512x32xf32, #tpu.memory_space<vmem>>[vector<16xi32>, vector<16xi32>], vector<16xf32>,
        %add3A_1356 = arith.constant 0 : i32
        %add3A_1357 = vector.broadcast %add3A_1356 : i32 to vector<16xi32>
        %add3A_1358 = arith.addi %shift_right_arithmetic3A_1350, %add3A_1357 : vector<16xi32>
        %mul3A_1359 = arith.mulf %get3A_1083, %gather3A_1255 : vector<16xf32>
        %add3A_1360 = arith.addf %gather3A_1254, %mul3A_1359 : vector<16xf32>
        %max3A_1361 = arith.constant -1.000000e+00 : f32
        %max3A_1362 = vector.broadcast %max3A_1361 : f32 to vector<16xf32>
        %max3A_1363 = arith.maximumf %add3A_1360, %max3A_1362 : vector<16xf32>
        %min3A_1364 = arith.constant 1.000000e+00 : f32
        %min3A_1365 = vector.broadcast %min3A_1364 : f32 to vector<16xf32>
        %min3A_1366 = arith.minimumf %max3A_1363, %min3A_1365 : vector<16xf32>
        tpu.vector_store_idx %arg15[%add3A_1258, %add3A_1247], %min3A_1366 : memref<4x4096xf32, #tpu.memory_space<vmem>>[vector<16xi32>, vector<16xi32>], vector<16xf32>,
        %add3A_1367 = arith.constant 16 : i32
        %add3A_1368 = vector.broadcast %add3A_1367 : i32 to vector<16xi32>
        %add3A_1369 = arith.addi %and3A_1338, %add3A_1368 : vector<16xi32>
        %gather3A_1370 = tpu.vector_load_idx %arg12[%add3A_1087, %add3A_1369] : memref<512x32xf32, #tpu.memory_space<vmem>>[vector<16xi32>, vector<16xi32>], vector<16xf32>,
        %gather3A_1371 = tpu.vector_load_idx %arg14[%add3A_1087, %add3A_1369] : memref<512x32xf32, #tpu.memory_space<vmem>>[vector<16xi32>, vector<16xi32>], vector<16xf32>,
        %add3A_1372 = arith.constant 2 : i32
        %add3A_1373 = vector.broadcast %add3A_1372 : i32 to vector<16xi32>
        %add3A_1374 = arith.addi %shift_right_arithmetic3A_1350, %add3A_1373 : vector<16xi32>
        %mul3A_1375 = arith.mulf %get3A_1083, %gather3A_1271 : vector<16xf32>
        %add3A_1376 = arith.addf %gather3A_1270, %mul3A_1375 : vector<16xf32>
        %max3A_1377 = arith.constant -1.000000e+00 : f32
        %max3A_1378 = vector.broadcast %max3A_1377 : f32 to vector<16xf32>
        %max3A_1379 = arith.maximumf %add3A_1376, %max3A_1378 : vector<16xf32>
        %min3A_1380 = arith.constant 1.000000e+00 : f32
        %min3A_1381 = vector.broadcast %min3A_1380 : f32 to vector<16xf32>
        %min3A_1382 = arith.minimumf %max3A_1379, %min3A_1381 : vector<16xf32>
        tpu.vector_store_idx %arg15[%add3A_1274, %add3A_1247], %min3A_1382 : memref<4x4096xf32, #tpu.memory_space<vmem>>[vector<16xi32>, vector<16xi32>], vector<16xf32>,
        %add3A_1383 = arith.constant 5 : i32
        %add3A_1384 = vector.broadcast %add3A_1383 : i32 to vector<16xi32>
        %add3A_1385 = arith.addi %iota3A, %add3A_1384 : vector<16xi32>
        %and3A_1386 = arith.constant 15 : i32
        %and3A_1387 = vector.broadcast %and3A_1386 : i32 to vector<16xi32>
        %and3A_1388 = arith.andi %add3A_1385, %and3A_1387 : vector<16xi32>
        %and3A_1389 = arith.constant 7 : i32
        %and3A_1390 = vector.broadcast %and3A_1389 : i32 to vector<16xi32>
        %and3A_1391 = arith.andi %and3A_1388, %and3A_1390 : vector<16xi32>
        %shift_left3A_1392 = arith.constant 7 : i32
        %shift_left3A_1393 = vector.broadcast %shift_left3A_1392 : i32 to vector<16xi32>
        %shift_left3A_1394 = arith.shli %and3A_1391, %shift_left3A_1393 : vector<16xi32>
        %add3A_1395 = arith.addi %shift_left3A_1394, %iota3A : vector<16xi32>
        %add3A_1396 = vector.broadcast %add3A_1132 : i32 to vector<16xi32>
        %add3A_1397 = arith.addi %add3A_1395, %add3A_1396 : vector<16xi32>
        %shift_right_arithmetic3A_1398 = arith.constant 3 : i32
        %shift_right_arithmetic3A_1399 = vector.broadcast %shift_right_arithmetic3A_1398 : i32 to vector<16xi32>
        %shift_right_arithmetic3A_1400 = arith.shrsi %and3A_1388, %shift_right_arithmetic3A_1399 : vector<16xi32>
        %add3A_1401 = arith.constant 0 : i32
        %add3A_1402 = vector.broadcast %add3A_1401 : i32 to vector<16xi32>
        %add3A_1403 = arith.addi %and3A_1388, %add3A_1402 : vector<16xi32>
        %gather3A_1404 = tpu.vector_load_idx %arg12[%add3A_1087, %add3A_1403] : memref<512x32xf32, #tpu.memory_space<vmem>>[vector<16xi32>, vector<16xi32>], vector<16xf32>,
        %gather3A_1405 = tpu.vector_load_idx %arg14[%add3A_1087, %add3A_1403] : memref<512x32xf32, #tpu.memory_space<vmem>>[vector<16xi32>, vector<16xi32>], vector<16xf32>,
        %add3A_1406 = arith.constant 0 : i32
        %add3A_1407 = vector.broadcast %add3A_1406 : i32 to vector<16xi32>
        %add3A_1408 = arith.addi %shift_right_arithmetic3A_1400, %add3A_1407 : vector<16xi32>
        %mul3A_1409 = arith.mulf %get3A_1083, %gather3A_1305 : vector<16xf32>
        %add3A_1410 = arith.addf %gather3A_1304, %mul3A_1409 : vector<16xf32>
        %max3A_1411 = arith.constant -1.000000e+00 : f32
        %max3A_1412 = vector.broadcast %max3A_1411 : f32 to vector<16xf32>
        %max3A_1413 = arith.maximumf %add3A_1410, %max3A_1412 : vector<16xf32>
        %min3A_1414 = arith.constant 1.000000e+00 : f32
        %min3A_1415 = vector.broadcast %min3A_1414 : f32 to vector<16xf32>
        %min3A_1416 = arith.minimumf %max3A_1413, %min3A_1415 : vector<16xf32>
        tpu.vector_store_idx %arg15[%add3A_1308, %add3A_1297], %min3A_1416 : memref<4x4096xf32, #tpu.memory_space<vmem>>[vector<16xi32>, vector<16xi32>], vector<16xf32>,
        %add3A_1417 = arith.constant 16 : i32
        %add3A_1418 = vector.broadcast %add3A_1417 : i32 to vector<16xi32>
        %add3A_1419 = arith.addi %and3A_1388, %add3A_1418 : vector<16xi32>
        %gather3A_1420 = tpu.vector_load_idx %arg12[%add3A_1087, %add3A_1419] : memref<512x32xf32, #tpu.memory_space<vmem>>[vector<16xi32>, vector<16xi32>], vector<16xf32>,
        %gather3A_1421 = tpu.vector_load_idx %arg14[%add3A_1087, %add3A_1419] : memref<512x32xf32, #tpu.memory_space<vmem>>[vector<16xi32>, vector<16xi32>], vector<16xf32>,
        %add3A_1422 = arith.constant 2 : i32
        %add3A_1423 = vector.broadcast %add3A_1422 : i32 to vector<16xi32>
        %add3A_1424 = arith.addi %shift_right_arithmetic3A_1400, %add3A_1423 : vector<16xi32>
        %mul3A_1425 = arith.mulf %get3A_1083, %gather3A_1321 : vector<16xf32>
        %add3A_1426 = arith.addf %gather3A_1320, %mul3A_1425 : vector<16xf32>
        %max3A_1427 = arith.constant -1.000000e+00 : f32
        %max3A_1428 = vector.broadcast %max3A_1427 : f32 to vector<16xf32>
        %max3A_1429 = arith.maximumf %add3A_1426, %max3A_1428 : vector<16xf32>
        %min3A_1430 = arith.constant 1.000000e+00 : f32
        %min3A_1431 = vector.broadcast %min3A_1430 : f32 to vector<16xf32>
        %min3A_1432 = arith.minimumf %max3A_1429, %min3A_1431 : vector<16xf32>
        tpu.vector_store_idx %arg15[%add3A_1324, %add3A_1297], %min3A_1432 : memref<4x4096xf32, #tpu.memory_space<vmem>>[vector<16xi32>, vector<16xi32>], vector<16xf32>,
        %add3A_1433 = arith.constant 6 : i32
        %add3A_1434 = vector.broadcast %add3A_1433 : i32 to vector<16xi32>
        %add3A_1435 = arith.addi %iota3A, %add3A_1434 : vector<16xi32>
        %and3A_1436 = arith.constant 15 : i32
        %and3A_1437 = vector.broadcast %and3A_1436 : i32 to vector<16xi32>
        %and3A_1438 = arith.andi %add3A_1435, %and3A_1437 : vector<16xi32>
        %and3A_1439 = arith.constant 7 : i32
        %and3A_1440 = vector.broadcast %and3A_1439 : i32 to vector<16xi32>
        %and3A_1441 = arith.andi %and3A_1438, %and3A_1440 : vector<16xi32>
        %shift_left3A_1442 = arith.constant 7 : i32
        %shift_left3A_1443 = vector.broadcast %shift_left3A_1442 : i32 to vector<16xi32>
        %shift_left3A_1444 = arith.shli %and3A_1441, %shift_left3A_1443 : vector<16xi32>
        %add3A_1445 = arith.addi %shift_left3A_1444, %iota3A : vector<16xi32>
        %add3A_1446 = vector.broadcast %add3A_1132 : i32 to vector<16xi32>
        %add3A_1447 = arith.addi %add3A_1445, %add3A_1446 : vector<16xi32>
        %shift_right_arithmetic3A_1448 = arith.constant 3 : i32
        %shift_right_arithmetic3A_1449 = vector.broadcast %shift_right_arithmetic3A_1448 : i32 to vector<16xi32>
        %shift_right_arithmetic3A_1450 = arith.shrsi %and3A_1438, %shift_right_arithmetic3A_1449 : vector<16xi32>
        %add3A_1451 = arith.constant 0 : i32
        %add3A_1452 = vector.broadcast %add3A_1451 : i32 to vector<16xi32>
        %add3A_1453 = arith.addi %and3A_1438, %add3A_1452 : vector<16xi32>
        %gather3A_1454 = tpu.vector_load_idx %arg12[%add3A_1087, %add3A_1453] : memref<512x32xf32, #tpu.memory_space<vmem>>[vector<16xi32>, vector<16xi32>], vector<16xf32>,
        %gather3A_1455 = tpu.vector_load_idx %arg14[%add3A_1087, %add3A_1453] : memref<512x32xf32, #tpu.memory_space<vmem>>[vector<16xi32>, vector<16xi32>], vector<16xf32>,
        %add3A_1456 = arith.constant 0 : i32
        %add3A_1457 = vector.broadcast %add3A_1456 : i32 to vector<16xi32>
        %add3A_1458 = arith.addi %shift_right_arithmetic3A_1450, %add3A_1457 : vector<16xi32>
        %mul3A_1459 = arith.mulf %get3A_1083, %gather3A_1355 : vector<16xf32>
        %add3A_1460 = arith.addf %gather3A_1354, %mul3A_1459 : vector<16xf32>
        %max3A_1461 = arith.constant -1.000000e+00 : f32
        %max3A_1462 = vector.broadcast %max3A_1461 : f32 to vector<16xf32>
        %max3A_1463 = arith.maximumf %add3A_1460, %max3A_1462 : vector<16xf32>
        %min3A_1464 = arith.constant 1.000000e+00 : f32
        %min3A_1465 = vector.broadcast %min3A_1464 : f32 to vector<16xf32>
        %min3A_1466 = arith.minimumf %max3A_1463, %min3A_1465 : vector<16xf32>
        tpu.vector_store_idx %arg15[%add3A_1358, %add3A_1347], %min3A_1466 : memref<4x4096xf32, #tpu.memory_space<vmem>>[vector<16xi32>, vector<16xi32>], vector<16xf32>,
        %add3A_1467 = arith.constant 16 : i32
        %add3A_1468 = vector.broadcast %add3A_1467 : i32 to vector<16xi32>
        %add3A_1469 = arith.addi %and3A_1438, %add3A_1468 : vector<16xi32>
        %gather3A_1470 = tpu.vector_load_idx %arg12[%add3A_1087, %add3A_1469] : memref<512x32xf32, #tpu.memory_space<vmem>>[vector<16xi32>, vector<16xi32>], vector<16xf32>,
        %gather3A_1471 = tpu.vector_load_idx %arg14[%add3A_1087, %add3A_1469] : memref<512x32xf32, #tpu.memory_space<vmem>>[vector<16xi32>, vector<16xi32>], vector<16xf32>,
        %add3A_1472 = arith.constant 2 : i32
        %add3A_1473 = vector.broadcast %add3A_1472 : i32 to vector<16xi32>
        %add3A_1474 = arith.addi %shift_right_arithmetic3A_1450, %add3A_1473 : vector<16xi32>
        %mul3A_1475 = arith.mulf %get3A_1083, %gather3A_1371 : vector<16xf32>
        %add3A_1476 = arith.addf %gather3A_1370, %mul3A_1475 : vector<16xf32>
        %max3A_1477 = arith.constant -1.000000e+00 : f32
        %max3A_1478 = vector.broadcast %max3A_1477 : f32 to vector<16xf32>
        %max3A_1479 = arith.maximumf %add3A_1476, %max3A_1478 : vector<16xf32>
        %min3A_1480 = arith.constant 1.000000e+00 : f32
        %min3A_1481 = vector.broadcast %min3A_1480 : f32 to vector<16xf32>
        %min3A_1482 = arith.minimumf %max3A_1479, %min3A_1481 : vector<16xf32>
        tpu.vector_store_idx %arg15[%add3A_1374, %add3A_1347], %min3A_1482 : memref<4x4096xf32, #tpu.memory_space<vmem>>[vector<16xi32>, vector<16xi32>], vector<16xf32>,
        %add3A_1483 = arith.constant 7 : i32
        %add3A_1484 = vector.broadcast %add3A_1483 : i32 to vector<16xi32>
        %add3A_1485 = arith.addi %iota3A, %add3A_1484 : vector<16xi32>
        %and3A_1486 = arith.constant 15 : i32
        %and3A_1487 = vector.broadcast %and3A_1486 : i32 to vector<16xi32>
        %and3A_1488 = arith.andi %add3A_1485, %and3A_1487 : vector<16xi32>
        %and3A_1489 = arith.constant 7 : i32
        %and3A_1490 = vector.broadcast %and3A_1489 : i32 to vector<16xi32>
        %and3A_1491 = arith.andi %and3A_1488, %and3A_1490 : vector<16xi32>
        %shift_left3A_1492 = arith.constant 7 : i32
        %shift_left3A_1493 = vector.broadcast %shift_left3A_1492 : i32 to vector<16xi32>
        %shift_left3A_1494 = arith.shli %and3A_1491, %shift_left3A_1493 : vector<16xi32>
        %add3A_1495 = arith.addi %shift_left3A_1494, %iota3A : vector<16xi32>
        %add3A_1496 = vector.broadcast %add3A_1132 : i32 to vector<16xi32>
        %add3A_1497 = arith.addi %add3A_1495, %add3A_1496 : vector<16xi32>
        %shift_right_arithmetic3A_1498 = arith.constant 3 : i32
        %shift_right_arithmetic3A_1499 = vector.broadcast %shift_right_arithmetic3A_1498 : i32 to vector<16xi32>
        %shift_right_arithmetic3A_1500 = arith.shrsi %and3A_1488, %shift_right_arithmetic3A_1499 : vector<16xi32>
        %add3A_1501 = arith.constant 0 : i32
        %add3A_1502 = vector.broadcast %add3A_1501 : i32 to vector<16xi32>
        %add3A_1503 = arith.addi %and3A_1488, %add3A_1502 : vector<16xi32>
        %gather3A_1504 = tpu.vector_load_idx %arg12[%add3A_1087, %add3A_1503] : memref<512x32xf32, #tpu.memory_space<vmem>>[vector<16xi32>, vector<16xi32>], vector<16xf32>,
        %gather3A_1505 = tpu.vector_load_idx %arg14[%add3A_1087, %add3A_1503] : memref<512x32xf32, #tpu.memory_space<vmem>>[vector<16xi32>, vector<16xi32>], vector<16xf32>,
        %add3A_1506 = arith.constant 0 : i32
        %add3A_1507 = vector.broadcast %add3A_1506 : i32 to vector<16xi32>
        %add3A_1508 = arith.addi %shift_right_arithmetic3A_1500, %add3A_1507 : vector<16xi32>
        %mul3A_1509 = arith.mulf %get3A_1083, %gather3A_1405 : vector<16xf32>
        %add3A_1510 = arith.addf %gather3A_1404, %mul3A_1509 : vector<16xf32>
        %max3A_1511 = arith.constant -1.000000e+00 : f32
        %max3A_1512 = vector.broadcast %max3A_1511 : f32 to vector<16xf32>
        %max3A_1513 = arith.maximumf %add3A_1510, %max3A_1512 : vector<16xf32>
        %min3A_1514 = arith.constant 1.000000e+00 : f32
        %min3A_1515 = vector.broadcast %min3A_1514 : f32 to vector<16xf32>
        %min3A_1516 = arith.minimumf %max3A_1513, %min3A_1515 : vector<16xf32>
        tpu.vector_store_idx %arg15[%add3A_1408, %add3A_1397], %min3A_1516 : memref<4x4096xf32, #tpu.memory_space<vmem>>[vector<16xi32>, vector<16xi32>], vector<16xf32>,
        %add3A_1517 = arith.constant 16 : i32
        %add3A_1518 = vector.broadcast %add3A_1517 : i32 to vector<16xi32>
        %add3A_1519 = arith.addi %and3A_1488, %add3A_1518 : vector<16xi32>
        %gather3A_1520 = tpu.vector_load_idx %arg12[%add3A_1087, %add3A_1519] : memref<512x32xf32, #tpu.memory_space<vmem>>[vector<16xi32>, vector<16xi32>], vector<16xf32>,
        %gather3A_1521 = tpu.vector_load_idx %arg14[%add3A_1087, %add3A_1519] : memref<512x32xf32, #tpu.memory_space<vmem>>[vector<16xi32>, vector<16xi32>], vector<16xf32>,
        %add3A_1522 = arith.constant 2 : i32
        %add3A_1523 = vector.broadcast %add3A_1522 : i32 to vector<16xi32>
        %add3A_1524 = arith.addi %shift_right_arithmetic3A_1500, %add3A_1523 : vector<16xi32>
        %mul3A_1525 = arith.mulf %get3A_1083, %gather3A_1421 : vector<16xf32>
        %add3A_1526 = arith.addf %gather3A_1420, %mul3A_1525 : vector<16xf32>
        %max3A_1527 = arith.constant -1.000000e+00 : f32
        %max3A_1528 = vector.broadcast %max3A_1527 : f32 to vector<16xf32>
        %max3A_1529 = arith.maximumf %add3A_1526, %max3A_1528 : vector<16xf32>
        %min3A_1530 = arith.constant 1.000000e+00 : f32
        %min3A_1531 = vector.broadcast %min3A_1530 : f32 to vector<16xf32>
        %min3A_1532 = arith.minimumf %max3A_1529, %min3A_1531 : vector<16xf32>
        tpu.vector_store_idx %arg15[%add3A_1424, %add3A_1397], %min3A_1532 : memref<4x4096xf32, #tpu.memory_space<vmem>>[vector<16xi32>, vector<16xi32>], vector<16xf32>,
        %add3A_1533 = arith.constant 8 : i32
        %add3A_1534 = vector.broadcast %add3A_1533 : i32 to vector<16xi32>
        %add3A_1535 = arith.addi %iota3A, %add3A_1534 : vector<16xi32>
        %and3A_1536 = arith.constant 15 : i32
        %and3A_1537 = vector.broadcast %and3A_1536 : i32 to vector<16xi32>
        %and3A_1538 = arith.andi %add3A_1535, %and3A_1537 : vector<16xi32>
        %and3A_1539 = arith.constant 7 : i32
        %and3A_1540 = vector.broadcast %and3A_1539 : i32 to vector<16xi32>
        %and3A_1541 = arith.andi %and3A_1538, %and3A_1540 : vector<16xi32>
        %shift_left3A_1542 = arith.constant 7 : i32
        %shift_left3A_1543 = vector.broadcast %shift_left3A_1542 : i32 to vector<16xi32>
        %shift_left3A_1544 = arith.shli %and3A_1541, %shift_left3A_1543 : vector<16xi32>
        %add3A_1545 = arith.addi %shift_left3A_1544, %iota3A : vector<16xi32>
        %add3A_1546 = vector.broadcast %add3A_1132 : i32 to vector<16xi32>
        %add3A_1547 = arith.addi %add3A_1545, %add3A_1546 : vector<16xi32>
        %shift_right_arithmetic3A_1548 = arith.constant 3 : i32
        %shift_right_arithmetic3A_1549 = vector.broadcast %shift_right_arithmetic3A_1548 : i32 to vector<16xi32>
        %shift_right_arithmetic3A_1550 = arith.shrsi %and3A_1538, %shift_right_arithmetic3A_1549 : vector<16xi32>
        %add3A_1551 = arith.constant 0 : i32
        %add3A_1552 = vector.broadcast %add3A_1551 : i32 to vector<16xi32>
        %add3A_1553 = arith.addi %and3A_1538, %add3A_1552 : vector<16xi32>
        %gather3A_1554 = tpu.vector_load_idx %arg12[%add3A_1087, %add3A_1553] : memref<512x32xf32, #tpu.memory_space<vmem>>[vector<16xi32>, vector<16xi32>], vector<16xf32>,
        %gather3A_1555 = tpu.vector_load_idx %arg14[%add3A_1087, %add3A_1553] : memref<512x32xf32, #tpu.memory_space<vmem>>[vector<16xi32>, vector<16xi32>], vector<16xf32>,
        %add3A_1556 = arith.constant 0 : i32
        %add3A_1557 = vector.broadcast %add3A_1556 : i32 to vector<16xi32>
        %add3A_1558 = arith.addi %shift_right_arithmetic3A_1550, %add3A_1557 : vector<16xi32>
        %mul3A_1559 = arith.mulf %get3A_1083, %gather3A_1455 : vector<16xf32>
        %add3A_1560 = arith.addf %gather3A_1454, %mul3A_1559 : vector<16xf32>
        %max3A_1561 = arith.constant -1.000000e+00 : f32
        %max3A_1562 = vector.broadcast %max3A_1561 : f32 to vector<16xf32>
        %max3A_1563 = arith.maximumf %add3A_1560, %max3A_1562 : vector<16xf32>
        %min3A_1564 = arith.constant 1.000000e+00 : f32
        %min3A_1565 = vector.broadcast %min3A_1564 : f32 to vector<16xf32>
        %min3A_1566 = arith.minimumf %max3A_1563, %min3A_1565 : vector<16xf32>
        tpu.vector_store_idx %arg15[%add3A_1458, %add3A_1447], %min3A_1566 : memref<4x4096xf32, #tpu.memory_space<vmem>>[vector<16xi32>, vector<16xi32>], vector<16xf32>,
        %add3A_1567 = arith.constant 16 : i32
        %add3A_1568 = vector.broadcast %add3A_1567 : i32 to vector<16xi32>
        %add3A_1569 = arith.addi %and3A_1538, %add3A_1568 : vector<16xi32>
        %gather3A_1570 = tpu.vector_load_idx %arg12[%add3A_1087, %add3A_1569] : memref<512x32xf32, #tpu.memory_space<vmem>>[vector<16xi32>, vector<16xi32>], vector<16xf32>,
        %gather3A_1571 = tpu.vector_load_idx %arg14[%add3A_1087, %add3A_1569] : memref<512x32xf32, #tpu.memory_space<vmem>>[vector<16xi32>, vector<16xi32>], vector<16xf32>,
        %add3A_1572 = arith.constant 2 : i32
        %add3A_1573 = vector.broadcast %add3A_1572 : i32 to vector<16xi32>
        %add3A_1574 = arith.addi %shift_right_arithmetic3A_1550, %add3A_1573 : vector<16xi32>
        %mul3A_1575 = arith.mulf %get3A_1083, %gather3A_1471 : vector<16xf32>
        %add3A_1576 = arith.addf %gather3A_1470, %mul3A_1575 : vector<16xf32>
        %max3A_1577 = arith.constant -1.000000e+00 : f32
        %max3A_1578 = vector.broadcast %max3A_1577 : f32 to vector<16xf32>
        %max3A_1579 = arith.maximumf %add3A_1576, %max3A_1578 : vector<16xf32>
        %min3A_1580 = arith.constant 1.000000e+00 : f32
        %min3A_1581 = vector.broadcast %min3A_1580 : f32 to vector<16xf32>
        %min3A_1582 = arith.minimumf %max3A_1579, %min3A_1581 : vector<16xf32>
        tpu.vector_store_idx %arg15[%add3A_1474, %add3A_1447], %min3A_1582 : memref<4x4096xf32, #tpu.memory_space<vmem>>[vector<16xi32>, vector<16xi32>], vector<16xf32>,
        %add3A_1583 = arith.constant 9 : i32
        %add3A_1584 = vector.broadcast %add3A_1583 : i32 to vector<16xi32>
        %add3A_1585 = arith.addi %iota3A, %add3A_1584 : vector<16xi32>
        %and3A_1586 = arith.constant 15 : i32
        %and3A_1587 = vector.broadcast %and3A_1586 : i32 to vector<16xi32>
        %and3A_1588 = arith.andi %add3A_1585, %and3A_1587 : vector<16xi32>
        %and3A_1589 = arith.constant 7 : i32
        %and3A_1590 = vector.broadcast %and3A_1589 : i32 to vector<16xi32>
        %and3A_1591 = arith.andi %and3A_1588, %and3A_1590 : vector<16xi32>
        %shift_left3A_1592 = arith.constant 7 : i32
        %shift_left3A_1593 = vector.broadcast %shift_left3A_1592 : i32 to vector<16xi32>
        %shift_left3A_1594 = arith.shli %and3A_1591, %shift_left3A_1593 : vector<16xi32>
        %add3A_1595 = arith.addi %shift_left3A_1594, %iota3A : vector<16xi32>
        %add3A_1596 = vector.broadcast %add3A_1132 : i32 to vector<16xi32>
        %add3A_1597 = arith.addi %add3A_1595, %add3A_1596 : vector<16xi32>
        %shift_right_arithmetic3A_1598 = arith.constant 3 : i32
        %shift_right_arithmetic3A_1599 = vector.broadcast %shift_right_arithmetic3A_1598 : i32 to vector<16xi32>
        %shift_right_arithmetic3A_1600 = arith.shrsi %and3A_1588, %shift_right_arithmetic3A_1599 : vector<16xi32>
        %add3A_1601 = arith.constant 0 : i32
        %add3A_1602 = vector.broadcast %add3A_1601 : i32 to vector<16xi32>
        %add3A_1603 = arith.addi %and3A_1588, %add3A_1602 : vector<16xi32>
        %gather3A_1604 = tpu.vector_load_idx %arg12[%add3A_1087, %add3A_1603] : memref<512x32xf32, #tpu.memory_space<vmem>>[vector<16xi32>, vector<16xi32>], vector<16xf32>,
        %gather3A_1605 = tpu.vector_load_idx %arg14[%add3A_1087, %add3A_1603] : memref<512x32xf32, #tpu.memory_space<vmem>>[vector<16xi32>, vector<16xi32>], vector<16xf32>,
        %add3A_1606 = arith.constant 0 : i32
        %add3A_1607 = vector.broadcast %add3A_1606 : i32 to vector<16xi32>
        %add3A_1608 = arith.addi %shift_right_arithmetic3A_1600, %add3A_1607 : vector<16xi32>
        %mul3A_1609 = arith.mulf %get3A_1083, %gather3A_1505 : vector<16xf32>
        %add3A_1610 = arith.addf %gather3A_1504, %mul3A_1609 : vector<16xf32>
        %max3A_1611 = arith.constant -1.000000e+00 : f32
        %max3A_1612 = vector.broadcast %max3A_1611 : f32 to vector<16xf32>
        %max3A_1613 = arith.maximumf %add3A_1610, %max3A_1612 : vector<16xf32>
        %min3A_1614 = arith.constant 1.000000e+00 : f32
        %min3A_1615 = vector.broadcast %min3A_1614 : f32 to vector<16xf32>
        %min3A_1616 = arith.minimumf %max3A_1613, %min3A_1615 : vector<16xf32>
        tpu.vector_store_idx %arg15[%add3A_1508, %add3A_1497], %min3A_1616 : memref<4x4096xf32, #tpu.memory_space<vmem>>[vector<16xi32>, vector<16xi32>], vector<16xf32>,
        %add3A_1617 = arith.constant 16 : i32
        %add3A_1618 = vector.broadcast %add3A_1617 : i32 to vector<16xi32>
        %add3A_1619 = arith.addi %and3A_1588, %add3A_1618 : vector<16xi32>
        %gather3A_1620 = tpu.vector_load_idx %arg12[%add3A_1087, %add3A_1619] : memref<512x32xf32, #tpu.memory_space<vmem>>[vector<16xi32>, vector<16xi32>], vector<16xf32>,
        %gather3A_1621 = tpu.vector_load_idx %arg14[%add3A_1087, %add3A_1619] : memref<512x32xf32, #tpu.memory_space<vmem>>[vector<16xi32>, vector<16xi32>], vector<16xf32>,
        %add3A_1622 = arith.constant 2 : i32
        %add3A_1623 = vector.broadcast %add3A_1622 : i32 to vector<16xi32>
        %add3A_1624 = arith.addi %shift_right_arithmetic3A_1600, %add3A_1623 : vector<16xi32>
        %mul3A_1625 = arith.mulf %get3A_1083, %gather3A_1521 : vector<16xf32>
        %add3A_1626 = arith.addf %gather3A_1520, %mul3A_1625 : vector<16xf32>
        %max3A_1627 = arith.constant -1.000000e+00 : f32
        %max3A_1628 = vector.broadcast %max3A_1627 : f32 to vector<16xf32>
        %max3A_1629 = arith.maximumf %add3A_1626, %max3A_1628 : vector<16xf32>
        %min3A_1630 = arith.constant 1.000000e+00 : f32
        %min3A_1631 = vector.broadcast %min3A_1630 : f32 to vector<16xf32>
        %min3A_1632 = arith.minimumf %max3A_1629, %min3A_1631 : vector<16xf32>
        tpu.vector_store_idx %arg15[%add3A_1524, %add3A_1497], %min3A_1632 : memref<4x4096xf32, #tpu.memory_space<vmem>>[vector<16xi32>, vector<16xi32>], vector<16xf32>,
        %add3A_1633 = arith.constant 10 : i32
        %add3A_1634 = vector.broadcast %add3A_1633 : i32 to vector<16xi32>
        %add3A_1635 = arith.addi %iota3A, %add3A_1634 : vector<16xi32>
        %and3A_1636 = arith.constant 15 : i32
        %and3A_1637 = vector.broadcast %and3A_1636 : i32 to vector<16xi32>
        %and3A_1638 = arith.andi %add3A_1635, %and3A_1637 : vector<16xi32>
        %and3A_1639 = arith.constant 7 : i32
        %and3A_1640 = vector.broadcast %and3A_1639 : i32 to vector<16xi32>
        %and3A_1641 = arith.andi %and3A_1638, %and3A_1640 : vector<16xi32>
        %shift_left3A_1642 = arith.constant 7 : i32
        %shift_left3A_1643 = vector.broadcast %shift_left3A_1642 : i32 to vector<16xi32>
        %shift_left3A_1644 = arith.shli %and3A_1641, %shift_left3A_1643 : vector<16xi32>
        %add3A_1645 = arith.addi %shift_left3A_1644, %iota3A : vector<16xi32>
        %add3A_1646 = vector.broadcast %add3A_1132 : i32 to vector<16xi32>
        %add3A_1647 = arith.addi %add3A_1645, %add3A_1646 : vector<16xi32>
        %shift_right_arithmetic3A_1648 = arith.constant 3 : i32
        %shift_right_arithmetic3A_1649 = vector.broadcast %shift_right_arithmetic3A_1648 : i32 to vector<16xi32>
        %shift_right_arithmetic3A_1650 = arith.shrsi %and3A_1638, %shift_right_arithmetic3A_1649 : vector<16xi32>
        %add3A_1651 = arith.constant 0 : i32
        %add3A_1652 = vector.broadcast %add3A_1651 : i32 to vector<16xi32>
        %add3A_1653 = arith.addi %and3A_1638, %add3A_1652 : vector<16xi32>
        %gather3A_1654 = tpu.vector_load_idx %arg12[%add3A_1087, %add3A_1653] : memref<512x32xf32, #tpu.memory_space<vmem>>[vector<16xi32>, vector<16xi32>], vector<16xf32>,
        %gather3A_1655 = tpu.vector_load_idx %arg14[%add3A_1087, %add3A_1653] : memref<512x32xf32, #tpu.memory_space<vmem>>[vector<16xi32>, vector<16xi32>], vector<16xf32>,
        %add3A_1656 = arith.constant 0 : i32
        %add3A_1657 = vector.broadcast %add3A_1656 : i32 to vector<16xi32>
        %add3A_1658 = arith.addi %shift_right_arithmetic3A_1650, %add3A_1657 : vector<16xi32>
        %mul3A_1659 = arith.mulf %get3A_1083, %gather3A_1555 : vector<16xf32>
        %add3A_1660 = arith.addf %gather3A_1554, %mul3A_1659 : vector<16xf32>
        %max3A_1661 = arith.constant -1.000000e+00 : f32
        %max3A_1662 = vector.broadcast %max3A_1661 : f32 to vector<16xf32>
        %max3A_1663 = arith.maximumf %add3A_1660, %max3A_1662 : vector<16xf32>
        %min3A_1664 = arith.constant 1.000000e+00 : f32
        %min3A_1665 = vector.broadcast %min3A_1664 : f32 to vector<16xf32>
        %min3A_1666 = arith.minimumf %max3A_1663, %min3A_1665 : vector<16xf32>
        tpu.vector_store_idx %arg15[%add3A_1558, %add3A_1547], %min3A_1666 : memref<4x4096xf32, #tpu.memory_space<vmem>>[vector<16xi32>, vector<16xi32>], vector<16xf32>,
        %add3A_1667 = arith.constant 16 : i32
        %add3A_1668 = vector.broadcast %add3A_1667 : i32 to vector<16xi32>
        %add3A_1669 = arith.addi %and3A_1638, %add3A_1668 : vector<16xi32>
        %gather3A_1670 = tpu.vector_load_idx %arg12[%add3A_1087, %add3A_1669] : memref<512x32xf32, #tpu.memory_space<vmem>>[vector<16xi32>, vector<16xi32>], vector<16xf32>,
        %gather3A_1671 = tpu.vector_load_idx %arg14[%add3A_1087, %add3A_1669] : memref<512x32xf32, #tpu.memory_space<vmem>>[vector<16xi32>, vector<16xi32>], vector<16xf32>,
        %add3A_1672 = arith.constant 2 : i32
        %add3A_1673 = vector.broadcast %add3A_1672 : i32 to vector<16xi32>
        %add3A_1674 = arith.addi %shift_right_arithmetic3A_1650, %add3A_1673 : vector<16xi32>
        %mul3A_1675 = arith.mulf %get3A_1083, %gather3A_1571 : vector<16xf32>
        %add3A_1676 = arith.addf %gather3A_1570, %mul3A_1675 : vector<16xf32>
        %max3A_1677 = arith.constant -1.000000e+00 : f32
        %max3A_1678 = vector.broadcast %max3A_1677 : f32 to vector<16xf32>
        %max3A_1679 = arith.maximumf %add3A_1676, %max3A_1678 : vector<16xf32>
        %min3A_1680 = arith.constant 1.000000e+00 : f32
        %min3A_1681 = vector.broadcast %min3A_1680 : f32 to vector<16xf32>
        %min3A_1682 = arith.minimumf %max3A_1679, %min3A_1681 : vector<16xf32>
        tpu.vector_store_idx %arg15[%add3A_1574, %add3A_1547], %min3A_1682 : memref<4x4096xf32, #tpu.memory_space<vmem>>[vector<16xi32>, vector<16xi32>], vector<16xf32>,
        %add3A_1683 = arith.constant 11 : i32
        %add3A_1684 = vector.broadcast %add3A_1683 : i32 to vector<16xi32>
        %add3A_1685 = arith.addi %iota3A, %add3A_1684 : vector<16xi32>
        %and3A_1686 = arith.constant 15 : i32
        %and3A_1687 = vector.broadcast %and3A_1686 : i32 to vector<16xi32>
        %and3A_1688 = arith.andi %add3A_1685, %and3A_1687 : vector<16xi32>
        %and3A_1689 = arith.constant 7 : i32
        %and3A_1690 = vector.broadcast %and3A_1689 : i32 to vector<16xi32>
        %and3A_1691 = arith.andi %and3A_1688, %and3A_1690 : vector<16xi32>
        %shift_left3A_1692 = arith.constant 7 : i32
        %shift_left3A_1693 = vector.broadcast %shift_left3A_1692 : i32 to vector<16xi32>
        %shift_left3A_1694 = arith.shli %and3A_1691, %shift_left3A_1693 : vector<16xi32>
        %add3A_1695 = arith.addi %shift_left3A_1694, %iota3A : vector<16xi32>
        %add3A_1696 = vector.broadcast %add3A_1132 : i32 to vector<16xi32>
        %add3A_1697 = arith.addi %add3A_1695, %add3A_1696 : vector<16xi32>
        %shift_right_arithmetic3A_1698 = arith.constant 3 : i32
        %shift_right_arithmetic3A_1699 = vector.broadcast %shift_right_arithmetic3A_1698 : i32 to vector<16xi32>
        %shift_right_arithmetic3A_1700 = arith.shrsi %and3A_1688, %shift_right_arithmetic3A_1699 : vector<16xi32>
        %add3A_1701 = arith.constant 0 : i32
        %add3A_1702 = vector.broadcast %add3A_1701 : i32 to vector<16xi32>
        %add3A_1703 = arith.addi %and3A_1688, %add3A_1702 : vector<16xi32>
        %gather3A_1704 = tpu.vector_load_idx %arg12[%add3A_1087, %add3A_1703] : memref<512x32xf32, #tpu.memory_space<vmem>>[vector<16xi32>, vector<16xi32>], vector<16xf32>,
        %gather3A_1705 = tpu.vector_load_idx %arg14[%add3A_1087, %add3A_1703] : memref<512x32xf32, #tpu.memory_space<vmem>>[vector<16xi32>, vector<16xi32>], vector<16xf32>,
        %add3A_1706 = arith.constant 0 : i32
        %add3A_1707 = vector.broadcast %add3A_1706 : i32 to vector<16xi32>
        %add3A_1708 = arith.addi %shift_right_arithmetic3A_1700, %add3A_1707 : vector<16xi32>
        %mul3A_1709 = arith.mulf %get3A_1083, %gather3A_1605 : vector<16xf32>
        %add3A_1710 = arith.addf %gather3A_1604, %mul3A_1709 : vector<16xf32>
        %max3A_1711 = arith.constant -1.000000e+00 : f32
        %max3A_1712 = vector.broadcast %max3A_1711 : f32 to vector<16xf32>
        %max3A_1713 = arith.maximumf %add3A_1710, %max3A_1712 : vector<16xf32>
        %min3A_1714 = arith.constant 1.000000e+00 : f32
        %min3A_1715 = vector.broadcast %min3A_1714 : f32 to vector<16xf32>
        %min3A_1716 = arith.minimumf %max3A_1713, %min3A_1715 : vector<16xf32>
        tpu.vector_store_idx %arg15[%add3A_1608, %add3A_1597], %min3A_1716 : memref<4x4096xf32, #tpu.memory_space<vmem>>[vector<16xi32>, vector<16xi32>], vector<16xf32>,
        %add3A_1717 = arith.constant 16 : i32
        %add3A_1718 = vector.broadcast %add3A_1717 : i32 to vector<16xi32>
        %add3A_1719 = arith.addi %and3A_1688, %add3A_1718 : vector<16xi32>
        %gather3A_1720 = tpu.vector_load_idx %arg12[%add3A_1087, %add3A_1719] : memref<512x32xf32, #tpu.memory_space<vmem>>[vector<16xi32>, vector<16xi32>], vector<16xf32>,
        %gather3A_1721 = tpu.vector_load_idx %arg14[%add3A_1087, %add3A_1719] : memref<512x32xf32, #tpu.memory_space<vmem>>[vector<16xi32>, vector<16xi32>], vector<16xf32>,
        %add3A_1722 = arith.constant 2 : i32
        %add3A_1723 = vector.broadcast %add3A_1722 : i32 to vector<16xi32>
        %add3A_1724 = arith.addi %shift_right_arithmetic3A_1700, %add3A_1723 : vector<16xi32>
        %mul3A_1725 = arith.mulf %get3A_1083, %gather3A_1621 : vector<16xf32>
        %add3A_1726 = arith.addf %gather3A_1620, %mul3A_1725 : vector<16xf32>
        %max3A_1727 = arith.constant -1.000000e+00 : f32
        %max3A_1728 = vector.broadcast %max3A_1727 : f32 to vector<16xf32>
        %max3A_1729 = arith.maximumf %add3A_1726, %max3A_1728 : vector<16xf32>
        %min3A_1730 = arith.constant 1.000000e+00 : f32
        %min3A_1731 = vector.broadcast %min3A_1730 : f32 to vector<16xf32>
        %min3A_1732 = arith.minimumf %max3A_1729, %min3A_1731 : vector<16xf32>
        tpu.vector_store_idx %arg15[%add3A_1624, %add3A_1597], %min3A_1732 : memref<4x4096xf32, #tpu.memory_space<vmem>>[vector<16xi32>, vector<16xi32>], vector<16xf32>,
        %add3A_1733 = arith.constant 12 : i32
        %add3A_1734 = vector.broadcast %add3A_1733 : i32 to vector<16xi32>
        %add3A_1735 = arith.addi %iota3A, %add3A_1734 : vector<16xi32>
        %and3A_1736 = arith.constant 15 : i32
        %and3A_1737 = vector.broadcast %and3A_1736 : i32 to vector<16xi32>
        %and3A_1738 = arith.andi %add3A_1735, %and3A_1737 : vector<16xi32>
        %and3A_1739 = arith.constant 7 : i32
        %and3A_1740 = vector.broadcast %and3A_1739 : i32 to vector<16xi32>
        %and3A_1741 = arith.andi %and3A_1738, %and3A_1740 : vector<16xi32>
        %shift_left3A_1742 = arith.constant 7 : i32
        %shift_left3A_1743 = vector.broadcast %shift_left3A_1742 : i32 to vector<16xi32>
        %shift_left3A_1744 = arith.shli %and3A_1741, %shift_left3A_1743 : vector<16xi32>
        %add3A_1745 = arith.addi %shift_left3A_1744, %iota3A : vector<16xi32>
        %add3A_1746 = vector.broadcast %add3A_1132 : i32 to vector<16xi32>
        %add3A_1747 = arith.addi %add3A_1745, %add3A_1746 : vector<16xi32>
        %shift_right_arithmetic3A_1748 = arith.constant 3 : i32
        %shift_right_arithmetic3A_1749 = vector.broadcast %shift_right_arithmetic3A_1748 : i32 to vector<16xi32>
        %shift_right_arithmetic3A_1750 = arith.shrsi %and3A_1738, %shift_right_arithmetic3A_1749 : vector<16xi32>
        %add3A_1751 = arith.constant 0 : i32
        %add3A_1752 = vector.broadcast %add3A_1751 : i32 to vector<16xi32>
        %add3A_1753 = arith.addi %and3A_1738, %add3A_1752 : vector<16xi32>
        %gather3A_1754 = tpu.vector_load_idx %arg12[%add3A_1087, %add3A_1753] : memref<512x32xf32, #tpu.memory_space<vmem>>[vector<16xi32>, vector<16xi32>], vector<16xf32>,
        %gather3A_1755 = tpu.vector_load_idx %arg14[%add3A_1087, %add3A_1753] : memref<512x32xf32, #tpu.memory_space<vmem>>[vector<16xi32>, vector<16xi32>], vector<16xf32>,
        %add3A_1756 = arith.constant 0 : i32
        %add3A_1757 = vector.broadcast %add3A_1756 : i32 to vector<16xi32>
        %add3A_1758 = arith.addi %shift_right_arithmetic3A_1750, %add3A_1757 : vector<16xi32>
        %mul3A_1759 = arith.mulf %get3A_1083, %gather3A_1655 : vector<16xf32>
        %add3A_1760 = arith.addf %gather3A_1654, %mul3A_1759 : vector<16xf32>
        %max3A_1761 = arith.constant -1.000000e+00 : f32
        %max3A_1762 = vector.broadcast %max3A_1761 : f32 to vector<16xf32>
        %max3A_1763 = arith.maximumf %add3A_1760, %max3A_1762 : vector<16xf32>
        %min3A_1764 = arith.constant 1.000000e+00 : f32
        %min3A_1765 = vector.broadcast %min3A_1764 : f32 to vector<16xf32>
        %min3A_1766 = arith.minimumf %max3A_1763, %min3A_1765 : vector<16xf32>
        tpu.vector_store_idx %arg15[%add3A_1658, %add3A_1647], %min3A_1766 : memref<4x4096xf32, #tpu.memory_space<vmem>>[vector<16xi32>, vector<16xi32>], vector<16xf32>,
        %add3A_1767 = arith.constant 16 : i32
        %add3A_1768 = vector.broadcast %add3A_1767 : i32 to vector<16xi32>
        %add3A_1769 = arith.addi %and3A_1738, %add3A_1768 : vector<16xi32>
        %gather3A_1770 = tpu.vector_load_idx %arg12[%add3A_1087, %add3A_1769] : memref<512x32xf32, #tpu.memory_space<vmem>>[vector<16xi32>, vector<16xi32>], vector<16xf32>,
        %gather3A_1771 = tpu.vector_load_idx %arg14[%add3A_1087, %add3A_1769] : memref<512x32xf32, #tpu.memory_space<vmem>>[vector<16xi32>, vector<16xi32>], vector<16xf32>,
        %add3A_1772 = arith.constant 2 : i32
        %add3A_1773 = vector.broadcast %add3A_1772 : i32 to vector<16xi32>
        %add3A_1774 = arith.addi %shift_right_arithmetic3A_1750, %add3A_1773 : vector<16xi32>
        %mul3A_1775 = arith.mulf %get3A_1083, %gather3A_1671 : vector<16xf32>
        %add3A_1776 = arith.addf %gather3A_1670, %mul3A_1775 : vector<16xf32>
        %max3A_1777 = arith.constant -1.000000e+00 : f32
        %max3A_1778 = vector.broadcast %max3A_1777 : f32 to vector<16xf32>
        %max3A_1779 = arith.maximumf %add3A_1776, %max3A_1778 : vector<16xf32>
        %min3A_1780 = arith.constant 1.000000e+00 : f32
        %min3A_1781 = vector.broadcast %min3A_1780 : f32 to vector<16xf32>
        %min3A_1782 = arith.minimumf %max3A_1779, %min3A_1781 : vector<16xf32>
        tpu.vector_store_idx %arg15[%add3A_1674, %add3A_1647], %min3A_1782 : memref<4x4096xf32, #tpu.memory_space<vmem>>[vector<16xi32>, vector<16xi32>], vector<16xf32>,
        %add3A_1783 = arith.constant 13 : i32
        %add3A_1784 = vector.broadcast %add3A_1783 : i32 to vector<16xi32>
        %add3A_1785 = arith.addi %iota3A, %add3A_1784 : vector<16xi32>
        %and3A_1786 = arith.constant 15 : i32
        %and3A_1787 = vector.broadcast %and3A_1786 : i32 to vector<16xi32>
        %and3A_1788 = arith.andi %add3A_1785, %and3A_1787 : vector<16xi32>
        %and3A_1789 = arith.constant 7 : i32
        %and3A_1790 = vector.broadcast %and3A_1789 : i32 to vector<16xi32>
        %and3A_1791 = arith.andi %and3A_1788, %and3A_1790 : vector<16xi32>
        %shift_left3A_1792 = arith.constant 7 : i32
        %shift_left3A_1793 = vector.broadcast %shift_left3A_1792 : i32 to vector<16xi32>
        %shift_left3A_1794 = arith.shli %and3A_1791, %shift_left3A_1793 : vector<16xi32>
        %add3A_1795 = arith.addi %shift_left3A_1794, %iota3A : vector<16xi32>
        %add3A_1796 = vector.broadcast %add3A_1132 : i32 to vector<16xi32>
        %add3A_1797 = arith.addi %add3A_1795, %add3A_1796 : vector<16xi32>
        %shift_right_arithmetic3A_1798 = arith.constant 3 : i32
        %shift_right_arithmetic3A_1799 = vector.broadcast %shift_right_arithmetic3A_1798 : i32 to vector<16xi32>
        %shift_right_arithmetic3A_1800 = arith.shrsi %and3A_1788, %shift_right_arithmetic3A_1799 : vector<16xi32>
        %add3A_1801 = arith.constant 0 : i32
        %add3A_1802 = vector.broadcast %add3A_1801 : i32 to vector<16xi32>
        %add3A_1803 = arith.addi %and3A_1788, %add3A_1802 : vector<16xi32>
        %gather3A_1804 = tpu.vector_load_idx %arg12[%add3A_1087, %add3A_1803] : memref<512x32xf32, #tpu.memory_space<vmem>>[vector<16xi32>, vector<16xi32>], vector<16xf32>,
        %gather3A_1805 = tpu.vector_load_idx %arg14[%add3A_1087, %add3A_1803] : memref<512x32xf32, #tpu.memory_space<vmem>>[vector<16xi32>, vector<16xi32>], vector<16xf32>,
        %add3A_1806 = arith.constant 0 : i32
        %add3A_1807 = vector.broadcast %add3A_1806 : i32 to vector<16xi32>
        %add3A_1808 = arith.addi %shift_right_arithmetic3A_1800, %add3A_1807 : vector<16xi32>
        %mul3A_1809 = arith.mulf %get3A_1083, %gather3A_1705 : vector<16xf32>
        %add3A_1810 = arith.addf %gather3A_1704, %mul3A_1809 : vector<16xf32>
        %max3A_1811 = arith.constant -1.000000e+00 : f32
        %max3A_1812 = vector.broadcast %max3A_1811 : f32 to vector<16xf32>
        %max3A_1813 = arith.maximumf %add3A_1810, %max3A_1812 : vector<16xf32>
        %min3A_1814 = arith.constant 1.000000e+00 : f32
        %min3A_1815 = vector.broadcast %min3A_1814 : f32 to vector<16xf32>
        %min3A_1816 = arith.minimumf %max3A_1813, %min3A_1815 : vector<16xf32>
        tpu.vector_store_idx %arg15[%add3A_1708, %add3A_1697], %min3A_1816 : memref<4x4096xf32, #tpu.memory_space<vmem>>[vector<16xi32>, vector<16xi32>], vector<16xf32>,
        %add3A_1817 = arith.constant 16 : i32
        %add3A_1818 = vector.broadcast %add3A_1817 : i32 to vector<16xi32>
        %add3A_1819 = arith.addi %and3A_1788, %add3A_1818 : vector<16xi32>
        %gather3A_1820 = tpu.vector_load_idx %arg12[%add3A_1087, %add3A_1819] : memref<512x32xf32, #tpu.memory_space<vmem>>[vector<16xi32>, vector<16xi32>], vector<16xf32>,
        %gather3A_1821 = tpu.vector_load_idx %arg14[%add3A_1087, %add3A_1819] : memref<512x32xf32, #tpu.memory_space<vmem>>[vector<16xi32>, vector<16xi32>], vector<16xf32>,
        %add3A_1822 = arith.constant 2 : i32
        %add3A_1823 = vector.broadcast %add3A_1822 : i32 to vector<16xi32>
        %add3A_1824 = arith.addi %shift_right_arithmetic3A_1800, %add3A_1823 : vector<16xi32>
        %mul3A_1825 = arith.mulf %get3A_1083, %gather3A_1721 : vector<16xf32>
        %add3A_1826 = arith.addf %gather3A_1720, %mul3A_1825 : vector<16xf32>
        %max3A_1827 = arith.constant -1.000000e+00 : f32
        %max3A_1828 = vector.broadcast %max3A_1827 : f32 to vector<16xf32>
        %max3A_1829 = arith.maximumf %add3A_1826, %max3A_1828 : vector<16xf32>
        %min3A_1830 = arith.constant 1.000000e+00 : f32
        %min3A_1831 = vector.broadcast %min3A_1830 : f32 to vector<16xf32>
        %min3A_1832 = arith.minimumf %max3A_1829, %min3A_1831 : vector<16xf32>
        tpu.vector_store_idx %arg15[%add3A_1724, %add3A_1697], %min3A_1832 : memref<4x4096xf32, #tpu.memory_space<vmem>>[vector<16xi32>, vector<16xi32>], vector<16xf32>,
        %add3A_1833 = arith.constant 14 : i32
        %add3A_1834 = vector.broadcast %add3A_1833 : i32 to vector<16xi32>
        %add3A_1835 = arith.addi %iota3A, %add3A_1834 : vector<16xi32>
        %and3A_1836 = arith.constant 15 : i32
        %and3A_1837 = vector.broadcast %and3A_1836 : i32 to vector<16xi32>
        %and3A_1838 = arith.andi %add3A_1835, %and3A_1837 : vector<16xi32>
        %and3A_1839 = arith.constant 7 : i32
        %and3A_1840 = vector.broadcast %and3A_1839 : i32 to vector<16xi32>
        %and3A_1841 = arith.andi %and3A_1838, %and3A_1840 : vector<16xi32>
        %shift_left3A_1842 = arith.constant 7 : i32
        %shift_left3A_1843 = vector.broadcast %shift_left3A_1842 : i32 to vector<16xi32>
        %shift_left3A_1844 = arith.shli %and3A_1841, %shift_left3A_1843 : vector<16xi32>
        %add3A_1845 = arith.addi %shift_left3A_1844, %iota3A : vector<16xi32>
        %add3A_1846 = vector.broadcast %add3A_1132 : i32 to vector<16xi32>
        %add3A_1847 = arith.addi %add3A_1845, %add3A_1846 : vector<16xi32>
        %shift_right_arithmetic3A_1848 = arith.constant 3 : i32
        %shift_right_arithmetic3A_1849 = vector.broadcast %shift_right_arithmetic3A_1848 : i32 to vector<16xi32>
        %shift_right_arithmetic3A_1850 = arith.shrsi %and3A_1838, %shift_right_arithmetic3A_1849 : vector<16xi32>
        %add3A_1851 = arith.constant 0 : i32
        %add3A_1852 = vector.broadcast %add3A_1851 : i32 to vector<16xi32>
        %add3A_1853 = arith.addi %and3A_1838, %add3A_1852 : vector<16xi32>
        %gather3A_1854 = tpu.vector_load_idx %arg12[%add3A_1087, %add3A_1853] : memref<512x32xf32, #tpu.memory_space<vmem>>[vector<16xi32>, vector<16xi32>], vector<16xf32>,
        %gather3A_1855 = tpu.vector_load_idx %arg14[%add3A_1087, %add3A_1853] : memref<512x32xf32, #tpu.memory_space<vmem>>[vector<16xi32>, vector<16xi32>], vector<16xf32>,
        %add3A_1856 = arith.constant 0 : i32
        %add3A_1857 = vector.broadcast %add3A_1856 : i32 to vector<16xi32>
        %add3A_1858 = arith.addi %shift_right_arithmetic3A_1850, %add3A_1857 : vector<16xi32>
        %mul3A_1859 = arith.mulf %get3A_1083, %gather3A_1755 : vector<16xf32>
        %add3A_1860 = arith.addf %gather3A_1754, %mul3A_1859 : vector<16xf32>
        %max3A_1861 = arith.constant -1.000000e+00 : f32
        %max3A_1862 = vector.broadcast %max3A_1861 : f32 to vector<16xf32>
        %max3A_1863 = arith.maximumf %add3A_1860, %max3A_1862 : vector<16xf32>
        %min3A_1864 = arith.constant 1.000000e+00 : f32
        %min3A_1865 = vector.broadcast %min3A_1864 : f32 to vector<16xf32>
        %min3A_1866 = arith.minimumf %max3A_1863, %min3A_1865 : vector<16xf32>
        tpu.vector_store_idx %arg15[%add3A_1758, %add3A_1747], %min3A_1866 : memref<4x4096xf32, #tpu.memory_space<vmem>>[vector<16xi32>, vector<16xi32>], vector<16xf32>,
        %add3A_1867 = arith.constant 16 : i32
        %add3A_1868 = vector.broadcast %add3A_1867 : i32 to vector<16xi32>
        %add3A_1869 = arith.addi %and3A_1838, %add3A_1868 : vector<16xi32>
        %gather3A_1870 = tpu.vector_load_idx %arg12[%add3A_1087, %add3A_1869] : memref<512x32xf32, #tpu.memory_space<vmem>>[vector<16xi32>, vector<16xi32>], vector<16xf32>,
        %gather3A_1871 = tpu.vector_load_idx %arg14[%add3A_1087, %add3A_1869] : memref<512x32xf32, #tpu.memory_space<vmem>>[vector<16xi32>, vector<16xi32>], vector<16xf32>,
        %add3A_1872 = arith.constant 2 : i32
        %add3A_1873 = vector.broadcast %add3A_1872 : i32 to vector<16xi32>
        %add3A_1874 = arith.addi %shift_right_arithmetic3A_1850, %add3A_1873 : vector<16xi32>
        %mul3A_1875 = arith.mulf %get3A_1083, %gather3A_1771 : vector<16xf32>
        %add3A_1876 = arith.addf %gather3A_1770, %mul3A_1875 : vector<16xf32>
        %max3A_1877 = arith.constant -1.000000e+00 : f32
        %max3A_1878 = vector.broadcast %max3A_1877 : f32 to vector<16xf32>
        %max3A_1879 = arith.maximumf %add3A_1876, %max3A_1878 : vector<16xf32>
        %min3A_1880 = arith.constant 1.000000e+00 : f32
        %min3A_1881 = vector.broadcast %min3A_1880 : f32 to vector<16xf32>
        %min3A_1882 = arith.minimumf %max3A_1879, %min3A_1881 : vector<16xf32>
        tpu.vector_store_idx %arg15[%add3A_1774, %add3A_1747], %min3A_1882 : memref<4x4096xf32, #tpu.memory_space<vmem>>[vector<16xi32>, vector<16xi32>], vector<16xf32>,
        %add3A_1883 = arith.constant 15 : i32
        %add3A_1884 = vector.broadcast %add3A_1883 : i32 to vector<16xi32>
        %add3A_1885 = arith.addi %iota3A, %add3A_1884 : vector<16xi32>
        %and3A_1886 = arith.constant 15 : i32
        %and3A_1887 = vector.broadcast %and3A_1886 : i32 to vector<16xi32>
        %and3A_1888 = arith.andi %add3A_1885, %and3A_1887 : vector<16xi32>
        %and3A_1889 = arith.constant 7 : i32
        %and3A_1890 = vector.broadcast %and3A_1889 : i32 to vector<16xi32>
        %and3A_1891 = arith.andi %and3A_1888, %and3A_1890 : vector<16xi32>
        %shift_left3A_1892 = arith.constant 7 : i32
        %shift_left3A_1893 = vector.broadcast %shift_left3A_1892 : i32 to vector<16xi32>
        %shift_left3A_1894 = arith.shli %and3A_1891, %shift_left3A_1893 : vector<16xi32>
        %add3A_1895 = arith.addi %shift_left3A_1894, %iota3A : vector<16xi32>
        %add3A_1896 = vector.broadcast %add3A_1132 : i32 to vector<16xi32>
        %add3A_1897 = arith.addi %add3A_1895, %add3A_1896 : vector<16xi32>
        %shift_right_arithmetic3A_1898 = arith.constant 3 : i32
        %shift_right_arithmetic3A_1899 = vector.broadcast %shift_right_arithmetic3A_1898 : i32 to vector<16xi32>
        %shift_right_arithmetic3A_1900 = arith.shrsi %and3A_1888, %shift_right_arithmetic3A_1899 : vector<16xi32>
        %add3A_1901 = arith.constant 0 : i32
        %add3A_1902 = vector.broadcast %add3A_1901 : i32 to vector<16xi32>
        %add3A_1903 = arith.addi %and3A_1888, %add3A_1902 : vector<16xi32>
        %gather3A_1904 = tpu.vector_load_idx %arg12[%add3A_1087, %add3A_1903] : memref<512x32xf32, #tpu.memory_space<vmem>>[vector<16xi32>, vector<16xi32>], vector<16xf32>,
        %gather3A_1905 = tpu.vector_load_idx %arg14[%add3A_1087, %add3A_1903] : memref<512x32xf32, #tpu.memory_space<vmem>>[vector<16xi32>, vector<16xi32>], vector<16xf32>,
        %add3A_1906 = arith.constant 0 : i32
        %add3A_1907 = vector.broadcast %add3A_1906 : i32 to vector<16xi32>
        %add3A_1908 = arith.addi %shift_right_arithmetic3A_1900, %add3A_1907 : vector<16xi32>
        %mul3A_1909 = arith.mulf %get3A_1083, %gather3A_1805 : vector<16xf32>
        %add3A_1910 = arith.addf %gather3A_1804, %mul3A_1909 : vector<16xf32>
        %max3A_1911 = arith.constant -1.000000e+00 : f32
        %max3A_1912 = vector.broadcast %max3A_1911 : f32 to vector<16xf32>
        %max3A_1913 = arith.maximumf %add3A_1910, %max3A_1912 : vector<16xf32>
        %min3A_1914 = arith.constant 1.000000e+00 : f32
        %min3A_1915 = vector.broadcast %min3A_1914 : f32 to vector<16xf32>
        %min3A_1916 = arith.minimumf %max3A_1913, %min3A_1915 : vector<16xf32>
        tpu.vector_store_idx %arg15[%add3A_1808, %add3A_1797], %min3A_1916 : memref<4x4096xf32, #tpu.memory_space<vmem>>[vector<16xi32>, vector<16xi32>], vector<16xf32>,
        %add3A_1917 = arith.constant 16 : i32
        %add3A_1918 = vector.broadcast %add3A_1917 : i32 to vector<16xi32>
        %add3A_1919 = arith.addi %and3A_1888, %add3A_1918 : vector<16xi32>
        %gather3A_1920 = tpu.vector_load_idx %arg12[%add3A_1087, %add3A_1919] : memref<512x32xf32, #tpu.memory_space<vmem>>[vector<16xi32>, vector<16xi32>], vector<16xf32>,
        %gather3A_1921 = tpu.vector_load_idx %arg14[%add3A_1087, %add3A_1919] : memref<512x32xf32, #tpu.memory_space<vmem>>[vector<16xi32>, vector<16xi32>], vector<16xf32>,
        %add3A_1922 = arith.constant 2 : i32
        %add3A_1923 = vector.broadcast %add3A_1922 : i32 to vector<16xi32>
        %add3A_1924 = arith.addi %shift_right_arithmetic3A_1900, %add3A_1923 : vector<16xi32>
        %mul3A_1925 = arith.mulf %get3A_1083, %gather3A_1821 : vector<16xf32>
        %add3A_1926 = arith.addf %gather3A_1820, %mul3A_1925 : vector<16xf32>
        %max3A_1927 = arith.constant -1.000000e+00 : f32
        %max3A_1928 = vector.broadcast %max3A_1927 : f32 to vector<16xf32>
        %max3A_1929 = arith.maximumf %add3A_1926, %max3A_1928 : vector<16xf32>
        %min3A_1930 = arith.constant 1.000000e+00 : f32
        %min3A_1931 = vector.broadcast %min3A_1930 : f32 to vector<16xf32>
        %min3A_1932 = arith.minimumf %max3A_1929, %min3A_1931 : vector<16xf32>
        tpu.vector_store_idx %arg15[%add3A_1824, %add3A_1797], %min3A_1932 : memref<4x4096xf32, #tpu.memory_space<vmem>>[vector<16xi32>, vector<16xi32>], vector<16xf32>,
        %mul3A_1933 = arith.mulf %get3A_1083, %gather3A_1855 : vector<16xf32>
        %add3A_1934 = arith.addf %gather3A_1854, %mul3A_1933 : vector<16xf32>
        %max3A_1935 = arith.constant -1.000000e+00 : f32
        %max3A_1936 = vector.broadcast %max3A_1935 : f32 to vector<16xf32>
        %max3A_1937 = arith.maximumf %add3A_1934, %max3A_1936 : vector<16xf32>
        %min3A_1938 = arith.constant 1.000000e+00 : f32
        %min3A_1939 = vector.broadcast %min3A_1938 : f32 to vector<16xf32>
        %min3A_1940 = arith.minimumf %max3A_1937, %min3A_1939 : vector<16xf32>
        tpu.vector_store_idx %arg15[%add3A_1858, %add3A_1847], %min3A_1940 : memref<4x4096xf32, #tpu.memory_space<vmem>>[vector<16xi32>, vector<16xi32>], vector<16xf32>,
        %mul3A_1941 = arith.mulf %get3A_1083, %gather3A_1871 : vector<16xf32>
        %add3A_1942 = arith.addf %gather3A_1870, %mul3A_1941 : vector<16xf32>
        %max3A_1943 = arith.constant -1.000000e+00 : f32
        %max3A_1944 = vector.broadcast %max3A_1943 : f32 to vector<16xf32>
        %max3A_1945 = arith.maximumf %add3A_1942, %max3A_1944 : vector<16xf32>
        %min3A_1946 = arith.constant 1.000000e+00 : f32
        %min3A_1947 = vector.broadcast %min3A_1946 : f32 to vector<16xf32>
        %min3A_1948 = arith.minimumf %max3A_1945, %min3A_1947 : vector<16xf32>
        tpu.vector_store_idx %arg15[%add3A_1874, %add3A_1847], %min3A_1948 : memref<4x4096xf32, #tpu.memory_space<vmem>>[vector<16xi32>, vector<16xi32>], vector<16xf32>,
        %mul3A_1949 = arith.mulf %get3A_1083, %gather3A_1905 : vector<16xf32>
        %add3A_1950 = arith.addf %gather3A_1904, %mul3A_1949 : vector<16xf32>
        %max3A_1951 = arith.constant -1.000000e+00 : f32
        %max3A_1952 = vector.broadcast %max3A_1951 : f32 to vector<16xf32>
        %max3A_1953 = arith.maximumf %add3A_1950, %max3A_1952 : vector<16xf32>
        %min3A_1954 = arith.constant 1.000000e+00 : f32
        %min3A_1955 = vector.broadcast %min3A_1954 : f32 to vector<16xf32>
        %min3A_1956 = arith.minimumf %max3A_1953, %min3A_1955 : vector<16xf32>
        tpu.vector_store_idx %arg15[%add3A_1908, %add3A_1897], %min3A_1956 : memref<4x4096xf32, #tpu.memory_space<vmem>>[vector<16xi32>, vector<16xi32>], vector<16xf32>,
        %mul3A_1957 = arith.mulf %get3A_1083, %gather3A_1921 : vector<16xf32>
        %add3A_1958 = arith.addf %gather3A_1920, %mul3A_1957 : vector<16xf32>
        %max3A_1959 = arith.constant -1.000000e+00 : f32
        %max3A_1960 = vector.broadcast %max3A_1959 : f32 to vector<16xf32>
        %max3A_1961 = arith.maximumf %add3A_1958, %max3A_1960 : vector<16xf32>
        %min3A_1962 = arith.constant 1.000000e+00 : f32
        %min3A_1963 = vector.broadcast %min3A_1962 : f32 to vector<16xf32>
        %min3A_1964 = arith.minimumf %max3A_1961, %min3A_1963 : vector<16xf32>
        tpu.vector_store_idx %arg15[%add3A_1924, %add3A_1897], %min3A_1964 : memref<4x4096xf32, #tpu.memory_space<vmem>>[vector<16xi32>, vector<16xi32>], vector<16xf32>,
        %scan3A_1965 = arith.constant 0 : i32
        scf.yield %scan3A_1965 : i32
      }
      %scan3A_231 = arith.constant 16 : i32
      %mul3A_232 = arith.constant 4096 : i32
      %mul3A_233 = arith.muli %sub3A_224, %mul3A_232 : i32
      %run_scoped3A_234 = arith.constant 0 : i32
      %run_scoped3A_235 = arith.constant 0 : i32
      "tpu.region"() ({
        %run_scoped3A_256 = tpu.sem_alloc : memref<!tpu.dma_semaphore, #tpu.memory_space<semaphore_mem>>
        %dma_start3A_257 = arith.constant 0 : i32
        %dma_start3A_258 = tpu.memref_slice %arg15[%run_scoped3A_234, %dma_start3A_257] : memref<4x4096xf32, #tpu.memory_space<vmem>> -> memref<1x4096xf32, #tpu.memory_space<vmem>>
        %dma_start3A_259 = tpu.memref_squeeze %dma_start3A_258 : memref<1x4096xf32, #tpu.memory_space<vmem>> -> memref<4096xf32, #tpu.memory_space<vmem>>
        %dma_start3A_260 = tpu.memref_slice %arg6[%select_n3A_221, %run_scoped3A_235, %mul3A_233] : memref<200x4x32768xf32, #tpu.memory_space<hbm>> -> memref<1x1x4096xf32, #tpu.memory_space<hbm>>
        %dma_start3A_261 = tpu.memref_squeeze %dma_start3A_260 : memref<1x1x4096xf32, #tpu.memory_space<hbm>> -> memref<4096xf32, #tpu.memory_space<hbm>>
        %dma_start3A_262 = tpu.memref_slice %arg6[%select_n3A_221, %run_scoped3A_235, %mul3A_233] : memref<200x4x32768xf32, #tpu.memory_space<hbm>> -> memref<1x1x4096xf32, #tpu.memory_space<hbm>>
        %dma_start3A_263 = tpu.memref_squeeze %dma_start3A_262 : memref<1x1x4096xf32, #tpu.memory_space<hbm>> -> memref<4096xf32, #tpu.memory_space<hbm>>
        %dma_start3A_264 = arith.constant 0 : i32
        %dma_start3A_265 = tpu.memref_slice %arg15[%run_scoped3A_234, %dma_start3A_264] : memref<4x4096xf32, #tpu.memory_space<vmem>> -> memref<1x4096xf32, #tpu.memory_space<vmem>>
        %dma_start3A_266 = tpu.memref_squeeze %dma_start3A_265 : memref<1x4096xf32, #tpu.memory_space<vmem>> -> memref<4096xf32, #tpu.memory_space<vmem>>
        tpu.enqueue_dma source(%dma_start3A_266 : memref<4096xf32, #tpu.memory_space<vmem>>) target(%dma_start3A_263 : memref<4096xf32, #tpu.memory_space<hbm>>) target_semaphore(%run_scoped3A_256 : memref<!tpu.dma_semaphore, #tpu.memory_space<semaphore_mem>>)
        %dma_wait3A_267 = arith.constant 0 : i32
        %dma_wait3A_268 = tpu.memref_slice %arg15[%run_scoped3A_234, %dma_wait3A_267] : memref<4x4096xf32, #tpu.memory_space<vmem>> -> memref<1x4096xf32, #tpu.memory_space<vmem>>
        %dma_wait3A_269 = tpu.memref_squeeze %dma_wait3A_268 : memref<1x4096xf32, #tpu.memory_space<vmem>> -> memref<4096xf32, #tpu.memory_space<vmem>>
        %dma_wait3A_270 = tpu.memref_slice %arg6[%select_n3A_221, %run_scoped3A_235, %mul3A_233] : memref<200x4x32768xf32, #tpu.memory_space<hbm>> -> memref<1x1x4096xf32, #tpu.memory_space<hbm>>
        %dma_wait3A_271 = tpu.memref_squeeze %dma_wait3A_270 : memref<1x1x4096xf32, #tpu.memory_space<hbm>> -> memref<4096xf32, #tpu.memory_space<hbm>>
        %dma_wait3A_272 = tpu.memref_slice %arg6[%select_n3A_221, %run_scoped3A_235, %mul3A_233] : memref<200x4x32768xf32, #tpu.memory_space<hbm>> -> memref<1x1x4096xf32, #tpu.memory_space<hbm>>
        %dma_wait3A_273 = tpu.memref_squeeze %dma_wait3A_272 : memref<1x1x4096xf32, #tpu.memory_space<hbm>> -> memref<4096xf32, #tpu.memory_space<hbm>>
        %dma_wait3A_274 = arith.constant 0 : i32
        %dma_wait3A_275 = tpu.memref_slice %arg15[%run_scoped3A_234, %dma_wait3A_274] : memref<4x4096xf32, #tpu.memory_space<vmem>> -> memref<1x4096xf32, #tpu.memory_space<vmem>>
        %dma_wait3A_276 = tpu.memref_squeeze %dma_wait3A_275 : memref<1x4096xf32, #tpu.memory_space<vmem>> -> memref<4096xf32, #tpu.memory_space<vmem>>
        tpu.wait_dma2 semaphore(%run_scoped3A_256 : memref<!tpu.dma_semaphore, #tpu.memory_space<semaphore_mem>>) src(%dma_wait3A_276 : memref<4096xf32, #tpu.memory_space<vmem>>) dst(%dma_wait3A_273 : memref<4096xf32, #tpu.memory_space<hbm>>)
        tpu.yield
      }) : () -> ()
      %mul3A_236 = arith.constant 4096 : i32
      %mul3A_237 = arith.muli %sub3A_224, %mul3A_236 : i32
      %run_scoped3A_238 = arith.constant 1 : i32
      %run_scoped3A_239 = arith.constant 1 : i32
      "tpu.region"() ({
        %run_scoped3A_256 = tpu.sem_alloc : memref<!tpu.dma_semaphore, #tpu.memory_space<semaphore_mem>>
        %dma_start3A_257 = arith.constant 0 : i32
        %dma_start3A_258 = tpu.memref_slice %arg15[%run_scoped3A_238, %dma_start3A_257] : memref<4x4096xf32, #tpu.memory_space<vmem>> -> memref<1x4096xf32, #tpu.memory_space<vmem>>
        %dma_start3A_259 = tpu.memref_squeeze %dma_start3A_258 : memref<1x4096xf32, #tpu.memory_space<vmem>> -> memref<4096xf32, #tpu.memory_space<vmem>>
        %dma_start3A_260 = tpu.memref_slice %arg6[%select_n3A_221, %run_scoped3A_239, %mul3A_237] : memref<200x4x32768xf32, #tpu.memory_space<hbm>> -> memref<1x1x4096xf32, #tpu.memory_space<hbm>>
        %dma_start3A_261 = tpu.memref_squeeze %dma_start3A_260 : memref<1x1x4096xf32, #tpu.memory_space<hbm>> -> memref<4096xf32, #tpu.memory_space<hbm>>
        %dma_start3A_262 = tpu.memref_slice %arg6[%select_n3A_221, %run_scoped3A_239, %mul3A_237] : memref<200x4x32768xf32, #tpu.memory_space<hbm>> -> memref<1x1x4096xf32, #tpu.memory_space<hbm>>
        %dma_start3A_263 = tpu.memref_squeeze %dma_start3A_262 : memref<1x1x4096xf32, #tpu.memory_space<hbm>> -> memref<4096xf32, #tpu.memory_space<hbm>>
        %dma_start3A_264 = arith.constant 0 : i32
        %dma_start3A_265 = tpu.memref_slice %arg15[%run_scoped3A_238, %dma_start3A_264] : memref<4x4096xf32, #tpu.memory_space<vmem>> -> memref<1x4096xf32, #tpu.memory_space<vmem>>
        %dma_start3A_266 = tpu.memref_squeeze %dma_start3A_265 : memref<1x4096xf32, #tpu.memory_space<vmem>> -> memref<4096xf32, #tpu.memory_space<vmem>>
        tpu.enqueue_dma source(%dma_start3A_266 : memref<4096xf32, #tpu.memory_space<vmem>>) target(%dma_start3A_263 : memref<4096xf32, #tpu.memory_space<hbm>>) target_semaphore(%run_scoped3A_256 : memref<!tpu.dma_semaphore, #tpu.memory_space<semaphore_mem>>)
        %dma_wait3A_267 = arith.constant 0 : i32
        %dma_wait3A_268 = tpu.memref_slice %arg15[%run_scoped3A_238, %dma_wait3A_267] : memref<4x4096xf32, #tpu.memory_space<vmem>> -> memref<1x4096xf32, #tpu.memory_space<vmem>>
        %dma_wait3A_269 = tpu.memref_squeeze %dma_wait3A_268 : memref<1x4096xf32, #tpu.memory_space<vmem>> -> memref<4096xf32, #tpu.memory_space<vmem>>
        %dma_wait3A_270 = tpu.memref_slice %arg6[%select_n3A_221, %run_scoped3A_239, %mul3A_237] : memref<200x4x32768xf32, #tpu.memory_space<hbm>> -> memref<1x1x4096xf32, #tpu.memory_space<hbm>>
        %dma_wait3A_271 = tpu.memref_squeeze %dma_wait3A_270 : memref<1x1x4096xf32, #tpu.memory_space<hbm>> -> memref<4096xf32, #tpu.memory_space<hbm>>
        %dma_wait3A_272 = tpu.memref_slice %arg6[%select_n3A_221, %run_scoped3A_239, %mul3A_237] : memref<200x4x32768xf32, #tpu.memory_space<hbm>> -> memref<1x1x4096xf32, #tpu.memory_space<hbm>>
        %dma_wait3A_273 = tpu.memref_squeeze %dma_wait3A_272 : memref<1x1x4096xf32, #tpu.memory_space<hbm>> -> memref<4096xf32, #tpu.memory_space<hbm>>
        %dma_wait3A_274 = arith.constant 0 : i32
        %dma_wait3A_275 = tpu.memref_slice %arg15[%run_scoped3A_238, %dma_wait3A_274] : memref<4x4096xf32, #tpu.memory_space<vmem>> -> memref<1x4096xf32, #tpu.memory_space<vmem>>
        %dma_wait3A_276 = tpu.memref_squeeze %dma_wait3A_275 : memref<1x4096xf32, #tpu.memory_space<vmem>> -> memref<4096xf32, #tpu.memory_space<vmem>>
        tpu.wait_dma2 semaphore(%run_scoped3A_256 : memref<!tpu.dma_semaphore, #tpu.memory_space<semaphore_mem>>) src(%dma_wait3A_276 : memref<4096xf32, #tpu.memory_space<vmem>>) dst(%dma_wait3A_273 : memref<4096xf32, #tpu.memory_space<hbm>>)
        tpu.yield
      }) : () -> ()
      %mul3A_240 = arith.constant 4096 : i32
      %mul3A_241 = arith.muli %sub3A_224, %mul3A_240 : i32
      %run_scoped3A_242 = arith.constant 2 : i32
      %run_scoped3A_243 = arith.constant 2 : i32
      "tpu.region"() ({
        %run_scoped3A_256 = tpu.sem_alloc : memref<!tpu.dma_semaphore, #tpu.memory_space<semaphore_mem>>
        %dma_start3A_257 = arith.constant 0 : i32
        %dma_start3A_258 = tpu.memref_slice %arg15[%run_scoped3A_242, %dma_start3A_257] : memref<4x4096xf32, #tpu.memory_space<vmem>> -> memref<1x4096xf32, #tpu.memory_space<vmem>>
        %dma_start3A_259 = tpu.memref_squeeze %dma_start3A_258 : memref<1x4096xf32, #tpu.memory_space<vmem>> -> memref<4096xf32, #tpu.memory_space<vmem>>
        %dma_start3A_260 = tpu.memref_slice %arg6[%select_n3A_221, %run_scoped3A_243, %mul3A_241] : memref<200x4x32768xf32, #tpu.memory_space<hbm>> -> memref<1x1x4096xf32, #tpu.memory_space<hbm>>
        %dma_start3A_261 = tpu.memref_squeeze %dma_start3A_260 : memref<1x1x4096xf32, #tpu.memory_space<hbm>> -> memref<4096xf32, #tpu.memory_space<hbm>>
        %dma_start3A_262 = tpu.memref_slice %arg6[%select_n3A_221, %run_scoped3A_243, %mul3A_241] : memref<200x4x32768xf32, #tpu.memory_space<hbm>> -> memref<1x1x4096xf32, #tpu.memory_space<hbm>>
        %dma_start3A_263 = tpu.memref_squeeze %dma_start3A_262 : memref<1x1x4096xf32, #tpu.memory_space<hbm>> -> memref<4096xf32, #tpu.memory_space<hbm>>
        %dma_start3A_264 = arith.constant 0 : i32
        %dma_start3A_265 = tpu.memref_slice %arg15[%run_scoped3A_242, %dma_start3A_264] : memref<4x4096xf32, #tpu.memory_space<vmem>> -> memref<1x4096xf32, #tpu.memory_space<vmem>>
        %dma_start3A_266 = tpu.memref_squeeze %dma_start3A_265 : memref<1x4096xf32, #tpu.memory_space<vmem>> -> memref<4096xf32, #tpu.memory_space<vmem>>
        tpu.enqueue_dma source(%dma_start3A_266 : memref<4096xf32, #tpu.memory_space<vmem>>) target(%dma_start3A_263 : memref<4096xf32, #tpu.memory_space<hbm>>) target_semaphore(%run_scoped3A_256 : memref<!tpu.dma_semaphore, #tpu.memory_space<semaphore_mem>>)
        %dma_wait3A_267 = arith.constant 0 : i32
        %dma_wait3A_268 = tpu.memref_slice %arg15[%run_scoped3A_242, %dma_wait3A_267] : memref<4x4096xf32, #tpu.memory_space<vmem>> -> memref<1x4096xf32, #tpu.memory_space<vmem>>
        %dma_wait3A_269 = tpu.memref_squeeze %dma_wait3A_268 : memref<1x4096xf32, #tpu.memory_space<vmem>> -> memref<4096xf32, #tpu.memory_space<vmem>>
        %dma_wait3A_270 = tpu.memref_slice %arg6[%select_n3A_221, %run_scoped3A_243, %mul3A_241] : memref<200x4x32768xf32, #tpu.memory_space<hbm>> -> memref<1x1x4096xf32, #tpu.memory_space<hbm>>
        %dma_wait3A_271 = tpu.memref_squeeze %dma_wait3A_270 : memref<1x1x4096xf32, #tpu.memory_space<hbm>> -> memref<4096xf32, #tpu.memory_space<hbm>>
        %dma_wait3A_272 = tpu.memref_slice %arg6[%select_n3A_221, %run_scoped3A_243, %mul3A_241] : memref<200x4x32768xf32, #tpu.memory_space<hbm>> -> memref<1x1x4096xf32, #tpu.memory_space<hbm>>
        %dma_wait3A_273 = tpu.memref_squeeze %dma_wait3A_272 : memref<1x1x4096xf32, #tpu.memory_space<hbm>> -> memref<4096xf32, #tpu.memory_space<hbm>>
        %dma_wait3A_274 = arith.constant 0 : i32
        %dma_wait3A_275 = tpu.memref_slice %arg15[%run_scoped3A_242, %dma_wait3A_274] : memref<4x4096xf32, #tpu.memory_space<vmem>> -> memref<1x4096xf32, #tpu.memory_space<vmem>>
        %dma_wait3A_276 = tpu.memref_squeeze %dma_wait3A_275 : memref<1x4096xf32, #tpu.memory_space<vmem>> -> memref<4096xf32, #tpu.memory_space<vmem>>
        tpu.wait_dma2 semaphore(%run_scoped3A_256 : memref<!tpu.dma_semaphore, #tpu.memory_space<semaphore_mem>>) src(%dma_wait3A_276 : memref<4096xf32, #tpu.memory_space<vmem>>) dst(%dma_wait3A_273 : memref<4096xf32, #tpu.memory_space<hbm>>)
        tpu.yield
      }) : () -> ()
      %mul3A_244 = arith.constant 4096 : i32
      %mul3A_245 = arith.muli %sub3A_224, %mul3A_244 : i32
      %run_scoped3A_246 = arith.constant 3 : i32
      %run_scoped3A_247 = arith.constant 3 : i32
      "tpu.region"() ({
        %run_scoped3A_256 = tpu.sem_alloc : memref<!tpu.dma_semaphore, #tpu.memory_space<semaphore_mem>>
        %dma_start3A_257 = arith.constant 0 : i32
        %dma_start3A_258 = tpu.memref_slice %arg15[%run_scoped3A_246, %dma_start3A_257] : memref<4x4096xf32, #tpu.memory_space<vmem>> -> memref<1x4096xf32, #tpu.memory_space<vmem>>
        %dma_start3A_259 = tpu.memref_squeeze %dma_start3A_258 : memref<1x4096xf32, #tpu.memory_space<vmem>> -> memref<4096xf32, #tpu.memory_space<vmem>>
        %dma_start3A_260 = tpu.memref_slice %arg6[%select_n3A_221, %run_scoped3A_247, %mul3A_245] : memref<200x4x32768xf32, #tpu.memory_space<hbm>> -> memref<1x1x4096xf32, #tpu.memory_space<hbm>>
        %dma_start3A_261 = tpu.memref_squeeze %dma_start3A_260 : memref<1x1x4096xf32, #tpu.memory_space<hbm>> -> memref<4096xf32, #tpu.memory_space<hbm>>
        %dma_start3A_262 = tpu.memref_slice %arg6[%select_n3A_221, %run_scoped3A_247, %mul3A_245] : memref<200x4x32768xf32, #tpu.memory_space<hbm>> -> memref<1x1x4096xf32, #tpu.memory_space<hbm>>
        %dma_start3A_263 = tpu.memref_squeeze %dma_start3A_262 : memref<1x1x4096xf32, #tpu.memory_space<hbm>> -> memref<4096xf32, #tpu.memory_space<hbm>>
        %dma_start3A_264 = arith.constant 0 : i32
        %dma_start3A_265 = tpu.memref_slice %arg15[%run_scoped3A_246, %dma_start3A_264] : memref<4x4096xf32, #tpu.memory_space<vmem>> -> memref<1x4096xf32, #tpu.memory_space<vmem>>
        %dma_start3A_266 = tpu.memref_squeeze %dma_start3A_265 : memref<1x4096xf32, #tpu.memory_space<vmem>> -> memref<4096xf32, #tpu.memory_space<vmem>>
        tpu.enqueue_dma source(%dma_start3A_266 : memref<4096xf32, #tpu.memory_space<vmem>>) target(%dma_start3A_263 : memref<4096xf32, #tpu.memory_space<hbm>>) target_semaphore(%run_scoped3A_256 : memref<!tpu.dma_semaphore, #tpu.memory_space<semaphore_mem>>)
        %dma_wait3A_267 = arith.constant 0 : i32
        %dma_wait3A_268 = tpu.memref_slice %arg15[%run_scoped3A_246, %dma_wait3A_267] : memref<4x4096xf32, #tpu.memory_space<vmem>> -> memref<1x4096xf32, #tpu.memory_space<vmem>>
        %dma_wait3A_269 = tpu.memref_squeeze %dma_wait3A_268 : memref<1x4096xf32, #tpu.memory_space<vmem>> -> memref<4096xf32, #tpu.memory_space<vmem>>
        %dma_wait3A_270 = tpu.memref_slice %arg6[%select_n3A_221, %run_scoped3A_247, %mul3A_245] : memref<200x4x32768xf32, #tpu.memory_space<hbm>> -> memref<1x1x4096xf32, #tpu.memory_space<hbm>>
        %dma_wait3A_271 = tpu.memref_squeeze %dma_wait3A_270 : memref<1x1x4096xf32, #tpu.memory_space<hbm>> -> memref<4096xf32, #tpu.memory_space<hbm>>
        %dma_wait3A_272 = tpu.memref_slice %arg6[%select_n3A_221, %run_scoped3A_247, %mul3A_245] : memref<200x4x32768xf32, #tpu.memory_space<hbm>> -> memref<1x1x4096xf32, #tpu.memory_space<hbm>>
        %dma_wait3A_273 = tpu.memref_squeeze %dma_wait3A_272 : memref<1x1x4096xf32, #tpu.memory_space<hbm>> -> memref<4096xf32, #tpu.memory_space<hbm>>
        %dma_wait3A_274 = arith.constant 0 : i32
        %dma_wait3A_275 = tpu.memref_slice %arg15[%run_scoped3A_246, %dma_wait3A_274] : memref<4x4096xf32, #tpu.memory_space<vmem>> -> memref<1x4096xf32, #tpu.memory_space<vmem>>
        %dma_wait3A_276 = tpu.memref_squeeze %dma_wait3A_275 : memref<1x4096xf32, #tpu.memory_space<vmem>> -> memref<4096xf32, #tpu.memory_space<vmem>>
        tpu.wait_dma2 semaphore(%run_scoped3A_256 : memref<!tpu.dma_semaphore, #tpu.memory_space<semaphore_mem>>) src(%dma_wait3A_276 : memref<4096xf32, #tpu.memory_space<vmem>>) dst(%dma_wait3A_273 : memref<4096xf32, #tpu.memory_space<hbm>>)
        tpu.yield
      }) : () -> ()
      %add3A_248 = arith.constant 2 : i32
      %add3A_249 = arith.addi %add3A_177, %add3A_248 : i32
      %lt3A_250 = arith.constant 50 : i32
      %lt3A_251 = arith.cmpi slt, %add3A_249, %lt3A_250 : i32
      %convert_element_type3A_252 = arith.extui %lt3A_251 : i1 to i32
      %cond3A_253 = arith.constant 0 : i32
      %cond3A_254 = arith.cmpi ne, %convert_element_type3A_252, %cond3A_253 : i32
      scf.if %cond3A_254 {
        %add3A_256 = arith.addi %mul3A_2, %add3A_177 : i32
        %add3A_257 = arith.constant 2 : i32
        %add3A_258 = arith.addi %add3A_256, %add3A_257 : i32
        %dma_start3A_259 = arith.constant 0 : i32
        %dma_start3A_260 = arith.constant 0 : i32
        %dma_start3A_261 = tpu.memref_slice %arg2[%add3A_258, %dma_start3A_259, %dma_start3A_260] : memref<1600x4x128xi32, #tpu.memory_space<hbm>> -> memref<1x4x128xi32, #tpu.memory_space<hbm>>
        %dma_start3A_262 = tpu.memref_squeeze %dma_start3A_261 : memref<1x4x128xi32, #tpu.memory_space<hbm>> -> memref<4x128xi32, #tpu.memory_space<hbm>>
        %dma_start3A_263 = arith.constant 0 : i32
        %dma_start3A_264 = arith.constant 0 : i32
        %dma_start3A_265 = tpu.memref_slice %arg2[%add3A_258, %dma_start3A_263, %dma_start3A_264] : memref<1600x4x128xi32, #tpu.memory_space<hbm>> -> memref<1x4x128xi32, #tpu.memory_space<hbm>>
        %dma_start3A_266 = tpu.memref_squeeze %dma_start3A_265 : memref<1x4x128xi32, #tpu.memory_space<hbm>> -> memref<4x128xi32, #tpu.memory_space<hbm>>
        tpu.enqueue_dma source(%dma_start3A_266 : memref<4x128xi32, #tpu.memory_space<hbm>>) target(%arg8 : memref<4x128xi32, #tpu.memory_space<vmem>>) target_semaphore(%arg19 : memref<!tpu.dma_semaphore, #tpu.memory_space<semaphore_mem>>)
        %dma_start3A_267 = arith.constant 0 : i32
        %dma_start3A_268 = tpu.memref_slice %arg3[%add3A_258, %dma_start3A_267] : memref<1600x512xf32, #tpu.memory_space<hbm>> -> memref<1x512xf32, #tpu.memory_space<hbm>>
        %dma_start3A_269 = tpu.memref_squeeze %dma_start3A_268 : memref<1x512xf32, #tpu.memory_space<hbm>> -> memref<512xf32, #tpu.memory_space<hbm>>
        %dma_start3A_270 = arith.constant 0 : i32
        %dma_start3A_271 = tpu.memref_slice %arg3[%add3A_258, %dma_start3A_270] : memref<1600x512xf32, #tpu.memory_space<hbm>> -> memref<1x512xf32, #tpu.memory_space<hbm>>
        %dma_start3A_272 = tpu.memref_squeeze %dma_start3A_271 : memref<1x512xf32, #tpu.memory_space<hbm>> -> memref<512xf32, #tpu.memory_space<hbm>>
        tpu.enqueue_dma source(%dma_start3A_272 : memref<512xf32, #tpu.memory_space<hbm>>) target(%arg10 : memref<512xf32, #tpu.memory_space<vmem>>) target_semaphore(%arg19 : memref<!tpu.dma_semaphore, #tpu.memory_space<semaphore_mem>>)
      } else {
      }
      %scan3A_255 = arith.constant 0 : i32
      scf.yield %scan3A_255 : i32
    }
    %scan3A_103 = arith.constant 25 : i32
    return
  }
}

</mosaic_0001>

<sc_bundles>
// kernel: kernel.3.cloned.1.call-start
scs
__scs_entry_jumppad:
0x0: {  	(pc) =	sbr.rel $0x88, $3  }
0x1: {  	(tag) =	ssettag $0x0;
	lr =	simm.s32 $0x1  }
0x2: {  	[smem:$0x3F9C] =	sst lr;
	_ =	strace $0xD0000000  }
0x3: {  	_ = 	snop  }
0x4: {  	_ = 	snop  }
0x5: {  	_ = 	snop  }
0x6: {  	_ = 	snop  }
0x7: {  	_ = 	snop  }
__scs_overlays_trampoline_lowered:
0x8: {  	[smem:$0x3FAB] =	sst s0  }
0x9: {  	[smem:$0x3FAC] =	sst s1  }
0xa: {  	[smem:$0x3FAD] =	sst s2  }
0xb: {  	[smem:$0x3FAE] =	sst s3  }
0xc: {  	[smem:$0x3FAF] =	sst s4  }
0xd: {  	[smem:$0x3FB0] =	sst s5  }
0xe: {  	[smem:$0x3FB1] =	sst s6  }
0xf: {  	[smem:$0x3FB2] =	sst s7  }
0x10: {  	[smem:$0x3FB3] =	sst s8  }
0x11: {  	[smem:$0x3FB4] =	sst s9;
	s0 =	simm.s32 @!p0 $0x0  }
0x12: {  	s1 =	sld [smem:$0x3F9A];
	s0 =	simm.s32 @p0 $0x1  }
0x13: {  	[smem:$0x3FB5] =	sst s0;
	s0 =	simm.s32 @!p1 $0x0  }
0x14: {  	s2 =	sld [smem:$0x3F99];
	s0 =	simm.s32 @p1 $0x1  }
0x15: {  	[smem:$0x3FB6] =	sst s0;
	s0 =	simm.s32 @!p2 $0x0  }
0x16: {  	s3 =	sld [smem:$0x3FDB];
	s0 =	simm.s32 @p2 $0x1  }
0x17: {  	s4 =	simm.s32 $0x1BF5;
	[smem:$0x3FB8] =	sst s0  }
0x18: {  	s0 =	sld [smem:$0x3F9B];
	_ =	swait.ge [sflag:s4], $0x0  }
0x19: {  	s7 =	sld [smem:$0x3F9C]  }
0x1a: {  	s8 =	sadd.s32 $0xFFFFE003, lr  }
0x1b: {  	s9 =	sadd.s32 $0xFFFFFEF7, lr;
	s5 =	simm.s32 $0xFFFFFFFF;
	p2 =	slt.u32 s8, $0xFFFFF086  }
0x1c: {  	p1 =	slt.u32 s9, $0xF7A;
	s5 =	simm.s32 @!p2 $0x0  }
0x1d: {  	s5 =	simm.s32 @p1 $0x1;
	p0 =	seq.s32 s7, s2  }
0x1e: {  	s7 =	smul.u32 @!p0 $0xF7A, s2;
	p2 =	seq.s32 @!p0 s5, $0x0  }
0x1f: {  	s9 =	smul.u32 $0xF7A, s1;
	s8 =	simm.s32 @!p0 $0x1BF5;
	p2 =	por !p2, p0  }
0x20: {  	[sflag:s8] =	ssyncset.s32 @!p0 $0xFFFFF086;
	s6 =	sadd.s32 @!p0 s3, s7;
	s7 =	simm.s32 @!p0 $0x108  }
0x21: {  	s3 =	sadd.s32 s3, s9;
	s6 =	sadd.s32 @!p0 $0x88, s6;
	s7 =	simm.s32 @p2 $0x1082  }
0x22: {  	[simem:s7], [sflag:s8] =	dma.local @!p0 [hbm:s6], $0xF7A  }
0x23: {  	s9 =	sor.u32 $0xD0000000, s2;
	s6 =	simm.s32 $0x108;
	_ =	swait.ge @!p0 [sflag:s8], $0x0  }
0x24: {  	s3 =	sadd.s32 $0x88, s3;
	s6 =	simm.s32 @!p1 $0x1082;
	[sflag:s4] =	ssyncset.s32 $0xFFFFF086  }
0x25: {  	[simem:s6], [sflag:s4] =	dma.local [hbm:s3], $0xF7A  }
0x26: {  	[smem:$0x3F9C] =	sst s1;
	(tag) =	ssettag s2;
	_ =	strace s9  }
0x27: {  	s1 =	sld [smem:$0x3FAC]  }
0x28: {  	s2 =	sld [smem:$0x3FAD]  }
0x29: {  	s4 =	sld [smem:$0x3FAF]  }
0x2a: {  	p0 =	seq.s32 s5, $0x0;
	s5 =	sld [smem:$0x3FB0]  }
0x2b: {  	s6 =	sld [smem:$0x3FB1]  }
0x2c: {  	s7 =	sld [smem:$0x3FB2]  }
0x2d: {  	s3 =	simm.s32 $0x108;
	s8 =	sld [smem:$0x3FB3]  }
0x2e: {  	s3 =	simm.s32 @!p0 $0x1082;
	s9 =	sld [smem:$0x3FB4]  }
0x2f: {  	lr =	sadd.s32 s0, s3;
	s0 =	sld [smem:$0x3FAB]  }
0x30: {  	s3 =	sld [smem:$0x3FAE]  }
0x31: {  	[smem:$0x3FB7] =	sst s10  }
0x32: {  	s10 =	sld [smem:$0x3FB5];
	_ =	sdelay $0x3  }
0x33: {  	p0 =	seq.s32 s10, $0x1;
	s10 =	sld [smem:$0x3FB7];
	_ =	sdelay $0x3  }
0x34: {  	[smem:$0x3FB7] =	sst s10  }
0x35: {  	s10 =	sld [smem:$0x3FB6];
	_ =	sdelay $0x3  }
0x36: {  	p1 =	seq.s32 s10, $0x1;
	s10 =	sld [smem:$0x3FB7];
	_ =	sdelay $0x3  }
0x37: {  	[smem:$0x3FB7] =	sst s10  }
0x38: {  	s10 =	sld [smem:$0x3FB8]  }
0x39: {  	_ = 	snop;
	(pc) =	sbr.ind lr, $3  }
0x3a: {  	_ = 	snop  }
0x3b: {  	_ = 	snop  }
0x3c: {  	p2 =	seq.s32 s10, $0x1;
	s10 =	sld [smem:$0x3FB7]  }
0x3d: {  	_ =	shalt  }
0x3e: {  	_ =	shalt  }
0x3f: {  	_ =	shalt  }
0x40: {  	_ =	shalt  }
0x41: {  	_ =	shalt  }
0x42: {  	_ =	shalt  }
0x43: {  	_ =	shalt  }
0x44: {  	_ =	shalt  }
0x45: {  	_ =	shalt  }
0x46: {  	_ =	shalt  }
0x47: {  	_ =	shalt  }
0x48: {  	_ =	shalt  }
0x49: {  	_ =	shalt  }
0x4a: {  	_ =	shalt  }
0x4b: {  	_ =	shalt  }
0x4c: {  	_ =	shalt  }
0x4d: {  	_ =	shalt  }
0x4e: {  	_ =	shalt  }
0x4f: {  	_ =	shalt  }
0x50: {  	_ =	shalt  }
0x51: {  	_ =	shalt  }
0x52: {  	_ =	shalt  }
0x53: {  	_ =	shalt  }
0x54: {  	_ =	shalt  }
0x55: {  	_ =	shalt  }
0x56: {  	_ =	shalt  }
0x57: {  	_ =	shalt  }
0x58: {  	_ =	shalt  }
0x59: {  	_ =	shalt  }
0x5a: {  	_ =	shalt  }
0x5b: {  	_ =	shalt  }
0x5c: {  	_ =	shalt  }
0x5d: {  	_ =	shalt  }
0x5e: {  	_ =	shalt  }
0x5f: {  	_ =	shalt  }
0x60: {  	_ =	shalt  }
0x61: {  	_ =	shalt  }
0x62: {  	_ =	shalt  }
0x63: {  	_ =	shalt  }
0x64: {  	_ =	shalt  }
0x65: {  	_ =	shalt  }
0x66: {  	_ =	shalt  }
0x67: {  	_ =	shalt  }
0x68: {  	_ =	shalt  }
0x69: {  	_ =	shalt  }
0x6a: {  	_ =	shalt  }
0x6b: {  	_ =	shalt  }
0x6c: {  	_ =	shalt  }
0x6d: {  	_ =	shalt  }
0x6e: {  	_ =	shalt  }
0x6f: {  	_ =	shalt  }
0x70: {  	_ =	shalt  }
0x71: {  	_ =	shalt  }
0x72: {  	_ =	shalt  }
0x73: {  	_ =	shalt  }
0x74: {  	_ =	shalt  }
0x75: {  	_ =	shalt  }
0x76: {  	_ =	shalt  }
0x77: {  	_ =	shalt  }
0x78: {  	_ =	shalt  }
0x79: {  	_ =	shalt  }
0x7a: {  	_ =	shalt  }
0x7b: {  	_ =	shalt  }
0x7c: {  	_ =	shalt  }
0x7d: {  	_ =	shalt  }
0x7e: {  	_ =	shalt  }
0x7f: {  	_ =	shalt  }
0x80: {  	_ =	shalt  }
0x81: {  	_ =	shalt  }
0x82: {  	_ =	shalt  }
0x83: {  	_ =	shalt  }
0x84: {  	_ =	shalt  }
0x85: {  	_ =	shalt  }
0x86: {  	_ =	shalt  }
0x87: {  	_ =	shalt  }
.Lfunc_end0:
.L_simem_size_0:
called_computation_lowered:
.L_overlay_start_0:
0x88: {  	s2 =	sld [smem:$0x3FD9]  }
0x89: {  	s3 =	sld [smem:$0x3FFE];
	_ =	sdelay $0x1  }
0x8a: {  	s1 =	srdreg.scid  }
0x8b: {  	s0 =	sand.u32 $0x1, s1  }
0x8c: {  	s17 =	sshll.u32 s0, $0xA;
	s2 =	sadd.s32 s3, s2  }
0x8d: {  	s2 =	sadd.s32 s2, s17  }
0x8e: {  	[smem:$0x3FC3] =	sst s2  }
0x8f: {  	_ = 	snop  }
0x90: {  	s2 =	sld [smem:$0x3FD0];
	(tm) =	ssettm $0x1  }
0x91: {  	s18 =	sld [smem:$0x3FFB];
	_ =	sdelay $0x3  }
0x92: {  	_ =	strace s18  }
0x93: {  	s3 =	sld [smem:$0x3FFC];
	_ =	sdelay $0x3  }
0x94: {  	_ =	strace s3  }
0x95: {  	s3 =	sld [smem:$0x3FFD];
	_ =	sdelay $0x3  }
0x96: {  	_ =	strace s3  }
0x97: {  	_ =	strace $0x8FFFFFFF  }
0x98: {  	s19 =	sld [smem:$0x3FDB];
	_ =	sdelay $0x1  }
0x99: {  	s4 =	simm.s32 $_scs_section_size  }
0x9a: {  	s5 =	simm.s32 $_size__tile_overlayer_lowered;
	s6 =	simm.s32 $_tile_overlayer_lowered  }
0x9b: {  	s22 =	simm.s32 $0x1BFF;
	s21 =	sshll.u32 s6, $0x1;
	s3 =	sadd.s32 s4, s19  }
0x9c: {  	s7 =	simm.s32 $0x0;
	s20 =	sshll.u32 s5, $0x1;
	s5 =	sadd.s32 s21, s3  }
0x9d: {  	[timem:s7], [sflag:s22] =	dma.local [hbm:s5], s20  }
0x9e: {  	_ =	swait.ge [sflag:s22], s20  }
0x9f: {  	s4 =	ssub.s32 $0x0, s20;
	[sflag:s22] =	ssyncset.done $0x0  }
0xa0: {  	[sflag:s22] =	ssyncadd.s32 s4;
	_ =	sdelay $0x1  }
0xa1: {  	s23 =	simm.s32 $0x1B8B  }
0xa2: {  	_ =	swait.ge [sflag:s23], $0x1  }
0xa3: {  	[sflag:s23] =	ssyncset.done $0x0  }
0xa4: {  	s25 =	simm.s32 $0x1B8E;
	s24 =	sld [smem:$0x3FFE];
	[sflag:s23] =	ssyncadd.s32 $0xFFFFFFFF  }
0xa5: {  	s26 =	simm.s32 $execute0_lowered;
	[smem:$0x3FD2] =	sst s25  }
0xa6: {  	s5 =	sshll.u32 s26, $0x1;
	_ =	strace $0x80000046;
	[dreg:$0x1] =	wrdreg $0xFFFFFFFF  }
0xa7: {  	s28 =	simm.s32 $_size_execute0_lowered;
	s3 =	sadd.s32 s3, s5;
	[dreg:$0x0] =	wrdreg $0x0  }
0xa8: {  	s5 =	sshll.u32 s28, $0x1;
	[dreg:$0x2] =	wrdreg s3  }
0xa9: {  	[dreg:$0x3] =	wrdreg s5  }
0xaa: {  	[dreg:$0x4] =	wrdreg $0xC0  }
0xab: {  	_ =	task [dreg:s7], $0x5FFFF  }
0xac: {  	[dreg:$0x1] =	wrdreg $0xFFFFFFFF  }
0xad: {  	[dreg:$0x0] =	wrdreg $0x60  }
0xae: {  	[dreg:$0x2] =	wrdreg s24  }
0xaf: {  	[dreg:$0x3] =	wrdreg s2  }
0xb0: {  	[dreg:$0x4] =	wrdreg $0x9  }
0xb1: {  	_ =	task.clear_ibuf [dreg:s7], $0x5FFFF;
	_ =	strace $0x90000046  }
0xb2: {  	s29 =	simm.s32 $0x9;
	_ =	strace $0x80000048  }
0xb3: {  	_ =	swait.ge [sflag:s29], $0x1  }
0xb4: {  	[sflag:s29] =	ssyncadd.s32 $0xFFFFFFFF  }
0xb5: {  	_ =	strace $0x90000048  }
0xb6: {  	_ =	sfence  }
0xb7: {  	s30 =	sld [smem:$0x0];
	_ =	sdelay $0x2  }
0xb8: {  	s31 =	sshll.u32 s1, $0xD;
	s1 =	sshrl.u32 s1, $0x2  }
0xb9: {  	s3 =	sand.u32 $0x4000, s31;
	s1 =	sadd.s32 s1, s30  }
0xba: {  	s0 =	sor.u32 s3, s0;
	s1 =	sshll.u32 s1, $0x11  }
0xbb: {  	s0 =	sor.u32 s1, s0  }
0xbc: {  	s0 =	sadd.s32 $0x8F2B, s0  }
0xbd: {  	[sflag:s0] =	ssyncadd.remote.s32 $0x1  }
0xbe: {  	_ =	sfence.sel $0xFFFF  }
0xbf: {  	[dreg:$0x0] =	wrdreg $0xFFFFFFFF;
	(pc) =	sbr.abs _section_cstart, $3  }
0xc0: {  	[dreg:$0x1] =	wrdreg $0xFFFFFFFF  }
0xc1: {  	_ =	task.clear_ibuf [dreg:s7], $0x2FFFF;
	_ =	strace $0x9FFFFFFF  }
0xc2: {  	(tm) =	ssettm $0x7FFFFFFF  }
0xc3: {  	_ =	shalt  }
tec
execute0_lowered:
.L_overlay_start_1:
0x0: {  	(tag) =	ssettag $0x1  }
0x1: {  	v0 =	vimm.s32 $0xFEDCBA9  }
0x2: {  	v1 =	vimm.s32 $0x87654321;
	v37 =	vimm.s32 $0x1C1B1A19;
	v38 =	vimm.s32 $0x101F1E1D  }
0x3: {  	vm0 =	vcmask $0x1F10;
	v39 =	vimm.s32 $0x14131211;
	v44 =	vimm.s32 $0x18171615  }
0x4: {  	v4 =	vimm.s32 $0x138F;
	vm15 =	vcmask $0x300;
	vm14 =	vcmask $0x704  }
0x5: {  	v5 =	vimm.s32 $0x10FEDCBA;
	vm13 =	vcmask $0xB08;
	vm12 =	vcmask $0xF0C  }
0x6: {  	v6 =	vimm.s32 $0x98765432;
	vm11 =	vcmask $0x1310;
	vm10 =	vcmask $0x1714  }
0x7: {  	vm9 =	vcmask $0x1B18;
	vm8 =	vcmask $0x1F1C;
	vm7 =	vcmask $0x2320  }
0x8: {  	vm6 =	vcmask $0x2724;
	vm5 =	vcmask $0x2B28;
	vm4 =	vcmask $0x2F2C  }
0x9: {  	vm3 =	vcmask $0x3330;
	vm1 =	vcmask $0x3734;
	vm2 =	vcmask $0x3B38  }
0xa: {  	v46 =	vimm.s32 $0x1D1C1B1A;
	v20 =	vimm.s32 $0x11101F1E;
	v8 =	vimm.s32 $0xF  }
0xb: {  	v10 =	vimm.s32 $0x210FEDCB;
	v11 =	vimm.s32 $0xA9876543;
	v21 =	vimm.s32 $0x210F  }
0xc: {  	v29 =	vimm.s32 $0x543210FE;
	v30 =	vimm.s32 $0xDCBA9876;
	v34 =	vimm.s32 $0x218F  }
0xd: {  	v41 =	vimm.s32 $0x20F;
	v17 =	vimm.s32 $0x28F;
	v18 =	vimm.s32 $0x228F  }
0xe: {  	v19 =	vimm.s32 $0x30F;
	v0 =	vunpack.c.l.s4.s8 v0;
	v1 =	vunpack.c.l.s4.s8 v1  }
0xf: {  	v4 =	vsel vm15, $0x0, v4;
	v5 =	vunpack.c.l.s4.s8 v5;
	v6 =	vunpack.c.l.s4.s8 v6  }
0x10: {  	v47 =	vunpack.c.0.s8.s32 v46;
	v10 =	vunpack.c.l.s4.s8 v10;
	v11 =	vunpack.c.l.s4.s8 v11  }
0x11: {  	v46 =	vimm.s32 $0xFEDCBA98;
	v4 =	vsel vm14, $0x81, v4;
	v2 =	vunpack.c.0.s8.s32 v0  }
0x12: {  	v3 =	vunpack.c.0.s8.s32 v1;
	v0 =	vunpack.c.0.s8.s32 v37;
	v1 =	vunpack.c.0.s8.s32 v38  }
0x13: {  	v4 =	vsel vm13, $0x102, v4;
	v5 =	vunpack.c.0.s8.s32 v5;
	v6 =	vunpack.c.0.s8.s32 v6  }
0x14: {  	v14 =	vunpack.c.0.s8.s32 v10;
	v15 =	vunpack.c.0.s8.s32 v11;
	v11 =	vimm.s32 $0x200F;
	[tilespmem:$0x1FB00] =	vst v2  }
0x15: {  	v4 =	vsel vm12, $0x183, v4;
	[tilespmem:$0x1FB10] =	vst v3;
	v2 =	vcombine.low v3, v2;
	v43 =	vsel vm0, v1, v0  }
0x16: {  	v3 =	vunpack.c.0.s8.s32 v44;
	v4 =	vsel vm11, $0x204, v4;
	[tilespmem:$0x1FB30] =	vst v5;
	v5 =	vcombine.low v6, v5  }
0x17: {  	[tilespmem:$0x1FB40] =	vst v6;
	v6 =	vimm.s32 $0x338F;
	v10 =	vcombine.low v15, v14;
	v4 =	vsel vm10, $0x285, v4  }
0x18: {  	v6 =	vsel vm15, $0x2000, v6;
	v2 =	vand.u32 $0xF, v2;
	v4 =	vsel vm9, $0x306, v4  }
0x19: {  	v6 =	vsel vm14, $0x2081, v6;
	v5 =	vand.u32 $0xF, v5;
	v10 =	vand.u32 $0xF, v10;
	[tilespmem:$0x1FB20] =	vst v2  }
0x1a: {  	v62 =	vsel vm0, v0, v3;
	v2 =	vunpack.c.0.s8.s32 v39;
	v4 =	vsel vm8, $0x387, v4;
	[tilespmem:$0x1FB50] =	vst v5  }
0x1b: {  	v6 =	vsel vm13, $0x2102, v6;
	v5 =	vunpack.c.0.s8.s32 v20;
	[tilespmem:$0x1FB60] =	vst v10;
	v10 =	vimm.s32 $0x1E1D1C1B  }
0x1c: {  	v20 =	vimm.s32 $0x230F;
	v4 =	vsel vm7, $0x1008, v4;
	v45 =	vsel vm12, $0x2183, v6  }
0x1d: {  	v23 =	vunpack.c.0.s8.s32 v10;
	v10 =	vimm.s32 $0x8F;
	v44 =	vsel vm0, v3, v2  }
0x1e: {  	v4 =	vsel vm6, $0x1089, v4;
	v6 =	vsel vm11, $0x2204, v45;
	v13 =	vsel vm0, v5, v47  }
0x1f: {  	v50 =	vsel vm0, v2, v1;
	v4 =	vsel vm5, $0x110A, v4;
	v6 =	vsel vm10, $0x2285, v6  }
0x20: {  	v3 =	vunpack.c.l.s4.s8 v30;
	v4 =	vsel vm4, $0x118B, v4;
	v6 =	vsel vm9, $0x2306, v6  }
0x21: {  	v2 =	vunpack.c.l.s4.s8 v29;
	v4 =	vsel vm3, $0x120C, v4;
	v6 =	vsel vm8, $0x2387, v6  }
0x22: {  	v3 =	vunpack.c.0.s8.s32 v3;
	v7 =	vsel vm1, $0x128D, v4;
	v6 =	vsel vm7, $0x3008, v6  }
0x23: {  	v4 =	vsel vm15, $0x380, v19;
	v54 =	vsel vm2, $0x130E, v7;
	v7 =	vsel vm15, $0x80, v8  }
0x24: {  	v19 =	vimm.s32 $0x318F;
	v8 =	vimm.s32 $0x15141312;
	v7 =	vsel vm14, $0x101, v7  }
0x25: {  	v9 =	vsel vm6, $0x3089, v6;
	v19 =	vsel vm15, $0x3200, v19;
	v7 =	vsel vm13, $0x182, v7  }
0x26: {  	v6 =	vunpack.c.0.s8.s32 v8;
	v8 =	vsel vm5, $0x310A, v9;
	v7 =	vsel vm12, $0x203, v7  }
0x27: {  	v9 =	vimm.s32 $0x19181716;
	v8 =	vsel vm4, $0x318B, v8;
	v7 =	vsel vm11, $0x284, v7  }
0x28: {  	v8 =	vsel vm3, $0x320C, v8;
	v63 =	vsel vm0, v6, v5;
	v7 =	vsel vm10, $0x305, v7  }
0x29: {  	v5 =	vsel vm15, $0x2380, v20;
	v8 =	vsel vm1, $0x328D, v8;
	v12 =	vsel vm9, $0x386, v7  }
0x2a: {  	v40 =	vsel vm2, $0x330E, v8;
	v7 =	vunpack.c.0.s8.s32 v9;
	v9 =	vsel vm8, $0x1007, v12  }
0x2b: {  	v12 =	vsel vm15, $0x2180, v21;
	v21 =	vimm.s32 $0x110F;
	v9 =	vsel vm7, $0x1088, v9  }
0x2c: {  	v22 =	vsel vm0, v7, v6;
	v61 =	vsel vm0, v47, v7;
	v9 =	vsel vm6, $0x1109, v9  }
0x2d: {  	v47 =	vimm.s32 $0x76543210;
	v6 =	vimm.s32 $0x38F;
	v9 =	vsel vm5, $0x118A, v9  }
0x2e: {  	v7 =	vimm.s32 $0x238F;
	v8 =	vsel vm4, $0x120B, v9;
	v9 =	vsel vm15, $0x2080, v11  }
0x2f: {  	v6 =	vsel vm15, $0x1000, v6;
	v8 =	vsel vm3, $0x128C, v8;
	v9 =	vsel vm14, $0x2101, v9  }
0x30: {  	v7 =	vsel vm15, $0x3000, v7;
	v8 =	vsel vm1, $0x130D, v8;
	v9 =	vsel vm13, $0x2182, v9  }
0x31: {  	v57 =	vsel vm2, $0x138E, v8;
	v8 =	vsel vm12, $0x2203, v9;
	v9 =	vimm.s32 $0x1211101F  }
0x32: {  	v11 =	vimm.s32 $0xBA987654;
	v24 =	vunpack.c.0.s8.s32 v9;
	v9 =	vsel vm15, $0x100, v10  }
0x33: {  	v11 =	vunpack.c.l.s4.s8 v11;
	v8 =	vsel vm11, $0x2284, v8;
	v9 =	vsel vm14, $0x181, v9  }
0x34: {  	v10 =	vimm.s32 $0x16151413;
	v8 =	vsel vm10, $0x2305, v8;
	v9 =	vsel vm13, $0x202, v9  }
0x35: {  	v31 =	vunpack.c.0.s8.s32 v10;
	v10 =	vimm.s32 $0x1A191817;
	v9 =	vsel vm12, $0x283, v9  }
0x36: {  	v8 =	vsel vm9, $0x2386, v8;
	v32 =	vunpack.c.0.s8.s32 v10;
	v9 =	vsel vm11, $0x304, v9  }
0x37: {  	v10 =	vimm.s32 $0x3210FEDC;
	v8 =	vsel vm8, $0x3007, v8;
	v9 =	vsel vm10, $0x385, v9  }
0x38: {  	v10 =	vunpack.c.l.s4.s8 v10;
	v8 =	vsel vm7, $0x3088, v8;
	v9 =	vsel vm9, $0x1006, v9  }
0x39: {  	v38 =	vunpack.c.0.s8.s32 v11;
	v8 =	vsel vm6, $0x3109, v8;
	v9 =	vsel vm8, $0x1087, v9  }
0x3a: {  	v33 =	vunpack.c.0.s8.s32 v10;
	v8 =	vsel vm5, $0x318A, v8;
	v9 =	vsel vm7, $0x1108, v9  }
0x3b: {  	v10 =	vimm.s32 $0x208F;
	v8 =	vsel vm4, $0x320B, v8;
	v9 =	vsel vm6, $0x1189, v9  }
0x3c: {  	v10 =	vsel vm15, $0x2100, v10;
	v8 =	vsel vm3, $0x328C, v8;
	v9 =	vsel vm5, $0x120A, v9  }
0x3d: {  	v10 =	vsel vm14, $0x2181, v10;
	v8 =	vsel vm1, $0x330D, v8;
	v9 =	vsel vm4, $0x128B, v9  }
0x3e: {  	v58 =	vsel vm2, $0x338E, v8;
	v8 =	vsel vm3, $0x130C, v9;
	v9 =	vsel vm13, $0x2202, v10  }
0x3f: {  	v11 =	vcombine.low v38, v33;
	v8 =	vsel vm1, $0x138D, v8;
	v9 =	vsel vm12, $0x2283, v9  }
0x40: {  	v60 =	vsel vm2, $0xE, v8;
	v8 =	vimm.s32 $0x1F1E1D1C;
	v9 =	vsel vm11, $0x2304, v9  }
0x41: {  	v39 =	vunpack.c.0.s8.s32 v8;
	v8 =	vimm.s32 $0x13121110;
	v9 =	vsel vm10, $0x2385, v9  }
0x42: {  	v56 =	vunpack.c.0.s8.s32 v8;
	v8 =	vsel vm9, $0x3006, v9;
	v9 =	vimm.s32 $0x10F  }
0x43: {  	v59 =	vand.u32 $0xF, v11;
	v11 =	vimm.s32 $0xCBA98765;
	v9 =	vsel vm15, $0x180, v9  }
0x44: {  	v11 =	vunpack.c.l.s4.s8 v11;
	v10 =	vimm.s32 $0x17161514;
	v9 =	vsel vm14, $0x201, v9  }
0x45: {  	v48 =	vunpack.c.0.s8.s32 v10;
	v10 =	vimm.s32 $0x1B1A1918;
	v9 =	vsel vm13, $0x282, v9  }
0x46: {  	v49 =	vunpack.c.0.s8.s32 v10;
	v10 =	vimm.s32 $0x43210FED;
	v9 =	vsel vm12, $0x303, v9  }
0x47: {  	v10 =	vunpack.c.l.s4.s8 v10;
	v8 =	vsel vm8, $0x3087, v8;
	v9 =	vsel vm11, $0x384, v9  }
0x48: {  	v11 =	vunpack.c.0.s8.s32 v11;
	v8 =	vsel vm7, $0x3108, v8;
	v9 =	vsel vm10, $0x1005, v9  }
0x49: {  	v16 =	vunpack.c.0.s8.s32 v10;
	v8 =	vsel vm6, $0x3189, v8;
	v9 =	vsel vm9, $0x1086, v9  }
0x4a: {  	v10 =	vsel vm14, $0x2201, v12;
	v8 =	vsel vm5, $0x320A, v8;
	v9 =	vsel vm8, $0x1107, v9  }
0x4b: {  	v10 =	vsel vm13, $0x2282, v10;
	v8 =	vsel vm4, $0x328B, v8;
	v9 =	vsel vm7, $0x1188, v9  }
0x4c: {  	v10 =	vsel vm12, $0x2303, v10;
	v8 =	vsel vm3, $0x330C, v8;
	v9 =	vsel vm6, $0x1209, v9  }
0x4d: {  	[tilespmem:$0x1FB80] =	vst v11;
	v11 =	vcombine.low v11, v16;
	v8 =	vsel vm1, $0x338D, v8;
	v9 =	vsel vm5, $0x128A, v9  }
0x4e: {  	[tilespmem:$0x1FB70] =	vst v16;
	v10 =	vsel vm11, $0x2384, v10;
	v8 =	vsel vm2, $0x200E, v8;
	v9 =	vsel vm4, $0x130B, v9  }
0x4f: {  	v16 =	vimm.s32 $0x220F;
	[tilespmem:$0x1FB90] =	vst v8;
	v8 =	vsel vm3, $0x138C, v9;
	v9 =	vsel vm10, $0x3005, v10  }
0x50: {  	v10 =	vand.u32 $0xF, v11;
	v11 =	vimm.s32 $0x308F;
	v8 =	vsel vm1, $0xD, v8  }
0x51: {  	[tilespmem:$0x1FBA0] =	vst v10;
	v9 =	vsel vm9, $0x3086, v9;
	v10 =	vimm.s32 $0x108F;
	v8 =	vsel vm2, $0x8E, v8  }
0x52: {  	v10 =	vsel vm15, $0x1100, v10;
	[tilespmem:$0x1FBB0] =	vst v8;
	v8 =	vsel vm8, $0x3107, v9;
	v9 =	vimm.s32 $0x18F  }
0x53: {  	v25 =	vsel vm7, $0x3188, v8;
	v26 =	vsel vm15, $0x200, v9;
	v8 =	vunpack.c.0.s8.s32 v2  }
0x54: {  	v2 =	vsel vm15, $0x2200, v34;
	v9 =	vimm.s32 $0x300F;
	v27 =	vsel vm6, $0x3209, v25  }
0x55: {  	v28 =	vsel vm14, $0x281, v26;
	v2 =	vsel vm14, $0x2281, v2;
	v9 =	vsel vm15, $0x3080, v9  }
0x56: {  	v25 =	vimm.s32 $0x128F;
	v0 =	vsel vm5, $0x328A, v27;
	v1 =	vsel vm13, $0x302, v28  }
0x57: {  	[tilespmem:$0x1FBD0] =	vst v3;
	v3 =	vcombine.low v3, v8;
	v36 =	vsel vm13, $0x2302, v2;
	v2 =	vsel vm15, $0x280, v41  }
0x58: {  	[tilespmem:$0x1FBC0] =	vst v8;
	v8 =	vimm.s32 $0x100F;
	v25 =	vsel vm15, $0x1300, v25;
	v28 =	vimm.s32 $0x330F  }
0x59: {  	v41 =	vsel vm14, $0x1001, v4;
	v1 =	vsel vm12, $0x383, v1;
	v0 =	vsel vm4, $0x330B, v0  }
0x5a: {  	v2 =	vsel vm14, $0x301, v2;
	v8 =	vsel vm15, $0x1080, v8;
	v28 =	vsel vm15, $0x3380, v28  }
0x5b: {  	v1 =	vsel vm11, $0x1004, v1;
	v0 =	vsel vm3, $0x338C, v0;
	v37 =	vand.u32 $0xF, v3  }
0x5c: {  	v45 =	vsel vm13, $0x382, v2;
	v2 =	vunpack.c.l.s4.s8 v46;
	v3 =	vunpack.c.l.s4.s8 v47  }
0x5d: {  	v46 =	vsel vm14, $0x3081, v7;
	v47 =	vsel vm14, $0x1101, v8;
	v7 =	vsel vm14, $0x3281, v19  }
0x5e: {  	v1 =	vsel vm10, $0x1085, v1;
	v0 =	vsel vm1, $0x200D, v0;
	v52 =	vsel vm13, $0x3102, v46  }
0x5f: {  	v7 =	vsel vm13, $0x3302, v7;
	v1 =	vsel vm9, $0x1106, v1;
	v0 =	vsel vm2, $0x208E, v0  }
0x60: {  	v55 =	vunpack.c.0.s8.s32 v2;
	v3 =	vunpack.c.0.s8.s32 v3;
	v7 =	vsel vm12, $0x3383, v7  }
0x61: {  	v2 =	vsel vm15, $0x2280, v16;
	v1 =	vsel vm8, $0x1187, v1;
	v7 =	vsel vm11, $0x2004, v7  }
0x62: {  	v16 =	vsel vm15, $0x1180, v21;
	v1 =	vsel vm7, $0x1208, v1;
	v7 =	vsel vm10, $0x2085, v7  }
0x63: {  	v35 =	vsel vm6, $0x1289, v1;
	v1 =	vsel vm12, $0x2383, v36;
	v7 =	vsel vm9, $0x2106, v7  }
0x64: {  	[tilespmem:$0x1FBE0] =	vst v0;
	v0 =	vsel vm5, $0x130A, v35;
	v1 =	vsel vm11, $0x3004, v1;
	v35 =	vsel vm14, $0x2301, v2  }
0x65: {  	v7 =	vsel vm8, $0x2187, v7;
	v0 =	vsel vm4, $0x138B, v0;
	v1 =	vsel vm10, $0x3085, v1  }
0x66: {  	v7 =	vsel vm7, $0x2208, v7;
	v0 =	vsel vm3, $0xC, v0;
	v1 =	vsel vm9, $0x3106, v1  }
0x67: {  	v7 =	vsel vm6, $0x2289, v7;
	v0 =	vsel vm1, $0x8D, v0;
	v42 =	vsel vm8, $0x3187, v1  }
0x68: {  	v1 =	vsel vm12, $0x1003, v45;
	v45 =	vsel vm14, $0x1081, v6;
	v7 =	vsel vm5, $0x230A, v7  }
0x69: {  	v0 =	vsel vm2, $0x10E, v0;
	v1 =	vsel vm11, $0x1084, v1;
	v7 =	vsel vm4, $0x238B, v7  }
0x6a: {  	[tilespmem:$0x1FC00] =	vst v0;
	v0 =	vsel vm7, $0x3208, v42;
	v1 =	vsel vm10, $0x1105, v1;
	v42 =	vsel vm14, $0x3001, v5  }
0x6b: {  	v7 =	vsel vm3, $0x300C, v7;
	v0 =	vsel vm6, $0x3289, v0;
	v1 =	vsel vm9, $0x1186, v1  }
0x6c: {  	v7 =	vsel vm1, $0x308D, v7;
	v0 =	vsel vm5, $0x330A, v0;
	v1 =	vsel vm8, $0x1207, v1  }
0x6d: {  	v0 =	vsel vm4, $0x338B, v0;
	v53 =	vsel vm7, $0x1288, v1;
	v1 =	vand.u32 $0xF, v55  }
0x6e: {  	v55 =	vsel vm14, $0x3101, v9;
	v51 =	vsel vm3, $0x200C, v0;
	v0 =	vsel vm6, $0x1309, v53  }
0x6f: {  	v1 =	vcombine.low v1, v3;
	v3 =	vsel vm15, $0x2300, v18;
	v53 =	vsel vm13, $0x1182, v47  }
0x70: {  	[tilespmem:$0x1FBF0] =	vst v37;
	v0 =	vsel vm5, $0x138A, v0;
	v37 =	vsel vm14, $0x2381, v3;
	v3 =	vsel vm14, $0x2001, v28  }
0x71: {  	v12 =	vsel vm1, $0x208D, v51;
	[tilespmem:$0x1FC10] =	vst v1;
	v1 =	vsel vm15, $0x300, v17;
	v17 =	vsel vm15, $0x3100, v11  }
0x72: {  	v11 =	vimm.s32 $0x310F;
	v34 =	vsel vm4, $0xB, v0;
	v12 =	vsel vm2, $0x210E, v12  }
0x73: {  	v3 =	vsel vm13, $0x2082, v3;
	v18 =	vsel vm15, $0x3180, v11;
	v11 =	vimm.s32 $0x118F  }
0x74: {  	v36 =	vsel vm14, $0x381, v1;
	v9 =	vsel vm14, $0x3181, v17;
	v1 =	vsel vm14, $0x1381, v25  }
0x75: {  	v25 =	vimm.s32 $0xEDCBA987;
	v3 =	vsel vm12, $0x2103, v3;
	v20 =	vsel vm15, $0x1200, v11  }
0x76: {  	v11 =	vimm.s32 $0x120F;
	v8 =	vsel vm14, $0x3201, v18;
	v9 =	vsel vm13, $0x3202, v9  }
0x77: {  	v1 =	vsel vm13, $0x2, v1;
	v3 =	vsel vm11, $0x2184, v3;
	v21 =	vsel vm15, $0x1280, v11  }
0x78: {  	v11 =	vimm.s32 $0x320F;
	v6 =	vsel vm14, $0x1281, v20;
	v9 =	vsel vm12, $0x3283, v9  }
0x79: {  	v8 =	vsel vm13, $0x3282, v8;
	v1 =	vsel vm12, $0x83, v1;
	v3 =	vsel vm10, $0x2205, v3  }
0x7a: {  	v26 =	vsel vm15, $0x3280, v11;
	v11 =	vimm.s32 $0x328F;
	v5 =	vsel vm14, $0x1301, v21  }
0x7b: {  	v9 =	vsel vm11, $0x3304, v9;
	v8 =	vsel vm12, $0x3303, v8;
	v6 =	vsel vm13, $0x1302, v6  }
0x7c: {  	v1 =	vsel vm11, $0x104, v1;
	v3 =	vsel vm9, $0x2286, v3;
	v27 =	vsel vm15, $0x3300, v11  }
0x7d: {  	v11 =	vimm.s32 $0x130F;
	v0 =	vsel vm14, $0x3301, v26;
	v26 =	vsel vm3, $0x8C, v34  }
0x7e: {  	v34 =	vsel vm13, $0x3002, v37;
	v37 =	vsel vm13, $0x1082, v41;
	v41 =	vsel vm13, $0x3082, v42  }
0x7f: {  	v42 =	vsel vm13, $0x1102, v45;
	v9 =	vsel vm10, $0x3385, v9;
	v8 =	vsel vm11, $0x3384, v8  }
0x80: {  	v6 =	vsel vm12, $0x1383, v6;
	v5 =	vsel vm13, $0x1382, v5;
	v1 =	vsel vm10, $0x185, v1  }
0x81: {  	v3 =	vsel vm8, $0x2307, v3;
	v29 =	vsel vm15, $0x1380, v11;
	v11 =	vimm.s32 $0x6543210F  }
0x82: {  	v4 =	vsel vm14, $0x3381, v27;
	v28 =	vsel vm1, $0x10D, v26;
	v17 =	vsel vm12, $0x3083, v34  }
0x83: {  	v9 =	vsel vm9, $0x2006, v9;
	v8 =	vsel vm10, $0x2005, v8;
	v6 =	vsel vm11, $0x4, v6  }
0x84: {  	v5 =	vsel vm12, $0x3, v5;
	v0 =	vsel vm13, $0x3382, v0;
	v1 =	vsel vm9, $0x206, v1  }
0x85: {  	v3 =	vsel vm7, $0x2388, v3;
	v30 =	vunpack.c.l.s4.s8 v11;
	v11 =	vsel vm14, $0x1181, v10  }
0x86: {  	v10 =	vsel vm14, $0x1201, v16;
	v2 =	vsel vm14, $0x1, v29;
	v16 =	vunpack.c.l.s4.s8 v25  }
0x87: {  	v18 =	vsel vm2, $0x18E, v28;
	v29 =	vsel vm13, $0x2382, v35;
	v17 =	vsel vm11, $0x3104, v17  }
0x88: {  	v28 =	vsel vm13, $0x3182, v55;
	v9 =	vsel vm8, $0x2087, v9;
	v8 =	vsel vm9, $0x2086, v8  }
0x89: {  	v6 =	vsel vm10, $0x85, v6;
	v5 =	vsel vm11, $0x84, v5;
	v0 =	vsel vm12, $0x2003, v0  }
0x8a: {  	v1 =	vsel vm8, $0x287, v1;
	v4 =	vsel vm13, $0x2002, v4;
	v3 =	vsel vm6, $0x3009, v3  }
0x8b: {  	[tilespmem:$0x1FC20] =	vst v12;
	v12 =	vsel vm12, $0x3003, v29;
	v17 =	vsel vm10, $0x3185, v17;
	v11 =	vsel vm13, $0x1202, v11  }
0x8c: {  	v10 =	vsel vm13, $0x1282, v10;
	v9 =	vsel vm7, $0x2108, v9;
	v8 =	vsel vm8, $0x2107, v8  }
0x8d: {  	v6 =	vsel vm9, $0x106, v6;
	v5 =	vsel vm10, $0x105, v5;
	v0 =	vsel vm11, $0x2084, v0  }
0x8e: {  	v1 =	vsel vm7, $0x308, v1;
	v4 =	vsel vm12, $0x2083, v4;
	v2 =	vsel vm13, $0x82, v2  }
0x8f: {  	v3 =	vsel vm5, $0x308A, v3;
	v27 =	vunpack.c.0.s8.s32 v30;
	v16 =	vunpack.c.0.s8.s32 v16  }
0x90: {  	v30 =	vsel vm13, $0x1002, v36;
	v12 =	vsel vm11, $0x3084, v12;
	v17 =	vsel vm9, $0x3206, v17  }
0x91: {  	v11 =	vsel vm12, $0x1283, v11;
	v10 =	vsel vm12, $0x1303, v10;
	v9 =	vsel vm6, $0x2189, v9  }
0x92: {  	v8 =	vsel vm7, $0x2188, v8;
	v6 =	vsel vm8, $0x187, v6;
	v5 =	vsel vm9, $0x186, v5  }
0x93: {  	v0 =	vsel vm10, $0x2105, v0;
	v1 =	vsel vm6, $0x389, v1;
	v4 =	vsel vm11, $0x2104, v4  }
0x94: {  	v2 =	vsel vm12, $0x103, v2;
	v3 =	vsel vm4, $0x310B, v3;
	v12 =	vsel vm10, $0x3105, v12  }
0x95: {  	v17 =	vsel vm8, $0x3287, v17;
	v11 =	vsel vm11, $0x1304, v11;
	v10 =	vsel vm11, $0x1384, v10  }
0x96: {  	v9 =	vsel vm5, $0x220A, v9;
	v8 =	vsel vm6, $0x2209, v8;
	v6 =	vsel vm7, $0x208, v6  }
0x97: {  	v5 =	vsel vm8, $0x207, v5;
	v0 =	vsel vm9, $0x2186, v0;
	v1 =	vsel vm5, $0x100A, v1  }
0x98: {  	v4 =	vsel vm10, $0x2185, v4;
	v2 =	vsel vm11, $0x184, v2;
	[tilespmem:$0x1FC40] =	vst v16;
	v16 =	vsel vm12, $0x1083, v30  }
0x99: {  	v12 =	vsel vm9, $0x3186, v12;
	v17 =	vsel vm7, $0x3308, v17;
	v11 =	vsel vm10, $0x1385, v11  }
0x9a: {  	v10 =	vsel vm10, $0x5, v10;
	v9 =	vsel vm4, $0x228B, v9;
	v8 =	vsel vm5, $0x228A, v8  }
0x9b: {  	v6 =	vsel vm6, $0x289, v6;
	v5 =	vsel vm7, $0x288, v5;
	v0 =	vsel vm8, $0x2207, v0  }
0x9c: {  	v1 =	vsel vm4, $0x108B, v1;
	v4 =	vsel vm9, $0x2206, v4;
	v2 =	vsel vm10, $0x205, v2  }
0x9d: {  	v16 =	vsel vm11, $0x1104, v16;
	v12 =	vsel vm8, $0x3207, v12;
	v17 =	vsel vm6, $0x3389, v17  }
0x9e: {  	v11 =	vsel vm9, $0x6, v11;
	v10 =	vsel vm9, $0x86, v10;
	v9 =	vsel vm3, $0x230C, v9  }
0x9f: {  	v8 =	vsel vm4, $0x230B, v8;
	v6 =	vsel vm5, $0x30A, v6;
	v5 =	vsel vm6, $0x309, v5  }
0xa0: {  	v0 =	vsel vm7, $0x2288, v0;
	v1 =	vsel vm3, $0x110C, v1;
	v4 =	vsel vm8, $0x2287, v4  }
0xa1: {  	v2 =	vsel vm9, $0x286, v2;
	v16 =	vsel vm10, $0x1185, v16;
	v12 =	vsel vm7, $0x3288, v12  }
0xa2: {  	v17 =	vsel vm5, $0x200A, v17;
	v11 =	vsel vm8, $0x87, v11;
	v10 =	vsel vm8, $0x107, v10  }
0xa3: {  	v9 =	vsel vm1, $0x238D, v9;
	v8 =	vsel vm3, $0x238C, v8;
	v6 =	vsel vm4, $0x38B, v6  }
0xa4: {  	v5 =	vsel vm5, $0x38A, v5;
	v0 =	vsel vm6, $0x2309, v0;
	v1 =	vsel vm1, $0x118D, v1  }
0xa5: {  	v4 =	vsel vm7, $0x2308, v4;
	v2 =	vsel vm8, $0x307, v2;
	v16 =	vsel vm9, $0x1206, v16  }
0xa6: {  	v12 =	vsel vm6, $0x3309, v12;
	v17 =	vsel vm4, $0x208B, v17;
	v11 =	vsel vm7, $0x108, v11  }
0xa7: {  	v10 =	vsel vm7, $0x188, v10;
	v9 =	vsel vm2, $0x300E, v9;
	v8 =	vsel vm1, $0x300D, v8  }
0xa8: {  	v6 =	vsel vm3, $0x100C, v6;
	v5 =	vsel vm4, $0x100B, v5;
	v0 =	vsel vm5, $0x238A, v0  }
0xa9: {  	v4 =	vsel vm6, $0x2389, v4;
	v2 =	vsel vm7, $0x388, v2;
	v16 =	vsel vm8, $0x1287, v16  }
0xaa: {  	v12 =	vsel vm5, $0x338A, v12;
	v17 =	vsel vm3, $0x210C, v17;
	v11 =	vsel vm6, $0x189, v11  }
0xab: {  	v10 =	vsel vm6, $0x209, v10;
	v8 =	vsel vm2, $0x308E, v8;
	v6 =	vsel vm1, $0x108D, v6  }
0xac: {  	v5 =	vsel vm3, $0x108C, v5;
	v0 =	vsel vm4, $0x300B, v0;
	v4 =	vsel vm5, $0x300A, v4  }
0xad: {  	v2 =	vsel vm6, $0x1009, v2;
	v16 =	vsel vm7, $0x1308, v16;
	v12 =	vsel vm4, $0x200B, v12  }
0xae: {  	v36 =	vsel vm1, $0x218D, v17;
	v17 =	vsel vm12, $0x1183, v42;
	v11 =	vsel vm5, $0x20A, v11  }
0xaf: {  	v10 =	vsel vm5, $0x28A, v10;
	v6 =	vsel vm2, $0x110E, v6;
	v5 =	vsel vm1, $0x110D, v5  }
0xb0: {  	v0 =	vsel vm3, $0x308C, v0;
	v4 =	vsel vm4, $0x308B, v4;
	v2 =	vsel vm5, $0x108A, v2  }
0xb1: {  	v16 =	vsel vm6, $0x1389, v16;
	v12 =	vsel vm3, $0x208C, v12;
	v21 =	vsel vm2, $0x220E, v36  }
0xb2: {  	v17 =	vsel vm11, $0x1204, v17;
	v11 =	vsel vm4, $0x28B, v11;
	v10 =	vsel vm4, $0x30B, v10  }
0xb3: {  	[tilespmem:$0x1FCB0] =	vst v6;
	v6 =	vsel vm2, $0x310E, v7;
	v5 =	vsel vm2, $0x118E, v5;
	v0 =	vsel vm1, $0x310D, v0  }
0xb4: {  	v4 =	vsel vm3, $0x310C, v4;
	v2 =	vsel vm4, $0x110B, v2;
	v16 =	vsel vm5, $0xA, v16  }
0xb5: {  	v12 =	vsel vm1, $0x210D, v12;
	v17 =	vsel vm10, $0x1285, v17;
	v11 =	vsel vm3, $0x30C, v11  }
0xb6: {  	v10 =	vsel vm3, $0x38C, v10;
	v0 =	vsel vm2, $0x318E, v0;
	v4 =	vsel vm1, $0x318D, v4  }
0xb7: {  	v16 =	vsel vm4, $0x8B, v16;
	v19 =	vsel vm2, $0x218E, v12;
	v12 =	vsel vm12, $0x1103, v37  }
0xb8: {  	v17 =	vsel vm9, $0x1306, v17;
	v11 =	vsel vm1, $0x38D, v11;
	v16 =	vsel vm3, $0x10C, v16  }
0xb9: {  	v12 =	vsel vm11, $0x1184, v12;
	v17 =	vsel vm8, $0x1387, v17;
	v11 =	vsel vm2, $0x100E, v11  }
0xba: {  	v35 =	vsel vm1, $0x18D, v16;
	v16 =	vsel vm12, $0x3103, v41;
	v12 =	vsel vm10, $0x1205, v12  }
0xbb: {  	v17 =	vsel vm7, $0x8, v17;
	[tilespmem:$0x1FC70] =	vst v11;
	v11 =	vsel vm1, $0x100D, v10;
	v20 =	vsel vm2, $0x20E, v35  }
0xbc: {  	v16 =	vsel vm11, $0x3184, v16;
	v12 =	vsel vm9, $0x1286, v12;
	v17 =	vsel vm6, $0x89, v17  }
0xbd: {  	[tilespmem:$0x1FC80] =	vst v9;
	v9 =	vsel vm2, $0x108E, v11;
	v16 =	vsel vm10, $0x3205, v16;
	v12 =	vsel vm8, $0x1307, v12  }
0xbe: {  	v35 =	vsel vm2, $0x120E, v1;
	v16 =	vsel vm9, $0x3286, v16;
	v12 =	vsel vm7, $0x1388, v12  }
0xbf: {  	v17 =	vsel vm5, $0x10A, v17;
	v16 =	vsel vm8, $0x3307, v16;
	v12 =	vsel vm6, $0x9, v12  }
0xc0: {  	v17 =	vsel vm4, $0x18B, v17;
	v16 =	vsel vm7, $0x3388, v16;
	v12 =	vsel vm5, $0x8A, v12  }
0xc1: {  	v17 =	vsel vm3, $0x20C, v17;
	v16 =	vsel vm6, $0x2009, v16;
	v12 =	vsel vm4, $0x10B, v12  }
0xc2: {  	v51 =	vsel vm1, $0x28D, v17;
	v16 =	vsel vm5, $0x208A, v16;
	v12 =	vsel vm3, $0x18C, v12  }
0xc3: {  	v17 =	vsel vm12, $0x3203, v28;
	v16 =	vsel vm4, $0x210B, v16;
	v12 =	vsel vm1, $0x20D, v12  }
0xc4: {  	v17 =	vsel vm11, $0x3284, v17;
	v16 =	vsel vm3, $0x218C, v16;
	v25 =	vsel vm2, $0x28E, v12  }
0xc5: {  	v12 =	vsel vm12, $0x3183, v52;
	v45 =	vsel vm1, $0x220D, v16;
	v16 =	vsel vm12, $0x1203, v53  }
0xc6: {  	v17 =	vsel vm10, $0x3305, v17;
	v12 =	vsel vm11, $0x3204, v12;
	v16 =	vsel vm11, $0x1284, v16  }
0xc7: {  	v17 =	vsel vm9, $0x3386, v17;
	v12 =	vsel vm10, $0x3285, v12;
	v16 =	vsel vm10, $0x1305, v16  }
0xc8: {  	v17 =	vsel vm8, $0x2007, v17;
	v12 =	vsel vm9, $0x3306, v12;
	v16 =	vsel vm9, $0x1386, v16  }
0xc9: {  	[tilespmem:$0x1FC30] =	vst v27;
	v17 =	vsel vm7, $0x2088, v17;
	v12 =	vsel vm8, $0x3387, v12;
	v16 =	vsel vm8, $0x7, v16  }
0xca: {  	[tilespmem:$0x1FCA0] =	vst v8;
	v17 =	vsel vm6, $0x2109, v17;
	v12 =	vsel vm7, $0x2008, v12;
	v16 =	vsel vm7, $0x88, v16  }
0xcb: {  	[tilespmem:$0x1FCC0] =	vst v6;
	v17 =	vsel vm5, $0x218A, v17;
	v12 =	vsel vm6, $0x2089, v12;
	v16 =	vsel vm6, $0x109, v16  }
0xcc: {  	[tilespmem:$0x1FCD0] =	vst v5;
	v17 =	vsel vm4, $0x220B, v17;
	v12 =	vsel vm5, $0x210A, v12;
	v16 =	vsel vm5, $0x18A, v16  }
0xcd: {  	[tilespmem:$0x1FCE0] =	vst v0;
	v17 =	vsel vm3, $0x228C, v17;
	v12 =	vsel vm4, $0x218B, v12;
	v16 =	vsel vm4, $0x20B, v16  }
0xce: {  	[tilespmem:$0x1FC90] =	vst v9;
	v30 =	vsel vm1, $0x230D, v17;
	v12 =	vsel vm3, $0x220C, v12;
	v16 =	vsel vm3, $0x28C, v16  }
0xcf: {  	[tilespmem:$0x1FCF0] =	vst v35;
	v34 =	vsel vm2, $0x238E, v30;
	v12 =	vsel vm1, $0x228D, v12;
	v29 =	vsel vm1, $0x30D, v16  }
0xd0: {  	s0 =	rddreg [dreg:$0x0];
	s3 =	simm.s32 $0x0;
	v2 =	vsel vm3, $0x118C, v2;
	[tilespmem:$0x1FC60] =	vst v34;
	v28 =	vsel vm2, $0x230E, v12;
	v12 =	vsel vm2, $0x38E, v29  }
0xd1: {  	[smem:$0x7FF] =	sst s3;
	v36 =	vsel vm3, $0x318C, v3;
	v37 =	vsel vm2, $0x320E, v4;
	v2 =	vsel vm1, $0x120D, v2;
	[tilespmem:$0x1FC50] =	vst v12  }
0xd2: {  	s1 =	rddreg [dreg:$0x1];
	v5 =	vsel vm1, $0x320D, v36;
	v41 =	vsel vm2, $0x128E, v2;
	_ =	strace $0x80000047;
	[tilespmem:$0x1FD00] =	vst v37  }
0xd3: {  	v42 =	vsel vm2, $0x328E, v5;
	[tilespmem:$0x1FD10] =	vst v41  }
0xd4: {  	[tilespmem:$0x1FD20] =	vst v42  }
0xd5: {  	[tilespmem:$0x1FD30] =	vst v43  }
0xd6: {  	v26 =	vsel vm2, $0x228E, v45;
	v45 =	vcombine.low v22, v13;
	[tilespmem:$0x1FD40] =	vst v44  }
0xd7: {  	[tilespmem:$0x1FD60] =	vst v13  }
0xd8: {  	[tilespmem:$0x1FD70] =	vst v45  }
0xd9: {  	[tilespmem:$0x1FD80] =	vst v48  }
0xda: {  	v46 =	vsel vm0, v24, v23;
	v47 =	vsel vm0, v32, v31;
	[tilespmem:$0x1FD90] =	vst v49  }
0xdb: {  	v0 =	vcombine.low v47, v46;
	[tilespmem:$0x1FDA0] =	vst v46  }
0xdc: {  	[tilespmem:$0x1FDB0] =	vst v47  }
0xdd: {  	v27 =	vsel vm2, $0x30E, v51;
	v51 =	vsel vm0, v56, v39;
	v52 =	vsel vm0, v49, v48;
	[tilespmem:$0x1FDC0] =	vst v0  }
0xde: {  	v53 =	vcombine.low v52, v51;
	[tilespmem:$0x1FDD0] =	vst v51  }
0xdf: {  	v8 =	vlaneseq.u32;
	[tilespmem:$0x1FDE0] =	vst v52  }
0xe0: {  	v55 =	vor.u32 $0x10, v8;
	[tilespmem:$0x1FDF0] =	vst v53  }
0xe1: {  	[tilespmem:$0x1FE00] =	vst v55  }
0xe2: {  	[tilespmem:$0x1FE10] =	vst v50  }
0xe3: {  	[tilespmem:$0x1FE20] =	vst v62  }
0xe4: {  	[tilespmem:$0x1FE40] =	vst v63  }
0xe5: {  	[tilespmem:$0x1FE50] =	vst v61  }
0xe6: {  	[tilespmem:$0x1FE70] =	vst v15  }
0xe7: {  	[tilespmem:$0x1FE80] =	vst v22  }
0xe8: {  	[tilespmem:$0x1FE90] =	vst v14  }
0xe9: {  	[tilespmem:$0x1FEA0] =	vst v23  }
0xea: {  	[tilespmem:$0x1FEB0] =	vst v24  }
0xeb: {  	[tilespmem:$0x1FEC0] =	vst v31  }
0xec: {  	[tilespmem:$0x1FED0] =	vst v32  }
0xed: {  	[tilespmem:$0x1FEE0] =	vst v33  }
0xee: {  	[tilespmem:$0x1FEF0] =	vst v38  }
0xef: {  	[tilespmem:$0x1FF00] =	vst v39  }
0xf0: {  	[tilespmem:$0x1FF10] =	vst v56  }
0xf1: {  	[tilespmem:$0x1FF20] =	vst v18  }
0xf2: {  	[tilespmem:$0x1FF30] =	vst v19  }
0xf3: {  	s2 =	srdreg.scid;
	s4 =	stileid.u32;
	[tilespmem:$0x1FF40] =	vst v20  }
0xf4: {  	s14 =	simm.s32 $0x5;
	s16 =	simm.s32 $0x80;
	s17 =	simm.s32 $0x800;
	[tilespmem:$0x1FF50] =	vst v21  }
0xf5: {  	s18 =	simm.s32 $0x8800;
	s28 =	simm.s32 $0x200;
	s30 =	simm.s32 $0x4;
	[tilespmem:$0x1FF60] =	vst v25  }
0xf6: {  	s31 =	simm.s32 $0x4800;
	s20 =	simm.s32 $0x300;
	s21 =	simm.s32 $0x10800;
	[tilespmem:$0x1FF70] =	vst v26  }
0xf7: {  	s11 =	simm.s32 $0x11800;
	s2 =	sand.u32 $0x1, s2;
	s5 =	sshll.u32 s4, $0x1;
	[tilespmem:$0x1FF80] =	vst v27  }
0xf8: {  	s12 =	simm.s32 $0x12800;
	s13 =	simm.s32 $0x13800;
	s8 =	sor.u32 s2, s5;
	[tilespmem:$0x1FF90] =	vst v28  }
0xf9: {  	s24 =	simm.s32 $0x2;
	s4 =	sadd.s32 $0x1E00, s0;
	s9 =	smul.u32 $0xC80, s8;
	[tilespmem:$0x1FFA0] =	vst v57  }
0xfa: {  	s6 =	sadd.s32 $0x33E00, s0;
	s7 =	sadd.s32 $0x96A00, s0;
	s2 =	ssub.s32 $0x2, s2;
	[tilespmem:$0x1FFB0] =	vst v60  }
0xfb: {  	s5 =	sadd.s32 $0x1AE00, s0;
	s25 =	sshrl.u32 s2, $0x1;
	s10 =	sadd.s32 s4, s9;
	[tilespmem:$0x1FFC0] =	vst v40  }
0xfc: {  	s26 =	sor.u32 $0x40, s9;
	s9 =	sadd.s32 s5, s9;
	v7 =	vmul.u32 $0x20, v8;
	[dreg:$0x3] =	wrdreg s10;
	[tilespmem:$0x1FFD0] =	vst v58  }
.Ltmp0:
0xfd: {  	s29 =	sadd.s32 s4, s26;
	[dreg:$0x4] =	wrdreg s9;
	v44 =	vcombine.low v44, v43;
	[tilespmem:$0x1FFE0] =	vst v59;
	(pc) =	sbr.rel .LBB2_1-.Ltmp0, $4  }
0xfe: {  	s0 =	ssub.s32 s2, s25;
	s2 =	sadd.s32 s5, s26;
	[dreg:$0x5] =	wrdreg s29;
	v62 =	vcombine.low v62, v50;
	[tilespmem:$0x1FFF0] =	vst v7  }
0xff: {  	s15 =	simm.s32 $0x0;
	s0 =	smax.u32 s0, $0x1;
	[dreg:$0x6] =	wrdreg s2;
	v63 =	vcombine.low v61, v63;
	[tilespmem:$0x1FD50] =	vst v44  }
0x100: {  	s8 =	smul.u32 $0x32, s8;
	s25 =	simm.s32 $0x380;
	[dreg:$0x7] =	wrdreg s0;
	[tilespmem:$0x1FE30] =	vst v62  }
0x101: {  	s0 =	simm.s32 $0xC800;
	s2 =	simm.s32 $0x280;
	s10 =	simm.s32 $0x1;
	[tilespmem:$0x1FE60] =	vst v63  }
.LBB2_8:
0x102: {  	s15 =	rddreg [dreg:$0x8]  }
0x103: {  	s9 =	rddreg [dreg:$0x7];
	s15 =	sadd.s32 $0x1, s15  }
0x104: {  	p0 =	sne.s32 s15, s9  }
.Ltmp1:
0x105: {  	_ = 	snop;
	(pc) =	sbr.rel @!p0 .LBB2_9-.Ltmp1, $1  }
0x106: {  	_ =	sdelay $0x3  }
.LBB2_1:
0x107: {  	[dreg:$0x8] =	wrdreg s15  }
0x108: {  	s9 =	rddreg [dreg:$0x3]  }
0x109: {  	[tilespmem:s3], [sflag:$0x5] =	stream.linear.gather [hbm4b:s9+s3], $0x200, $0x38;
	[tilespmem:$0x14800] =	vst v63  }
0x10a: {  	_ =	swait.ge [sflag:s14], $0x200  }
0x10b: {  	[sflag:s14] =	ssyncset.done $0x0  }
0x10c: {  	s19 =	simm.s32 $0x400;
	s15 =	rddreg [dreg:$0x4];
	[sflag:s14] =	ssyncadd.s32 $0xFFFFFE00  }
0x10d: {  	[tilespmem:s19], [sflag:$0x5] =	stream.linear.gather [hbm4b:s15+s3], $0x200, $0x38;
	[tilespmem:$0x14800] =	vst v63  }
0x10e: {  	_ =	swait.ge [sflag:s14], $0x200  }
0x10f: {  	[sflag:s14] =	ssyncset.done $0x0  }
0x110: {  	[sflag:s14] =	ssyncadd.s32 $0xFFFFFE00  }
0x111: {  	[tilespmem:s17], [sflag:$0x1] =	stream.indirect.gather [hbm4b:s6+s16], $0x20, s3, s16, $0xb8;
	[tilespmem:$0x14800] =	vst v63  }
0x112: {  	_ = 	snop  }
0x113: {  	[tilespmem:s18], [sflag:$0x1] =	stream.indirect.gather [hbm4b:s7+s16], $0x20, s3, s16, $0xb8;
	[tilespmem:$0x14800] =	vst v63  }
0x114: {  	s22 =	simm.s32 $0x1800  }
0x115: {  	[tilespmem:s22], [sflag:$0x1] =	stream.indirect.gather [hbm4b:s6+s16], $0x20, s16, s16, $0xb8;
	[tilespmem:$0x14800] =	vst v63  }
0x116: {  	s23 =	simm.s32 $0x9800  }
0x117: {  	[tilespmem:s23], [sflag:$0x1] =	stream.indirect.gather [hbm4b:s7+s16], $0x20, s16, s16, $0xb8;
	[tilespmem:$0x14800] =	vst v63  }
0x118: {  	s26 =	simm.s32 $0x100;
	s19 =	simm.s32 $0x2800  }
0x119: {  	[tilespmem:s19], [sflag:$0x1] =	stream.indirect.gather [hbm4b:s6+s16], $0x20, s26, s16, $0xb8;
	[tilespmem:$0x14800] =	vst v63  }
0x11a: {  	s22 =	simm.s32 $0xA800  }
0x11b: {  	[tilespmem:s22], [sflag:$0x1] =	stream.indirect.gather [hbm4b:s7+s16], $0x20, s26, s16, $0xb8;
	[tilespmem:$0x14800] =	vst v63  }
0x11c: {  	s23 =	simm.s32 $0x180;
	s26 =	simm.s32 $0x3800  }
0x11d: {  	[tilespmem:s26], [sflag:$0x1] =	stream.indirect.gather [hbm4b:s6+s16], $0x20, s23, s16, $0xb8;
	[tilespmem:$0x14800] =	vst v63  }
0x11e: {  	s19 =	simm.s32 $0xB800  }
0x11f: {  	[tilespmem:s19], [sflag:$0x1] =	stream.indirect.gather [hbm4b:s7+s16], $0x20, s23, s16, $0xb8;
	[tilespmem:$0x14800] =	vst v63  }
0x120: {  	s22 =	rddreg [dreg:$0x5]  }
0x121: {  	[tilespmem:s28], [sflag:$0x4] =	stream.linear.gather [hbm4b:s22+s3], $0x200, $0x38;
	[tilespmem:$0x14800] =	vst v63  }
0x122: {  	s29 =	simm.s32 $0x0;
	s26 =	simm.s32 $0x600;
	s23 =	rddreg [dreg:$0x6]  }
0x123: {  	[tilespmem:s26], [sflag:$0x4] =	stream.linear.gather [hbm4b:s23+s3], $0x200, $0x38;
	[tilespmem:$0x14800] =	vst v63  }
.LBB2_2:
0x124: {  	_ =	swait.ge [sflag:s30], $0x200  }
0x125: {  	[sflag:s30] =	ssyncset.done $0x0  }
0x126: {  	[sflag:s30] =	ssyncadd.s32 $0xFFFFFE00  }
0x127: {  	_ =	swait.ge [sflag:s30], $0x200  }
0x128: {  	[sflag:s30] =	ssyncset.done $0x0  }
0x129: {  	[sflag:s30] =	ssyncadd.s32 $0xFFFFFE00  }
0x12a: {  	[tilespmem:s31], [sflag:$0x2] =	stream.indirect.gather [hbm4b:s6+s16], $0x20, s28, s16, $0xb8;
	[tilespmem:$0x14800] =	vst v63  }
0x12b: {  	_ = 	snop  }
0x12c: {  	[tilespmem:s0], [sflag:$0x2] =	stream.indirect.gather [hbm4b:s7+s16], $0x20, s28, s16, $0xb8;
	[tilespmem:$0x14800] =	vst v63  }
0x12d: {  	s9 =	simm.s32 $0x5800  }
0x12e: {  	[tilespmem:s9], [sflag:$0x2] =	stream.indirect.gather [hbm4b:s6+s16], $0x20, s2, s16, $0xb8;
	[tilespmem:$0x14800] =	vst v63  }
0x12f: {  	s15 =	simm.s32 $0xD800  }
0x130: {  	[tilespmem:s15], [sflag:$0x2] =	stream.indirect.gather [hbm4b:s7+s16], $0x20, s2, s16, $0xb8;
	[tilespmem:$0x14800] =	vst v63  }
0x131: {  	s19 =	simm.s32 $0x6800  }
0x132: {  	[tilespmem:s19], [sflag:$0x2] =	stream.indirect.gather [hbm4b:s6+s16], $0x20, s20, s16, $0xb8;
	[tilespmem:$0x14800] =	vst v63  }
0x133: {  	s22 =	simm.s32 $0xE800  }
0x134: {  	[tilespmem:s22], [sflag:$0x2] =	stream.indirect.gather [hbm4b:s7+s16], $0x20, s20, s16, $0xb8;
	[tilespmem:$0x14800] =	vst v63  }
0x135: {  	s23 =	simm.s32 $0x7800  }
0x136: {  	[tilespmem:s23], [sflag:$0x2] =	stream.indirect.gather [hbm4b:s6+s16], $0x20, s25, s16, $0xb8;
	[tilespmem:$0x14800] =	vst v63  }
0x137: {  	s26 =	simm.s32 $0xF800  }
0x138: {  	[tilespmem:s26], [sflag:$0x2] =	stream.indirect.gather [hbm4b:s7+s16], $0x20, s25, s16, $0xb8;
	[tilespmem:$0x14800] =	vst v63  }
0x139: {  	_ =	swait.ge [sflag:s10], $0x4000  }
0x13a: {  	[sflag:s10] =	ssyncset.done $0x0  }
0x13b: {  	[sflag:s10] =	ssyncadd.s32 $0xFFFFC000  }
0x13c: {  	_ =	swait.ge [sflag:s10], $0x4000  }
0x13d: {  	v55 =	vld [tilespmem:$0x1FB60]  }
0x13e: {  	v25 =	vld [tilespmem:$0x1FC70]  }
0x13f: {  	v43 =	vld [tilespmem:$0x1FCB0]  }
0x140: {  	v47 =	vld [tilespmem:$0x1FCD0]  }
0x141: {  	v50 =	vld [tilespmem:$0x1FCE0]  }
0x142: {  	v51 =	vld [tilespmem:$0x1FCF0]  }
0x143: {  	v14 =	vld [tilespmem:$0x1FD50]  }
0x144: {  	v38 =	vld [tilespmem:$0x1FD70]  }
0x145: {  	s15 =	simm.s32 $0x10;
	[sflag:s10] =	ssyncset.done $0x0;
	v52 =	vld [tilespmem:$0x1FDC0]  }
0x146: {  	s19 =	simm.s32 $0x410;
	s22 =	simm.s32 $0x0;
	v13 =	vld [tilespmem:$0x1FE00];
	[sflag:s10] =	ssyncadd.s32 $0xFFFFC000  }
.LBB2_3:
0x147: {  	v0 =	vld [tilespmem:$0x1FFF0];
	_ =	sdelay $0x1  }
0x148: {  	s9 =	sadd.s32 $0xFFFFFFF0, s15  }
0x149: {  	v2 =	vmov s9  }
0x14a: {  	v2 =	vshll.u32 v2, $0x5  }
0x14b: {  	v7 =	vor.u32 v0, v2  }
0x14c: {  	v44 =	vld [tilespmem:$0x1FB20];
	v6 =	vor.u32 v8, v7;
	_ =	sdelay $0x2  }
0x14d: {  	v48 =	vld [tilespmem:$0x1FB50];
	v8 =	vor.u32 v13, v7  }
0x14e: {  	v2 =	vld [tilespmem:s19+$0xFFFFFFF0]  }
0x14f: {  	v12 =	vor.u32 v44, v7;
	v11 =	vld.idx.msk [tilespmem:v6+s18+$0x0], $0xffff  }
0x150: {  	v0 =	vld [tilespmem:$0x1FFD0]  }
0x151: {  	v6 =	vld.idx.msk [tilespmem:v6+s17+$0x0], $0xffff  }
0x152: {  	v16 =	vor.u32 v14, v7;
	v17 =	vld.idx.msk [tilespmem:v8+s18+$0x0], $0xffff  }
0x153: {  	v8 =	vld.idx.msk [tilespmem:v8+s17+$0x0], $0xffff  }
0x154: {  	s23 =	sand.u32 $0xC00, s22;
	s9 =	sand.u32 $0x60, s9;
	v28 =	vld.idx.msk [tilespmem:v12+s18+$0x0], $0xffff;
	v11 =	vmul.f32 v11, v2  }
0x155: {  	s26 =	sor.u32 s9, s23;
	v27 =	vor.u32 v48, v7  }
0x156: {  	v12 =	vld.idx.msk [tilespmem:v12+s17+$0x0], $0xffff;
	v6 =	vadd.f32 v11, v6;
	v11 =	vor.u32 s26, v54  }
0x157: {  	v30 =	vor.u32 v38, v7;
	v29 =	vld.idx.msk [tilespmem:v16+s17+$0x0], $0xffff;
	v17 =	vmul.f32 v17, v2  }
0x158: {  	v35 =	vor.u32 s26, v40;
	v45 =	vor.u32 s26, v0;
	v16 =	vld.idx.msk [tilespmem:v16+s18+$0x0], $0xffff  }
0x159: {  	v0 =	vld [tilespmem:$0x1FFE0];
	v28 =	vmul.f32 v28, v2;
	v8 =	vadd.f32 v17, v8;
	v6 =	vmax.f32 v6, $-1.000000000e+00  }
0x15a: {  	v34 =	vld.idx.msk [tilespmem:v27+s17+$0x0], $0xffff;
	v6 =	vmin.f32 v6, $1.000000000e+00  }
0x15b: {  	v27 =	vld.idx.msk [tilespmem:v27+s18+$0x0], $0xffff;
	v8 =	vmax.f32 v8, $-1.000000000e+00;
	[tilespmem:v11+s21+$0x0] =	vst.idx.msk $0xffff, v6;
	v11 =	vadd.f32 v28, v12  }
0x15c: {  	v8 =	vmin.f32 v8, $1.000000000e+00;
	v6 =	vld.idx.msk [tilespmem:v30+s17+$0x0], $0xffff  }
0x15d: {  	v28 =	vld.idx.msk [tilespmem:v30+s18+$0x0], $0xffff;
	[tilespmem:v35+s21+$0x0] =	vst.idx.msk $0xffff, v8;
	v8 =	vmax.f32 v11, $-1.000000000e+00;
	v11 =	vmul.f32 v16, v2;
	_ =	sdelay $0x1  }
0x15e: {  	v11 =	vadd.f32 v11, v29;
	v29 =	vor.u32 v0, v7;
	v0 =	vld [tilespmem:$0x1FB90];
	_ =	sdelay $0x3  }
0x15f: {  	v26 =	vld [tilespmem:$0x1FFA0]  }
0x160: {  	v49 =	vor.u32 s26, v0;
	v0 =	vld [tilespmem:$0x1FBB0];
	_ =	sdelay $0x2  }
0x161: {  	v41 =	vor.u32 v55, v7  }
0x162: {  	v63 =	vld [tilespmem:$0x1FFB0]  }
0x163: {  	v12 =	vor.u32 s26, v26;
	v53 =	vor.u32 s26, v0;
	v0 =	vld [tilespmem:$0x1FE30]  }
0x164: {  	v18 =	vld [tilespmem:$0x1FDF0];
	v30 =	vor.u32 v52, v7  }
0x165: {  	v1 =	vld [tilespmem:$0x1FBA0]  }
0x166: {  	v42 =	vld.idx.msk [tilespmem:v41+s17+$0x0], $0xffff  }
0x167: {  	v17 =	vld.idx.msk [tilespmem:v41+s18+$0x0], $0xffff;
	v8 =	vmin.f32 v8, $1.000000000e+00  }
0x168: {  	v27 =	vmul.f32 v27, v2;
	[tilespmem:v12+s21+$0x0] =	vst.idx.msk $0xffff, v8;
	v55 =	vor.u32 v0, v7;
	v0 =	vld [tilespmem:$0x1FBF0]  }
0x169: {  	v8 =	vld.idx.msk [tilespmem:v30+s17+$0x0], $0xffff  }
0x16a: {  	v12 =	vadd.f32 v27, v34;
	v27 =	vor.u32 s26, v63;
	v11 =	vmax.f32 v11, $-1.000000000e+00;
	v30 =	vld.idx.msk [tilespmem:v30+s18+$0x0], $0xffff  }
0x16b: {  	v4 =	vld [tilespmem:$0x1FBE0];
	v46 =	vor.u32 v18, v7;
	v11 =	vmin.f32 v11, $1.000000000e+00  }
0x16c: {  	v3 =	vld [tilespmem:$0x1FEC0];
	[tilespmem:v45+s21+$0x0] =	vst.idx.msk $0xffff, v11;
	v11 =	vmax.f32 v12, $-1.000000000e+00;
	v12 =	vmul.f32 v28, v2  }
0x16d: {  	v17 =	vmul.f32 v17, v2;
	v57 =	vor.u32 v0, v7;
	v0 =	vld [tilespmem:$0x1FE60]  }
0x16e: {  	v28 =	vld.idx.msk [tilespmem:v29+s17+$0x0], $0xffff;
	v11 =	vmin.f32 v11, $1.000000000e+00;
	v6 =	vadd.f32 v12, v6;
	v12 =	vor.u32 v1, v7  }
0x16f: {  	v29 =	vld.idx.msk [tilespmem:v29+s18+$0x0], $0xffff;
	[tilespmem:v27+s21+$0x0] =	vst.idx.msk $0xffff, v11;
	v30 =	vmul.f32 v30, v2  }
0x170: {  	v16 =	vadd.f32 v17, v42;
	v11 =	vld.idx.msk [tilespmem:v46+s17+$0x0], $0xffff;
	v6 =	vmax.f32 v6, $-1.000000000e+00  }
0x171: {  	v27 =	vld.idx.msk [tilespmem:v46+s18+$0x0], $0xffff;
	v6 =	vmin.f32 v6, $1.000000000e+00;
	v8 =	vadd.f32 v30, v8  }
0x172: {  	v30 =	vor.u32 s26, v4;
	[tilespmem:v49+s21+$0x0] =	vst.idx.msk $0xffff, v6;
	v6 =	vmax.f32 v16, $-1.000000000e+00;
	v59 =	vor.u32 v0, v7;
	v0 =	vld [tilespmem:$0x1FEB0]  }
0x173: {  	v56 =	vld.idx.msk [tilespmem:v12+s17+$0x0], $0xffff;
	v6 =	vmin.f32 v6, $1.000000000e+00  }
0x174: {  	v29 =	vmul.f32 v29, v2;
	v12 =	vld.idx.msk [tilespmem:v12+s18+$0x0], $0xffff;
	[tilespmem:v53+s21+$0x0] =	vst.idx.msk $0xffff, v6  }
0x175: {  	v6 =	vmax.f32 v8, $-1.000000000e+00;
	v17 =	vld.idx.msk [tilespmem:v55+s17+$0x0], $0xffff  }
0x176: {  	v8 =	vadd.f32 v29, v28;
	v6 =	vmin.f32 v6, $1.000000000e+00;
	v29 =	vld.idx.msk [tilespmem:v55+s18+$0x0], $0xffff  }
0x177: {  	[tilespmem:v30+s21+$0x0] =	vst.idx.msk $0xffff, v6;
	v6 =	vsel vm0, v3, v0;
	v0 =	vld [tilespmem:$0x1FEA0]  }
0x178: {  	v3 =	vld [tilespmem:$0x1FED0];
	_ =	sdelay $0x1  }
0x179: {  	v5 =	vld [tilespmem:$0x1FC00]  }
0x17a: {  	v19 =	vld [tilespmem:$0x1FC20]  }
0x17b: {  	v9 =	vld [tilespmem:$0x1FB00];
	v8 =	vmax.f32 v8, $-1.000000000e+00  }
0x17c: {  	v30 =	vmin.f32 v8, $1.000000000e+00;
	v8 =	vsel vm0, v0, v3;
	v0 =	vld [tilespmem:$0x1FC10]  }
0x17d: {  	v10 =	vld [tilespmem:$0x1FB10]  }
0x17e: {  	v62 =	vld [tilespmem:$0x1FF40]  }
0x17f: {  	v40 =	vld [tilespmem:$0x1FC30]  }
0x180: {  	v3 =	vld [tilespmem:$0x1FD80]  }
0x181: {  	v45 =	vor.u32 v0, v7;
	v0 =	vld [tilespmem:$0x1FF10]  }
0x182: {  	v21 =	vcombine.low v9, v10;
	v9 =	vld [tilespmem:$0x1FD40]  }
0x183: {  	v10 =	vld [tilespmem:$0x1FB40]  }
0x184: {  	v28 =	vor.u32 s26, v5;
	v53 =	vld [tilespmem:$0x1FC40];
	v29 =	vmul.f32 v29, v2  }
0x185: {  	v37 =	vld.idx.msk [tilespmem:v57+s17+$0x0], $0xffff  }
0x186: {  	v17 =	vadd.f32 v29, v17;
	v29 =	vsel vm0, v3, v0;
	v0 =	vld [tilespmem:$0x1FF00]  }
0x187: {  	v3 =	vld [tilespmem:$0x1FD90]  }
0x188: {  	v35 =	vld.idx.msk [tilespmem:v57+s18+$0x0], $0xffff  }
0x189: {  	v27 =	vmul.f32 v27, v2;
	[tilespmem:v28+s21+$0x0] =	vst.idx.msk $0xffff, v30;
	v28 =	vld [tilespmem:$0x1FF20]  }
0x18a: {  	v49 =	vld [tilespmem:$0x1FF30];
	v36 =	vcombine.low v53, v40  }
0x18b: {  	v11 =	vadd.f32 v27, v11;
	v27 =	vand.u32 $0xF, v21;
	v21 =	vld [tilespmem:$0x1FF60]  }
0x18c: {  	v41 =	vor.u32 s26, v19;
	v61 =	vand.u32 $0xF, v36;
	v46 =	vsel vm0, v0, v3;
	v0 =	vld [tilespmem:$0x1FD30]  }
0x18d: {  	v12 =	vmul.f32 v12, v2;
	v36 =	vor.u32 v61, v7;
	v57 =	vld [tilespmem:$0x1FF50];
	v60 =	vcombine.low v8, v6  }
0x18e: {  	v20 =	vld.idx.msk [tilespmem:v59+s17+$0x0], $0xffff;
	v30 =	vor.u32 s26, v28  }
0x18f: {  	v11 =	vmax.f32 v11, $-1.000000000e+00;
	v12 =	vadd.f32 v12, v56;
	v34 =	vld.idx.msk [tilespmem:v59+s18+$0x0], $0xffff;
	v42 =	vor.u32 v60, v7  }
0x190: {  	v11 =	vmin.f32 v11, $1.000000000e+00;
	v59 =	vld [tilespmem:$0x1FF70]  }
0x191: {  	v12 =	vmax.f32 v12, $-1.000000000e+00;
	[tilespmem:v41+s21+$0x0] =	vst.idx.msk $0xffff, v11;
	v56 =	vcombine.low v46, v29;
	v29 =	vcombine.low v0, v9;
	v9 =	vld [tilespmem:$0x1FB30]  }
0x192: {  	v22 =	vor.u32 s26, v49;
	v11 =	vmin.f32 v12, $1.000000000e+00;
	v12 =	vld.idx.msk [tilespmem:v36+s17+$0x0], $0xffff  }
0x193: {  	v36 =	vld.idx.msk [tilespmem:v36+s18+$0x0], $0xffff;
	[tilespmem:v30+s21+$0x0] =	vst.idx.msk $0xffff, v11  }
0x194: {  	v11 =	vmax.f32 v17, $-1.000000000e+00;
	v34 =	vmul.f32 v34, v2;
	v17 =	vld.idx.msk [tilespmem:v42+s17+$0x0], $0xffff  }
0x195: {  	v23 =	vor.u32 s26, v62;
	v35 =	vmul.f32 v35, v2;
	v0 =	vld [tilespmem:$0x1FE80]  }
0x196: {  	v11 =	vmin.f32 v11, $1.000000000e+00;
	v16 =	vadd.f32 v34, v20;
	v34 =	vcombine.low v9, v10;
	v9 =	vld [tilespmem:$0x1FD60]  }
0x197: {  	v30 =	vadd.f32 v35, v37;
	v37 =	vld.idx.msk [tilespmem:v42+s18+$0x0], $0xffff;
	[tilespmem:v22+s21+$0x0] =	vst.idx.msk $0xffff, v11;
	v55 =	vor.u32 v56, v7  }
0x198: {  	v13 =	vor.u32 s26, v57;
	v41 =	vld.idx.msk [tilespmem:v45+s17+$0x0], $0xffff  }
0x199: {  	v11 =	vmax.f32 v30, $-1.000000000e+00;
	v45 =	vld.idx.msk [tilespmem:v45+s18+$0x0], $0xffff;
	v46 =	vor.u32 v27, v7  }
0x19a: {  	v36 =	vmul.f32 v36, v2;
	v11 =	vmin.f32 v11, $1.000000000e+00;
	v3 =	vld [tilespmem:$0x1FE90]  }
0x19b: {  	v22 =	vor.u32 s26, v21;
	[tilespmem:v23+s21+$0x0] =	vst.idx.msk $0xffff, v11;
	v11 =	vmax.f32 v16, $-1.000000000e+00;
	v30 =	vcombine.low v9, v0;
	v9 =	vld [tilespmem:$0x1FE70]  }
0x19c: {  	v12 =	vadd.f32 v36, v12;
	v11 =	vmin.f32 v11, $1.000000000e+00;
	v16 =	vld.idx.msk [tilespmem:v55+s17+$0x0], $0xffff  }
0x19d: {  	v42 =	vld.idx.msk [tilespmem:v55+s18+$0x0], $0xffff;
	[tilespmem:v13+s21+$0x0] =	vst.idx.msk $0xffff, v11  }
0x19e: {  	v11 =	vmax.f32 v12, $-1.000000000e+00;
	v12 =	vld.idx.msk [tilespmem:v46+s17+$0x0], $0xffff  }
0x19f: {  	v14 =	vor.u32 v29, v7;
	v46 =	vld.idx.msk [tilespmem:v46+s18+$0x0], $0xffff;
	v11 =	vmin.f32 v11, $1.000000000e+00  }
0x1a0: {  	v23 =	vmul.f32 v37, v2;
	[tilespmem:v22+s21+$0x0] =	vst.idx.msk $0xffff, v11;
	v22 =	vcombine.low v3, v9;
	v3 =	vld [tilespmem:$0x1FDA0]  }
0x1a1: {  	v9 =	vld [tilespmem:$0x1FDB0]  }
0x1a2: {  	v13 =	vadd.f32 v23, v17  }
0x1a3: {  	v55 =	vor.u32 s26, v59  }
0x1a4: {  	v45 =	vmul.f32 v45, v2;
	v11 =	vmax.f32 v13, $-1.000000000e+00;
	v13 =	vld.idx.msk [tilespmem:v14+s17+$0x0], $0xffff  }
0x1a5: {  	v0 =	vld [tilespmem:$0x1FF80]  }
0x1a6: {  	v37 =	vadd.f32 v45, v41;
	v36 =	vcombine.low v3, v9;
	v3 =	vld [tilespmem:$0x1FC50]  }
0x1a7: {  	v11 =	vmin.f32 v11, $1.000000000e+00;
	v14 =	vld.idx.msk [tilespmem:v14+s18+$0x0], $0xffff  }
0x1a8: {  	v34 =	vand.u32 $0xF, v34;
	[tilespmem:v55+s21+$0x0] =	vst.idx.msk $0xffff, v11;
	v11 =	vmax.f32 v37, $-1.000000000e+00;
	v37 =	vld [tilespmem:$0x1FF90]  }
0x1a9: {  	v15 =	vor.u32 v34, v7  }
0x1aa: {  	v9 =	vld [tilespmem:$0x1FEF0]  }
0x1ab: {  	v41 =	vor.u32 s26, v0;
	v39 =	vor.u32 s26, v3;
	v3 =	vld [tilespmem:$0x1FEE0]  }
0x1ac: {  	v42 =	vmul.f32 v42, v2;
	v45 =	vor.u32 v30, v7  }
0x1ad: {  	v10 =	vld [tilespmem:$0x1FDE0];
	v55 =	vor.u32 s26, v37;
	v35 =	vand.u32 $0xF, v22  }
0x1ae: {  	v16 =	vadd.f32 v42, v16;
	v17 =	vld.idx.msk [tilespmem:v15+s17+$0x0], $0xffff;
	v22 =	vor.u32 v35, v7  }
0x1af: {  	v11 =	vmin.f32 v11, $1.000000000e+00;
	v46 =	vmul.f32 v46, v2;
	v15 =	vld.idx.msk [tilespmem:v15+s18+$0x0], $0xffff  }
0x1b0: {  	[tilespmem:v41+s21+$0x0] =	vst.idx.msk $0xffff, v11;
	v11 =	vmax.f32 v16, $-1.000000000e+00;
	v24 =	vcombine.low v3, v9;
	v3 =	vld [tilespmem:$0x1FDD0]  }
0x1b1: {  	v12 =	vadd.f32 v46, v12;
	v16 =	vld.idx.msk [tilespmem:v45+s17+$0x0], $0xffff;
	v11 =	vmin.f32 v11, $1.000000000e+00  }
0x1b2: {  	v14 =	vmul.f32 v14, v2;
	v45 =	vld.idx.msk [tilespmem:v45+s18+$0x0], $0xffff;
	[tilespmem:v55+s21+$0x0] =	vst.idx.msk $0xffff, v11  }
0x1b3: {  	v11 =	vmax.f32 v12, $-1.000000000e+00;
	v31 =	vld.idx.msk [tilespmem:v22+s17+$0x0], $0xffff  }
0x1b4: {  	v12 =	vadd.f32 v14, v13;
	v14 =	vld.idx.msk [tilespmem:v22+s18+$0x0], $0xffff;
	v11 =	vmin.f32 v11, $1.000000000e+00  }
0x1b5: {  	[tilespmem:v39+s21+$0x0] =	vst.idx.msk $0xffff, v11;
	v11 =	vcombine.low v3, v10;
	v3 =	vld [tilespmem:$0x1FB70]  }
0x1b6: {  	v10 =	vld [tilespmem:$0x1FB80]  }
0x1b7: {  	v20 =	vld [tilespmem:$0x1FC60];
	_ =	sdelay $0x1  }
0x1b8: {  	v23 =	vor.u32 v36, v7;
	_ =	sdelay $0x1  }
0x1b9: {  	v32 =	vcombine.low v3, v10;
	v3 =	vld [tilespmem:$0x1FC80]  }
0x1ba: {  	v13 =	vor.u32 s26, v20;
	v9 =	vand.u32 $0xF, v24  }
0x1bb: {  	v42 =	vor.u32 s26, v25;
	v25 =	vld [tilespmem:$0x1FC90];
	v15 =	vmul.f32 v15, v2;
	v41 =	vor.u32 v9, v7  }
0x1bc: {  	v45 =	vmul.f32 v45, v2;
	v24 =	vld.idx.msk [tilespmem:v23+s17+$0x0], $0xffff  }
0x1bd: {  	v15 =	vadd.f32 v15, v17;
	v12 =	vmax.f32 v12, $-1.000000000e+00;
	v10 =	vld [tilespmem:$0x1FE20]  }
0x1be: {  	v12 =	vmin.f32 v12, $1.000000000e+00;
	v16 =	vadd.f32 v45, v16;
	v45 =	vor.u32 s26, v3;
	v3 =	vld [tilespmem:$0x1FE10]  }
0x1bf: {  	v23 =	vld.idx.msk [tilespmem:v23+s18+$0x0], $0xffff;
	[tilespmem:v13+s21+$0x0] =	vst.idx.msk $0xffff, v12  }
0x1c0: {  	v13 =	vmax.f32 v15, $-1.000000000e+00;
	v15 =	vld.idx.msk [tilespmem:v41+s17+$0x0], $0xffff  }
0x1c1: {  	v13 =	vmin.f32 v13, $1.000000000e+00;
	v55 =	vor.u32 v11, v7;
	v22 =	vld.idx.msk [tilespmem:v41+s18+$0x0], $0xffff  }
0x1c2: {  	[tilespmem:v42+s21+$0x0] =	vst.idx.msk $0xffff, v13;
	v42 =	vld [tilespmem:$0x1FBD0];
	v12 =	vand.u32 $0xF, v32  }
0x1c3: {  	v32 =	vor.u32 v12, v7;
	v41 =	vcombine.low v3, v10;
	v10 =	vld [tilespmem:$0x1FBC0]  }
0x1c4: {  	v14 =	vmul.f32 v14, v2  }
0x1c5: {  	v13 =	vmax.f32 v16, $-1.000000000e+00  }
0x1c6: {  	v14 =	vadd.f32 v14, v31;
	v31 =	vor.u32 s26, v25;
	v13 =	vmin.f32 v13, $1.000000000e+00;
	v33 =	vld.idx.msk [tilespmem:v55+s17+$0x0], $0xffff  }
0x1c7: {  	v39 =	vmul.f32 v23, v2;
	v46 =	vld.idx.msk [tilespmem:v55+s18+$0x0], $0xffff;
	[tilespmem:v45+s21+$0x0] =	vst.idx.msk $0xffff, v13  }
0x1c8: {  	v13 =	vmax.f32 v14, $-1.000000000e+00;
	v14 =	vld.idx.msk [tilespmem:v32+s17+$0x0], $0xffff;
	v23 =	vcombine.low v10, v42  }
0x1c9: {  	v24 =	vadd.f32 v39, v24;
	v10 =	vld [tilespmem:$0x1FCA0]  }
0x1ca: {  	v13 =	vmin.f32 v13, $1.000000000e+00;
	v42 =	vand.u32 $0xF, v23;
	v23 =	vld.idx.msk [tilespmem:v32+s18+$0x0], $0xffff  }
0x1cb: {  	[tilespmem:v31+s21+$0x0] =	vst.idx.msk $0xffff, v13;
	v13 =	vmax.f32 v24, $-1.000000000e+00;
	v24 =	vld [tilespmem:$0x1FE40]  }
0x1cc: {  	v31 =	vld [tilespmem:$0x1FE50]  }
0x1cd: {  	v55 =	vor.u32 v41, v7  }
0x1ce: {  	v40 =	vcombine.low v40, v53;
	v53 =	vmov v48;
	v39 =	vor.u32 s26, v10  }
0x1cf: {  	v48 =	vmovc v44;
	v44 =	vmovc v52;
	v52 =	vmov v51;
	v51 =	vmov v50;
	v50 =	vmov v47;
	v47 =	vld [tilespmem:$0x1FCC0]  }
0x1d0: {  	v22 =	vmul.f32 v22, v2  }
0x1d1: {  	v32 =	vor.u32 v42, v7;
	v45 =	vcombine.low v24, v31  }
0x1d2: {  	v15 =	vadd.f32 v22, v15;
	v3 =	vmovc v38;
	v13 =	vmin.f32 v13, $1.000000000e+00;
	v38 =	vld.idx.msk [tilespmem:v55+s18+$0x0], $0xffff;
	v31 =	vor.u32 s26, v43  }
0x1d3: {  	v24 =	vld.idx.msk [tilespmem:v55+s17+$0x0], $0xffff;
	v22 =	vor.u32 v45, v7;
	[tilespmem:v39+s21+$0x0] =	vst.idx.msk $0xffff, v13;
	v13 =	vmul.f32 v46, v2  }
0x1d4: {  	v55 =	vor.u32 s26, v47  }
0x1d5: {  	v15 =	vmax.f32 v15, $-1.000000000e+00;
	v13 =	vadd.f32 v13, v33  }
0x1d6: {  	v15 =	vmin.f32 v15, $1.000000000e+00;
	v39 =	vld.idx.msk [tilespmem:v32+s17+$0x0], $0xffff  }
0x1d7: {  	v6 =	vcombine.low v6, v8;
	v32 =	vld.idx.msk [tilespmem:v32+s18+$0x0], $0xffff;
	[tilespmem:v31+s21+$0x0] =	vst.idx.msk $0xffff, v15;
	v8 =	vmax.f32 v13, $-1.000000000e+00  }
0x1d8: {  	v15 =	vmul.f32 v23, v2;
	v23 =	vld.idx.msk [tilespmem:v22+s17+$0x0], $0xffff;
	v8 =	vmin.f32 v8, $1.000000000e+00  }
0x1d9: {  	v46 =	vand.u32 $0xF, v40;
	v22 =	vld.idx.msk [tilespmem:v22+s18+$0x0], $0xffff;
	[tilespmem:v55+s21+$0x0] =	vst.idx.msk $0xffff, v8;
	v8 =	vmul.f32 v38, v2  }
0x1da: {  	v33 =	vor.u32 v46, v7  }
0x1db: {  	v13 =	vor.u32 s26, v50;
	v24 =	vadd.f32 v8, v24;
	v8 =	vld [tilespmem:$0x1FFF0]  }
0x1dc: {  	v7 =	vor.u32 v6, v7;
	v14 =	vadd.f32 v15, v14;
	_ =	sdelay $0x1  }
0x1dd: {  	v40 =	vor.u32 s26, v51;
	v15 =	vmov s15;
	v14 =	vmax.f32 v14, $-1.000000000e+00  }
0x1de: {  	v15 =	vshll.u32 v15, $0x5;
	v31 =	vld.idx.msk [tilespmem:v33+s17+$0x0], $0xffff;
	v14 =	vmin.f32 v14, $1.000000000e+00  }
0x1df: {  	v58 =	vlaneseq.u32;
	v33 =	vld.idx.msk [tilespmem:v33+s18+$0x0], $0xffff;
	[tilespmem:v13+s21+$0x0] =	vst.idx.msk $0xffff, v14;
	v8 =	vor.u32 v8, v15  }
0x1e0: {  	v14 =	vld.idx.msk [tilespmem:v7+s17+$0x0], $0xffff;
	v15 =	vmax.f32 v24, $-1.000000000e+00;
	v13 =	vor.u32 v58, v8  }
0x1e1: {  	v24 =	vmul.f32 v32, v2;
	v32 =	vld.idx.msk [tilespmem:v7+s18+$0x0], $0xffff;
	v7 =	vmin.f32 v15, $1.000000000e+00  }
0x1e2: {  	v15 =	vor.u32 s26, v52;
	[tilespmem:v40+s21+$0x0] =	vst.idx.msk $0xffff, v7;
	v7 =	vld [tilespmem:$0x1FE00]  }
0x1e3: {  	v24 =	vadd.f32 v24, v39  }
0x1e4: {  	v17 =	vld [tilespmem:$0x1FD00]  }
0x1e5: {  	v24 =	vmax.f32 v24, $-1.000000000e+00;
	v39 =	vld.idx.msk [tilespmem:v13+s17+$0x0], $0xffff  }
0x1e6: {  	v24 =	vmin.f32 v24, $1.000000000e+00;
	v13 =	vld.idx.msk [tilespmem:v13+s18+$0x0], $0xffff  }
0x1e7: {  	v38 =	vor.u32 v7, v8;
	v7 =	vld [tilespmem:s19+$0x0];
	[tilespmem:v15+s21+$0x0] =	vst.idx.msk $0xffff, v24;
	v15 =	vmul.f32 v33, v2  }
0x1e8: {  	v16 =	vld [tilespmem:$0x1FD10]  }
0x1e9: {  	v22 =	vmul.f32 v22, v2;
	v15 =	vadd.f32 v15, v31;
	v31 =	vld [tilespmem:$0x1FD50]  }
0x1ea: {  	v40 =	vor.u32 s26, v17;
	v17 =	vld [tilespmem:$0x1FD20]  }
0x1eb: {  	v22 =	vadd.f32 v22, v23;
	v48 =	vor.u32 v48, v8;
	_ =	sdelay $0x1  }
0x1ec: {  	v22 =	vmax.f32 v22, $-1.000000000e+00;
	v33 =	vor.u32 s26, v16;
	v2 =	vmul.f32 v32, v2;
	v24 =	vld.idx.msk [tilespmem:v38+s17+$0x0], $0xffff  }
0x1ed: {  	v22 =	vmin.f32 v22, $1.000000000e+00;
	v38 =	vld.idx.msk [tilespmem:v38+s18+$0x0], $0xffff;
	v31 =	vor.u32 v31, v8  }
0x1ee: {  	v32 =	vor.u32 s26, v17;
	s26 =	sand.u32 $0x70, s15;
	v2 =	vadd.f32 v2, v14;
	[tilespmem:v40+s21+$0x0] =	vst.idx.msk $0xffff, v22;
	v40 =	vld [tilespmem:$0x1FFC0]  }
0x1ef: {  	s9 =	sor.u32 s23, s26;
	v14 =	vor.u32 v53, v8;
	v15 =	vmax.f32 v15, $-1.000000000e+00;
	v13 =	vmul.f32 v13, v7;
	v22 =	vld.idx.msk [tilespmem:v48+s17+$0x0], $0xffff  }
0x1f0: {  	v15 =	vmin.f32 v15, $1.000000000e+00;
	v23 =	vld.idx.msk [tilespmem:v48+s18+$0x0], $0xffff;
	v48 =	vor.u32 s9, v54  }
0x1f1: {  	v55 =	vld [tilespmem:$0x1FB60];
	v2 =	vmax.f32 v2, $-1.000000000e+00;
	[tilespmem:v33+s21+$0x0] =	vst.idx.msk $0xffff, v15;
	v13 =	vadd.f32 v13, v39  }
0x1f2: {  	v2 =	vmin.f32 v2, $1.000000000e+00;
	v15 =	vld.idx.msk [tilespmem:v31+s17+$0x0], $0xffff  }
0x1f3: {  	v13 =	vmax.f32 v13, $-1.000000000e+00;
	v31 =	vld.idx.msk [tilespmem:v31+s18+$0x0], $0xffff;
	[tilespmem:v32+s21+$0x0] =	vst.idx.msk $0xffff, v2  }
0x1f4: {  	v16 =	vor.u32 v3, v8;
	v13 =	vmin.f32 v13, $1.000000000e+00;
	v2 =	vmul.f32 v38, v7;
	v32 =	vld.idx.msk [tilespmem:v14+s17+$0x0], $0xffff  }
0x1f5: {  	v17 =	vor.u32 s9, v40;
	v14 =	vld.idx.msk [tilespmem:v14+s18+$0x0], $0xffff;
	[tilespmem:v48+s21+$0x0] =	vst.idx.msk $0xffff, v13  }
0x1f6: {  	v13 =	vmul.f32 v23, v7;
	v2 =	vadd.f32 v2, v24;
	v24 =	vor.u32 v55, v8  }
0x1f7: {  	v58 =	vld [tilespmem:$0x1FFD0];
	v33 =	vor.u32 s9, v26  }
0x1f8: {  	v26 =	vld [tilespmem:$0x1FFE0];
	v13 =	vadd.f32 v13, v22;
	v2 =	vmax.f32 v2, $-1.000000000e+00  }
0x1f9: {  	v23 =	vld.idx.msk [tilespmem:v16+s17+$0x0], $0xffff;
	v2 =	vmin.f32 v2, $1.000000000e+00  }
0x1fa: {  	v48 =	vor.u32 v44, v8;
	v39 =	vld.idx.msk [tilespmem:v16+s18+$0x0], $0xffff;
	v13 =	vmax.f32 v13, $-1.000000000e+00;
	[tilespmem:v17+s21+$0x0] =	vst.idx.msk $0xffff, v2  }
0x1fb: {  	v2 =	vmul.f32 v31, v7;
	v13 =	vmin.f32 v13, $1.000000000e+00;
	v31 =	vld.idx.msk [tilespmem:v24+s17+$0x0], $0xffff  }
0x1fc: {  	v38 =	vor.u32 s9, v58;
	v24 =	vld.idx.msk [tilespmem:v24+s18+$0x0], $0xffff;
	[tilespmem:v33+s21+$0x0] =	vst.idx.msk $0xffff, v13;
	v13 =	vmul.f32 v14, v7  }
0x1fd: {  	v33 =	vor.u32 s9, v63;
	v63 =	vld [tilespmem:$0x1FB90];
	v2 =	vadd.f32 v2, v15;
	v15 =	vor.u32 v26, v8  }
0x1fe: {  	v16 =	vor.u32 v1, v8;
	v1 =	vld [tilespmem:$0x1FBB0]  }
0x1ff: {  	v14 =	vld.idx.msk [tilespmem:v48+s17+$0x0], $0xffff;
	v13 =	vadd.f32 v13, v32;
	v2 =	vmax.f32 v2, $-1.000000000e+00  }
0x200: {  	v22 =	vld.idx.msk [tilespmem:v48+s18+$0x0], $0xffff;
	v2 =	vmin.f32 v2, $1.000000000e+00  }
0x201: {  	v58 =	vld [tilespmem:$0x1FE30];
	v48 =	vor.u32 v18, v8;
	v13 =	vmax.f32 v13, $-1.000000000e+00;
	[tilespmem:v38+s21+$0x0] =	vst.idx.msk $0xffff, v2;
	v2 =	vmul.f32 v39, v7  }
0x202: {  	v63 =	vor.u32 s9, v63;
	v13 =	vmin.f32 v13, $1.000000000e+00;
	v38 =	vld.idx.msk [tilespmem:v15+s17+$0x0], $0xffff  }
0x203: {  	v15 =	vld.idx.msk [tilespmem:v15+s18+$0x0], $0xffff;
	[tilespmem:v33+s21+$0x0] =	vst.idx.msk $0xffff, v13;
	v13 =	vmul.f32 v24, v7;
	v2 =	vadd.f32 v2, v23  }
0x204: {  	v17 =	vor.u32 s9, v1  }
0x205: {  	v18 =	vor.u32 s9, v4;
	v4 =	vld [tilespmem:$0x1FBF0];
	v13 =	vadd.f32 v13, v31;
	v2 =	vmax.f32 v2, $-1.000000000e+00  }
0x206: {  	v24 =	vld.idx.msk [tilespmem:v48+s17+$0x0], $0xffff;
	v2 =	vmin.f32 v2, $1.000000000e+00  }
0x207: {  	v32 =	vld.idx.msk [tilespmem:v48+s18+$0x0], $0xffff;
	v13 =	vmax.f32 v13, $-1.000000000e+00;
	[tilespmem:v63+s21+$0x0] =	vst.idx.msk $0xffff, v2  }
0x208: {  	v31 =	vor.u32 v58, v8;
	v2 =	vmul.f32 v22, v7;
	v13 =	vmin.f32 v13, $1.000000000e+00;
	v22 =	vld.idx.msk [tilespmem:v16+s17+$0x0], $0xffff  }
0x209: {  	v23 =	vld.idx.msk [tilespmem:v16+s18+$0x0], $0xffff;
	[tilespmem:v17+s21+$0x0] =	vst.idx.msk $0xffff, v13  }
0x20a: {  	v58 =	vld [tilespmem:$0x1FE60];
	v13 =	vmul.f32 v15, v7;
	v2 =	vadd.f32 v2, v14;
	v14 =	vor.u32 v4, v8  }
0x20b: {  	v48 =	vor.u32 s9, v5  }
0x20c: {  	v13 =	vadd.f32 v13, v38;
	v2 =	vmax.f32 v2, $-1.000000000e+00  }
0x20d: {  	v15 =	vld.idx.msk [tilespmem:v31+s17+$0x0], $0xffff;
	v2 =	vmin.f32 v2, $1.000000000e+00  }
0x20e: {  	v31 =	vld.idx.msk [tilespmem:v31+s18+$0x0], $0xffff;
	v13 =	vmax.f32 v13, $-1.000000000e+00;
	[tilespmem:v18+s21+$0x0] =	vst.idx.msk $0xffff, v2  }
0x20f: {  	v38 =	vor.u32 v58, v8;
	v2 =	vmul.f32 v32, v7;
	v13 =	vmin.f32 v13, $1.000000000e+00;
	v32 =	vld.idx.msk [tilespmem:v14+s17+$0x0], $0xffff  }
0x210: {  	v63 =	vor.u32 s9, v19;
	v14 =	vld.idx.msk [tilespmem:v14+s18+$0x0], $0xffff;
	[tilespmem:v48+s21+$0x0] =	vst.idx.msk $0xffff, v13  }
0x211: {  	v13 =	vmul.f32 v23, v7;
	v2 =	vadd.f32 v2, v24;
	v24 =	vor.u32 v61, v8  }
0x212: {  	v48 =	vor.u32 s9, v28  }
0x213: {  	v5 =	vld [tilespmem:$0x1FC10];
	v13 =	vadd.f32 v13, v22;
	v2 =	vmax.f32 v2, $-1.000000000e+00  }
0x214: {  	v23 =	vld.idx.msk [tilespmem:v38+s17+$0x0], $0xffff;
	v2 =	vmin.f32 v2, $1.000000000e+00  }
0x215: {  	v38 =	vld.idx.msk [tilespmem:v38+s18+$0x0], $0xffff;
	v13 =	vmax.f32 v13, $-1.000000000e+00;
	[tilespmem:v63+s21+$0x0] =	vst.idx.msk $0xffff, v2  }
0x216: {  	v58 =	vor.u32 v60, v8;
	v2 =	vmul.f32 v31, v7;
	v13 =	vmin.f32 v13, $1.000000000e+00;
	v31 =	vld.idx.msk [tilespmem:v24+s17+$0x0], $0xffff  }
0x217: {  	v63 =	vor.u32 s9, v49;
	v24 =	vld.idx.msk [tilespmem:v24+s18+$0x0], $0xffff;
	[tilespmem:v48+s21+$0x0] =	vst.idx.msk $0xffff, v13  }
0x218: {  	v13 =	vmul.f32 v14, v7;
	v2 =	vadd.f32 v2, v15;
	v15 =	vor.u32 v5, v8  }
0x219: {  	v18 =	vor.u32 s9, v62  }
0x21a: {  	v13 =	vadd.f32 v13, v32;
	v2 =	vmax.f32 v2, $-1.000000000e+00  }
0x21b: {  	v48 =	vor.u32 v56, v8;
	v14 =	vld.idx.msk [tilespmem:v58+s17+$0x0], $0xffff;
	v2 =	vmin.f32 v2, $1.000000000e+00  }
0x21c: {  	v22 =	vld.idx.msk [tilespmem:v58+s18+$0x0], $0xffff;
	v13 =	vmax.f32 v13, $-1.000000000e+00;
	[tilespmem:v63+s21+$0x0] =	vst.idx.msk $0xffff, v2;
	v2 =	vmul.f32 v38, v7  }
0x21d: {  	v57 =	vor.u32 s9, v57;
	v58 =	vor.u32 v27, v8;
	v13 =	vmin.f32 v13, $1.000000000e+00;
	v49 =	vld.idx.msk [tilespmem:v15+s17+$0x0], $0xffff  }
0x21e: {  	v15 =	vld.idx.msk [tilespmem:v15+s18+$0x0], $0xffff;
	[tilespmem:v18+s21+$0x0] =	vst.idx.msk $0xffff, v13;
	v13 =	vmul.f32 v24, v7;
	v2 =	vadd.f32 v2, v23  }
0x21f: {  	v62 =	vor.u32 s9, v21  }
0x220: {  	v13 =	vadd.f32 v13, v31;
	v2 =	vmax.f32 v2, $-1.000000000e+00  }
0x221: {  	v24 =	vld.idx.msk [tilespmem:v48+s17+$0x0], $0xffff;
	v2 =	vmin.f32 v2, $1.000000000e+00  }
0x222: {  	v32 =	vld.idx.msk [tilespmem:v48+s18+$0x0], $0xffff;
	v13 =	vmax.f32 v13, $-1.000000000e+00;
	[tilespmem:v57+s21+$0x0] =	vst.idx.msk $0xffff, v2  }
0x223: {  	v31 =	vor.u32 v29, v8;
	v2 =	vmul.f32 v22, v7;
	v13 =	vmin.f32 v13, $1.000000000e+00;
	v63 =	vld.idx.msk [tilespmem:v58+s17+$0x0], $0xffff  }
0x224: {  	v18 =	vor.u32 s9, v59;
	v23 =	vld.idx.msk [tilespmem:v58+s18+$0x0], $0xffff;
	[tilespmem:v62+s21+$0x0] =	vst.idx.msk $0xffff, v13  }
0x225: {  	v13 =	vmul.f32 v15, v7;
	v2 =	vadd.f32 v2, v14;
	v14 =	vor.u32 v34, v8  }
0x226: {  	v21 =	vor.u32 s9, v0  }
0x227: {  	v19 =	vld [tilespmem:$0x1FC50];
	v13 =	vadd.f32 v13, v49;
	v2 =	vmax.f32 v2, $-1.000000000e+00  }
0x228: {  	v15 =	vld.idx.msk [tilespmem:v31+s17+$0x0], $0xffff;
	v2 =	vmin.f32 v2, $1.000000000e+00  }
0x229: {  	v31 =	vld.idx.msk [tilespmem:v31+s18+$0x0], $0xffff;
	v13 =	vmax.f32 v13, $-1.000000000e+00;
	[tilespmem:v18+s21+$0x0] =	vst.idx.msk $0xffff, v2  }
0x22a: {  	v48 =	vor.u32 v30, v8;
	v2 =	vmul.f32 v32, v7;
	v13 =	vmin.f32 v13, $1.000000000e+00;
	v49 =	vld.idx.msk [tilespmem:v14+s17+$0x0], $0xffff  }
0x22b: {  	v57 =	vor.u32 s9, v37;
	v14 =	vld.idx.msk [tilespmem:v14+s18+$0x0], $0xffff;
	[tilespmem:v21+s21+$0x0] =	vst.idx.msk $0xffff, v13  }
0x22c: {  	v13 =	vmul.f32 v23, v7;
	v2 =	vadd.f32 v2, v24;
	v24 =	vor.u32 v35, v8  }
0x22d: {  	v58 =	vor.u32 s9, v19  }
0x22e: {  	v0 =	vld [tilespmem:$0x1FC70];
	v13 =	vadd.f32 v13, v63;
	v2 =	vmax.f32 v2, $-1.000000000e+00  }
0x22f: {  	v23 =	vld.idx.msk [tilespmem:v48+s17+$0x0], $0xffff;
	v2 =	vmin.f32 v2, $1.000000000e+00  }
0x230: {  	v38 =	vld.idx.msk [tilespmem:v48+s18+$0x0], $0xffff;
	v13 =	vmax.f32 v13, $-1.000000000e+00;
	[tilespmem:v57+s21+$0x0] =	vst.idx.msk $0xffff, v2  }
0x231: {  	v59 =	vor.u32 v36, v8;
	v2 =	vmul.f32 v31, v7;
	v13 =	vmin.f32 v13, $1.000000000e+00;
	v31 =	vld.idx.msk [tilespmem:v24+s17+$0x0], $0xffff  }
0x232: {  	v62 =	vor.u32 s9, v20;
	v24 =	vld.idx.msk [tilespmem:v24+s18+$0x0], $0xffff;
	[tilespmem:v58+s21+$0x0] =	vst.idx.msk $0xffff, v13  }
0x233: {  	v63 =	vld [tilespmem:$0x1FC80];
	v13 =	vmul.f32 v14, v7;
	v2 =	vadd.f32 v2, v15;
	v15 =	vor.u32 v9, v8  }
0x234: {  	v19 =	vor.u32 s9, v0  }
0x235: {  	v13 =	vadd.f32 v13, v49;
	v2 =	vmax.f32 v2, $-1.000000000e+00  }
0x236: {  	v48 =	vor.u32 v11, v8;
	v14 =	vld.idx.msk [tilespmem:v59+s17+$0x0], $0xffff;
	v2 =	vmin.f32 v2, $1.000000000e+00  }
0x237: {  	v22 =	vld.idx.msk [tilespmem:v59+s18+$0x0], $0xffff;
	v13 =	vmax.f32 v13, $-1.000000000e+00;
	[tilespmem:v62+s21+$0x0] =	vst.idx.msk $0xffff, v2;
	v2 =	vmul.f32 v38, v7  }
0x238: {  	v58 =	vor.u32 v12, v8;
	v57 =	vor.u32 s9, v63;
	v13 =	vmin.f32 v13, $1.000000000e+00;
	v49 =	vld.idx.msk [tilespmem:v15+s17+$0x0], $0xffff  }
0x239: {  	v15 =	vld.idx.msk [tilespmem:v15+s18+$0x0], $0xffff;
	[tilespmem:v19+s21+$0x0] =	vst.idx.msk $0xffff, v13;
	v13 =	vmul.f32 v24, v7;
	v2 =	vadd.f32 v2, v23  }
0x23a: {  	v59 =	vor.u32 s9, v25  }
0x23b: {  	v43 =	vld [tilespmem:$0x1FCB0];
	v13 =	vadd.f32 v13, v31;
	v2 =	vmax.f32 v2, $-1.000000000e+00  }
0x23c: {  	v24 =	vld.idx.msk [tilespmem:v48+s17+$0x0], $0xffff;
	v2 =	vmin.f32 v2, $1.000000000e+00  }
0x23d: {  	v32 =	vld.idx.msk [tilespmem:v48+s18+$0x0], $0xffff;
	v13 =	vmax.f32 v13, $-1.000000000e+00;
	[tilespmem:v57+s21+$0x0] =	vst.idx.msk $0xffff, v2  }
0x23e: {  	v31 =	vor.u32 v41, v8;
	v2 =	vmul.f32 v22, v7;
	v13 =	vmin.f32 v13, $1.000000000e+00;
	v62 =	vld.idx.msk [tilespmem:v58+s17+$0x0], $0xffff  }
0x23f: {  	v63 =	vor.u32 s9, v10;
	v23 =	vld.idx.msk [tilespmem:v58+s18+$0x0], $0xffff;
	[tilespmem:v59+s21+$0x0] =	vst.idx.msk $0xffff, v13  }
0x240: {  	v13 =	vmul.f32 v15, v7;
	v2 =	vadd.f32 v2, v14;
	v14 =	vor.u32 v42, v8  }
0x241: {  	v16 =	vor.u32 s9, v43  }
0x242: {  	v13 =	vadd.f32 v13, v49;
	v2 =	vmax.f32 v2, $-1.000000000e+00  }
0x243: {  	v15 =	vld.idx.msk [tilespmem:v31+s17+$0x0], $0xffff;
	v2 =	vmin.f32 v2, $1.000000000e+00  }
0x244: {  	v31 =	vld.idx.msk [tilespmem:v31+s18+$0x0], $0xffff;
	v13 =	vmax.f32 v13, $-1.000000000e+00;
	[tilespmem:v63+s21+$0x0] =	vst.idx.msk $0xffff, v2  }
0x245: {  	v17 =	vor.u32 v45, v8;
	v2 =	vmul.f32 v32, v7;
	v13 =	vmin.f32 v13, $1.000000000e+00;
	v18 =	vld.idx.msk [tilespmem:v14+s17+$0x0], $0xffff  }
0x246: {  	v19 =	vor.u32 s9, v47;
	v14 =	vld.idx.msk [tilespmem:v14+s18+$0x0], $0xffff;
	[tilespmem:v16+s21+$0x0] =	vst.idx.msk $0xffff, v13  }
0x247: {  	v47 =	vmovc v50;
	v13 =	vmul.f32 v23, v7;
	v2 =	vadd.f32 v2, v24;
	v24 =	vor.u32 v46, v8  }
0x248: {  	v53 =	vld [tilespmem:$0x1FD10];
	v57 =	vor.u32 s9, v47  }
0x249: {  	v10 =	vld [tilespmem:$0x1FD00];
	v8 =	vor.u32 v6, v8;
	v13 =	vadd.f32 v13, v62;
	v2 =	vmax.f32 v2, $-1.000000000e+00  }
0x24a: {  	v58 =	vld.idx.msk [tilespmem:v17+s18+$0x0], $0xffff;
	v2 =	vmin.f32 v2, $1.000000000e+00  }
0x24b: {  	v49 =	vld.idx.msk [tilespmem:v17+s17+$0x0], $0xffff;
	v13 =	vmax.f32 v13, $-1.000000000e+00;
	[tilespmem:v19+s21+$0x0] =	vst.idx.msk $0xffff, v2  }
0x24c: {  	v13 =	vmin.f32 v13, $1.000000000e+00;
	v2 =	vld.idx.msk [tilespmem:v24+s17+$0x0], $0xffff  }
0x24d: {  	v24 =	vld.idx.msk [tilespmem:v24+s18+$0x0], $0xffff;
	[tilespmem:v57+s21+$0x0] =	vst.idx.msk $0xffff, v13  }
0x24e: {  	v14 =	vmul.f32 v14, v7;
	v13 =	vmul.f32 v31, v7;
	v31 =	vld.idx.msk [tilespmem:v8+s18+$0x0], $0xffff  }
0x24f: {  	v50 =	vmov v51;
	v59 =	vld [tilespmem:$0x1FD20];
	v22 =	vmul.f32 v58, v7  }
0x250: {  	v51 =	vmovc v52;
	v8 =	vld.idx.msk [tilespmem:v8+s17+$0x0], $0xffff;
	v14 =	vadd.f32 v14, v18;
	v13 =	vadd.f32 v13, v15;
	v15 =	vor.u32 s9, v50  }
0x251: {  	v63 =	vor.u32 s9, v10;
	v62 =	vor.u32 s9, v51  }
0x252: {  	v22 =	vadd.f32 v22, v49;
	v14 =	vmax.f32 v14, $-1.000000000e+00;
	v24 =	vmul.f32 v24, v7  }
0x253: {  	v13 =	vmax.f32 v13, $-1.000000000e+00;
	v7 =	vmul.f32 v31, v7;
	v31 =	vor.u32 s9, v53  }
0x254: {  	p0 =	sne.s32 s15, $0x1F0;
	v13 =	vmin.f32 v13, $1.000000000e+00;
	v2 =	vadd.f32 v24, v2;
	v24 =	vor.u32 s9, v59  }
.Ltmp2:
0x255: {  	[tilespmem:v15+s21+$0x0] =	vst.idx.msk $0xffff, v13;
	v13 =	vmax.f32 v22, $-1.000000000e+00;
	v7 =	vadd.f32 v7, v8;
	v8 =	vmin.f32 v14, $1.000000000e+00;
	(pc) =	sbr.rel @p0 .LBB2_3-.Ltmp2, $4  }
0x256: {  	[tilespmem:v62+s21+$0x0] =	vst.idx.msk $0xffff, v8;
	v8 =	vmin.f32 v13, $1.000000000e+00;
	v2 =	vmax.f32 v2, $-1.000000000e+00  }
0x257: {  	v25 =	vld [tilespmem:$0x1FC70];
	[tilespmem:v63+s21+$0x0] =	vst.idx.msk $0xffff, v8;
	v2 =	vmin.f32 v2, $1.000000000e+00;
	v7 =	vmax.f32 v7, $-1.000000000e+00  }
0x258: {  	v14 =	vld [tilespmem:$0x1FD50];
	[tilespmem:v31+s21+$0x0] =	vst.idx.msk $0xffff, v2;
	v2 =	vmin.f32 v7, $1.000000000e+00  }
0x259: {  	s22 =	sadd.s32 $0x100, s22;
	s19 =	sadd.s32 $0x20, s19;
	s15 =	sadd.s32 $0x20, s15;
	v38 =	vmov v3;
	v52 =	vmov v44;
	v13 =	vld [tilespmem:$0x1FE00];
	v8 =	vlaneseq.u32;
	[tilespmem:v24+s21+$0x0] =	vst.idx.msk $0xffff, v2  }
0x25a: {  	s9 =	sshll.u32 s29, $0x1  }
0x25b: {  	s9 =	sadd.s32 s8, s9  }
0x25c: {  	s15 =	sshrl.u32 s9, $0x3  }
0x25d: {  	s22 =	sshll.u32 s9, $0xC;
	s19 =	sshll.u32 s15, $0xF  }
0x25e: {  	s15 =	sshll.u32 s15, $0x11;
	s19 =	ssub.s32 s22, s19  }
0x25f: {  	s15 =	sadd.s32 s15, s19  }
0x260: {  	s19 =	sshrl.u32 s15, $0x3  }
0x261: {  	s19 =	sadd.s32 s1, s19  }
0x262: {  	[hbm4b:s19+s3] =	stream.linear.scatter [tilespmem:s21], [sflag:$0x5], $0x1000, $0x38;
	[tilespmem:$0x14800] =	vst v63  }
0x263: {  	s23 =	sadd.s32 $0x8000, s15;
	_ =	swait.ge [sflag:s14], $0x1000  }
0x264: {  	s19 =	sshrl.u32 s23, $0x3;
	[sflag:s14] =	ssyncset.done $0x0  }
0x265: {  	s19 =	sadd.s32 s1, s19;
	[sflag:s14] =	ssyncadd.s32 $0xFFFFF000  }
0x266: {  	[hbm4b:s19+s3] =	stream.linear.scatter [tilespmem:s11], [sflag:$0x5], $0x1000, $0x38;
	[tilespmem:$0x14800] =	vst v63  }
0x267: {  	s26 =	sadd.s32 $0x10000, s15;
	_ =	swait.ge [sflag:s14], $0x1000  }
0x268: {  	s19 =	sshrl.u32 s26, $0x3;
	[sflag:s14] =	ssyncset.done $0x0  }
0x269: {  	s19 =	sadd.s32 s1, s19;
	[sflag:s14] =	ssyncadd.s32 $0xFFFFF000  }
0x26a: {  	[hbm4b:s19+s3] =	stream.linear.scatter [tilespmem:s12], [sflag:$0x5], $0x1000, $0x38;
	[tilespmem:$0x14800] =	vst v63  }
0x26b: {  	s15 =	sadd.s32 $0x18000, s15;
	_ =	swait.ge [sflag:s14], $0x1000  }
0x26c: {  	s15 =	sshrl.u32 s15, $0x3;
	[sflag:s14] =	ssyncset.done $0x0  }
0x26d: {  	p0 =	seq.s32 s29, $0x18;
	s15 =	sadd.s32 s1, s15;
	[sflag:s14] =	ssyncadd.s32 $0xFFFFF000  }
0x26e: {  	[hbm4b:s15+s3] =	stream.linear.scatter [tilespmem:s13], [sflag:$0x5], $0x1000, $0x38;
	[tilespmem:$0x14800] =	vst v63  }
0x26f: {  	s9 =	sshll.u32 @!p0 s9, $0x6;
	_ =	swait.ge [sflag:s14], $0x1000  }
0x270: {  	s9 =	sadd.s32 @!p0 $0x80, s9;
	[sflag:s14] =	ssyncset.done $0x0  }
0x271: {  	s19 =	simm.s32 @!p0 $0x0;
	s15 =	sadd.s32 @!p0 s4, s9;
	[sflag:s14] =	ssyncadd.s32 $0xFFFFF000  }
0x272: {  	[tilespmem:s19], [sflag:$0x3] =	stream.linear.gather @!p0 [hbm4b:s15+s19], $0x200, $0x38;
	[tilespmem:$0x14800] =	vst v63  }
0x273: {  	s9 =	sadd.s32 @!p0 s5, s9;
	s15 =	simm.s32 @!p0 $0x400  }
0x274: {  	[tilespmem:s15], [sflag:$0x3] =	stream.linear.gather @!p0 [hbm4b:s9+s19], $0x200, $0x38;
	[tilespmem:$0x14800] =	vst v63  }
0x275: {  	s9 =	simm.s32 @!p0 $0x3  }
0x276: {  	_ =	swait.ge @!p0 [sflag:s9], $0x200  }
0x277: {  	[sflag:s9] =	ssyncset.done @!p0 $0x0  }
0x278: {  	[sflag:s9] =	ssyncadd.s32 @!p0 $0xFFFFFE00  }
0x279: {  	_ =	swait.ge @!p0 [sflag:s9], $0x200  }
0x27a: {  	[sflag:s9] =	ssyncset.done @!p0 $0x0  }
0x27b: {  	s15 =	simm.s32 @!p0 $0x800;
	[sflag:s9] =	ssyncadd.s32 @!p0 $0xFFFFFE00;
	s9 =	simm.s32 @!p0 $0x80  }
0x27c: {  	[tilespmem:s15], [sflag:$0x1] =	stream.indirect.gather @!p0 [hbm4b:s6+s9], $0x20, s19, s9, $0xb8;
	[tilespmem:$0x14800] =	vst v63  }
0x27d: {  	s15 =	simm.s32 @!p0 $0x8800  }
0x27e: {  	[tilespmem:s15], [sflag:$0x1] =	stream.indirect.gather @!p0 [hbm4b:s7+s9], $0x20, s19, s9, $0xb8;
	[tilespmem:$0x14800] =	vst v63  }
0x27f: {  	s15 =	simm.s32 @!p0 $0x1800  }
0x280: {  	[tilespmem:s15], [sflag:$0x1] =	stream.indirect.gather @!p0 [hbm4b:s6+s9], $0x20, s9, s9, $0xb8;
	[tilespmem:$0x14800] =	vst v63  }
0x281: {  	s15 =	simm.s32 @!p0 $0x9800  }
0x282: {  	[tilespmem:s15], [sflag:$0x1] =	stream.indirect.gather @!p0 [hbm4b:s7+s9], $0x20, s9, s9, $0xb8;
	[tilespmem:$0x14800] =	vst v63  }
0x283: {  	s19 =	simm.s32 @!p0 $0x2800;
	s15 =	simm.s32 @!p0 $0x100  }
0x284: {  	[tilespmem:s19], [sflag:$0x1] =	stream.indirect.gather @!p0 [hbm4b:s6+s9], $0x20, s15, s9, $0xb8;
	[tilespmem:$0x14800] =	vst v63  }
0x285: {  	s19 =	simm.s32 @!p0 $0xA800  }
0x286: {  	[tilespmem:s19], [sflag:$0x1] =	stream.indirect.gather @!p0 [hbm4b:s7+s9], $0x20, s15, s9, $0xb8;
	[tilespmem:$0x14800] =	vst v63  }
0x287: {  	s15 =	simm.s32 @!p0 $0x180;
	s19 =	simm.s32 @!p0 $0x3800  }
0x288: {  	[tilespmem:s19], [sflag:$0x1] =	stream.indirect.gather @!p0 [hbm4b:s6+s9], $0x20, s15, s9, $0xb8;
	[tilespmem:$0x14800] =	vst v63  }
0x289: {  	s19 =	simm.s32 @!p0 $0xB800  }
0x28a: {  	[tilespmem:s19], [sflag:$0x1] =	stream.indirect.gather @!p0 [hbm4b:s7+s9], $0x20, s15, s9, $0xb8;
	[tilespmem:$0x14800] =	vst v63  }
0x28b: {  	_ =	swait.ge [sflag:s24], $0x4000  }
0x28c: {  	[sflag:s24] =	ssyncset.done $0x0  }
0x28d: {  	[sflag:s24] =	ssyncadd.s32 $0xFFFFC000  }
0x28e: {  	_ =	swait.ge [sflag:s24], $0x4000  }
0x28f: {  	s22 =	simm.s32 $0x610;
	s23 =	simm.s32 $0x0;
	[sflag:s24] =	ssyncset.done $0x0  }
0x290: {  	v28 =	vmov v60;
	s15 =	sshllo.u32 s29, $0x1;
	s19 =	simm.s32 $0x10;
	[sflag:s24] =	ssyncadd.s32 $0xFFFFC000  }
.LBB2_5:
0x291: {  	v0 =	vld [tilespmem:$0x1FFF0];
	_ =	sdelay $0x1  }
0x292: {  	s9 =	sadd.s32 $0xFFFFFFF0, s19;
	v1 =	vld [tilespmem:$0x1FE00]  }
0x293: {  	v53 =	vld [tilespmem:$0x1FB20];
	v2 =	vmov s9  }
0x294: {  	v52 =	vld [tilespmem:$0x1FB50];
	v2 =	vshll.u32 v2, $0x5  }
0x295: {  	v58 =	vlaneseq.u32;
	v59 =	vld [tilespmem:$0x1FB60];
	v7 =	vor.u32 v0, v2  }
0x296: {  	v26 =	vld [tilespmem:$0x1FFA0];
	v8 =	vor.u32 v58, v7  }
0x297: {  	v63 =	vld [tilespmem:$0x1FFB0]  }
0x298: {  	v4 =	vld [tilespmem:$0x1FBB0];
	v13 =	vor.u32 v1, v7  }
0x299: {  	v0 =	vld [tilespmem:$0x1FD50]  }
0x29a: {  	v2 =	vld [tilespmem:s22+$0xFFFFFFF0]  }
0x29b: {  	v15 =	vor.u32 v53, v7;
	v14 =	vld.idx.msk [tilespmem:v8+s0+$0x0], $0xffff  }
0x29c: {  	v8 =	vld.idx.msk [tilespmem:v8+s31+$0x0], $0xffff  }
0x29d: {  	v24 =	vor.u32 v52, v7;
	v23 =	vld.idx.msk [tilespmem:v13+s0+$0x0], $0xffff  }
0x29e: {  	v1 =	vld [tilespmem:$0x1FFD0];
	v22 =	vor.u32 v0, v7  }
0x29f: {  	s26 =	sand.u32 $0xC00, s23;
	s9 =	sand.u32 $0x60, s9;
	v13 =	vld.idx.msk [tilespmem:v13+s31+$0x0], $0xffff  }
0x2a0: {  	s9 =	sor.u32 s9, s26;
	v31 =	vld.idx.msk [tilespmem:v15+s31+$0x0], $0xffff;
	v14 =	vmul.f32 v14, v2  }
0x2a1: {  	v32 =	vor.u32 s9, v54;
	v15 =	vld.idx.msk [tilespmem:v15+s0+$0x0], $0xffff  }
0x2a2: {  	v43 =	vld.idx.msk [tilespmem:v24+s31+$0x0], $0xffff;
	v23 =	vmul.f32 v23, v2;
	v8 =	vadd.f32 v14, v8;
	v14 =	vor.u32 v38, v7  }
0x2a3: {  	v39 =	vor.u32 s9, v40;
	v33 =	vld.idx.msk [tilespmem:v22+s31+$0x0], $0xffff  }
0x2a4: {  	v22 =	vld.idx.msk [tilespmem:v22+s0+$0x0], $0xffff;
	v13 =	vadd.f32 v23, v13;
	v8 =	vmax.f32 v8, $-1.000000000e+00  }
0x2a5: {  	v55 =	vor.u32 s9, v1;
	v1 =	vld [tilespmem:$0x1FFE0];
	v8 =	vmin.f32 v8, $1.000000000e+00  }
0x2a6: {  	v48 =	vor.u32 v59, v7;
	v24 =	vld.idx.msk [tilespmem:v24+s0+$0x0], $0xffff;
	v13 =	vmax.f32 v13, $-1.000000000e+00;
	[tilespmem:v32+s21+$0x0] =	vst.idx.msk $0xffff, v8  }
0x2a7: {  	v13 =	vmin.f32 v13, $1.000000000e+00;
	v8 =	vmul.f32 v15, v2;
	v15 =	vld.idx.msk [tilespmem:v14+s31+$0x0], $0xffff  }
0x2a8: {  	v49 =	vor.u32 s9, v26;
	v14 =	vld.idx.msk [tilespmem:v14+s0+$0x0], $0xffff;
	[tilespmem:v39+s21+$0x0] =	vst.idx.msk $0xffff, v13  }
0x2a9: {  	v18 =	vld [tilespmem:$0x1FDF0];
	v13 =	vmul.f32 v22, v2;
	v8 =	vadd.f32 v8, v31;
	v31 =	vor.u32 v44, v7  }
0x2aa: {  	v57 =	vor.u32 v1, v7;
	v1 =	vld [tilespmem:$0x1FB90]  }
0x2ab: {  	v22 =	vld.idx.msk [tilespmem:v48+s31+$0x0], $0xffff;
	v13 =	vadd.f32 v13, v33;
	v8 =	vmax.f32 v8, $-1.000000000e+00  }
0x2ac: {  	v23 =	vld.idx.msk [tilespmem:v48+s0+$0x0], $0xffff;
	v8 =	vmin.f32 v8, $1.000000000e+00  }
0x2ad: {  	v13 =	vmax.f32 v13, $-1.000000000e+00;
	[tilespmem:v49+s21+$0x0] =	vst.idx.msk $0xffff, v8;
	v49 =	vor.u32 s9, v4;
	v4 =	vld [tilespmem:$0x1FE30]  }
0x2ae: {  	v8 =	vmul.f32 v24, v2;
	v13 =	vmin.f32 v13, $1.000000000e+00;
	v24 =	vld.idx.msk [tilespmem:v31+s31+$0x0], $0xffff  }
0x2af: {  	v21 =	vor.u32 s9, v63;
	v48 =	vor.u32 s9, v1;
	v31 =	vld.idx.msk [tilespmem:v31+s0+$0x0], $0xffff;
	[tilespmem:v55+s21+$0x0] =	vst.idx.msk $0xffff, v13  }
0x2b0: {  	v1 =	vld [tilespmem:$0x1FBA0];
	v13 =	vmul.f32 v14, v2;
	v8 =	vadd.f32 v8, v43;
	v43 =	vor.u32 v18, v7  }
0x2b1: {  	v5 =	vld [tilespmem:$0x1FBF0]  }
0x2b2: {  	v14 =	vld.idx.msk [tilespmem:v57+s31+$0x0], $0xffff;
	v13 =	vadd.f32 v13, v15;
	v8 =	vmax.f32 v8, $-1.000000000e+00  }
0x2b3: {  	v33 =	vld.idx.msk [tilespmem:v57+s0+$0x0], $0xffff;
	v8 =	vmin.f32 v8, $1.000000000e+00  }
0x2b4: {  	v13 =	vmax.f32 v13, $-1.000000000e+00;
	v55 =	vor.u32 v4, v7;
	v4 =	vld [tilespmem:$0x1FBE0];
	[tilespmem:v21+s21+$0x0] =	vst.idx.msk $0xffff, v8  }
0x2b5: {  	v15 =	vor.u32 v1, v7;
	v8 =	vmul.f32 v23, v2;
	v13 =	vmin.f32 v13, $1.000000000e+00;
	v23 =	vld.idx.msk [tilespmem:v43+s31+$0x0], $0xffff  }
0x2b6: {  	v38 =	vld.idx.msk [tilespmem:v43+s0+$0x0], $0xffff;
	[tilespmem:v48+s21+$0x0] =	vst.idx.msk $0xffff, v13;
	v13 =	vmul.f32 v31, v2  }
0x2b7: {  	v19 =	vmov v61;
	v61 =	vld [tilespmem:$0x1FE60];
	v8 =	vadd.f32 v8, v22  }
0x2b8: {  	v13 =	vadd.f32 v13, v24;
	v24 =	vor.u32 v5, v7;
	v5 =	vld [tilespmem:$0x1FC00]  }
0x2b9: {  	v60 =	vld [tilespmem:$0x1FC20];
	v8 =	vmax.f32 v8, $-1.000000000e+00;
	v57 =	vor.u32 s9, v4  }
0x2ba: {  	v31 =	vld.idx.msk [tilespmem:v15+s31+$0x0], $0xffff;
	v8 =	vmin.f32 v8, $1.000000000e+00  }
0x2bb: {  	v15 =	vld.idx.msk [tilespmem:v15+s0+$0x0], $0xffff;
	[tilespmem:v49+s21+$0x0] =	vst.idx.msk $0xffff, v8  }
0x2bc: {  	v13 =	vmax.f32 v13, $-1.000000000e+00;
	v8 =	vmul.f32 v33, v2;
	v32 =	vld.idx.msk [tilespmem:v55+s31+$0x0], $0xffff  }
0x2bd: {  	v13 =	vmin.f32 v13, $1.000000000e+00;
	v22 =	vld.idx.msk [tilespmem:v55+s0+$0x0], $0xffff;
	v43 =	vor.u32 s9, v5  }
0x2be: {  	v8 =	vadd.f32 v8, v14;
	[tilespmem:v57+s21+$0x0] =	vst.idx.msk $0xffff, v13;
	v57 =	vld [tilespmem:$0x1FF20]  }
0x2bf: {  	v62 =	vld [tilespmem:$0x1FF30];
	v14 =	vor.u32 v61, v7;
	v13 =	vmul.f32 v38, v2  }
0x2c0: {  	v10 =	vld [tilespmem:$0x1FC10];
	v49 =	vor.u32 s9, v60;
	v8 =	vmax.f32 v8, $-1.000000000e+00  }
0x2c1: {  	v48 =	vld.idx.msk [tilespmem:v24+s31+$0x0], $0xffff;
	v8 =	vmin.f32 v8, $1.000000000e+00;
	v13 =	vadd.f32 v13, v23  }
0x2c2: {  	v55 =	vor.u32 v19, v7;
	v24 =	vld.idx.msk [tilespmem:v24+s0+$0x0], $0xffff;
	[tilespmem:v43+s21+$0x0] =	vst.idx.msk $0xffff, v8;
	v8 =	vmul.f32 v15, v2  }
0x2c3: {  	v37 =	vld [tilespmem:$0x1FF40];
	v13 =	vmax.f32 v13, $-1.000000000e+00;
	v16 =	vor.u32 s9, v57  }
0x2c4: {  	v15 =	vld.idx.msk [tilespmem:v14+s31+$0x0], $0xffff;
	v13 =	vmin.f32 v13, $1.000000000e+00;
	v8 =	vadd.f32 v8, v31  }
0x2c5: {  	v14 =	vld.idx.msk [tilespmem:v14+s0+$0x0], $0xffff;
	v31 =	vor.u32 v28, v7;
	[tilespmem:v49+s21+$0x0] =	vst.idx.msk $0xffff, v13;
	v13 =	vmul.f32 v22, v2  }
0x2c6: {  	v17 =	vor.u32 s9, v62;
	v49 =	vld [tilespmem:$0x1FF50];
	v8 =	vmax.f32 v8, $-1.000000000e+00  }
0x2c7: {  	v22 =	vld.idx.msk [tilespmem:v55+s31+$0x0], $0xffff;
	v13 =	vadd.f32 v13, v32;
	v8 =	vmin.f32 v8, $1.000000000e+00  }
0x2c8: {  	v20 =	vor.u32 v10, v7;
	v23 =	vld.idx.msk [tilespmem:v55+s0+$0x0], $0xffff;
	[tilespmem:v16+s21+$0x0] =	vst.idx.msk $0xffff, v8;
	v8 =	vmul.f32 v24, v2  }
0x2c9: {  	v21 =	vor.u32 s9, v37;
	v13 =	vmax.f32 v13, $-1.000000000e+00  }
0x2ca: {  	v43 =	vor.u32 v56, v7;
	v24 =	vld.idx.msk [tilespmem:v31+s31+$0x0], $0xffff;
	v13 =	vmin.f32 v13, $1.000000000e+00;
	v8 =	vadd.f32 v8, v48  }
0x2cb: {  	v31 =	vld.idx.msk [tilespmem:v31+s0+$0x0], $0xffff;
	[tilespmem:v17+s21+$0x0] =	vst.idx.msk $0xffff, v13;
	v13 =	vmul.f32 v14, v2  }
0x2cc: {  	v55 =	vld [tilespmem:$0x1FF60];
	v48 =	vor.u32 s9, v49;
	v8 =	vmax.f32 v8, $-1.000000000e+00  }
0x2cd: {  	v14 =	vld.idx.msk [tilespmem:v20+s31+$0x0], $0xffff;
	v13 =	vadd.f32 v13, v15;
	v8 =	vmin.f32 v8, $1.000000000e+00  }
0x2ce: {  	v32 =	vld.idx.msk [tilespmem:v20+s0+$0x0], $0xffff;
	[tilespmem:v21+s21+$0x0] =	vst.idx.msk $0xffff, v8  }
0x2cf: {  	v8 =	vmul.f32 v23, v2;
	v13 =	vmax.f32 v13, $-1.000000000e+00;
	v23 =	vld.idx.msk [tilespmem:v43+s31+$0x0], $0xffff  }
0x2d0: {  	v38 =	vld.idx.msk [tilespmem:v43+s0+$0x0], $0xffff;
	v13 =	vmin.f32 v13, $1.000000000e+00  }
0x2d1: {  	[tilespmem:v48+s21+$0x0] =	vst.idx.msk $0xffff, v13;
	v48 =	vld [tilespmem:$0x1FF70]  }
0x2d2: {  	v15 =	vor.u32 v27, v7  }
0x2d3: {  	v33 =	vor.u32 s9, v55  }
0x2d4: {  	v16 =	vmov v12;
	v12 =	vmov v11;
	v11 =	vld [tilespmem:$0x1FF80];
	v8 =	vadd.f32 v8, v22  }
0x2d5: {  	v22 =	vor.u32 v29, v7;
	v13 =	vmul.f32 v31, v2  }
0x2d6: {  	v17 =	vld [tilespmem:$0x1FF90];
	v8 =	vmax.f32 v8, $-1.000000000e+00;
	v43 =	vor.u32 s9, v48  }
0x2d7: {  	v31 =	vld.idx.msk [tilespmem:v15+s31+$0x0], $0xffff;
	v13 =	vadd.f32 v13, v24;
	v8 =	vmin.f32 v8, $1.000000000e+00  }
0x2d8: {  	v15 =	vld.idx.msk [tilespmem:v15+s0+$0x0], $0xffff;
	v24 =	vor.u32 v34, v7;
	[tilespmem:v33+s21+$0x0] =	vst.idx.msk $0xffff, v8;
	v8 =	vmul.f32 v32, v2  }
0x2d9: {  	v10 =	vld [tilespmem:$0x1FC50];
	v13 =	vmax.f32 v13, $-1.000000000e+00;
	v33 =	vor.u32 s9, v11  }
0x2da: {  	v32 =	vld.idx.msk [tilespmem:v22+s31+$0x0], $0xffff;
	v13 =	vmin.f32 v13, $1.000000000e+00;
	v8 =	vadd.f32 v8, v14  }
0x2db: {  	v22 =	vld.idx.msk [tilespmem:v22+s0+$0x0], $0xffff;
	v14 =	vor.u32 v30, v7;
	[tilespmem:v43+s21+$0x0] =	vst.idx.msk $0xffff, v13;
	v13 =	vmul.f32 v38, v2  }
0x2dc: {  	v20 =	vld [tilespmem:$0x1FC60];
	v8 =	vmax.f32 v8, $-1.000000000e+00;
	v43 =	vor.u32 s9, v17  }
0x2dd: {  	v8 =	vmin.f32 v8, $1.000000000e+00;
	v38 =	vld.idx.msk [tilespmem:v24+s31+$0x0], $0xffff;
	v13 =	vadd.f32 v13, v23  }
0x2de: {  	v24 =	vld.idx.msk [tilespmem:v24+s0+$0x0], $0xffff;
	[tilespmem:v33+s21+$0x0] =	vst.idx.msk $0xffff, v8;
	v8 =	vmul.f32 v15, v2;
	v23 =	vor.u32 v35, v7  }
0x2df: {  	v33 =	vor.u32 s9, v10;
	v13 =	vmax.f32 v13, $-1.000000000e+00  }
0x2e0: {  	v15 =	vld.idx.msk [tilespmem:v14+s31+$0x0], $0xffff;
	v8 =	vadd.f32 v8, v31;
	v13 =	vmin.f32 v13, $1.000000000e+00  }
0x2e1: {  	v14 =	vld.idx.msk [tilespmem:v14+s0+$0x0], $0xffff;
	v31 =	vor.u32 v36, v7;
	[tilespmem:v43+s21+$0x0] =	vst.idx.msk $0xffff, v13;
	v13 =	vmul.f32 v22, v2  }
0x2e2: {  	v0 =	vld [tilespmem:$0x1FC80];
	v8 =	vmax.f32 v8, $-1.000000000e+00;
	v43 =	vor.u32 s9, v20  }
0x2e3: {  	v8 =	vmin.f32 v8, $1.000000000e+00;
	v22 =	vld.idx.msk [tilespmem:v23+s31+$0x0], $0xffff;
	v13 =	vadd.f32 v13, v32  }
0x2e4: {  	v23 =	vld.idx.msk [tilespmem:v23+s0+$0x0], $0xffff;
	[tilespmem:v33+s21+$0x0] =	vst.idx.msk $0xffff, v8;
	v8 =	vmul.f32 v24, v2;
	v32 =	vor.u32 v9, v7  }
0x2e5: {  	v21 =	vor.u32 s9, v25;
	v13 =	vmax.f32 v13, $-1.000000000e+00  }
0x2e6: {  	v24 =	vld.idx.msk [tilespmem:v31+s31+$0x0], $0xffff;
	v8 =	vadd.f32 v8, v38;
	v38 =	vor.u32 v12, v7;
	v13 =	vmin.f32 v13, $1.000000000e+00  }
0x2e7: {  	v31 =	vld.idx.msk [tilespmem:v31+s0+$0x0], $0xffff;
	[tilespmem:v43+s21+$0x0] =	vst.idx.msk $0xffff, v13;
	v13 =	vmul.f32 v14, v2  }
0x2e8: {  	v25 =	vld [tilespmem:$0x1FC90];
	v8 =	vmax.f32 v8, $-1.000000000e+00;
	v43 =	vor.u32 s9, v0  }
0x2e9: {  	v8 =	vmin.f32 v8, $1.000000000e+00;
	v14 =	vld.idx.msk [tilespmem:v32+s31+$0x0], $0xffff;
	v13 =	vadd.f32 v13, v15  }
0x2ea: {  	v32 =	vld.idx.msk [tilespmem:v32+s0+$0x0], $0xffff;
	[tilespmem:v21+s21+$0x0] =	vst.idx.msk $0xffff, v8  }
0x2eb: {  	v8 =	vmul.f32 v23, v2;
	v23 =	vld.idx.msk [tilespmem:v38+s31+$0x0], $0xffff;
	v13 =	vmax.f32 v13, $-1.000000000e+00  }
0x2ec: {  	v15 =	vor.u32 v16, v7;
	v38 =	vld.idx.msk [tilespmem:v38+s0+$0x0], $0xffff;
	v13 =	vmin.f32 v13, $1.000000000e+00  }
0x2ed: {  	[tilespmem:v43+s21+$0x0] =	vst.idx.msk $0xffff, v13;
	v43 =	vld [tilespmem:$0x1FCA0]  }
0x2ee: {  	v10 =	vld [tilespmem:$0x1FCB0];
	v33 =	vor.u32 s9, v25  }
0x2ef: {  	v8 =	vadd.f32 v8, v22;
	_ =	sdelay $0x1  }
0x2f0: {  	v22 =	vor.u32 v41, v7;
	v8 =	vmax.f32 v8, $-1.000000000e+00;
	v13 =	vmul.f32 v31, v2;
	v31 =	vld.idx.msk [tilespmem:v15+s31+$0x0], $0xffff  }
0x2f1: {  	v8 =	vmin.f32 v8, $1.000000000e+00;
	v15 =	vld.idx.msk [tilespmem:v15+s0+$0x0], $0xffff;
	v39 =	vor.u32 s9, v43  }
0x2f2: {  	[tilespmem:v33+s21+$0x0] =	vst.idx.msk $0xffff, v8;
	v33 =	vor.u32 s9, v10;
	v10 =	vld [tilespmem:$0x1FCC0];
	v13 =	vadd.f32 v13, v24  }
0x2f3: {  	v8 =	vmul.f32 v32, v2;
	v24 =	vor.u32 v42, v7  }
0x2f4: {  	v13 =	vmax.f32 v13, $-1.000000000e+00  }
0x2f5: {  	v32 =	vld.idx.msk [tilespmem:v22+s31+$0x0], $0xffff;
	v8 =	vadd.f32 v8, v14;
	v13 =	vmin.f32 v13, $1.000000000e+00  }
0x2f6: {  	v22 =	vld.idx.msk [tilespmem:v22+s0+$0x0], $0xffff;
	v14 =	vor.u32 v45, v7;
	[tilespmem:v39+s21+$0x0] =	vst.idx.msk $0xffff, v13;
	v13 =	vmul.f32 v38, v2  }
0x2f7: {  	v8 =	vmax.f32 v8, $-1.000000000e+00;
	v39 =	vor.u32 s9, v10  }
0x2f8: {  	v8 =	vmin.f32 v8, $1.000000000e+00;
	v38 =	vld.idx.msk [tilespmem:v24+s31+$0x0], $0xffff;
	v13 =	vadd.f32 v13, v23;
	v23 =	vor.u32 v46, v7  }
0x2f9: {  	v24 =	vld.idx.msk [tilespmem:v24+s0+$0x0], $0xffff;
	[tilespmem:v33+s21+$0x0] =	vst.idx.msk $0xffff, v8;
	v8 =	vmul.f32 v15, v2  }
0x2fa: {  	v0 =	vld [tilespmem:$0x1FFF0];
	v33 =	vor.u32 s9, v47;
	v13 =	vmax.f32 v13, $-1.000000000e+00  }
0x2fb: {  	v15 =	vld.idx.msk [tilespmem:v14+s31+$0x0], $0xffff;
	v7 =	vor.u32 v6, v7;
	v8 =	vadd.f32 v8, v31;
	v13 =	vmin.f32 v13, $1.000000000e+00  }
0x2fc: {  	v14 =	vld.idx.msk [tilespmem:v14+s0+$0x0], $0xffff;
	[tilespmem:v39+s21+$0x0] =	vst.idx.msk $0xffff, v13;
	v13 =	vmul.f32 v22, v2  }
0x2fd: {  	v8 =	vmax.f32 v8, $-1.000000000e+00;
	v22 =	vmov s19;
	v39 =	vor.u32 s9, v50;
	v31 =	vld.idx.msk [tilespmem:v23+s31+$0x0], $0xffff  }
0x2fe: {  	v21 =	vmin.f32 v8, $1.000000000e+00;
	v22 =	vshll.u32 v22, $0x5;
	v23 =	vld.idx.msk [tilespmem:v23+s0+$0x0], $0xffff;
	v13 =	vadd.f32 v13, v32  }
0x2ff: {  	[tilespmem:v33+s21+$0x0] =	vst.idx.msk $0xffff, v21;
	v21 =	vld [tilespmem:$0x1FD00];
	v8 =	vor.u32 v0, v22  }
0x300: {  	v32 =	vld.idx.msk [tilespmem:v7+s31+$0x0], $0xffff;
	v22 =	vor.u32 v58, v8;
	v13 =	vmax.f32 v13, $-1.000000000e+00  }
0x301: {  	v24 =	vmul.f32 v24, v2;
	v33 =	vld.idx.msk [tilespmem:v7+s0+$0x0], $0xffff;
	v7 =	vmin.f32 v13, $1.000000000e+00  }
0x302: {  	v14 =	vmul.f32 v14, v2;
	v13 =	vor.u32 s9, v51;
	[tilespmem:v39+s21+$0x0] =	vst.idx.msk $0xffff, v7;
	v7 =	vld [tilespmem:$0x1FE00]  }
0x303: {  	v24 =	vadd.f32 v24, v38;
	v0 =	vld [tilespmem:$0x1FD50]  }
0x304: {  	v14 =	vadd.f32 v14, v15;
	v15 =	vor.u32 v53, v8;
	v53 =	vld [tilespmem:$0x1FD10]  }
0x305: {  	v24 =	vmax.f32 v24, $-1.000000000e+00;
	v39 =	vld.idx.msk [tilespmem:v22+s31+$0x0], $0xffff  }
0x306: {  	v24 =	vmin.f32 v24, $1.000000000e+00;
	v22 =	vld.idx.msk [tilespmem:v22+s0+$0x0], $0xffff  }
0x307: {  	v38 =	vor.u32 v7, v8;
	v7 =	vld [tilespmem:s22+$0x0];
	[tilespmem:v13+s21+$0x0] =	vst.idx.msk $0xffff, v24;
	v13 =	vmul.f32 v23, v2;
	_ =	sdelay $0x1  }
0x308: {  	v40 =	vor.u32 s9, v21;
	v13 =	vadd.f32 v13, v31;
	v31 =	vor.u32 v0, v8;
	v0 =	vld [tilespmem:$0x1FD20];
	_ =	sdelay $0x1  }
0x309: {  	v24 =	vor.u32 s9, v53  }
0x30a: {  	v14 =	vmax.f32 v14, $-1.000000000e+00;
	v23 =	vld.idx.msk [tilespmem:v38+s31+$0x0], $0xffff  }
0x30b: {  	v14 =	vmin.f32 v14, $1.000000000e+00;
	v2 =	vmul.f32 v33, v2;
	v38 =	vld.idx.msk [tilespmem:v38+s0+$0x0], $0xffff  }
0x30c: {  	v13 =	vmax.f32 v13, $-1.000000000e+00;
	[tilespmem:v40+s21+$0x0] =	vst.idx.msk $0xffff, v14;
	v40 =	vld [tilespmem:$0x1FFC0];
	v33 =	vor.u32 s9, v0  }
0x30d: {  	v2 =	vadd.f32 v2, v32;
	v13 =	vmin.f32 v13, $1.000000000e+00;
	v14 =	vld.idx.msk [tilespmem:v15+s31+$0x0], $0xffff;
	s9 =	sand.u32 $0x70, s19  }
0x30e: {  	v52 =	vor.u32 v52, v8;
	v15 =	vld.idx.msk [tilespmem:v15+s0+$0x0], $0xffff;
	[tilespmem:v24+s21+$0x0] =	vst.idx.msk $0xffff, v13;
	v13 =	vmul.f32 v22, v7;
	s9 =	sor.u32 s26, s9  }
0x30f: {  	v2 =	vmax.f32 v2, $-1.000000000e+00;
	v24 =	vor.u32 s9, v54  }
0x310: {  	v2 =	vmin.f32 v2, $1.000000000e+00;
	v22 =	vld.idx.msk [tilespmem:v31+s31+$0x0], $0xffff;
	v13 =	vadd.f32 v13, v39  }
0x311: {  	v31 =	vld.idx.msk [tilespmem:v31+s0+$0x0], $0xffff;
	v39 =	vor.u32 v3, v8;
	[tilespmem:v33+s21+$0x0] =	vst.idx.msk $0xffff, v2;
	v2 =	vmul.f32 v38, v7  }
0x312: {  	v58 =	vld [tilespmem:$0x1FFD0];
	v13 =	vmax.f32 v13, $-1.000000000e+00;
	v38 =	vor.u32 s9, v40  }
0x313: {  	v13 =	vmin.f32 v13, $1.000000000e+00;
	v33 =	vld.idx.msk [tilespmem:v52+s31+$0x0], $0xffff;
	v2 =	vadd.f32 v2, v23  }
0x314: {  	v32 =	vld.idx.msk [tilespmem:v52+s0+$0x0], $0xffff;
	[tilespmem:v24+s21+$0x0] =	vst.idx.msk $0xffff, v13;
	v13 =	vmul.f32 v15, v7  }
0x315: {  	v52 =	vor.u32 v59, v8;
	v2 =	vmax.f32 v2, $-1.000000000e+00  }
0x316: {  	v24 =	vor.u32 s9, v26;
	v15 =	vld.idx.msk [tilespmem:v39+s31+$0x0], $0xffff;
	v13 =	vadd.f32 v13, v14;
	v2 =	vmin.f32 v2, $1.000000000e+00  }
0x317: {  	v39 =	vld.idx.msk [tilespmem:v39+s0+$0x0], $0xffff;
	v14 =	vor.u32 v44, v8;
	[tilespmem:v38+s21+$0x0] =	vst.idx.msk $0xffff, v2;
	v2 =	vmul.f32 v31, v7  }
0x318: {  	v58 =	vor.u32 s9, v58  }
0x319: {  	v26 =	vld [tilespmem:$0x1FFE0];
	v13 =	vmax.f32 v13, $-1.000000000e+00;
	v2 =	vadd.f32 v2, v22  }
0x31a: {  	v31 =	vld.idx.msk [tilespmem:v52+s31+$0x0], $0xffff;
	v13 =	vmin.f32 v13, $1.000000000e+00  }
0x31b: {  	v23 =	vld.idx.msk [tilespmem:v52+s0+$0x0], $0xffff;
	[tilespmem:v24+s21+$0x0] =	vst.idx.msk $0xffff, v13;
	v2 =	vmax.f32 v2, $-1.000000000e+00  }
0x31c: {  	v24 =	vld.idx.msk [tilespmem:v14+s31+$0x0], $0xffff;
	v2 =	vmin.f32 v2, $1.000000000e+00  }
0x31d: {  	v14 =	vld.idx.msk [tilespmem:v14+s0+$0x0], $0xffff;
	[tilespmem:v58+s21+$0x0] =	vst.idx.msk $0xffff, v2;
	v2 =	vmul.f32 v39, v7;
	_ =	sdelay $0x1  }
0x31e: {  	v2 =	vadd.f32 v2, v15;
	v15 =	vor.u32 v1, v8;
	v1 =	vld [tilespmem:$0x1FBB0];
	_ =	sdelay $0x1  }
0x31f: {  	v59 =	vor.u32 v26, v8;
	v52 =	vld [tilespmem:$0x1FB90];
	v13 =	vmul.f32 v32, v7  }
0x320: {  	v63 =	vor.u32 s9, v63  }
0x321: {  	v13 =	vadd.f32 v13, v33  }
0x322: {  	v58 =	vor.u32 s9, v1;
	v1 =	vld [tilespmem:$0x1FE30]  }
0x323: {  	v18 =	vor.u32 v18, v8;
	v13 =	vmax.f32 v13, $-1.000000000e+00  }
0x324: {  	v39 =	vor.u32 s9, v52;
	v38 =	vld.idx.msk [tilespmem:v59+s31+$0x0], $0xffff;
	v13 =	vmin.f32 v13, $1.000000000e+00  }
0x325: {  	v22 =	vld.idx.msk [tilespmem:v59+s0+$0x0], $0xffff;
	[tilespmem:v63+s21+$0x0] =	vst.idx.msk $0xffff, v13;
	v13 =	vmul.f32 v23, v7;
	_ =	sdelay $0x1  }
0x326: {  	v2 =	vmax.f32 v2, $-1.000000000e+00;
	v13 =	vadd.f32 v13, v31;
	v31 =	vor.u32 v1, v8;
	v1 =	vld [tilespmem:$0x1FBF0]  }
0x327: {  	v23 =	vld.idx.msk [tilespmem:v18+s31+$0x0], $0xffff;
	v2 =	vmin.f32 v2, $1.000000000e+00  }
0x328: {  	v33 =	vld.idx.msk [tilespmem:v18+s0+$0x0], $0xffff;
	[tilespmem:v39+s21+$0x0] =	vst.idx.msk $0xffff, v2;
	v2 =	vmul.f32 v14, v7  }
0x329: {  	v59 =	vor.u32 s9, v4;
	v13 =	vmax.f32 v13, $-1.000000000e+00  }
0x32a: {  	v14 =	vld.idx.msk [tilespmem:v15+s31+$0x0], $0xffff;
	v13 =	vmin.f32 v13, $1.000000000e+00;
	v2 =	vadd.f32 v2, v24  }
0x32b: {  	v15 =	vld.idx.msk [tilespmem:v15+s0+$0x0], $0xffff;
	[tilespmem:v58+s21+$0x0] =	vst.idx.msk $0xffff, v13;
	v13 =	vmul.f32 v22, v7;
	v24 =	vor.u32 v1, v8  }
0x32c: {  	v18 =	vor.u32 s9, v5;
	v2 =	vmax.f32 v2, $-1.000000000e+00  }
0x32d: {  	v2 =	vmin.f32 v2, $1.000000000e+00;
	v13 =	vadd.f32 v13, v38;
	v22 =	vld.idx.msk [tilespmem:v31+s31+$0x0], $0xffff  }
0x32e: {  	v52 =	vor.u32 v61, v8;
	v31 =	vld.idx.msk [tilespmem:v31+s0+$0x0], $0xffff;
	[tilespmem:v59+s21+$0x0] =	vst.idx.msk $0xffff, v2;
	v2 =	vmul.f32 v33, v7  }
0x32f: {  	v13 =	vmax.f32 v13, $-1.000000000e+00;
	v59 =	vor.u32 s9, v60  }
0x330: {  	v13 =	vmin.f32 v13, $1.000000000e+00;
	v2 =	vadd.f32 v2, v23;
	v58 =	vld.idx.msk [tilespmem:v24+s31+$0x0], $0xffff  }
0x331: {  	v60 =	vor.u32 v19, v8;
	v24 =	vld.idx.msk [tilespmem:v24+s0+$0x0], $0xffff;
	[tilespmem:v18+s21+$0x0] =	vst.idx.msk $0xffff, v13;
	v13 =	vmul.f32 v15, v7  }
0x332: {  	v63 =	vor.u32 s9, v57;
	v1 =	vld [tilespmem:$0x1FC10];
	v2 =	vmax.f32 v2, $-1.000000000e+00  }
0x333: {  	v2 =	vmin.f32 v2, $1.000000000e+00;
	v15 =	vld.idx.msk [tilespmem:v52+s31+$0x0], $0xffff;
	v13 =	vadd.f32 v13, v14  }
0x334: {  	v38 =	vld.idx.msk [tilespmem:v52+s0+$0x0], $0xffff;
	[tilespmem:v59+s21+$0x0] =	vst.idx.msk $0xffff, v2;
	v2 =	vmul.f32 v31, v7;
	v14 =	vor.u32 v28, v8  }
0x335: {  	v18 =	vor.u32 s9, v62;
	v13 =	vmax.f32 v13, $-1.000000000e+00  }
0x336: {  	v61 =	vmov v19;
	v31 =	vld.idx.msk [tilespmem:v60+s31+$0x0], $0xffff;
	v2 =	vadd.f32 v2, v22;
	v13 =	vmin.f32 v13, $1.000000000e+00  }
0x337: {  	v19 =	vor.u32 v1, v8;
	v23 =	vld.idx.msk [tilespmem:v60+s0+$0x0], $0xffff;
	[tilespmem:v63+s21+$0x0] =	vst.idx.msk $0xffff, v13;
	v13 =	vmul.f32 v24, v7  }
0x338: {  	v52 =	vor.u32 s9, v37;
	v2 =	vmax.f32 v2, $-1.000000000e+00  }
0x339: {  	v2 =	vmin.f32 v2, $1.000000000e+00;
	v24 =	vld.idx.msk [tilespmem:v14+s31+$0x0], $0xffff;
	v13 =	vadd.f32 v13, v58  }
0x33a: {  	v57 =	vor.u32 v56, v8;
	v14 =	vld.idx.msk [tilespmem:v14+s0+$0x0], $0xffff;
	[tilespmem:v18+s21+$0x0] =	vst.idx.msk $0xffff, v2;
	v2 =	vmul.f32 v38, v7  }
0x33b: {  	v59 =	vor.u32 s9, v49;
	v13 =	vmax.f32 v13, $-1.000000000e+00  }
0x33c: {  	v58 =	vld.idx.msk [tilespmem:v19+s31+$0x0], $0xffff;
	v2 =	vadd.f32 v2, v15;
	v13 =	vmin.f32 v13, $1.000000000e+00  }
0x33d: {  	v22 =	vld.idx.msk [tilespmem:v19+s0+$0x0], $0xffff;
	v15 =	vor.u32 v27, v8;
	[tilespmem:v52+s21+$0x0] =	vst.idx.msk $0xffff, v13;
	v13 =	vmul.f32 v23, v7  }
0x33e: {  	v62 =	vor.u32 s9, v55;
	v2 =	vmax.f32 v2, $-1.000000000e+00  }
0x33f: {  	v2 =	vmin.f32 v2, $1.000000000e+00;
	v60 =	vld.idx.msk [tilespmem:v57+s31+$0x0], $0xffff;
	v13 =	vadd.f32 v13, v31  }
0x340: {  	v33 =	vld.idx.msk [tilespmem:v57+s0+$0x0], $0xffff;
	[tilespmem:v59+s21+$0x0] =	vst.idx.msk $0xffff, v2;
	v2 =	vmul.f32 v14, v7;
	v31 =	vor.u32 v29, v8  }
0x341: {  	v63 =	vor.u32 s9, v48;
	v13 =	vmax.f32 v13, $-1.000000000e+00  }
0x342: {  	v14 =	vld.idx.msk [tilespmem:v15+s31+$0x0], $0xffff;
	v2 =	vadd.f32 v2, v24;
	v13 =	vmin.f32 v13, $1.000000000e+00  }
0x343: {  	v15 =	vld.idx.msk [tilespmem:v15+s0+$0x0], $0xffff;
	v24 =	vor.u32 v34, v8;
	[tilespmem:v62+s21+$0x0] =	vst.idx.msk $0xffff, v13;
	v13 =	vmul.f32 v22, v7  }
0x344: {  	v1 =	vld [tilespmem:$0x1FC50];
	v19 =	vor.u32 s9, v11;
	v2 =	vmax.f32 v2, $-1.000000000e+00  }
0x345: {  	v2 =	vmin.f32 v2, $1.000000000e+00;
	v18 =	vld.idx.msk [tilespmem:v31+s31+$0x0], $0xffff;
	v13 =	vadd.f32 v13, v58  }
0x346: {  	v48 =	vor.u32 v30, v8;
	v31 =	vld.idx.msk [tilespmem:v31+s0+$0x0], $0xffff;
	[tilespmem:v63+s21+$0x0] =	vst.idx.msk $0xffff, v2;
	v2 =	vmul.f32 v33, v7  }
0x347: {  	v0 =	vld [tilespmem:$0x1FC70];
	v52 =	vor.u32 s9, v17;
	v13 =	vmax.f32 v13, $-1.000000000e+00  }
0x348: {  	v49 =	vld.idx.msk [tilespmem:v24+s31+$0x0], $0xffff;
	v2 =	vadd.f32 v2, v60;
	v13 =	vmin.f32 v13, $1.000000000e+00  }
0x349: {  	v55 =	vor.u32 v35, v8;
	v24 =	vld.idx.msk [tilespmem:v24+s0+$0x0], $0xffff;
	[tilespmem:v19+s21+$0x0] =	vst.idx.msk $0xffff, v13;
	v13 =	vmul.f32 v15, v7  }
0x34a: {  	v57 =	vor.u32 s9, v1;
	v2 =	vmax.f32 v2, $-1.000000000e+00  }
0x34b: {  	v2 =	vmin.f32 v2, $1.000000000e+00;
	v15 =	vld.idx.msk [tilespmem:v48+s31+$0x0], $0xffff;
	v13 =	vadd.f32 v13, v14  }
0x34c: {  	v38 =	vld.idx.msk [tilespmem:v48+s0+$0x0], $0xffff;
	[tilespmem:v52+s21+$0x0] =	vst.idx.msk $0xffff, v2;
	v2 =	vmul.f32 v31, v7;
	v14 =	vor.u32 v36, v8  }
0x34d: {  	v58 =	vor.u32 s9, v20;
	v60 =	vor.u32 s9, v0;
	v0 =	vld [tilespmem:$0x1FC80];
	v13 =	vmax.f32 v13, $-1.000000000e+00  }
0x34e: {  	v31 =	vld.idx.msk [tilespmem:v55+s31+$0x0], $0xffff;
	v2 =	vadd.f32 v2, v18;
	v13 =	vmin.f32 v13, $1.000000000e+00  }
0x34f: {  	v59 =	vor.u32 v9, v8;
	v23 =	vld.idx.msk [tilespmem:v55+s0+$0x0], $0xffff;
	[tilespmem:v57+s21+$0x0] =	vst.idx.msk $0xffff, v13;
	v13 =	vmul.f32 v24, v7  }
0x350: {  	v2 =	vmax.f32 v2, $-1.000000000e+00  }
0x351: {  	v11 =	vmov v12;
	v2 =	vmin.f32 v2, $1.000000000e+00;
	v24 =	vld.idx.msk [tilespmem:v14+s31+$0x0], $0xffff;
	v13 =	vadd.f32 v13, v49  }
0x352: {  	v62 =	vor.u32 v11, v8;
	v14 =	vld.idx.msk [tilespmem:v14+s0+$0x0], $0xffff;
	[tilespmem:v58+s21+$0x0] =	vst.idx.msk $0xffff, v2;
	v2 =	vmul.f32 v38, v7  }
0x353: {  	v18 =	vor.u32 s9, v0;
	v13 =	vmax.f32 v13, $-1.000000000e+00  }
0x354: {  	v63 =	vld.idx.msk [tilespmem:v59+s31+$0x0], $0xffff;
	v2 =	vadd.f32 v2, v15;
	v13 =	vmin.f32 v13, $1.000000000e+00  }
0x355: {  	v22 =	vld.idx.msk [tilespmem:v59+s0+$0x0], $0xffff;
	v15 =	vor.u32 v16, v8;
	[tilespmem:v60+s21+$0x0] =	vst.idx.msk $0xffff, v13;
	v13 =	vmul.f32 v23, v7  }
0x356: {  	v21 =	vor.u32 s9, v25;
	v1 =	vld [tilespmem:$0x1FCB0];
	v2 =	vmax.f32 v2, $-1.000000000e+00  }
0x357: {  	v2 =	vmin.f32 v2, $1.000000000e+00;
	v19 =	vld.idx.msk [tilespmem:v62+s31+$0x0], $0xffff;
	v13 =	vadd.f32 v13, v31  }
0x358: {  	v33 =	vld.idx.msk [tilespmem:v62+s0+$0x0], $0xffff;
	[tilespmem:v18+s21+$0x0] =	vst.idx.msk $0xffff, v2;
	v2 =	vmul.f32 v14, v7  }
0x359: {  	v31 =	vor.u32 v41, v8;
	v13 =	vmax.f32 v13, $-1.000000000e+00  }
0x35a: {  	v43 =	vor.u32 s9, v43;
	v14 =	vld.idx.msk [tilespmem:v15+s31+$0x0], $0xffff;
	v2 =	vadd.f32 v2, v24;
	v13 =	vmin.f32 v13, $1.000000000e+00  }
0x35b: {  	v15 =	vld.idx.msk [tilespmem:v15+s0+$0x0], $0xffff;
	v24 =	vor.u32 v42, v8;
	[tilespmem:v21+s21+$0x0] =	vst.idx.msk $0xffff, v13;
	v13 =	vmul.f32 v22, v7  }
0x35c: {  	v49 =	vor.u32 s9, v1  }
0x35d: {  	v2 =	vmax.f32 v2, $-1.000000000e+00;
	v13 =	vadd.f32 v13, v63  }
0x35e: {  	v52 =	vor.u32 v45, v8;
	v2 =	vmin.f32 v2, $1.000000000e+00;
	v48 =	vld.idx.msk [tilespmem:v31+s31+$0x0], $0xffff  }
0x35f: {  	v31 =	vld.idx.msk [tilespmem:v31+s0+$0x0], $0xffff;
	[tilespmem:v43+s21+$0x0] =	vst.idx.msk $0xffff, v2;
	v2 =	vmul.f32 v33, v7;
	v13 =	vmax.f32 v13, $-1.000000000e+00  }
0x360: {  	v57 =	vor.u32 s9, v10;
	v58 =	vor.u32 v46, v8;
	v55 =	vld.idx.msk [tilespmem:v24+s31+$0x0], $0xffff;
	v13 =	vmin.f32 v13, $1.000000000e+00  }
0x361: {  	v24 =	vld.idx.msk [tilespmem:v24+s0+$0x0], $0xffff;
	v2 =	vadd.f32 v2, v19;
	[tilespmem:v49+s21+$0x0] =	vst.idx.msk $0xffff, v13;
	v13 =	vmul.f32 v15, v7  }
0x362: {  	v0 =	vld [tilespmem:$0x1FD20];
	v59 =	vor.u32 s9, v47  }
0x363: {  	v1 =	vld [tilespmem:$0x1FD00];
	v8 =	vor.u32 v6, v8;
	v2 =	vmax.f32 v2, $-1.000000000e+00;
	v13 =	vadd.f32 v13, v14  }
0x364: {  	v2 =	vmin.f32 v2, $1.000000000e+00;
	v15 =	vld.idx.msk [tilespmem:v52+s31+$0x0], $0xffff  }
0x365: {  	v14 =	vld.idx.msk [tilespmem:v52+s0+$0x0], $0xffff;
	[tilespmem:v57+s21+$0x0] =	vst.idx.msk $0xffff, v2;
	v13 =	vmax.f32 v13, $-1.000000000e+00  }
0x366: {  	v2 =	vld.idx.msk [tilespmem:v58+s31+$0x0], $0xffff;
	v13 =	vmin.f32 v13, $1.000000000e+00  }
0x367: {  	v23 =	vld.idx.msk [tilespmem:v58+s0+$0x0], $0xffff;
	[tilespmem:v59+s21+$0x0] =	vst.idx.msk $0xffff, v13  }
0x368: {  	v13 =	vmul.f32 v31, v7;
	v31 =	vld.idx.msk [tilespmem:v8+s0+$0x0], $0xffff  }
0x369: {  	v60 =	vmul.f32 v24, v7  }
0x36a: {  	v62 =	vor.u32 s9, v51;
	v24 =	vor.u32 s9, v50;
	v8 =	vld.idx.msk [tilespmem:v8+s31+$0x0], $0xffff;
	v14 =	vmul.f32 v14, v7  }
0x36b: {  	v63 =	vor.u32 s9, v0;
	v22 =	vadd.f32 v60, v55;
	v13 =	vadd.f32 v13, v48  }
0x36c: {  	v23 =	vmul.f32 v23, v7;
	v14 =	vadd.f32 v14, v15;
	v15 =	vor.u32 s9, v1  }
0x36d: {  	v13 =	vmax.f32 v13, $-1.000000000e+00;
	v7 =	vmul.f32 v31, v7;
	v31 =	vor.u32 s9, v53  }
0x36e: {  	p1 =	sne.s32 s19, $0x1F0;
	v22 =	vmax.f32 v22, $-1.000000000e+00;
	v2 =	vadd.f32 v23, v2;
	v13 =	vmin.f32 v13, $1.000000000e+00  }
.Ltmp3:
0x36f: {  	[tilespmem:v24+s21+$0x0] =	vst.idx.msk $0xffff, v13;
	v13 =	vmax.f32 v14, $-1.000000000e+00;
	v7 =	vadd.f32 v7, v8;
	v8 =	vmin.f32 v22, $1.000000000e+00;
	(pc) =	sbr.rel @p1 .LBB2_5-.Ltmp3, $4  }
0x370: {  	v2 =	vmax.f32 v2, $-1.000000000e+00;
	[tilespmem:v62+s21+$0x0] =	vst.idx.msk $0xffff, v8;
	v8 =	vmin.f32 v13, $1.000000000e+00  }
0x371: {  	v2 =	vmin.f32 v2, $1.000000000e+00;
	[tilespmem:v15+s21+$0x0] =	vst.idx.msk $0xffff, v8;
	v7 =	vmax.f32 v7, $-1.000000000e+00  }
0x372: {  	[tilespmem:v31+s21+$0x0] =	vst.idx.msk $0xffff, v2;
	v2 =	vmin.f32 v7, $1.000000000e+00  }
0x373: {  	s23 =	sadd.s32 $0x100, s23;
	s22 =	sadd.s32 $0x20, s22;
	s19 =	sadd.s32 $0x20, s19;
	v25 =	vld [tilespmem:$0x1FC70];
	v12 =	vmov v16;
	v38 =	vmov v3;
	v8 =	vlaneseq.u32;
	[tilespmem:v63+s21+$0x0] =	vst.idx.msk $0xffff, v2  }
0x374: {  	s9 =	sadd.s32 s8, s15  }
0x375: {  	s15 =	sshrl.u32 s9, $0x3  }
0x376: {  	s22 =	sshll.u32 s9, $0xC;
	s19 =	sshll.u32 s15, $0xF  }
0x377: {  	s15 =	sshll.u32 s15, $0x11;
	s19 =	ssub.s32 s22, s19  }
0x378: {  	s15 =	sadd.s32 s15, s19  }
0x379: {  	s19 =	sshrl.u32 s15, $0x3  }
0x37a: {  	s19 =	sadd.s32 s1, s19  }
0x37b: {  	[hbm4b:s19+s3] =	stream.linear.scatter [tilespmem:s21], [sflag:$0x5], $0x1000, $0x38;
	[tilespmem:$0x14800] =	vst v63  }
0x37c: {  	s23 =	sadd.s32 $0x8000, s15;
	_ =	swait.ge [sflag:s14], $0x1000  }
0x37d: {  	s19 =	sshrl.u32 s23, $0x3;
	[sflag:s14] =	ssyncset.done $0x0  }
0x37e: {  	s19 =	sadd.s32 s1, s19;
	[sflag:s14] =	ssyncadd.s32 $0xFFFFF000  }
0x37f: {  	[hbm4b:s19+s3] =	stream.linear.scatter [tilespmem:s11], [sflag:$0x5], $0x1000, $0x38;
	[tilespmem:$0x14800] =	vst v63  }
0x380: {  	s26 =	sadd.s32 $0x10000, s15;
	_ =	swait.ge [sflag:s14], $0x1000  }
0x381: {  	s19 =	sshrl.u32 s26, $0x3;
	[sflag:s14] =	ssyncset.done $0x0  }
0x382: {  	s19 =	sadd.s32 s1, s19;
	[sflag:s14] =	ssyncadd.s32 $0xFFFFF000  }
0x383: {  	[hbm4b:s19+s3] =	stream.linear.scatter [tilespmem:s12], [sflag:$0x5], $0x1000, $0x38;
	[tilespmem:$0x14800] =	vst v63  }
0x384: {  	s15 =	sadd.s32 $0x18000, s15;
	_ =	swait.ge [sflag:s14], $0x1000  }
0x385: {  	s15 =	sshrl.u32 s15, $0x3;
	[sflag:s14] =	ssyncset.done $0x0  }
.Ltmp4:
0x386: {  	s15 =	sadd.s32 s1, s15;
	[sflag:s14] =	ssyncadd.s32 $0xFFFFF000;
	(pc) =	sbr.rel @p0 .LBB2_8-.Ltmp4, $4  }
0x387: {  	[hbm4b:s15+s3] =	stream.linear.scatter [tilespmem:s13], [sflag:$0x5], $0x1000, $0x38;
	[tilespmem:$0x14800] =	vst v63  }
0x388: {  	_ =	swait.ge [sflag:s14], $0x1000  }
0x389: {  	[sflag:s14] =	ssyncset.done $0x0  }
0x38a: {  	[sflag:s14] =	ssyncadd.s32 $0xFFFFF000  }
0x38b: {  	s9 =	sshll.u32 s9, $0x6  }
.Ltmp5:
0x38c: {  	s9 =	sadd.s32 $0x80, s9;
	(pc) =	sbr.rel .LBB2_2-.Ltmp5, $4  }
0x38d: {  	s15 =	sadd.s32 s4, s9  }
0x38e: {  	[tilespmem:s28], [sflag:$0x4] =	stream.linear.gather [hbm4b:s15+s3], $0x200, $0x38;
	[tilespmem:$0x14800] =	vst v63  }
0x38f: {  	s26 =	simm.s32 $0x600;
	s29 =	sadd.s32 $0x1, s29;
	s9 =	sadd.s32 s5, s9  }
0x390: {  	[tilespmem:s26], [sflag:$0x4] =	stream.linear.gather [hbm4b:s9+s3], $0x200, $0x38;
	[tilespmem:$0x14800] =	vst v63  }
.LBB2_9:
0x391: {  	_ =	sfence.sel $0x180000  }
0x392: {  	[bflag:$0x0] =	sbarrier.arrive $0xFFFF  }
0x393: {  	_ =	strace $0x90000047  }
0x394: {  	s0 =	stileid.u32;
	[bflag:$0x2] =	sbarrier.arrive $0xFFFF  }
0x395: {  	p0 =	sne.s32 s0, $0x0;
	s0 =	rddreg [dreg:$0x2]  }
0x396: {  	s0 =	sadd.s32 @!p0 $0x100000, s0  }
0x397: {  	[sflag:s0] =	ssyncadd.tile.s32 @!p0 $0x1;
	_ =	shalt  }
.Lfunc_end2:
_tile_overlayer_lowered:
.L_overlay_start_2:
0x398: {  	(tag) =	ssettag $0x2  }
0x399: {  	s0 =	rddreg [dreg:$0x0];
	s2 =	stileid.u32  }
0x39a: {  	s1 =	rddreg [dreg:$0x1];
	p0 =	sne.s32 s2, $0x0  }
0x39b: {  	s3 =	rddreg [dreg:$0x2];
	[bflag:$0x3] =	sbarrier.arrive $0xFFFF;
	s2 =	simm.s32 @!p0 $0x1C05  }
0x39c: {  	[timem:s3], [sflag:s2] =	dma.local @!p0 [hbm:s0], s1  }
0x39d: {  	s0 =	simm.s32 @!p0 $0x5  }
0x39e: {  	_ =	swait.ge @!p0 [sflag:s0], s1  }
0x39f: {  	s1 =	ssub.s32 @!p0 $0x0, s1;
	[sflag:s0] =	ssyncset.done @!p0 $0x0  }
0x3a0: {  	[sflag:s0] =	ssyncadd.s32 @!p0 s1  }
0x3a1: {  	[bflag:$0x3] =	sbarrier.arrive $0xFFFF  }
0x3a2: {  	_ =	shalt  }

</sc_bundles>
